<compile_context>
chip_gen: v7x
topology: tpu7x:2x2x1
jax: 0.10.2.dev20260603
libtpu: 0.0.44.dev20260713+nightly
codegen_flags: <defaults>
</compile_context>

<pallas_src>
import functools

import jax
import jax.numpy as jnp
from jax import lax
from jax.experimental import pallas as pl
from jax.experimental.pallas import tpu as pltpu
from jax.experimental.pallas import tpu_sc as plsc

N = 10000
E = 160000
D = 256
L = 5
G = 64
HALF = 128

NC = 2
NS = 16
CHUNK = 128

SPMM_CH = 80
E_PAD = NS * SPMM_CH * CHUNK
ACC_ROWS = 10112
RZ = ACC_ROWS // NS

CNT_CH = 40
CACC = 180224
CZ = CACC // NS

_mesh = plsc.VectorSubcoreMesh(core_axis_name="c", subcore_axis_name="s")


@functools.partial(
    pl.kernel,
    mesh=_mesh,
    out_type=jax.ShapeDtypeStruct((NC * CACC,), jnp.float32),
    scratch_types=[
        pltpu.VMEM((CHUNK,), jnp.int32),
        pltpu.VMEM((CHUNK,), jnp.float32),
        pltpu.VMEM_SHARED((CACC,), jnp.float32),
    ],
)
def _counts_sc(cidx_hbm, zcnt_hbm, ones_hbm, out_hbm, idx_v, ones_v, acc_s):
    c = lax.axis_index("c")
    s = lax.axis_index("s")
    pltpu.sync_copy(zcnt_hbm, acc_s.at[pl.ds(s * CZ, CZ)])
    pltpu.sync_copy(ones_hbm, ones_v)
    plsc.subcore_barrier()
    base = (c * NS + s) * CNT_CH

    def body(j, carry):
        pltpu.sync_copy(cidx_hbm.at[base + j], idx_v)
        pltpu.sync_copy(ones_v, acc_s.at[idx_v], add=True)
        return carry

    lax.fori_loop(0, CNT_CH, body, 0)
    plsc.subcore_barrier()
    pltpu.sync_copy(acc_s.at[pl.ds(s * CZ, CZ)],
                    out_hbm.at[pl.ds(c * CACC + s * CZ, CZ)])


@functools.partial(
    pl.kernel,
    mesh=_mesh,
    out_type=jax.ShapeDtypeStruct((NC * ACC_ROWS, HALF), jnp.float32),
    scratch_types=[
        pltpu.VMEM((CHUNK,), jnp.int32),
        pltpu.VMEM((CHUNK,), jnp.int32),
        pltpu.VMEM((CHUNK, HALF), jnp.float32),
        pltpu.VMEM_SHARED((ACC_ROWS, HALF), jnp.float32),
        pltpu.SemaphoreType.DMA,
    ],
)
def _spmm_sc(h2_hbm, si_hbm, di_hbm, zrow_hbm, out_hbm,
             si_v, di_v, rows_v, acc_s, sem):
    c = lax.axis_index("c")
    s = lax.axis_index("s")
    pltpu.sync_copy(zrow_hbm, acc_s.at[pl.ds(s * RZ, RZ)])
    plsc.subcore_barrier()
    base = (c * NS + s) * SPMM_CH
    dbase = s * SPMM_CH

    def body(j, carry):
        pltpu.sync_copy(si_hbm.at[base + j], si_v)
        pltpu.sync_copy(di_hbm.at[dbase + j], di_v)
        pltpu.async_copy(h2_hbm.at[si_v], rows_v, sem).wait()
        pltpu.sync_copy(rows_v, acc_s.at[di_v], add=True)
        return carry

    lax.fori_loop(0, SPMM_CH, body, 0)
    plsc.subcore_barrier()
    pltpu.sync_copy(acc_s.at[pl.ds(s * RZ, RZ)],
                    out_hbm.at[pl.ds(c * ACC_ROWS + s * RZ, RZ)])


def _dot2(a, b):
    bhi = b.astype(jnp.bfloat16).astype(jnp.float32)
    blo = b - bhi
    return (jnp.dot(a, bhi, preferred_element_type=jnp.float32)
            + jnp.dot(a, blo, preferred_element_type=jnp.float32))


def _embed_body(x0_ref, x1_ref, e1_ref, e2_ref, out_ref):
    ids1 = lax.broadcasted_iota(jnp.int32, (N, 128), 1)
    oh1 = jnp.where(x0_ref[...][:, None] == ids1, 1.0, 0.0)
    ids2 = lax.broadcasted_iota(jnp.int32, (N, 8), 1)
    oh2 = jnp.where(x1_ref[...][:, None] == ids2, 1.0, 0.0)
    h0 = _dot2(oh1, e1_ref[...]) + _dot2(oh2, e2_ref[...])
    out_ref[0:N, :] = h0[:, :HALF]
    out_ref[N:2 * N, :] = h0[:, HALF:]


_embed_tc = pl.pallas_call(
    _embed_body,
    out_shape=jax.ShapeDtypeStruct((2 * N, HALF), jnp.float32),
)

RB = 1000
NB = N // RB


def _mlp_bn(sp_ref, h2p_ref, c_ref, t_ref, w1_ref, b1_ref, w2_ref, b2_ref,
            g_ref, bt_ref, hh_ref):
    w1 = w1_ref[...]
    w2 = w2_ref[...]
    b1 = b1_ref[...][None, :]
    b2 = b2_ref[...][None, :]
    t = t_ref[...]
    t12 = t_ref[12:13, :]
    s1 = jnp.zeros((1, D), jnp.float32)
    for i in range(NB):
        r = i * RB
        agg_l = sp_ref[r:r + RB, :] + h2p_ref[r:r + RB, :]
        agg_r = sp_ref[ACC_ROWS + r:ACC_ROWS + r + RB, :] \
            + h2p_ref[N + r:N + r + RB, :]
        agg = jnp.concatenate([agg_l, agg_r], axis=1)
        agg = agg + _dot2(c_ref[r:r + RB, :], t) + t12
        z = jnp.maximum(jnp.dot(agg, w1, preferred_element_type=jnp.float32)
                        + b1, 0.0)
        hh = jnp.dot(z, w2, preferred_element_type=jnp.float32) + b2
        hh_ref[r:r + RB, :] = hh
        s1 = s1 + jnp.sum(hh, axis=0, keepdims=True)
    mu = s1 * (1.0 / N)
    v = jnp.zeros((1, D), jnp.float32)
    for i in range(NB):
        r = i * RB
        dlt = hh_ref[r:r + RB, :] - mu
        v = v + jnp.sum(dlt * dlt, axis=0, keepdims=True)
    var = v * (1.0 / N)
    scale = lax.rsqrt(var + 1e-5) * g_ref[...][None, :]
    shift = bt_ref[...][None, :] - mu * scale
    return scale, shift


def _layer_body(sp_ref, h2p_ref, c_ref, t_ref, w1_ref, b1_ref, w2_ref, b2_ref,
                g_ref, bt_ref, out_ref, hh_ref):
    scale, shift = _mlp_bn(sp_ref, h2p_ref, c_ref, t_ref, w1_ref, b1_ref,
                           w2_ref, b2_ref, g_ref, bt_ref, hh_ref)
    for i in range(NB):
        r = i * RB
        hn = jnp.maximum(hh_ref[r:r + RB, :] * scale + shift, 0.0)
        out_ref[r:r + RB, :] = hn[:, :HALF]
        out_ref[N + r:N + r + RB, :] = hn[:, HALF:]


_layer_tc = pl.pallas_call(
    _layer_body,
    out_shape=jax.ShapeDtypeStruct((2 * N, HALF), jnp.float32),
    scratch_shapes=[pltpu.VMEM((N, D), jnp.float32)],
)


def _final_body(sp_ref, h2p_ref, c_ref, t_ref, w1_ref, b1_ref, w2_ref, b2_ref,
                g_ref, bt_ref, batch_ref, pw_ref, pb_ref,
                pred_ref, h_ref, hh_ref):
    scale, shift = _mlp_bn(sp_ref, h2p_ref, c_ref, t_ref, w1_ref, b1_ref,
                           w2_ref, b2_ref, g_ref, bt_ref, hh_ref)
    for i in range(NB):
        r = i * RB
        h_ref[r:r + RB, :] = hh_ref[r:r + RB, :] * scale + shift
    gids = lax.broadcasted_iota(jnp.int32, (G, N), 0)
    oh = jnp.where(batch_ref[...][None, :] == gids, 1.0, 0.0)
    sums = _dot2(oh, h_ref[...])
    cnts = jnp.sum(oh, axis=1, keepdims=True)
    pooled = sums / jnp.maximum(cnts, 1.0)
    pred_ref[...] = jnp.sum(pooled * pw_ref[...][:, 0][None, :], axis=1,
                            keepdims=True) + pb_ref[...][None, :]


_final_tc = pl.pallas_call(
    _final_body,
    out_shape=[
        jax.ShapeDtypeStruct((G, 1), jnp.float32),
        jax.ShapeDtypeStruct((N, D), jnp.float32),
    ],
    scratch_shapes=[pltpu.VMEM((N, D), jnp.float32)],
)


def kernel(x, edge_index, edge_attr, batch, params):
    i32 = jnp.int32
    f32 = jnp.float32
    si = edge_index[0]
    di = edge_index[1]
    pad = E_PAD - E
    si_p = jnp.concatenate([si, jnp.zeros((pad,), i32)])
    di_p = jnp.concatenate([di, jnp.full((pad,), N, i32)])
    si2 = jnp.concatenate([si_p, si_p + N]).reshape(NC * NS * SPMM_CH, CHUNK)
    di_r = di_p.reshape(NS * SPMM_CH, CHUNK)
    cidx = di * 18 + edge_attr[:, 0] * 3 + edge_attr[:, 1]
    cidx_p = jnp.concatenate(
        [cidx, jnp.full((pad,), N * 18, i32)]).reshape(NC * NS * CNT_CH, CHUNK)

    zcnt = jnp.zeros((CZ,), f32)
    zrow = jnp.zeros((RZ, HALF), f32)
    ones_c = jnp.ones((CHUNK,), f32)

    cout = _counts_sc(cidx_p, zcnt, ones_c)
    cmat = (cout[:N * 18] + cout[CACC:CACC + N * 18]).reshape(N, 18)
    cpad = jnp.pad(cmat, ((0, 0), (0, 128 - 18)))

    e1p = jnp.pad(params['x_emb1'], ((0, 8), (0, 0)))
    e2p = jnp.pad(params['x_emb2'], ((0, 5), (0, 0)))
    h2 = _embed_tc(x[:, 0], x[:, 1], e1p, e2p)

    for l in range(L):
        lp = params['layers'][l]
        t = (lp['ee1'][:, None, :] + lp['ee2'][None, :, :]).reshape(18, D)
        tpd = jnp.pad(t, ((0, 128 - 18), (0, 0)))
        sp = _spmm_sc(h2, si2, di_r, zrow)
        if l < L - 1:
            h2 = _layer_tc(sp, h2, cpad, tpd, lp['W1'], lp['b1'], lp['W2'],
                           lp['b2'], lp['gamma'], lp['beta'])
        else:
            pred, h = _final_tc(sp, h2, cpad, tpd, lp['W1'], lp['b1'],
                                lp['W2'], lp['b2'], lp['gamma'], lp['beta'],
                                batch, params['pred_W'], params['pred_b'])
    return (pred, h)

# --- scband reference (transcript-rebuilt; emitter-appended) ---
"""Pipeline reference for scband-gnn-prediction-12214886990271 (READ-ONLY COPY).

The authoritative reference and input builder live on the scoring server;
editing this copy changes nothing except your own understanding.
"""

import jax, jax.numpy as jnp
import numpy as np

N = 10000
E = 160000
D = 256
L = 5
G = 64
NUM_ATOM_TYPE = 120
NUM_CHIRALITY = 3
NUM_BOND_TYPE = 6
NUM_BOND_DIR = 3


def _init_params(key):
    ks = jax.random.split(key, 4 + 8 * L)
    p = {
        'x_emb1': jax.random.normal(ks[0], (NUM_ATOM_TYPE, D), dtype=jnp.float32) * 0.02,
        'x_emb2': jax.random.normal(ks[1], (NUM_CHIRALITY, D), dtype=jnp.float32) * 0.02,
        'pred_W': jax.random.normal(ks[2], (D, 1), dtype=jnp.float32) * (1.0 / np.sqrt(D)),
        'pred_b': jnp.zeros((1,), dtype=jnp.float32),
        'layers': [],
    }
    for l in range(L):
        base = 4 + 8 * l
        lp = {
            'ee1': jax.random.normal(ks[base + 0], (NUM_BOND_TYPE, D), dtype=jnp.float32) * 0.02,
            'ee2': jax.random.normal(ks[base + 1], (NUM_BOND_DIR, D), dtype=jnp.float32) * 0.02,
            'W1': jax.random.normal(ks[base + 2], (D, 2 * D), dtype=jnp.float32) * (1.0 / np.sqrt(D)),
            'b1': jnp.zeros((2 * D,), dtype=jnp.float32),
            'W2': jax.random.normal(ks[base + 3], (2 * D, D), dtype=jnp.float32) * (1.0 / np.sqrt(2 * D)),
            'b2': jnp.zeros((D,), dtype=jnp.float32),
            'gamma': jnp.ones((D,), dtype=jnp.float32),
            'beta': jnp.zeros((D,), dtype=jnp.float32),
        }
        p['layers'].append(lp)
    return p


def setup_inputs(seed: int = 0) -> dict:
    key = jax.random.key(seed)
    ks = jax.random.split(key, 6)
    x = jax.random.randint(ks[0], (N, 2), 0, 3, dtype=jnp.int32)
    edge_index = jax.random.randint(ks[1], (2, E), 0, N, dtype=jnp.int32)
    edge_attr = jax.random.randint(ks[2], (E, 2), 0, 3, dtype=jnp.int32)
    batch = jnp.sort(jax.random.randint(ks[3], (N,), 0, G, dtype=jnp.int32))
    params = _init_params(ks[4])
    return {'x': x, 'edge_index': edge_index, 'edge_attr': edge_attr, 'batch': batch, 'params': params}


def _gnn_forward(params, x, edge_index, edge_attr, batch):
    # atom embedding sum (pretrain-gnns chem GNN)
    h = params['x_emb1'][x[:, 0]] + params['x_emb2'][x[:, 1]]
    # add self loops with bond-type attr [4, 0]
    loop = jnp.arange(N, dtype=edge_index.dtype)
    si = jnp.concatenate([edge_index[0], loop])
    di = jnp.concatenate([edge_index[1], loop])
    self_attr = jnp.tile(jnp.array([[4, 0]], dtype=edge_attr.dtype), (N, 1))
    ea = jnp.concatenate([edge_attr, self_attr], axis=0)
    for l in range(L):
        lp = params['layers'][l]
        e_emb = lp['ee1'][ea[:, 0]] + lp['ee2'][ea[:, 1]]
        msg = h[si] + e_emb
        agg = jax.ops.segment_sum(msg, di, num_segments=N)
        hh = jax.nn.relu(agg @ lp['W1'] + lp['b1']) @ lp['W2'] + lp['b2']
        # BatchNorm1d (batch statistics)
        mu = jnp.mean(hh, axis=0)
        var = jnp.var(hh, axis=0)
        hh = (hh - mu) / jnp.sqrt(var + 1e-5) * lp['gamma'] + lp['beta']
        # dropout_prob = 0 -> no-op; relu on all but last layer (jk='last')
        h = hh if l == L - 1 else jax.nn.relu(hh)
    # global mean pool over graphs
    sums = jax.ops.segment_sum(h, batch, num_segments=G)
    cnts = jax.ops.segment_sum(jnp.ones((N,), dtype=h.dtype), batch, num_segments=G)
    pooled = sums / jnp.clip(cnts, 1.0)[:, None]
    pred = pooled @ params['pred_W'] + params['pred_b']
    return (pred, h)


def reference(x, edge_index, edge_attr, batch, params):
    return _gnn_forward(params, x, edge_index, edge_attr, batch)

if __name__ == "__main__":
    import jax
    _d = setup_inputs()
    print(jax.jit(kernel)(*tuple(_d.values())))

</pallas_src>

<mosaic_0001>
#map = affine_map<(d0, d1) -> (0, 0)>
#map1 = affine_map<(d0, d1) -> (0)>
module attributes {stable_mosaic.version = 14 : i64} {
  func.func @_counts_sc(%arg0: i32, %arg1: i32, %arg2: memref<1280x128xi32, #tpu.memory_space<hbm>>, %arg3: memref<11264xf32, #tpu.memory_space<hbm>>, %arg4: memref<128xf32, #tpu.memory_space<hbm>>, %arg5: memref<360448xf32, #tpu.memory_space<hbm>>, %arg6: memref<128xi32, #tpu.memory_space<vmem>>, %arg7: memref<128xf32, #tpu.memory_space<vmem>>, %arg8: memref<180224xf32, #tpu.memory_space<vmem_shared>>) attributes {dimension_semantics = [#tpu.dimension_semantics<core_parallel>, #tpu.dimension_semantics<subcore_parallel>], iteration_bounds = array<i64: 2, 16>, scalar_prefetch = 0 : i64, scratch_operands = 3 : i64, tpu.core_type = #tpu.core_type<sc_vector_subcore>, window_params = [{transform_indices = #map}, {transform_indices = #map1}, {transform_indices = #map1}, {transform_indices = #map1}]} {
    %mul3A = arith.constant 11264 : i32
    %mul3A_0 = arith.muli %arg1, %mul3A : i32
    "tpu.region"() ({
      %run_scoped3A = tpu.sem_alloc : memref<!tpu.dma_semaphore, #tpu.memory_space<semaphore_mem>>
      %dma_start3A = tpu.memref_slice %arg8[%mul3A_0] : memref<180224xf32, #tpu.memory_space<vmem_shared>> -> memref<11264xf32, #tpu.memory_space<vmem_shared>>
      tpu.enqueue_dma source(%arg3 : memref<11264xf32, #tpu.memory_space<hbm>>) target(%dma_start3A : memref<11264xf32, #tpu.memory_space<vmem_shared>>) target_semaphore(%run_scoped3A : memref<!tpu.dma_semaphore, #tpu.memory_space<semaphore_mem>>)
      %dma_wait3A = tpu.memref_slice %arg8[%mul3A_0] : memref<180224xf32, #tpu.memory_space<vmem_shared>> -> memref<11264xf32, #tpu.memory_space<vmem_shared>>
      tpu.wait_dma2 semaphore(%run_scoped3A : memref<!tpu.dma_semaphore, #tpu.memory_space<semaphore_mem>>) src(%arg3 : memref<11264xf32, #tpu.memory_space<hbm>>) dst(%dma_wait3A : memref<11264xf32, #tpu.memory_space<vmem_shared>>)
      tpu.yield
    }) : () -> ()
    "tpu.region"() ({
      %run_scoped3A = tpu.sem_alloc : memref<!tpu.dma_semaphore, #tpu.memory_space<semaphore_mem>>
      tpu.enqueue_dma source(%arg4 : memref<128xf32, #tpu.memory_space<hbm>>) target(%arg7 : memref<128xf32, #tpu.memory_space<vmem>>) target_semaphore(%run_scoped3A : memref<!tpu.dma_semaphore, #tpu.memory_space<semaphore_mem>>)
      tpu.wait_dma2 semaphore(%run_scoped3A : memref<!tpu.dma_semaphore, #tpu.memory_space<semaphore_mem>>) src(%arg4 : memref<128xf32, #tpu.memory_space<hbm>>) dst(%arg7 : memref<128xf32, #tpu.memory_space<vmem>>)
      tpu.yield
    }) : () -> ()
    %barrier3A = arith.constant 0 : index
    tpu.barrier barrier_id(%barrier3A)
    %mul3A_1 = arith.constant 16 : i32
    %mul3A_2 = arith.muli %arg0, %mul3A_1 : i32
    %add3A = arith.addi %mul3A_2, %arg1 : i32
    %mul3A_3 = arith.constant 40 : i32
    %mul3A_4 = arith.muli %add3A, %mul3A_3 : i32
    %scan3A = arith.constant 0 : i32
    %scan3A_5 = arith.constant 0 : i32
    %scan3A_6 = arith.constant 40 : i32
    %scan3A_7 = arith.addi %scan3A_5, %scan3A_6 : i32
    %scan3A_8 = arith.constant 1 : i32
    scf.for %scan3A_18 = %scan3A_5 to %scan3A_7 step %scan3A_8  : i32 {
      %add3A_19 = arith.addi %mul3A_4, %scan3A_18 : i32
      "tpu.region"() ({
        %run_scoped3A = tpu.sem_alloc : memref<!tpu.dma_semaphore, #tpu.memory_space<semaphore_mem>>
        %dma_start3A = arith.constant 0 : i32
        %dma_start3A_20 = tpu.memref_slice %arg2[%add3A_19, %dma_start3A] : memref<1280x128xi32, #tpu.memory_space<hbm>> -> memref<1x128xi32, #tpu.memory_space<hbm>>
        %dma_start3A_21 = tpu.memref_squeeze %dma_start3A_20 : memref<1x128xi32, #tpu.memory_space<hbm>> -> memref<128xi32, #tpu.memory_space<hbm>>
        %dma_start3A_22 = arith.constant 0 : i32
        %dma_start3A_23 = tpu.memref_slice %arg2[%add3A_19, %dma_start3A_22] : memref<1280x128xi32, #tpu.memory_space<hbm>> -> memref<1x128xi32, #tpu.memory_space<hbm>>
        %dma_start3A_24 = tpu.memref_squeeze %dma_start3A_23 : memref<1x128xi32, #tpu.memory_space<hbm>> -> memref<128xi32, #tpu.memory_space<hbm>>
        tpu.enqueue_dma source(%dma_start3A_24 : memref<128xi32, #tpu.memory_space<hbm>>) target(%arg6 : memref<128xi32, #tpu.memory_space<vmem>>) target_semaphore(%run_scoped3A : memref<!tpu.dma_semaphore, #tpu.memory_space<semaphore_mem>>)
        %dma_wait3A = arith.constant 0 : i32
        %dma_wait3A_25 = tpu.memref_slice %arg2[%add3A_19, %dma_wait3A] : memref<1280x128xi32, #tpu.memory_space<hbm>> -> memref<1x128xi32, #tpu.memory_space<hbm>>
        %dma_wait3A_26 = tpu.memref_squeeze %dma_wait3A_25 : memref<1x128xi32, #tpu.memory_space<hbm>> -> memref<128xi32, #tpu.memory_space<hbm>>
        %dma_wait3A_27 = arith.constant 0 : i32
        %dma_wait3A_28 = tpu.memref_slice %arg2[%add3A_19, %dma_wait3A_27] : memref<1280x128xi32, #tpu.memory_space<hbm>> -> memref<1x128xi32, #tpu.memory_space<hbm>>
        %dma_wait3A_29 = tpu.memref_squeeze %dma_wait3A_28 : memref<1x128xi32, #tpu.memory_space<hbm>> -> memref<128xi32, #tpu.memory_space<hbm>>
        tpu.wait_dma2 semaphore(%run_scoped3A : memref<!tpu.dma_semaphore, #tpu.memory_space<semaphore_mem>>) src(%dma_wait3A_29 : memref<128xi32, #tpu.memory_space<hbm>>) dst(%arg6 : memref<128xi32, #tpu.memory_space<vmem>>)
        tpu.yield
      }) : () -> ()
      "tpu.region"() ({
        %run_scoped3A = tpu.sem_alloc : memref<!tpu.dma_semaphore, #tpu.memory_space<semaphore_mem>>
        %dma_start3A = arith.constant 0 : i32
        %dma_start3A_20 = tpu.memref_slice %arg8[%dma_start3A] : memref<180224xf32, #tpu.memory_space<vmem_shared>> -> memref<180224xf32, #tpu.memory_space<vmem_shared>>
        tpu.enqueue_indirect_dma source(%arg7 : memref<128xf32, #tpu.memory_space<vmem>>) target(%dma_start3A_20 : memref<180224xf32, #tpu.memory_space<vmem_shared>>) offsets(%arg6 : memref<128xi32, #tpu.memory_space<vmem>>) semaphore(%run_scoped3A : memref<!tpu.dma_semaphore, #tpu.memory_space<semaphore_mem>>) {add = true}
        %dma_wait3A = arith.constant 0 : i32
        %dma_wait3A_21 = tpu.memref_slice %arg8[%dma_wait3A] : memref<180224xf32, #tpu.memory_space<vmem_shared>> -> memref<180224xf32, #tpu.memory_space<vmem_shared>>
        tpu.wait_indirect_dma semaphore(%run_scoped3A : memref<!tpu.dma_semaphore, #tpu.memory_space<semaphore_mem>>) src(%arg7 : memref<128xf32, #tpu.memory_space<vmem>>) dst(%dma_wait3A_21 : memref<180224xf32, #tpu.memory_space<vmem_shared>>)
        tpu.yield
      }) : () -> ()
    }
    %scan3A_9 = arith.constant 40 : i32
    %barrier3A_10 = arith.constant 0 : index
    tpu.barrier barrier_id(%barrier3A_10)
    %mul3A_11 = arith.constant 11264 : i32
    %mul3A_12 = arith.muli %arg1, %mul3A_11 : i32
    %mul3A_13 = arith.constant 180224 : i32
    %mul3A_14 = arith.muli %arg0, %mul3A_13 : i32
    %mul3A_15 = arith.constant 11264 : i32
    %mul3A_16 = arith.muli %arg1, %mul3A_15 : i32
    %add3A_17 = arith.addi %mul3A_14, %mul3A_16 : i32
    "tpu.region"() ({
      %run_scoped3A = tpu.sem_alloc : memref<!tpu.dma_semaphore, #tpu.memory_space<semaphore_mem>>
      %dma_start3A = tpu.memref_slice %arg5[%add3A_17] : memref<360448xf32, #tpu.memory_space<hbm>> -> memref<11264xf32, #tpu.memory_space<hbm>>
      %dma_start3A_18 = tpu.memref_slice %arg8[%mul3A_12] : memref<180224xf32, #tpu.memory_space<vmem_shared>> -> memref<11264xf32, #tpu.memory_space<vmem_shared>>
      tpu.enqueue_dma source(%dma_start3A_18 : memref<11264xf32, #tpu.memory_space<vmem_shared>>) target(%dma_start3A : memref<11264xf32, #tpu.memory_space<hbm>>) target_semaphore(%run_scoped3A : memref<!tpu.dma_semaphore, #tpu.memory_space<semaphore_mem>>)
      %dma_wait3A = tpu.memref_slice %arg5[%add3A_17] : memref<360448xf32, #tpu.memory_space<hbm>> -> memref<11264xf32, #tpu.memory_space<hbm>>
      %dma_wait3A_19 = tpu.memref_slice %arg8[%mul3A_12] : memref<180224xf32, #tpu.memory_space<vmem_shared>> -> memref<11264xf32, #tpu.memory_space<vmem_shared>>
      tpu.wait_dma2 semaphore(%run_scoped3A : memref<!tpu.dma_semaphore, #tpu.memory_space<semaphore_mem>>) src(%dma_wait3A_19 : memref<11264xf32, #tpu.memory_space<vmem_shared>>) dst(%dma_wait3A : memref<11264xf32, #tpu.memory_space<hbm>>)
      tpu.yield
    }) : () -> ()
    return
  }
}

#map = affine_map<(d0, d1) -> (0, 0)>
module attributes {stable_mosaic.version = 14 : i64} {
  func.func @_spmm_sc(%arg0: i32, %arg1: i32, %arg2: memref<20000x128xf32, #tpu.memory_space<hbm>>, %arg3: memref<2560x128xi32, #tpu.memory_space<hbm>>, %arg4: memref<1280x128xi32, #tpu.memory_space<hbm>>, %arg5: memref<632x128xf32, #tpu.memory_space<hbm>>, %arg6: memref<20224x128xf32, #tpu.memory_space<hbm>>, %arg7: memref<128xi32, #tpu.memory_space<vmem>>, %arg8: memref<128xi32, #tpu.memory_space<vmem>>, %arg9: memref<128x128xf32, #tpu.memory_space<vmem>>, %arg10: memref<10112x128xf32, #tpu.memory_space<vmem_shared>>, %arg11: memref<!tpu.dma_semaphore, #tpu.memory_space<semaphore_mem>>) attributes {dimension_semantics = [#tpu.dimension_semantics<core_parallel>, #tpu.dimension_semantics<subcore_parallel>], iteration_bounds = array<i64: 2, 16>, scalar_prefetch = 0 : i64, scratch_operands = 5 : i64, tpu.core_type = #tpu.core_type<sc_vector_subcore>, window_params = [{transform_indices = #map}, {transform_indices = #map}, {transform_indices = #map}, {transform_indices = #map}, {transform_indices = #map}]} {
    %mul3A = arith.constant 632 : i32
    %mul3A_0 = arith.muli %arg1, %mul3A : i32
    "tpu.region"() ({
      %run_scoped3A = tpu.sem_alloc : memref<!tpu.dma_semaphore, #tpu.memory_space<semaphore_mem>>
      %dma_start3A = arith.constant 0 : i32
      %dma_start3A_20 = tpu.memref_slice %arg10[%mul3A_0, %dma_start3A] : memref<10112x128xf32, #tpu.memory_space<vmem_shared>> -> memref<632x128xf32, #tpu.memory_space<vmem_shared>>
      tpu.enqueue_dma source(%arg5 : memref<632x128xf32, #tpu.memory_space<hbm>>) target(%dma_start3A_20 : memref<632x128xf32, #tpu.memory_space<vmem_shared>>) target_semaphore(%run_scoped3A : memref<!tpu.dma_semaphore, #tpu.memory_space<semaphore_mem>>)
      %dma_wait3A = arith.constant 0 : i32
      %dma_wait3A_21 = tpu.memref_slice %arg10[%mul3A_0, %dma_wait3A] : memref<10112x128xf32, #tpu.memory_space<vmem_shared>> -> memref<632x128xf32, #tpu.memory_space<vmem_shared>>
      tpu.wait_dma2 semaphore(%run_scoped3A : memref<!tpu.dma_semaphore, #tpu.memory_space<semaphore_mem>>) src(%arg5 : memref<632x128xf32, #tpu.memory_space<hbm>>) dst(%dma_wait3A_21 : memref<632x128xf32, #tpu.memory_space<vmem_shared>>)
      tpu.yield
    }) : () -> ()
    %barrier3A = arith.constant 0 : index
    tpu.barrier barrier_id(%barrier3A)
    %mul3A_1 = arith.constant 16 : i32
    %mul3A_2 = arith.muli %arg0, %mul3A_1 : i32
    %add3A = arith.addi %mul3A_2, %arg1 : i32
    %mul3A_3 = arith.constant 80 : i32
    %mul3A_4 = arith.muli %add3A, %mul3A_3 : i32
    %mul3A_5 = arith.constant 80 : i32
    %mul3A_6 = arith.muli %arg1, %mul3A_5 : i32
    %scan3A = arith.constant 0 : i32
    %scan3A_7 = arith.constant 0 : i32
    %scan3A_8 = arith.constant 80 : i32
    %scan3A_9 = arith.addi %scan3A_7, %scan3A_8 : i32
    %scan3A_10 = arith.constant 1 : i32
    scf.for %scan3A_20 = %scan3A_7 to %scan3A_9 step %scan3A_10  : i32 {
      %add3A_21 = arith.addi %mul3A_4, %scan3A_20 : i32
      "tpu.region"() ({
        %run_scoped3A = tpu.sem_alloc : memref<!tpu.dma_semaphore, #tpu.memory_space<semaphore_mem>>
        %dma_start3A_27 = arith.constant 0 : i32
        %dma_start3A_28 = tpu.memref_slice %arg3[%add3A_21, %dma_start3A_27] : memref<2560x128xi32, #tpu.memory_space<hbm>> -> memref<1x128xi32, #tpu.memory_space<hbm>>
        %dma_start3A_29 = tpu.memref_squeeze %dma_start3A_28 : memref<1x128xi32, #tpu.memory_space<hbm>> -> memref<128xi32, #tpu.memory_space<hbm>>
        %dma_start3A_30 = arith.constant 0 : i32
        %dma_start3A_31 = tpu.memref_slice %arg3[%add3A_21, %dma_start3A_30] : memref<2560x128xi32, #tpu.memory_space<hbm>> -> memref<1x128xi32, #tpu.memory_space<hbm>>
        %dma_start3A_32 = tpu.memref_squeeze %dma_start3A_31 : memref<1x128xi32, #tpu.memory_space<hbm>> -> memref<128xi32, #tpu.memory_space<hbm>>
        tpu.enqueue_dma source(%dma_start3A_32 : memref<128xi32, #tpu.memory_space<hbm>>) target(%arg7 : memref<128xi32, #tpu.memory_space<vmem>>) target_semaphore(%run_scoped3A : memref<!tpu.dma_semaphore, #tpu.memory_space<semaphore_mem>>)
        %dma_wait3A_33 = arith.constant 0 : i32
        %dma_wait3A_34 = tpu.memref_slice %arg3[%add3A_21, %dma_wait3A_33] : memref<2560x128xi32, #tpu.memory_space<hbm>> -> memref<1x128xi32, #tpu.memory_space<hbm>>
        %dma_wait3A_35 = tpu.memref_squeeze %dma_wait3A_34 : memref<1x128xi32, #tpu.memory_space<hbm>> -> memref<128xi32, #tpu.memory_space<hbm>>
        %dma_wait3A_36 = arith.constant 0 : i32
        %dma_wait3A_37 = tpu.memref_slice %arg3[%add3A_21, %dma_wait3A_36] : memref<2560x128xi32, #tpu.memory_space<hbm>> -> memref<1x128xi32, #tpu.memory_space<hbm>>
        %dma_wait3A_38 = tpu.memref_squeeze %dma_wait3A_37 : memref<1x128xi32, #tpu.memory_space<hbm>> -> memref<128xi32, #tpu.memory_space<hbm>>
        tpu.wait_dma2 semaphore(%run_scoped3A : memref<!tpu.dma_semaphore, #tpu.memory_space<semaphore_mem>>) src(%dma_wait3A_38 : memref<128xi32, #tpu.memory_space<hbm>>) dst(%arg7 : memref<128xi32, #tpu.memory_space<vmem>>)
        tpu.yield
      }) : () -> ()
      %add3A_22 = arith.addi %mul3A_6, %scan3A_20 : i32
      "tpu.region"() ({
        %run_scoped3A = tpu.sem_alloc : memref<!tpu.dma_semaphore, #tpu.memory_space<semaphore_mem>>
        %dma_start3A_27 = arith.constant 0 : i32
        %dma_start3A_28 = tpu.memref_slice %arg4[%add3A_22, %dma_start3A_27] : memref<1280x128xi32, #tpu.memory_space<hbm>> -> memref<1x128xi32, #tpu.memory_space<hbm>>
        %dma_start3A_29 = tpu.memref_squeeze %dma_start3A_28 : memref<1x128xi32, #tpu.memory_space<hbm>> -> memref<128xi32, #tpu.memory_space<hbm>>
        %dma_start3A_30 = arith.constant 0 : i32
        %dma_start3A_31 = tpu.memref_slice %arg4[%add3A_22, %dma_start3A_30] : memref<1280x128xi32, #tpu.memory_space<hbm>> -> memref<1x128xi32, #tpu.memory_space<hbm>>
        %dma_start3A_32 = tpu.memref_squeeze %dma_start3A_31 : memref<1x128xi32, #tpu.memory_space<hbm>> -> memref<128xi32, #tpu.memory_space<hbm>>
        tpu.enqueue_dma source(%dma_start3A_32 : memref<128xi32, #tpu.memory_space<hbm>>) target(%arg8 : memref<128xi32, #tpu.memory_space<vmem>>) target_semaphore(%run_scoped3A : memref<!tpu.dma_semaphore, #tpu.memory_space<semaphore_mem>>)
        %dma_wait3A_33 = arith.constant 0 : i32
        %dma_wait3A_34 = tpu.memref_slice %arg4[%add3A_22, %dma_wait3A_33] : memref<1280x128xi32, #tpu.memory_space<hbm>> -> memref<1x128xi32, #tpu.memory_space<hbm>>
        %dma_wait3A_35 = tpu.memref_squeeze %dma_wait3A_34 : memref<1x128xi32, #tpu.memory_space<hbm>> -> memref<128xi32, #tpu.memory_space<hbm>>
        %dma_wait3A_36 = arith.constant 0 : i32
        %dma_wait3A_37 = tpu.memref_slice %arg4[%add3A_22, %dma_wait3A_36] : memref<1280x128xi32, #tpu.memory_space<hbm>> -> memref<1x128xi32, #tpu.memory_space<hbm>>
        %dma_wait3A_38 = tpu.memref_squeeze %dma_wait3A_37 : memref<1x128xi32, #tpu.memory_space<hbm>> -> memref<128xi32, #tpu.memory_space<hbm>>
        tpu.wait_dma2 semaphore(%run_scoped3A : memref<!tpu.dma_semaphore, #tpu.memory_space<semaphore_mem>>) src(%dma_wait3A_38 : memref<128xi32, #tpu.memory_space<hbm>>) dst(%arg8 : memref<128xi32, #tpu.memory_space<vmem>>)
        tpu.yield
      }) : () -> ()
      %dma_start3A = arith.constant 0 : i32
      %dma_start3A_23 = arith.constant 0 : i32
      %dma_start3A_24 = tpu.memref_slice %arg2[%dma_start3A, %dma_start3A_23] : memref<20000x128xf32, #tpu.memory_space<hbm>> -> memref<20000x128xf32, #tpu.memory_space<hbm>>
      tpu.enqueue_indirect_dma source(%dma_start3A_24 : memref<20000x128xf32, #tpu.memory_space<hbm>>) target(%arg9 : memref<128x128xf32, #tpu.memory_space<vmem>>) offsets(%arg7 : memref<128xi32, #tpu.memory_space<vmem>>) semaphore(%arg11 : memref<!tpu.dma_semaphore, #tpu.memory_space<semaphore_mem>>)
      %dma_wait3A = arith.constant 0 : i32
      %dma_wait3A_25 = arith.constant 0 : i32
      %dma_wait3A_26 = tpu.memref_slice %arg2[%dma_wait3A, %dma_wait3A_25] : memref<20000x128xf32, #tpu.memory_space<hbm>> -> memref<20000x128xf32, #tpu.memory_space<hbm>>
      tpu.wait_indirect_dma semaphore(%arg11 : memref<!tpu.dma_semaphore, #tpu.memory_space<semaphore_mem>>) src(%dma_wait3A_26 : memref<20000x128xf32, #tpu.memory_space<hbm>>) dst(%arg9 : memref<128x128xf32, #tpu.memory_space<vmem>>)
      "tpu.region"() ({
        %run_scoped3A = tpu.sem_alloc : memref<!tpu.dma_semaphore, #tpu.memory_space<semaphore_mem>>
        %dma_start3A_27 = arith.constant 0 : i32
        %dma_start3A_28 = arith.constant 0 : i32
        %dma_start3A_29 = tpu.memref_slice %arg10[%dma_start3A_27, %dma_start3A_28] : memref<10112x128xf32, #tpu.memory_space<vmem_shared>> -> memref<10112x128xf32, #tpu.memory_space<vmem_shared>>
        tpu.enqueue_indirect_dma source(%arg9 : memref<128x128xf32, #tpu.memory_space<vmem>>) target(%dma_start3A_29 : memref<10112x128xf32, #tpu.memory_space<vmem_shared>>) offsets(%arg8 : memref<128xi32, #tpu.memory_space<vmem>>) semaphore(%run_scoped3A : memref<!tpu.dma_semaphore, #tpu.memory_space<semaphore_mem>>) {add = true}
        %dma_wait3A_30 = arith.constant 0 : i32
        %dma_wait3A_31 = arith.constant 0 : i32
        %dma_wait3A_32 = tpu.memref_slice %arg10[%dma_wait3A_30, %dma_wait3A_31] : memref<10112x128xf32, #tpu.memory_space<vmem_shared>> -> memref<10112x128xf32, #tpu.memory_space<vmem_shared>>
        tpu.wait_indirect_dma semaphore(%run_scoped3A : memref<!tpu.dma_semaphore, #tpu.memory_space<semaphore_mem>>) src(%arg9 : memref<128x128xf32, #tpu.memory_space<vmem>>) dst(%dma_wait3A_32 : memref<10112x128xf32, #tpu.memory_space<vmem_shared>>)
        tpu.yield
      }) : () -> ()
    }
    %scan3A_11 = arith.constant 80 : i32
    %barrier3A_12 = arith.constant 0 : index
    tpu.barrier barrier_id(%barrier3A_12)
    %mul3A_13 = arith.constant 632 : i32
    %mul3A_14 = arith.muli %arg1, %mul3A_13 : i32
    %mul3A_15 = arith.constant 10112 : i32
    %mul3A_16 = arith.muli %arg0, %mul3A_15 : i32
    %mul3A_17 = arith.constant 632 : i32
    %mul3A_18 = arith.muli %arg1, %mul3A_17 : i32
    %add3A_19 = arith.addi %mul3A_16, %mul3A_18 : i32
    "tpu.region"() ({
      %run_scoped3A = tpu.sem_alloc : memref<!tpu.dma_semaphore, #tpu.memory_space<semaphore_mem>>
      %dma_start3A = arith.constant 0 : i32
      %dma_start3A_20 = tpu.memref_slice %arg6[%add3A_19, %dma_start3A] : memref<20224x128xf32, #tpu.memory_space<hbm>> -> memref<632x128xf32, #tpu.memory_space<hbm>>
      %dma_start3A_21 = arith.constant 0 : i32
      %dma_start3A_22 = tpu.memref_slice %arg10[%mul3A_14, %dma_start3A_21] : memref<10112x128xf32, #tpu.memory_space<vmem_shared>> -> memref<632x128xf32, #tpu.memory_space<vmem_shared>>
      tpu.enqueue_dma source(%dma_start3A_22 : memref<632x128xf32, #tpu.memory_space<vmem_shared>>) target(%dma_start3A_20 : memref<632x128xf32, #tpu.memory_space<hbm>>) target_semaphore(%run_scoped3A : memref<!tpu.dma_semaphore, #tpu.memory_space<semaphore_mem>>)
      %dma_wait3A = arith.constant 0 : i32
      %dma_wait3A_23 = tpu.memref_slice %arg6[%add3A_19, %dma_wait3A] : memref<20224x128xf32, #tpu.memory_space<hbm>> -> memref<632x128xf32, #tpu.memory_space<hbm>>
      %dma_wait3A_24 = arith.constant 0 : i32
      %dma_wait3A_25 = tpu.memref_slice %arg10[%mul3A_14, %dma_wait3A_24] : memref<10112x128xf32, #tpu.memory_space<vmem_shared>> -> memref<632x128xf32, #tpu.memory_space<vmem_shared>>
      tpu.wait_dma2 semaphore(%run_scoped3A : memref<!tpu.dma_semaphore, #tpu.memory_space<semaphore_mem>>) src(%dma_wait3A_25 : memref<632x128xf32, #tpu.memory_space<vmem_shared>>) dst(%dma_wait3A_23 : memref<632x128xf32, #tpu.memory_space<hbm>>)
      tpu.yield
    }) : () -> ()
    return
  }
}

#map = affine_map<(d0, d1) -> (0, 0)>
module attributes {stable_mosaic.version = 14 : i64} {
  func.func @_spmm_sc(%arg0: i32, %arg1: i32, %arg2: memref<20000x128xf32, #tpu.memory_space<hbm>>, %arg3: memref<2560x128xi32, #tpu.memory_space<hbm>>, %arg4: memref<1280x128xi32, #tpu.memory_space<hbm>>, %arg5: memref<632x128xf32, #tpu.memory_space<hbm>>, %arg6: memref<20224x128xf32, #tpu.memory_space<hbm>>, %arg7: memref<128xi32, #tpu.memory_space<vmem>>, %arg8: memref<128xi32, #tpu.memory_space<vmem>>, %arg9: memref<128x128xf32, #tpu.memory_space<vmem>>, %arg10: memref<10112x128xf32, #tpu.memory_space<vmem_shared>>, %arg11: memref<!tpu.dma_semaphore, #tpu.memory_space<semaphore_mem>>) attributes {dimension_semantics = [#tpu.dimension_semantics<core_parallel>, #tpu.dimension_semantics<subcore_parallel>], iteration_bounds = array<i64: 2, 16>, scalar_prefetch = 0 : i64, scratch_operands = 5 : i64, tpu.core_type = #tpu.core_type<sc_vector_subcore>, window_params = [{transform_indices = #map}, {transform_indices = #map}, {transform_indices = #map}, {transform_indices = #map}, {transform_indices = #map}]} {
    %mul3A = arith.constant 632 : i32
    %mul3A_0 = arith.muli %arg1, %mul3A : i32
    "tpu.region"() ({
      %run_scoped3A = tpu.sem_alloc : memref<!tpu.dma_semaphore, #tpu.memory_space<semaphore_mem>>
      %dma_start3A = arith.constant 0 : i32
      %dma_start3A_20 = tpu.memref_slice %arg10[%mul3A_0, %dma_start3A] : memref<10112x128xf32, #tpu.memory_space<vmem_shared>> -> memref<632x128xf32, #tpu.memory_space<vmem_shared>>
      tpu.enqueue_dma source(%arg5 : memref<632x128xf32, #tpu.memory_space<hbm>>) target(%dma_start3A_20 : memref<632x128xf32, #tpu.memory_space<vmem_shared>>) target_semaphore(%run_scoped3A : memref<!tpu.dma_semaphore, #tpu.memory_space<semaphore_mem>>)
      %dma_wait3A = arith.constant 0 : i32
      %dma_wait3A_21 = tpu.memref_slice %arg10[%mul3A_0, %dma_wait3A] : memref<10112x128xf32, #tpu.memory_space<vmem_shared>> -> memref<632x128xf32, #tpu.memory_space<vmem_shared>>
      tpu.wait_dma2 semaphore(%run_scoped3A : memref<!tpu.dma_semaphore, #tpu.memory_space<semaphore_mem>>) src(%arg5 : memref<632x128xf32, #tpu.memory_space<hbm>>) dst(%dma_wait3A_21 : memref<632x128xf32, #tpu.memory_space<vmem_shared>>)
      tpu.yield
    }) : () -> ()
    %barrier3A = arith.constant 0 : index
    tpu.barrier barrier_id(%barrier3A)
    %mul3A_1 = arith.constant 16 : i32
    %mul3A_2 = arith.muli %arg0, %mul3A_1 : i32
    %add3A = arith.addi %mul3A_2, %arg1 : i32
    %mul3A_3 = arith.constant 80 : i32
    %mul3A_4 = arith.muli %add3A, %mul3A_3 : i32
    %mul3A_5 = arith.constant 80 : i32
    %mul3A_6 = arith.muli %arg1, %mul3A_5 : i32
    %scan3A = arith.constant 0 : i32
    %scan3A_7 = arith.constant 0 : i32
    %scan3A_8 = arith.constant 80 : i32
    %scan3A_9 = arith.addi %scan3A_7, %scan3A_8 : i32
    %scan3A_10 = arith.constant 1 : i32
    scf.for %scan3A_20 = %scan3A_7 to %scan3A_9 step %scan3A_10  : i32 {
      %add3A_21 = arith.addi %mul3A_4, %scan3A_20 : i32
      "tpu.region"() ({
        %run_scoped3A = tpu.sem_alloc : memref<!tpu.dma_semaphore, #tpu.memory_space<semaphore_mem>>
        %dma_start3A_27 = arith.constant 0 : i32
        %dma_start3A_28 = tpu.memref_slice %arg3[%add3A_21, %dma_start3A_27] : memref<2560x128xi32, #tpu.memory_space<hbm>> -> memref<1x128xi32, #tpu.memory_space<hbm>>
        %dma_start3A_29 = tpu.memref_squeeze %dma_start3A_28 : memref<1x128xi32, #tpu.memory_space<hbm>> -> memref<128xi32, #tpu.memory_space<hbm>>
        %dma_start3A_30 = arith.constant 0 : i32
        %dma_start3A_31 = tpu.memref_slice %arg3[%add3A_21, %dma_start3A_30] : memref<2560x128xi32, #tpu.memory_space<hbm>> -> memref<1x128xi32, #tpu.memory_space<hbm>>
        %dma_start3A_32 = tpu.memref_squeeze %dma_start3A_31 : memref<1x128xi32, #tpu.memory_space<hbm>> -> memref<128xi32, #tpu.memory_space<hbm>>
        tpu.enqueue_dma source(%dma_start3A_32 : memref<128xi32, #tpu.memory_space<hbm>>) target(%arg7 : memref<128xi32, #tpu.memory_space<vmem>>) target_semaphore(%run_scoped3A : memref<!tpu.dma_semaphore, #tpu.memory_space<semaphore_mem>>)
        %dma_wait3A_33 = arith.constant 0 : i32
        %dma_wait3A_34 = tpu.memref_slice %arg3[%add3A_21, %dma_wait3A_33] : memref<2560x128xi32, #tpu.memory_space<hbm>> -> memref<1x128xi32, #tpu.memory_space<hbm>>
        %dma_wait3A_35 = tpu.memref_squeeze %dma_wait3A_34 : memref<1x128xi32, #tpu.memory_space<hbm>> -> memref<128xi32, #tpu.memory_space<hbm>>
        %dma_wait3A_36 = arith.constant 0 : i32
        %dma_wait3A_37 = tpu.memref_slice %arg3[%add3A_21, %dma_wait3A_36] : memref<2560x128xi32, #tpu.memory_space<hbm>> -> memref<1x128xi32, #tpu.memory_space<hbm>>
        %dma_wait3A_38 = tpu.memref_squeeze %dma_wait3A_37 : memref<1x128xi32, #tpu.memory_space<hbm>> -> memref<128xi32, #tpu.memory_space<hbm>>
        tpu.wait_dma2 semaphore(%run_scoped3A : memref<!tpu.dma_semaphore, #tpu.memory_space<semaphore_mem>>) src(%dma_wait3A_38 : memref<128xi32, #tpu.memory_space<hbm>>) dst(%arg7 : memref<128xi32, #tpu.memory_space<vmem>>)
        tpu.yield
      }) : () -> ()
      %add3A_22 = arith.addi %mul3A_6, %scan3A_20 : i32
      "tpu.region"() ({
        %run_scoped3A = tpu.sem_alloc : memref<!tpu.dma_semaphore, #tpu.memory_space<semaphore_mem>>
        %dma_start3A_27 = arith.constant 0 : i32
        %dma_start3A_28 = tpu.memref_slice %arg4[%add3A_22, %dma_start3A_27] : memref<1280x128xi32, #tpu.memory_space<hbm>> -> memref<1x128xi32, #tpu.memory_space<hbm>>
        %dma_start3A_29 = tpu.memref_squeeze %dma_start3A_28 : memref<1x128xi32, #tpu.memory_space<hbm>> -> memref<128xi32, #tpu.memory_space<hbm>>
        %dma_start3A_30 = arith.constant 0 : i32
        %dma_start3A_31 = tpu.memref_slice %arg4[%add3A_22, %dma_start3A_30] : memref<1280x128xi32, #tpu.memory_space<hbm>> -> memref<1x128xi32, #tpu.memory_space<hbm>>
        %dma_start3A_32 = tpu.memref_squeeze %dma_start3A_31 : memref<1x128xi32, #tpu.memory_space<hbm>> -> memref<128xi32, #tpu.memory_space<hbm>>
        tpu.enqueue_dma source(%dma_start3A_32 : memref<128xi32, #tpu.memory_space<hbm>>) target(%arg8 : memref<128xi32, #tpu.memory_space<vmem>>) target_semaphore(%run_scoped3A : memref<!tpu.dma_semaphore, #tpu.memory_space<semaphore_mem>>)
        %dma_wait3A_33 = arith.constant 0 : i32
        %dma_wait3A_34 = tpu.memref_slice %arg4[%add3A_22, %dma_wait3A_33] : memref<1280x128xi32, #tpu.memory_space<hbm>> -> memref<1x128xi32, #tpu.memory_space<hbm>>
        %dma_wait3A_35 = tpu.memref_squeeze %dma_wait3A_34 : memref<1x128xi32, #tpu.memory_space<hbm>> -> memref<128xi32, #tpu.memory_space<hbm>>
        %dma_wait3A_36 = arith.constant 0 : i32
        %dma_wait3A_37 = tpu.memref_slice %arg4[%add3A_22, %dma_wait3A_36] : memref<1280x128xi32, #tpu.memory_space<hbm>> -> memref<1x128xi32, #tpu.memory_space<hbm>>
        %dma_wait3A_38 = tpu.memref_squeeze %dma_wait3A_37 : memref<1x128xi32, #tpu.memory_space<hbm>> -> memref<128xi32, #tpu.memory_space<hbm>>
        tpu.wait_dma2 semaphore(%run_scoped3A : memref<!tpu.dma_semaphore, #tpu.memory_space<semaphore_mem>>) src(%dma_wait3A_38 : memref<128xi32, #tpu.memory_space<hbm>>) dst(%arg8 : memref<128xi32, #tpu.memory_space<vmem>>)
        tpu.yield
      }) : () -> ()
      %dma_start3A = arith.constant 0 : i32
      %dma_start3A_23 = arith.constant 0 : i32
      %dma_start3A_24 = tpu.memref_slice %arg2[%dma_start3A, %dma_start3A_23] : memref<20000x128xf32, #tpu.memory_space<hbm>> -> memref<20000x128xf32, #tpu.memory_space<hbm>>
      tpu.enqueue_indirect_dma source(%dma_start3A_24 : memref<20000x128xf32, #tpu.memory_space<hbm>>) target(%arg9 : memref<128x128xf32, #tpu.memory_space<vmem>>) offsets(%arg7 : memref<128xi32, #tpu.memory_space<vmem>>) semaphore(%arg11 : memref<!tpu.dma_semaphore, #tpu.memory_space<semaphore_mem>>)
      %dma_wait3A = arith.constant 0 : i32
      %dma_wait3A_25 = arith.constant 0 : i32
      %dma_wait3A_26 = tpu.memref_slice %arg2[%dma_wait3A, %dma_wait3A_25] : memref<20000x128xf32, #tpu.memory_space<hbm>> -> memref<20000x128xf32, #tpu.memory_space<hbm>>
      tpu.wait_indirect_dma semaphore(%arg11 : memref<!tpu.dma_semaphore, #tpu.memory_space<semaphore_mem>>) src(%dma_wait3A_26 : memref<20000x128xf32, #tpu.memory_space<hbm>>) dst(%arg9 : memref<128x128xf32, #tpu.memory_space<vmem>>)
      "tpu.region"() ({
        %run_scoped3A = tpu.sem_alloc : memref<!tpu.dma_semaphore, #tpu.memory_space<semaphore_mem>>
        %dma_start3A_27 = arith.constant 0 : i32
        %dma_start3A_28 = arith.constant 0 : i32
        %dma_start3A_29 = tpu.memref_slice %arg10[%dma_start3A_27, %dma_start3A_28] : memref<10112x128xf32, #tpu.memory_space<vmem_shared>> -> memref<10112x128xf32, #tpu.memory_space<vmem_shared>>
        tpu.enqueue_indirect_dma source(%arg9 : memref<128x128xf32, #tpu.memory_space<vmem>>) target(%dma_start3A_29 : memref<10112x128xf32, #tpu.memory_space<vmem_shared>>) offsets(%arg8 : memref<128xi32, #tpu.memory_space<vmem>>) semaphore(%run_scoped3A : memref<!tpu.dma_semaphore, #tpu.memory_space<semaphore_mem>>) {add = true}
        %dma_wait3A_30 = arith.constant 0 : i32
        %dma_wait3A_31 = arith.constant 0 : i32
        %dma_wait3A_32 = tpu.memref_slice %arg10[%dma_wait3A_30, %dma_wait3A_31] : memref<10112x128xf32, #tpu.memory_space<vmem_shared>> -> memref<10112x128xf32, #tpu.memory_space<vmem_shared>>
        tpu.wait_indirect_dma semaphore(%run_scoped3A : memref<!tpu.dma_semaphore, #tpu.memory_space<semaphore_mem>>) src(%arg9 : memref<128x128xf32, #tpu.memory_space<vmem>>) dst(%dma_wait3A_32 : memref<10112x128xf32, #tpu.memory_space<vmem_shared>>)
        tpu.yield
      }) : () -> ()
    }
    %scan3A_11 = arith.constant 80 : i32
    %barrier3A_12 = arith.constant 0 : index
    tpu.barrier barrier_id(%barrier3A_12)
    %mul3A_13 = arith.constant 632 : i32
    %mul3A_14 = arith.muli %arg1, %mul3A_13 : i32
    %mul3A_15 = arith.constant 10112 : i32
    %mul3A_16 = arith.muli %arg0, %mul3A_15 : i32
    %mul3A_17 = arith.constant 632 : i32
    %mul3A_18 = arith.muli %arg1, %mul3A_17 : i32
    %add3A_19 = arith.addi %mul3A_16, %mul3A_18 : i32
    "tpu.region"() ({
      %run_scoped3A = tpu.sem_alloc : memref<!tpu.dma_semaphore, #tpu.memory_space<semaphore_mem>>
      %dma_start3A = arith.constant 0 : i32
      %dma_start3A_20 = tpu.memref_slice %arg6[%add3A_19, %dma_start3A] : memref<20224x128xf32, #tpu.memory_space<hbm>> -> memref<632x128xf32, #tpu.memory_space<hbm>>
      %dma_start3A_21 = arith.constant 0 : i32
      %dma_start3A_22 = tpu.memref_slice %arg10[%mul3A_14, %dma_start3A_21] : memref<10112x128xf32, #tpu.memory_space<vmem_shared>> -> memref<632x128xf32, #tpu.memory_space<vmem_shared>>
      tpu.enqueue_dma source(%dma_start3A_22 : memref<632x128xf32, #tpu.memory_space<vmem_shared>>) target(%dma_start3A_20 : memref<632x128xf32, #tpu.memory_space<hbm>>) target_semaphore(%run_scoped3A : memref<!tpu.dma_semaphore, #tpu.memory_space<semaphore_mem>>)
      %dma_wait3A = arith.constant 0 : i32
      %dma_wait3A_23 = tpu.memref_slice %arg6[%add3A_19, %dma_wait3A] : memref<20224x128xf32, #tpu.memory_space<hbm>> -> memref<632x128xf32, #tpu.memory_space<hbm>>
      %dma_wait3A_24 = arith.constant 0 : i32
      %dma_wait3A_25 = tpu.memref_slice %arg10[%mul3A_14, %dma_wait3A_24] : memref<10112x128xf32, #tpu.memory_space<vmem_shared>> -> memref<632x128xf32, #tpu.memory_space<vmem_shared>>
      tpu.wait_dma2 semaphore(%run_scoped3A : memref<!tpu.dma_semaphore, #tpu.memory_space<semaphore_mem>>) src(%dma_wait3A_25 : memref<632x128xf32, #tpu.memory_space<vmem_shared>>) dst(%dma_wait3A_23 : memref<632x128xf32, #tpu.memory_space<hbm>>)
      tpu.yield
    }) : () -> ()
    return
  }
}

#map = affine_map<(d0, d1) -> (0, 0)>
module attributes {stable_mosaic.version = 14 : i64} {
  func.func @_spmm_sc(%arg0: i32, %arg1: i32, %arg2: memref<20000x128xf32, #tpu.memory_space<hbm>>, %arg3: memref<2560x128xi32, #tpu.memory_space<hbm>>, %arg4: memref<1280x128xi32, #tpu.memory_space<hbm>>, %arg5: memref<632x128xf32, #tpu.memory_space<hbm>>, %arg6: memref<20224x128xf32, #tpu.memory_space<hbm>>, %arg7: memref<128xi32, #tpu.memory_space<vmem>>, %arg8: memref<128xi32, #tpu.memory_space<vmem>>, %arg9: memref<128x128xf32, #tpu.memory_space<vmem>>, %arg10: memref<10112x128xf32, #tpu.memory_space<vmem_shared>>, %arg11: memref<!tpu.dma_semaphore, #tpu.memory_space<semaphore_mem>>) attributes {dimension_semantics = [#tpu.dimension_semantics<core_parallel>, #tpu.dimension_semantics<subcore_parallel>], iteration_bounds = array<i64: 2, 16>, scalar_prefetch = 0 : i64, scratch_operands = 5 : i64, tpu.core_type = #tpu.core_type<sc_vector_subcore>, window_params = [{transform_indices = #map}, {transform_indices = #map}, {transform_indices = #map}, {transform_indices = #map}, {transform_indices = #map}]} {
    %mul3A = arith.constant 632 : i32
    %mul3A_0 = arith.muli %arg1, %mul3A : i32
    "tpu.region"() ({
      %run_scoped3A = tpu.sem_alloc : memref<!tpu.dma_semaphore, #tpu.memory_space<semaphore_mem>>
      %dma_start3A = arith.constant 0 : i32
      %dma_start3A_20 = tpu.memref_slice %arg10[%mul3A_0, %dma_start3A] : memref<10112x128xf32, #tpu.memory_space<vmem_shared>> -> memref<632x128xf32, #tpu.memory_space<vmem_shared>>
      tpu.enqueue_dma source(%arg5 : memref<632x128xf32, #tpu.memory_space<hbm>>) target(%dma_start3A_20 : memref<632x128xf32, #tpu.memory_space<vmem_shared>>) target_semaphore(%run_scoped3A : memref<!tpu.dma_semaphore, #tpu.memory_space<semaphore_mem>>)
      %dma_wait3A = arith.constant 0 : i32
      %dma_wait3A_21 = tpu.memref_slice %arg10[%mul3A_0, %dma_wait3A] : memref<10112x128xf32, #tpu.memory_space<vmem_shared>> -> memref<632x128xf32, #tpu.memory_space<vmem_shared>>
      tpu.wait_dma2 semaphore(%run_scoped3A : memref<!tpu.dma_semaphore, #tpu.memory_space<semaphore_mem>>) src(%arg5 : memref<632x128xf32, #tpu.memory_space<hbm>>) dst(%dma_wait3A_21 : memref<632x128xf32, #tpu.memory_space<vmem_shared>>)
      tpu.yield
    }) : () -> ()
    %barrier3A = arith.constant 0 : index
    tpu.barrier barrier_id(%barrier3A)
    %mul3A_1 = arith.constant 16 : i32
    %mul3A_2 = arith.muli %arg0, %mul3A_1 : i32
    %add3A = arith.addi %mul3A_2, %arg1 : i32
    %mul3A_3 = arith.constant 80 : i32
    %mul3A_4 = arith.muli %add3A, %mul3A_3 : i32
    %mul3A_5 = arith.constant 80 : i32
    %mul3A_6 = arith.muli %arg1, %mul3A_5 : i32
    %scan3A = arith.constant 0 : i32
    %scan3A_7 = arith.constant 0 : i32
    %scan3A_8 = arith.constant 80 : i32
    %scan3A_9 = arith.addi %scan3A_7, %scan3A_8 : i32
    %scan3A_10 = arith.constant 1 : i32
    scf.for %scan3A_20 = %scan3A_7 to %scan3A_9 step %scan3A_10  : i32 {
      %add3A_21 = arith.addi %mul3A_4, %scan3A_20 : i32
      "tpu.region"() ({
        %run_scoped3A = tpu.sem_alloc : memref<!tpu.dma_semaphore, #tpu.memory_space<semaphore_mem>>
        %dma_start3A_27 = arith.constant 0 : i32
        %dma_start3A_28 = tpu.memref_slice %arg3[%add3A_21, %dma_start3A_27] : memref<2560x128xi32, #tpu.memory_space<hbm>> -> memref<1x128xi32, #tpu.memory_space<hbm>>
        %dma_start3A_29 = tpu.memref_squeeze %dma_start3A_28 : memref<1x128xi32, #tpu.memory_space<hbm>> -> memref<128xi32, #tpu.memory_space<hbm>>
        %dma_start3A_30 = arith.constant 0 : i32
        %dma_start3A_31 = tpu.memref_slice %arg3[%add3A_21, %dma_start3A_30] : memref<2560x128xi32, #tpu.memory_space<hbm>> -> memref<1x128xi32, #tpu.memory_space<hbm>>
        %dma_start3A_32 = tpu.memref_squeeze %dma_start3A_31 : memref<1x128xi32, #tpu.memory_space<hbm>> -> memref<128xi32, #tpu.memory_space<hbm>>
        tpu.enqueue_dma source(%dma_start3A_32 : memref<128xi32, #tpu.memory_space<hbm>>) target(%arg7 : memref<128xi32, #tpu.memory_space<vmem>>) target_semaphore(%run_scoped3A : memref<!tpu.dma_semaphore, #tpu.memory_space<semaphore_mem>>)
        %dma_wait3A_33 = arith.constant 0 : i32
        %dma_wait3A_34 = tpu.memref_slice %arg3[%add3A_21, %dma_wait3A_33] : memref<2560x128xi32, #tpu.memory_space<hbm>> -> memref<1x128xi32, #tpu.memory_space<hbm>>
        %dma_wait3A_35 = tpu.memref_squeeze %dma_wait3A_34 : memref<1x128xi32, #tpu.memory_space<hbm>> -> memref<128xi32, #tpu.memory_space<hbm>>
        %dma_wait3A_36 = arith.constant 0 : i32
        %dma_wait3A_37 = tpu.memref_slice %arg3[%add3A_21, %dma_wait3A_36] : memref<2560x128xi32, #tpu.memory_space<hbm>> -> memref<1x128xi32, #tpu.memory_space<hbm>>
        %dma_wait3A_38 = tpu.memref_squeeze %dma_wait3A_37 : memref<1x128xi32, #tpu.memory_space<hbm>> -> memref<128xi32, #tpu.memory_space<hbm>>
        tpu.wait_dma2 semaphore(%run_scoped3A : memref<!tpu.dma_semaphore, #tpu.memory_space<semaphore_mem>>) src(%dma_wait3A_38 : memref<128xi32, #tpu.memory_space<hbm>>) dst(%arg7 : memref<128xi32, #tpu.memory_space<vmem>>)
        tpu.yield
      }) : () -> ()
      %add3A_22 = arith.addi %mul3A_6, %scan3A_20 : i32
      "tpu.region"() ({
        %run_scoped3A = tpu.sem_alloc : memref<!tpu.dma_semaphore, #tpu.memory_space<semaphore_mem>>
        %dma_start3A_27 = arith.constant 0 : i32
        %dma_start3A_28 = tpu.memref_slice %arg4[%add3A_22, %dma_start3A_27] : memref<1280x128xi32, #tpu.memory_space<hbm>> -> memref<1x128xi32, #tpu.memory_space<hbm>>
        %dma_start3A_29 = tpu.memref_squeeze %dma_start3A_28 : memref<1x128xi32, #tpu.memory_space<hbm>> -> memref<128xi32, #tpu.memory_space<hbm>>
        %dma_start3A_30 = arith.constant 0 : i32
        %dma_start3A_31 = tpu.memref_slice %arg4[%add3A_22, %dma_start3A_30] : memref<1280x128xi32, #tpu.memory_space<hbm>> -> memref<1x128xi32, #tpu.memory_space<hbm>>
        %dma_start3A_32 = tpu.memref_squeeze %dma_start3A_31 : memref<1x128xi32, #tpu.memory_space<hbm>> -> memref<128xi32, #tpu.memory_space<hbm>>
        tpu.enqueue_dma source(%dma_start3A_32 : memref<128xi32, #tpu.memory_space<hbm>>) target(%arg8 : memref<128xi32, #tpu.memory_space<vmem>>) target_semaphore(%run_scoped3A : memref<!tpu.dma_semaphore, #tpu.memory_space<semaphore_mem>>)
        %dma_wait3A_33 = arith.constant 0 : i32
        %dma_wait3A_34 = tpu.memref_slice %arg4[%add3A_22, %dma_wait3A_33] : memref<1280x128xi32, #tpu.memory_space<hbm>> -> memref<1x128xi32, #tpu.memory_space<hbm>>
        %dma_wait3A_35 = tpu.memref_squeeze %dma_wait3A_34 : memref<1x128xi32, #tpu.memory_space<hbm>> -> memref<128xi32, #tpu.memory_space<hbm>>
        %dma_wait3A_36 = arith.constant 0 : i32
        %dma_wait3A_37 = tpu.memref_slice %arg4[%add3A_22, %dma_wait3A_36] : memref<1280x128xi32, #tpu.memory_space<hbm>> -> memref<1x128xi32, #tpu.memory_space<hbm>>
        %dma_wait3A_38 = tpu.memref_squeeze %dma_wait3A_37 : memref<1x128xi32, #tpu.memory_space<hbm>> -> memref<128xi32, #tpu.memory_space<hbm>>
        tpu.wait_dma2 semaphore(%run_scoped3A : memref<!tpu.dma_semaphore, #tpu.memory_space<semaphore_mem>>) src(%dma_wait3A_38 : memref<128xi32, #tpu.memory_space<hbm>>) dst(%arg8 : memref<128xi32, #tpu.memory_space<vmem>>)
        tpu.yield
      }) : () -> ()
      %dma_start3A = arith.constant 0 : i32
      %dma_start3A_23 = arith.constant 0 : i32
      %dma_start3A_24 = tpu.memref_slice %arg2[%dma_start3A, %dma_start3A_23] : memref<20000x128xf32, #tpu.memory_space<hbm>> -> memref<20000x128xf32, #tpu.memory_space<hbm>>
      tpu.enqueue_indirect_dma source(%dma_start3A_24 : memref<20000x128xf32, #tpu.memory_space<hbm>>) target(%arg9 : memref<128x128xf32, #tpu.memory_space<vmem>>) offsets(%arg7 : memref<128xi32, #tpu.memory_space<vmem>>) semaphore(%arg11 : memref<!tpu.dma_semaphore, #tpu.memory_space<semaphore_mem>>)
      %dma_wait3A = arith.constant 0 : i32
      %dma_wait3A_25 = arith.constant 0 : i32
      %dma_wait3A_26 = tpu.memref_slice %arg2[%dma_wait3A, %dma_wait3A_25] : memref<20000x128xf32, #tpu.memory_space<hbm>> -> memref<20000x128xf32, #tpu.memory_space<hbm>>
      tpu.wait_indirect_dma semaphore(%arg11 : memref<!tpu.dma_semaphore, #tpu.memory_space<semaphore_mem>>) src(%dma_wait3A_26 : memref<20000x128xf32, #tpu.memory_space<hbm>>) dst(%arg9 : memref<128x128xf32, #tpu.memory_space<vmem>>)
      "tpu.region"() ({
        %run_scoped3A = tpu.sem_alloc : memref<!tpu.dma_semaphore, #tpu.memory_space<semaphore_mem>>
        %dma_start3A_27 = arith.constant 0 : i32
        %dma_start3A_28 = arith.constant 0 : i32
        %dma_start3A_29 = tpu.memref_slice %arg10[%dma_start3A_27, %dma_start3A_28] : memref<10112x128xf32, #tpu.memory_space<vmem_shared>> -> memref<10112x128xf32, #tpu.memory_space<vmem_shared>>
        tpu.enqueue_indirect_dma source(%arg9 : memref<128x128xf32, #tpu.memory_space<vmem>>) target(%dma_start3A_29 : memref<10112x128xf32, #tpu.memory_space<vmem_shared>>) offsets(%arg8 : memref<128xi32, #tpu.memory_space<vmem>>) semaphore(%run_scoped3A : memref<!tpu.dma_semaphore, #tpu.memory_space<semaphore_mem>>) {add = true}
        %dma_wait3A_30 = arith.constant 0 : i32
        %dma_wait3A_31 = arith.constant 0 : i32
        %dma_wait3A_32 = tpu.memref_slice %arg10[%dma_wait3A_30, %dma_wait3A_31] : memref<10112x128xf32, #tpu.memory_space<vmem_shared>> -> memref<10112x128xf32, #tpu.memory_space<vmem_shared>>
        tpu.wait_indirect_dma semaphore(%run_scoped3A : memref<!tpu.dma_semaphore, #tpu.memory_space<semaphore_mem>>) src(%arg9 : memref<128x128xf32, #tpu.memory_space<vmem>>) dst(%dma_wait3A_32 : memref<10112x128xf32, #tpu.memory_space<vmem_shared>>)
        tpu.yield
      }) : () -> ()
    }
    %scan3A_11 = arith.constant 80 : i32
    %barrier3A_12 = arith.constant 0 : index
    tpu.barrier barrier_id(%barrier3A_12)
    %mul3A_13 = arith.constant 632 : i32
    %mul3A_14 = arith.muli %arg1, %mul3A_13 : i32
    %mul3A_15 = arith.constant 10112 : i32
    %mul3A_16 = arith.muli %arg0, %mul3A_15 : i32
    %mul3A_17 = arith.constant 632 : i32
    %mul3A_18 = arith.muli %arg1, %mul3A_17 : i32
    %add3A_19 = arith.addi %mul3A_16, %mul3A_18 : i32
    "tpu.region"() ({
      %run_scoped3A = tpu.sem_alloc : memref<!tpu.dma_semaphore, #tpu.memory_space<semaphore_mem>>
      %dma_start3A = arith.constant 0 : i32
      %dma_start3A_20 = tpu.memref_slice %arg6[%add3A_19, %dma_start3A] : memref<20224x128xf32, #tpu.memory_space<hbm>> -> memref<632x128xf32, #tpu.memory_space<hbm>>
      %dma_start3A_21 = arith.constant 0 : i32
      %dma_start3A_22 = tpu.memref_slice %arg10[%mul3A_14, %dma_start3A_21] : memref<10112x128xf32, #tpu.memory_space<vmem_shared>> -> memref<632x128xf32, #tpu.memory_space<vmem_shared>>
      tpu.enqueue_dma source(%dma_start3A_22 : memref<632x128xf32, #tpu.memory_space<vmem_shared>>) target(%dma_start3A_20 : memref<632x128xf32, #tpu.memory_space<hbm>>) target_semaphore(%run_scoped3A : memref<!tpu.dma_semaphore, #tpu.memory_space<semaphore_mem>>)
      %dma_wait3A = arith.constant 0 : i32
      %dma_wait3A_23 = tpu.memref_slice %arg6[%add3A_19, %dma_wait3A] : memref<20224x128xf32, #tpu.memory_space<hbm>> -> memref<632x128xf32, #tpu.memory_space<hbm>>
      %dma_wait3A_24 = arith.constant 0 : i32
      %dma_wait3A_25 = tpu.memref_slice %arg10[%mul3A_14, %dma_wait3A_24] : memref<10112x128xf32, #tpu.memory_space<vmem_shared>> -> memref<632x128xf32, #tpu.memory_space<vmem_shared>>
      tpu.wait_dma2 semaphore(%run_scoped3A : memref<!tpu.dma_semaphore, #tpu.memory_space<semaphore_mem>>) src(%dma_wait3A_25 : memref<632x128xf32, #tpu.memory_space<vmem_shared>>) dst(%dma_wait3A_23 : memref<632x128xf32, #tpu.memory_space<hbm>>)
      tpu.yield
    }) : () -> ()
    return
  }
}

#map = affine_map<(d0, d1) -> (0, 0)>
module attributes {stable_mosaic.version = 14 : i64} {
  func.func @_spmm_sc(%arg0: i32, %arg1: i32, %arg2: memref<20000x128xf32, #tpu.memory_space<hbm>>, %arg3: memref<2560x128xi32, #tpu.memory_space<hbm>>, %arg4: memref<1280x128xi32, #tpu.memory_space<hbm>>, %arg5: memref<632x128xf32, #tpu.memory_space<hbm>>, %arg6: memref<20224x128xf32, #tpu.memory_space<hbm>>, %arg7: memref<128xi32, #tpu.memory_space<vmem>>, %arg8: memref<128xi32, #tpu.memory_space<vmem>>, %arg9: memref<128x128xf32, #tpu.memory_space<vmem>>, %arg10: memref<10112x128xf32, #tpu.memory_space<vmem_shared>>, %arg11: memref<!tpu.dma_semaphore, #tpu.memory_space<semaphore_mem>>) attributes {dimension_semantics = [#tpu.dimension_semantics<core_parallel>, #tpu.dimension_semantics<subcore_parallel>], iteration_bounds = array<i64: 2, 16>, scalar_prefetch = 0 : i64, scratch_operands = 5 : i64, tpu.core_type = #tpu.core_type<sc_vector_subcore>, window_params = [{transform_indices = #map}, {transform_indices = #map}, {transform_indices = #map}, {transform_indices = #map}, {transform_indices = #map}]} {
    %mul3A = arith.constant 632 : i32
    %mul3A_0 = arith.muli %arg1, %mul3A : i32
    "tpu.region"() ({
      %run_scoped3A = tpu.sem_alloc : memref<!tpu.dma_semaphore, #tpu.memory_space<semaphore_mem>>
      %dma_start3A = arith.constant 0 : i32
      %dma_start3A_20 = tpu.memref_slice %arg10[%mul3A_0, %dma_start3A] : memref<10112x128xf32, #tpu.memory_space<vmem_shared>> -> memref<632x128xf32, #tpu.memory_space<vmem_shared>>
      tpu.enqueue_dma source(%arg5 : memref<632x128xf32, #tpu.memory_space<hbm>>) target(%dma_start3A_20 : memref<632x128xf32, #tpu.memory_space<vmem_shared>>) target_semaphore(%run_scoped3A : memref<!tpu.dma_semaphore, #tpu.memory_space<semaphore_mem>>)
      %dma_wait3A = arith.constant 0 : i32
      %dma_wait3A_21 = tpu.memref_slice %arg10[%mul3A_0, %dma_wait3A] : memref<10112x128xf32, #tpu.memory_space<vmem_shared>> -> memref<632x128xf32, #tpu.memory_space<vmem_shared>>
      tpu.wait_dma2 semaphore(%run_scoped3A : memref<!tpu.dma_semaphore, #tpu.memory_space<semaphore_mem>>) src(%arg5 : memref<632x128xf32, #tpu.memory_space<hbm>>) dst(%dma_wait3A_21 : memref<632x128xf32, #tpu.memory_space<vmem_shared>>)
      tpu.yield
    }) : () -> ()
    %barrier3A = arith.constant 0 : index
    tpu.barrier barrier_id(%barrier3A)
    %mul3A_1 = arith.constant 16 : i32
    %mul3A_2 = arith.muli %arg0, %mul3A_1 : i32
    %add3A = arith.addi %mul3A_2, %arg1 : i32
    %mul3A_3 = arith.constant 80 : i32
    %mul3A_4 = arith.muli %add3A, %mul3A_3 : i32
    %mul3A_5 = arith.constant 80 : i32
    %mul3A_6 = arith.muli %arg1, %mul3A_5 : i32
    %scan3A = arith.constant 0 : i32
    %scan3A_7 = arith.constant 0 : i32
    %scan3A_8 = arith.constant 80 : i32
    %scan3A_9 = arith.addi %scan3A_7, %scan3A_8 : i32
    %scan3A_10 = arith.constant 1 : i32
    scf.for %scan3A_20 = %scan3A_7 to %scan3A_9 step %scan3A_10  : i32 {
      %add3A_21 = arith.addi %mul3A_4, %scan3A_20 : i32
      "tpu.region"() ({
        %run_scoped3A = tpu.sem_alloc : memref<!tpu.dma_semaphore, #tpu.memory_space<semaphore_mem>>
        %dma_start3A_27 = arith.constant 0 : i32
        %dma_start3A_28 = tpu.memref_slice %arg3[%add3A_21, %dma_start3A_27] : memref<2560x128xi32, #tpu.memory_space<hbm>> -> memref<1x128xi32, #tpu.memory_space<hbm>>
        %dma_start3A_29 = tpu.memref_squeeze %dma_start3A_28 : memref<1x128xi32, #tpu.memory_space<hbm>> -> memref<128xi32, #tpu.memory_space<hbm>>
        %dma_start3A_30 = arith.constant 0 : i32
        %dma_start3A_31 = tpu.memref_slice %arg3[%add3A_21, %dma_start3A_30] : memref<2560x128xi32, #tpu.memory_space<hbm>> -> memref<1x128xi32, #tpu.memory_space<hbm>>
        %dma_start3A_32 = tpu.memref_squeeze %dma_start3A_31 : memref<1x128xi32, #tpu.memory_space<hbm>> -> memref<128xi32, #tpu.memory_space<hbm>>
        tpu.enqueue_dma source(%dma_start3A_32 : memref<128xi32, #tpu.memory_space<hbm>>) target(%arg7 : memref<128xi32, #tpu.memory_space<vmem>>) target_semaphore(%run_scoped3A : memref<!tpu.dma_semaphore, #tpu.memory_space<semaphore_mem>>)
        %dma_wait3A_33 = arith.constant 0 : i32
        %dma_wait3A_34 = tpu.memref_slice %arg3[%add3A_21, %dma_wait3A_33] : memref<2560x128xi32, #tpu.memory_space<hbm>> -> memref<1x128xi32, #tpu.memory_space<hbm>>
        %dma_wait3A_35 = tpu.memref_squeeze %dma_wait3A_34 : memref<1x128xi32, #tpu.memory_space<hbm>> -> memref<128xi32, #tpu.memory_space<hbm>>
        %dma_wait3A_36 = arith.constant 0 : i32
        %dma_wait3A_37 = tpu.memref_slice %arg3[%add3A_21, %dma_wait3A_36] : memref<2560x128xi32, #tpu.memory_space<hbm>> -> memref<1x128xi32, #tpu.memory_space<hbm>>
        %dma_wait3A_38 = tpu.memref_squeeze %dma_wait3A_37 : memref<1x128xi32, #tpu.memory_space<hbm>> -> memref<128xi32, #tpu.memory_space<hbm>>
        tpu.wait_dma2 semaphore(%run_scoped3A : memref<!tpu.dma_semaphore, #tpu.memory_space<semaphore_mem>>) src(%dma_wait3A_38 : memref<128xi32, #tpu.memory_space<hbm>>) dst(%arg7 : memref<128xi32, #tpu.memory_space<vmem>>)
        tpu.yield
      }) : () -> ()
      %add3A_22 = arith.addi %mul3A_6, %scan3A_20 : i32
      "tpu.region"() ({
        %run_scoped3A = tpu.sem_alloc : memref<!tpu.dma_semaphore, #tpu.memory_space<semaphore_mem>>
        %dma_start3A_27 = arith.constant 0 : i32
        %dma_start3A_28 = tpu.memref_slice %arg4[%add3A_22, %dma_start3A_27] : memref<1280x128xi32, #tpu.memory_space<hbm>> -> memref<1x128xi32, #tpu.memory_space<hbm>>
        %dma_start3A_29 = tpu.memref_squeeze %dma_start3A_28 : memref<1x128xi32, #tpu.memory_space<hbm>> -> memref<128xi32, #tpu.memory_space<hbm>>
        %dma_start3A_30 = arith.constant 0 : i32
        %dma_start3A_31 = tpu.memref_slice %arg4[%add3A_22, %dma_start3A_30] : memref<1280x128xi32, #tpu.memory_space<hbm>> -> memref<1x128xi32, #tpu.memory_space<hbm>>
        %dma_start3A_32 = tpu.memref_squeeze %dma_start3A_31 : memref<1x128xi32, #tpu.memory_space<hbm>> -> memref<128xi32, #tpu.memory_space<hbm>>
        tpu.enqueue_dma source(%dma_start3A_32 : memref<128xi32, #tpu.memory_space<hbm>>) target(%arg8 : memref<128xi32, #tpu.memory_space<vmem>>) target_semaphore(%run_scoped3A : memref<!tpu.dma_semaphore, #tpu.memory_space<semaphore_mem>>)
        %dma_wait3A_33 = arith.constant 0 : i32
        %dma_wait3A_34 = tpu.memref_slice %arg4[%add3A_22, %dma_wait3A_33] : memref<1280x128xi32, #tpu.memory_space<hbm>> -> memref<1x128xi32, #tpu.memory_space<hbm>>
        %dma_wait3A_35 = tpu.memref_squeeze %dma_wait3A_34 : memref<1x128xi32, #tpu.memory_space<hbm>> -> memref<128xi32, #tpu.memory_space<hbm>>
        %dma_wait3A_36 = arith.constant 0 : i32
        %dma_wait3A_37 = tpu.memref_slice %arg4[%add3A_22, %dma_wait3A_36] : memref<1280x128xi32, #tpu.memory_space<hbm>> -> memref<1x128xi32, #tpu.memory_space<hbm>>
        %dma_wait3A_38 = tpu.memref_squeeze %dma_wait3A_37 : memref<1x128xi32, #tpu.memory_space<hbm>> -> memref<128xi32, #tpu.memory_space<hbm>>
        tpu.wait_dma2 semaphore(%run_scoped3A : memref<!tpu.dma_semaphore, #tpu.memory_space<semaphore_mem>>) src(%dma_wait3A_38 : memref<128xi32, #tpu.memory_space<hbm>>) dst(%arg8 : memref<128xi32, #tpu.memory_space<vmem>>)
        tpu.yield
      }) : () -> ()
      %dma_start3A = arith.constant 0 : i32
      %dma_start3A_23 = arith.constant 0 : i32
      %dma_start3A_24 = tpu.memref_slice %arg2[%dma_start3A, %dma_start3A_23] : memref<20000x128xf32, #tpu.memory_space<hbm>> -> memref<20000x128xf32, #tpu.memory_space<hbm>>
      tpu.enqueue_indirect_dma source(%dma_start3A_24 : memref<20000x128xf32, #tpu.memory_space<hbm>>) target(%arg9 : memref<128x128xf32, #tpu.memory_space<vmem>>) offsets(%arg7 : memref<128xi32, #tpu.memory_space<vmem>>) semaphore(%arg11 : memref<!tpu.dma_semaphore, #tpu.memory_space<semaphore_mem>>)
      %dma_wait3A = arith.constant 0 : i32
      %dma_wait3A_25 = arith.constant 0 : i32
      %dma_wait3A_26 = tpu.memref_slice %arg2[%dma_wait3A, %dma_wait3A_25] : memref<20000x128xf32, #tpu.memory_space<hbm>> -> memref<20000x128xf32, #tpu.memory_space<hbm>>
      tpu.wait_indirect_dma semaphore(%arg11 : memref<!tpu.dma_semaphore, #tpu.memory_space<semaphore_mem>>) src(%dma_wait3A_26 : memref<20000x128xf32, #tpu.memory_space<hbm>>) dst(%arg9 : memref<128x128xf32, #tpu.memory_space<vmem>>)
      "tpu.region"() ({
        %run_scoped3A = tpu.sem_alloc : memref<!tpu.dma_semaphore, #tpu.memory_space<semaphore_mem>>
        %dma_start3A_27 = arith.constant 0 : i32
        %dma_start3A_28 = arith.constant 0 : i32
        %dma_start3A_29 = tpu.memref_slice %arg10[%dma_start3A_27, %dma_start3A_28] : memref<10112x128xf32, #tpu.memory_space<vmem_shared>> -> memref<10112x128xf32, #tpu.memory_space<vmem_shared>>
        tpu.enqueue_indirect_dma source(%arg9 : memref<128x128xf32, #tpu.memory_space<vmem>>) target(%dma_start3A_29 : memref<10112x128xf32, #tpu.memory_space<vmem_shared>>) offsets(%arg8 : memref<128xi32, #tpu.memory_space<vmem>>) semaphore(%run_scoped3A : memref<!tpu.dma_semaphore, #tpu.memory_space<semaphore_mem>>) {add = true}
        %dma_wait3A_30 = arith.constant 0 : i32
        %dma_wait3A_31 = arith.constant 0 : i32
        %dma_wait3A_32 = tpu.memref_slice %arg10[%dma_wait3A_30, %dma_wait3A_31] : memref<10112x128xf32, #tpu.memory_space<vmem_shared>> -> memref<10112x128xf32, #tpu.memory_space<vmem_shared>>
        tpu.wait_indirect_dma semaphore(%run_scoped3A : memref<!tpu.dma_semaphore, #tpu.memory_space<semaphore_mem>>) src(%arg9 : memref<128x128xf32, #tpu.memory_space<vmem>>) dst(%dma_wait3A_32 : memref<10112x128xf32, #tpu.memory_space<vmem_shared>>)
        tpu.yield
      }) : () -> ()
    }
    %scan3A_11 = arith.constant 80 : i32
    %barrier3A_12 = arith.constant 0 : index
    tpu.barrier barrier_id(%barrier3A_12)
    %mul3A_13 = arith.constant 632 : i32
    %mul3A_14 = arith.muli %arg1, %mul3A_13 : i32
    %mul3A_15 = arith.constant 10112 : i32
    %mul3A_16 = arith.muli %arg0, %mul3A_15 : i32
    %mul3A_17 = arith.constant 632 : i32
    %mul3A_18 = arith.muli %arg1, %mul3A_17 : i32
    %add3A_19 = arith.addi %mul3A_16, %mul3A_18 : i32
    "tpu.region"() ({
      %run_scoped3A = tpu.sem_alloc : memref<!tpu.dma_semaphore, #tpu.memory_space<semaphore_mem>>
      %dma_start3A = arith.constant 0 : i32
      %dma_start3A_20 = tpu.memref_slice %arg6[%add3A_19, %dma_start3A] : memref<20224x128xf32, #tpu.memory_space<hbm>> -> memref<632x128xf32, #tpu.memory_space<hbm>>
      %dma_start3A_21 = arith.constant 0 : i32
      %dma_start3A_22 = tpu.memref_slice %arg10[%mul3A_14, %dma_start3A_21] : memref<10112x128xf32, #tpu.memory_space<vmem_shared>> -> memref<632x128xf32, #tpu.memory_space<vmem_shared>>
      tpu.enqueue_dma source(%dma_start3A_22 : memref<632x128xf32, #tpu.memory_space<vmem_shared>>) target(%dma_start3A_20 : memref<632x128xf32, #tpu.memory_space<hbm>>) target_semaphore(%run_scoped3A : memref<!tpu.dma_semaphore, #tpu.memory_space<semaphore_mem>>)
      %dma_wait3A = arith.constant 0 : i32
      %dma_wait3A_23 = tpu.memref_slice %arg6[%add3A_19, %dma_wait3A] : memref<20224x128xf32, #tpu.memory_space<hbm>> -> memref<632x128xf32, #tpu.memory_space<hbm>>
      %dma_wait3A_24 = arith.constant 0 : i32
      %dma_wait3A_25 = tpu.memref_slice %arg10[%mul3A_14, %dma_wait3A_24] : memref<10112x128xf32, #tpu.memory_space<vmem_shared>> -> memref<632x128xf32, #tpu.memory_space<vmem_shared>>
      tpu.wait_dma2 semaphore(%run_scoped3A : memref<!tpu.dma_semaphore, #tpu.memory_space<semaphore_mem>>) src(%dma_wait3A_25 : memref<632x128xf32, #tpu.memory_space<vmem_shared>>) dst(%dma_wait3A_23 : memref<632x128xf32, #tpu.memory_space<hbm>>)
      tpu.yield
    }) : () -> ()
    return
  }
}

#map = affine_map<(d0, d1) -> (0, 0)>
module attributes {stable_mosaic.version = 14 : i64} {
  func.func @_spmm_sc(%arg0: i32, %arg1: i32, %arg2: memref<20000x128xf32, #tpu.memory_space<hbm>>, %arg3: memref<2560x128xi32, #tpu.memory_space<hbm>>, %arg4: memref<1280x128xi32, #tpu.memory_space<hbm>>, %arg5: memref<632x128xf32, #tpu.memory_space<hbm>>, %arg6: memref<20224x128xf32, #tpu.memory_space<hbm>>, %arg7: memref<128xi32, #tpu.memory_space<vmem>>, %arg8: memref<128xi32, #tpu.memory_space<vmem>>, %arg9: memref<128x128xf32, #tpu.memory_space<vmem>>, %arg10: memref<10112x128xf32, #tpu.memory_space<vmem_shared>>, %arg11: memref<!tpu.dma_semaphore, #tpu.memory_space<semaphore_mem>>) attributes {dimension_semantics = [#tpu.dimension_semantics<core_parallel>, #tpu.dimension_semantics<subcore_parallel>], iteration_bounds = array<i64: 2, 16>, scalar_prefetch = 0 : i64, scratch_operands = 5 : i64, tpu.core_type = #tpu.core_type<sc_vector_subcore>, window_params = [{transform_indices = #map}, {transform_indices = #map}, {transform_indices = #map}, {transform_indices = #map}, {transform_indices = #map}]} {
    %mul3A = arith.constant 632 : i32
    %mul3A_0 = arith.muli %arg1, %mul3A : i32
    "tpu.region"() ({
      %run_scoped3A = tpu.sem_alloc : memref<!tpu.dma_semaphore, #tpu.memory_space<semaphore_mem>>
      %dma_start3A = arith.constant 0 : i32
      %dma_start3A_20 = tpu.memref_slice %arg10[%mul3A_0, %dma_start3A] : memref<10112x128xf32, #tpu.memory_space<vmem_shared>> -> memref<632x128xf32, #tpu.memory_space<vmem_shared>>
      tpu.enqueue_dma source(%arg5 : memref<632x128xf32, #tpu.memory_space<hbm>>) target(%dma_start3A_20 : memref<632x128xf32, #tpu.memory_space<vmem_shared>>) target_semaphore(%run_scoped3A : memref<!tpu.dma_semaphore, #tpu.memory_space<semaphore_mem>>)
      %dma_wait3A = arith.constant 0 : i32
      %dma_wait3A_21 = tpu.memref_slice %arg10[%mul3A_0, %dma_wait3A] : memref<10112x128xf32, #tpu.memory_space<vmem_shared>> -> memref<632x128xf32, #tpu.memory_space<vmem_shared>>
      tpu.wait_dma2 semaphore(%run_scoped3A : memref<!tpu.dma_semaphore, #tpu.memory_space<semaphore_mem>>) src(%arg5 : memref<632x128xf32, #tpu.memory_space<hbm>>) dst(%dma_wait3A_21 : memref<632x128xf32, #tpu.memory_space<vmem_shared>>)
      tpu.yield
    }) : () -> ()
    %barrier3A = arith.constant 0 : index
    tpu.barrier barrier_id(%barrier3A)
    %mul3A_1 = arith.constant 16 : i32
    %mul3A_2 = arith.muli %arg0, %mul3A_1 : i32
    %add3A = arith.addi %mul3A_2, %arg1 : i32
    %mul3A_3 = arith.constant 80 : i32
    %mul3A_4 = arith.muli %add3A, %mul3A_3 : i32
    %mul3A_5 = arith.constant 80 : i32
    %mul3A_6 = arith.muli %arg1, %mul3A_5 : i32
    %scan3A = arith.constant 0 : i32
    %scan3A_7 = arith.constant 0 : i32
    %scan3A_8 = arith.constant 80 : i32
    %scan3A_9 = arith.addi %scan3A_7, %scan3A_8 : i32
    %scan3A_10 = arith.constant 1 : i32
    scf.for %scan3A_20 = %scan3A_7 to %scan3A_9 step %scan3A_10  : i32 {
      %add3A_21 = arith.addi %mul3A_4, %scan3A_20 : i32
      "tpu.region"() ({
        %run_scoped3A = tpu.sem_alloc : memref<!tpu.dma_semaphore, #tpu.memory_space<semaphore_mem>>
        %dma_start3A_27 = arith.constant 0 : i32
        %dma_start3A_28 = tpu.memref_slice %arg3[%add3A_21, %dma_start3A_27] : memref<2560x128xi32, #tpu.memory_space<hbm>> -> memref<1x128xi32, #tpu.memory_space<hbm>>
        %dma_start3A_29 = tpu.memref_squeeze %dma_start3A_28 : memref<1x128xi32, #tpu.memory_space<hbm>> -> memref<128xi32, #tpu.memory_space<hbm>>
        %dma_start3A_30 = arith.constant 0 : i32
        %dma_start3A_31 = tpu.memref_slice %arg3[%add3A_21, %dma_start3A_30] : memref<2560x128xi32, #tpu.memory_space<hbm>> -> memref<1x128xi32, #tpu.memory_space<hbm>>
        %dma_start3A_32 = tpu.memref_squeeze %dma_start3A_31 : memref<1x128xi32, #tpu.memory_space<hbm>> -> memref<128xi32, #tpu.memory_space<hbm>>
        tpu.enqueue_dma source(%dma_start3A_32 : memref<128xi32, #tpu.memory_space<hbm>>) target(%arg7 : memref<128xi32, #tpu.memory_space<vmem>>) target_semaphore(%run_scoped3A : memref<!tpu.dma_semaphore, #tpu.memory_space<semaphore_mem>>)
        %dma_wait3A_33 = arith.constant 0 : i32
        %dma_wait3A_34 = tpu.memref_slice %arg3[%add3A_21, %dma_wait3A_33] : memref<2560x128xi32, #tpu.memory_space<hbm>> -> memref<1x128xi32, #tpu.memory_space<hbm>>
        %dma_wait3A_35 = tpu.memref_squeeze %dma_wait3A_34 : memref<1x128xi32, #tpu.memory_space<hbm>> -> memref<128xi32, #tpu.memory_space<hbm>>
        %dma_wait3A_36 = arith.constant 0 : i32
        %dma_wait3A_37 = tpu.memref_slice %arg3[%add3A_21, %dma_wait3A_36] : memref<2560x128xi32, #tpu.memory_space<hbm>> -> memref<1x128xi32, #tpu.memory_space<hbm>>
        %dma_wait3A_38 = tpu.memref_squeeze %dma_wait3A_37 : memref<1x128xi32, #tpu.memory_space<hbm>> -> memref<128xi32, #tpu.memory_space<hbm>>
        tpu.wait_dma2 semaphore(%run_scoped3A : memref<!tpu.dma_semaphore, #tpu.memory_space<semaphore_mem>>) src(%dma_wait3A_38 : memref<128xi32, #tpu.memory_space<hbm>>) dst(%arg7 : memref<128xi32, #tpu.memory_space<vmem>>)
        tpu.yield
      }) : () -> ()
      %add3A_22 = arith.addi %mul3A_6, %scan3A_20 : i32
      "tpu.region"() ({
        %run_scoped3A = tpu.sem_alloc : memref<!tpu.dma_semaphore, #tpu.memory_space<semaphore_mem>>
        %dma_start3A_27 = arith.constant 0 : i32
        %dma_start3A_28 = tpu.memref_slice %arg4[%add3A_22, %dma_start3A_27] : memref<1280x128xi32, #tpu.memory_space<hbm>> -> memref<1x128xi32, #tpu.memory_space<hbm>>
        %dma_start3A_29 = tpu.memref_squeeze %dma_start3A_28 : memref<1x128xi32, #tpu.memory_space<hbm>> -> memref<128xi32, #tpu.memory_space<hbm>>
        %dma_start3A_30 = arith.constant 0 : i32
        %dma_start3A_31 = tpu.memref_slice %arg4[%add3A_22, %dma_start3A_30] : memref<1280x128xi32, #tpu.memory_space<hbm>> -> memref<1x128xi32, #tpu.memory_space<hbm>>
        %dma_start3A_32 = tpu.memref_squeeze %dma_start3A_31 : memref<1x128xi32, #tpu.memory_space<hbm>> -> memref<128xi32, #tpu.memory_space<hbm>>
        tpu.enqueue_dma source(%dma_start3A_32 : memref<128xi32, #tpu.memory_space<hbm>>) target(%arg8 : memref<128xi32, #tpu.memory_space<vmem>>) target_semaphore(%run_scoped3A : memref<!tpu.dma_semaphore, #tpu.memory_space<semaphore_mem>>)
        %dma_wait3A_33 = arith.constant 0 : i32
        %dma_wait3A_34 = tpu.memref_slice %arg4[%add3A_22, %dma_wait3A_33] : memref<1280x128xi32, #tpu.memory_space<hbm>> -> memref<1x128xi32, #tpu.memory_space<hbm>>
        %dma_wait3A_35 = tpu.memref_squeeze %dma_wait3A_34 : memref<1x128xi32, #tpu.memory_space<hbm>> -> memref<128xi32, #tpu.memory_space<hbm>>
        %dma_wait3A_36 = arith.constant 0 : i32
        %dma_wait3A_37 = tpu.memref_slice %arg4[%add3A_22, %dma_wait3A_36] : memref<1280x128xi32, #tpu.memory_space<hbm>> -> memref<1x128xi32, #tpu.memory_space<hbm>>
        %dma_wait3A_38 = tpu.memref_squeeze %dma_wait3A_37 : memref<1x128xi32, #tpu.memory_space<hbm>> -> memref<128xi32, #tpu.memory_space<hbm>>
        tpu.wait_dma2 semaphore(%run_scoped3A : memref<!tpu.dma_semaphore, #tpu.memory_space<semaphore_mem>>) src(%dma_wait3A_38 : memref<128xi32, #tpu.memory_space<hbm>>) dst(%arg8 : memref<128xi32, #tpu.memory_space<vmem>>)
        tpu.yield
      }) : () -> ()
      %dma_start3A = arith.constant 0 : i32
      %dma_start3A_23 = arith.constant 0 : i32
      %dma_start3A_24 = tpu.memref_slice %arg2[%dma_start3A, %dma_start3A_23] : memref<20000x128xf32, #tpu.memory_space<hbm>> -> memref<20000x128xf32, #tpu.memory_space<hbm>>
      tpu.enqueue_indirect_dma source(%dma_start3A_24 : memref<20000x128xf32, #tpu.memory_space<hbm>>) target(%arg9 : memref<128x128xf32, #tpu.memory_space<vmem>>) offsets(%arg7 : memref<128xi32, #tpu.memory_space<vmem>>) semaphore(%arg11 : memref<!tpu.dma_semaphore, #tpu.memory_space<semaphore_mem>>)
      %dma_wait3A = arith.constant 0 : i32
      %dma_wait3A_25 = arith.constant 0 : i32
      %dma_wait3A_26 = tpu.memref_slice %arg2[%dma_wait3A, %dma_wait3A_25] : memref<20000x128xf32, #tpu.memory_space<hbm>> -> memref<20000x128xf32, #tpu.memory_space<hbm>>
      tpu.wait_indirect_dma semaphore(%arg11 : memref<!tpu.dma_semaphore, #tpu.memory_space<semaphore_mem>>) src(%dma_wait3A_26 : memref<20000x128xf32, #tpu.memory_space<hbm>>) dst(%arg9 : memref<128x128xf32, #tpu.memory_space<vmem>>)
      "tpu.region"() ({
        %run_scoped3A = tpu.sem_alloc : memref<!tpu.dma_semaphore, #tpu.memory_space<semaphore_mem>>
        %dma_start3A_27 = arith.constant 0 : i32
        %dma_start3A_28 = arith.constant 0 : i32
        %dma_start3A_29 = tpu.memref_slice %arg10[%dma_start3A_27, %dma_start3A_28] : memref<10112x128xf32, #tpu.memory_space<vmem_shared>> -> memref<10112x128xf32, #tpu.memory_space<vmem_shared>>
        tpu.enqueue_indirect_dma source(%arg9 : memref<128x128xf32, #tpu.memory_space<vmem>>) target(%dma_start3A_29 : memref<10112x128xf32, #tpu.memory_space<vmem_shared>>) offsets(%arg8 : memref<128xi32, #tpu.memory_space<vmem>>) semaphore(%run_scoped3A : memref<!tpu.dma_semaphore, #tpu.memory_space<semaphore_mem>>) {add = true}
        %dma_wait3A_30 = arith.constant 0 : i32
        %dma_wait3A_31 = arith.constant 0 : i32
        %dma_wait3A_32 = tpu.memref_slice %arg10[%dma_wait3A_30, %dma_wait3A_31] : memref<10112x128xf32, #tpu.memory_space<vmem_shared>> -> memref<10112x128xf32, #tpu.memory_space<vmem_shared>>
        tpu.wait_indirect_dma semaphore(%run_scoped3A : memref<!tpu.dma_semaphore, #tpu.memory_space<semaphore_mem>>) src(%arg9 : memref<128x128xf32, #tpu.memory_space<vmem>>) dst(%dma_wait3A_32 : memref<10112x128xf32, #tpu.memory_space<vmem_shared>>)
        tpu.yield
      }) : () -> ()
    }
    %scan3A_11 = arith.constant 80 : i32
    %barrier3A_12 = arith.constant 0 : index
    tpu.barrier barrier_id(%barrier3A_12)
    %mul3A_13 = arith.constant 632 : i32
    %mul3A_14 = arith.muli %arg1, %mul3A_13 : i32
    %mul3A_15 = arith.constant 10112 : i32
    %mul3A_16 = arith.muli %arg0, %mul3A_15 : i32
    %mul3A_17 = arith.constant 632 : i32
    %mul3A_18 = arith.muli %arg1, %mul3A_17 : i32
    %add3A_19 = arith.addi %mul3A_16, %mul3A_18 : i32
    "tpu.region"() ({
      %run_scoped3A = tpu.sem_alloc : memref<!tpu.dma_semaphore, #tpu.memory_space<semaphore_mem>>
      %dma_start3A = arith.constant 0 : i32
      %dma_start3A_20 = tpu.memref_slice %arg6[%add3A_19, %dma_start3A] : memref<20224x128xf32, #tpu.memory_space<hbm>> -> memref<632x128xf32, #tpu.memory_space<hbm>>
      %dma_start3A_21 = arith.constant 0 : i32
      %dma_start3A_22 = tpu.memref_slice %arg10[%mul3A_14, %dma_start3A_21] : memref<10112x128xf32, #tpu.memory_space<vmem_shared>> -> memref<632x128xf32, #tpu.memory_space<vmem_shared>>
      tpu.enqueue_dma source(%dma_start3A_22 : memref<632x128xf32, #tpu.memory_space<vmem_shared>>) target(%dma_start3A_20 : memref<632x128xf32, #tpu.memory_space<hbm>>) target_semaphore(%run_scoped3A : memref<!tpu.dma_semaphore, #tpu.memory_space<semaphore_mem>>)
      %dma_wait3A = arith.constant 0 : i32
      %dma_wait3A_23 = tpu.memref_slice %arg6[%add3A_19, %dma_wait3A] : memref<20224x128xf32, #tpu.memory_space<hbm>> -> memref<632x128xf32, #tpu.memory_space<hbm>>
      %dma_wait3A_24 = arith.constant 0 : i32
      %dma_wait3A_25 = tpu.memref_slice %arg10[%mul3A_14, %dma_wait3A_24] : memref<10112x128xf32, #tpu.memory_space<vmem_shared>> -> memref<632x128xf32, #tpu.memory_space<vmem_shared>>
      tpu.wait_dma2 semaphore(%run_scoped3A : memref<!tpu.dma_semaphore, #tpu.memory_space<semaphore_mem>>) src(%dma_wait3A_25 : memref<632x128xf32, #tpu.memory_space<vmem_shared>>) dst(%dma_wait3A_23 : memref<632x128xf32, #tpu.memory_space<hbm>>)
      tpu.yield
    }) : () -> ()
    return
  }
}

module attributes {stable_mosaic.version = 14 : i64} {
  func.func @_embed_body(%arg0: memref<10000xi32, #tpu.memory_space<vmem>>, %arg1: memref<10000xi32, #tpu.memory_space<vmem>>, %arg2: memref<128x256xf32, #tpu.memory_space<vmem>>, %arg3: memref<8x256xf32, #tpu.memory_space<vmem>>, %arg4: memref<20000x128xf32, #tpu.memory_space<vmem>>) attributes {dimension_semantics = [], scalar_prefetch = 0 : i64, scratch_operands = 0 : i64, tpu.core_type = #tpu.core_type<tc>} {
    %iota3A = tpu.iota {dimensions = array<i32: 1>} : vector<10000x128xi32>
    %get3A = arith.constant 0 : index
    %get3A_0 = vector.load %arg0[%get3A] : memref<10000xi32, #tpu.memory_space<vmem>>, vector<10000xi32>
    %broadcast_in_dim3A = vector.shape_cast %get3A_0 : vector<10000xi32> to vector<10000x1xi32>
    %eq3A = vector.broadcast %broadcast_in_dim3A : vector<10000x1xi32> to vector<10000x128xi32>
    %eq3A_1 = arith.cmpi eq, %eq3A, %iota3A : vector<10000x128xi32>
    %jit3A = arith.constant 1.000000e+00 : f32
    %jit3A_2 = arith.constant 0.000000e+00 : f32
    %broadcast_in_dim3A_3 = vector.broadcast %jit3A : f32 to vector<10000x128xf32>
    %broadcast_in_dim3A_4 = vector.broadcast %jit3A_2 : f32 to vector<10000x128xf32>
    %select_n3A = arith.select %eq3A_1, %broadcast_in_dim3A_3, %broadcast_in_dim3A_4 : vector<10000x128xi1>, vector<10000x128xf32>
    %iota3A_5 = tpu.iota {dimensions = array<i32: 1>} : vector<10000x8xi32>
    %get3A_6 = arith.constant 0 : index
    %get3A_7 = vector.load %arg1[%get3A_6] : memref<10000xi32, #tpu.memory_space<vmem>>, vector<10000xi32>
    %broadcast_in_dim3A_8 = vector.shape_cast %get3A_7 : vector<10000xi32> to vector<10000x1xi32>
    %eq3A_9 = vector.broadcast %broadcast_in_dim3A_8 : vector<10000x1xi32> to vector<10000x8xi32>
    %eq3A_10 = arith.cmpi eq, %eq3A_9, %iota3A_5 : vector<10000x8xi32>
    %jit3A_11 = arith.constant 1.000000e+00 : f32
    %jit3A_12 = arith.constant 0.000000e+00 : f32
    %broadcast_in_dim3A_13 = vector.broadcast %jit3A_11 : f32 to vector<10000x8xf32>
    %broadcast_in_dim3A_14 = vector.broadcast %jit3A_12 : f32 to vector<10000x8xf32>
    %select_n3A_15 = arith.select %eq3A_10, %broadcast_in_dim3A_13, %broadcast_in_dim3A_14 : vector<10000x8xi1>, vector<10000x8xf32>
    %get3A_16 = arith.constant 0 : index
    %get3A_17 = arith.constant 0 : index
    %get3A_18 = vector.load %arg2[%get3A_16, %get3A_17] : memref<128x256xf32, #tpu.memory_space<vmem>>, vector<128x256xf32>
    %convert_element_type3A = arith.truncf %get3A_18 : vector<128x256xf32> to vector<128x256xbf16>
    %convert_element_type3A_19 = arith.extf %convert_element_type3A : vector<128x256xbf16> to vector<128x256xf32>
    %sub3A = arith.subf %get3A_18, %convert_element_type3A_19 : vector<128x256xf32>
    %dot_general3A = arith.constant dense<0.000000e+00> : vector<10000x256xf32>
    %dot_general3A_20 = tpu.matmul %select_n3A, %convert_element_type3A_19, %dot_general3A {dimension_numbers = #tpu.dot_dimension_numbers<[1], [0], [0], [1], [0, 0, 1, 1], [], []>, transpose_lhs_hint = false} : vector<10000x128xf32>, vector<128x256xf32>, vector<10000x256xf32> -> vector<10000x256xf32>
    %dot_general3A_21 = arith.constant dense<0.000000e+00> : vector<10000x256xf32>
    %dot_general3A_22 = tpu.matmul %select_n3A, %sub3A, %dot_general3A_21 {dimension_numbers = #tpu.dot_dimension_numbers<[1], [0], [0], [1], [0, 0, 1, 1], [], []>, transpose_lhs_hint = false} : vector<10000x128xf32>, vector<128x256xf32>, vector<10000x256xf32> -> vector<10000x256xf32>
    %add3A = arith.addf %dot_general3A_20, %dot_general3A_22 : vector<10000x256xf32>
    %get3A_23 = arith.constant 0 : index
    %get3A_24 = arith.constant 0 : index
    %get3A_25 = vector.load %arg3[%get3A_23, %get3A_24] : memref<8x256xf32, #tpu.memory_space<vmem>>, vector<8x256xf32>
    %convert_element_type3A_26 = arith.truncf %get3A_25 : vector<8x256xf32> to vector<8x256xbf16>
    %convert_element_type3A_27 = arith.extf %convert_element_type3A_26 : vector<8x256xbf16> to vector<8x256xf32>
    %sub3A_28 = arith.subf %get3A_25, %convert_element_type3A_27 : vector<8x256xf32>
    %dot_general3A_29 = arith.constant dense<0.000000e+00> : vector<10000x256xf32>
    %dot_general3A_30 = tpu.matmul %select_n3A_15, %convert_element_type3A_27, %dot_general3A_29 {dimension_numbers = #tpu.dot_dimension_numbers<[1], [0], [0], [1], [0, 0, 1, 1], [], []>, transpose_lhs_hint = false} : vector<10000x8xf32>, vector<8x256xf32>, vector<10000x256xf32> -> vector<10000x256xf32>
    %dot_general3A_31 = arith.constant dense<0.000000e+00> : vector<10000x256xf32>
    %dot_general3A_32 = tpu.matmul %select_n3A_15, %sub3A_28, %dot_general3A_31 {dimension_numbers = #tpu.dot_dimension_numbers<[1], [0], [0], [1], [0, 0, 1, 1], [], []>, transpose_lhs_hint = false} : vector<10000x8xf32>, vector<8x256xf32>, vector<10000x256xf32> -> vector<10000x256xf32>
    %add3A_33 = arith.addf %dot_general3A_30, %dot_general3A_32 : vector<10000x256xf32>
    %add3A_34 = arith.addf %add3A, %add3A_33 : vector<10000x256xf32>
    %slice3A = vector.extract_strided_slice %add3A_34 {offsets = [0, 0], sizes = [10000, 128], strides = [1, 1]} : vector<10000x256xf32> to vector<10000x128xf32>
    %swap3A = arith.constant 0 : index
    %swap3A_35 = arith.constant 0 : index
    %swap3A_36 = vector.load %arg4[%swap3A, %swap3A_35] : memref<20000x128xf32, #tpu.memory_space<vmem>>, vector<10000x128xf32>
    tpu.vector_store %arg4[%swap3A, %swap3A_35], %slice3A {strides = array<i32>} : memref<20000x128xf32, #tpu.memory_space<vmem>>, vector<10000x128xf32>,
    %slice3A_37 = vector.extract_strided_slice %add3A_34 {offsets = [0, 128], sizes = [10000, 128], strides = [1, 1]} : vector<10000x256xf32> to vector<10000x128xf32>
    %swap3A_38 = arith.constant 10000 : index
    %swap3A_39 = arith.constant 0 : index
    %swap3A_40 = vector.load %arg4[%swap3A_38, %swap3A_39] : memref<20000x128xf32, #tpu.memory_space<vmem>>, vector<10000x128xf32>
    tpu.vector_store %arg4[%swap3A_38, %swap3A_39], %slice3A_37 {strides = array<i32>} : memref<20000x128xf32, #tpu.memory_space<vmem>>, vector<10000x128xf32>,
    return
  }
}

module attributes {stable_mosaic.version = 14 : i64} {
  func.func @_layer_body(%arg0: memref<20224x128xf32, #tpu.memory_space<vmem>>, %arg1: memref<20000x128xf32, #tpu.memory_space<vmem>>, %arg2: memref<10000x128xf32, #tpu.memory_space<vmem>>, %arg3: memref<128x256xf32, #tpu.memory_space<vmem>>, %arg4: memref<256x512xf32, #tpu.memory_space<vmem>>, %arg5: memref<512xf32, #tpu.memory_space<vmem>>, %arg6: memref<512x256xf32, #tpu.memory_space<vmem>>, %arg7: memref<256xf32, #tpu.memory_space<vmem>>, %arg8: memref<256xf32, #tpu.memory_space<vmem>>, %arg9: memref<256xf32, #tpu.memory_space<vmem>>, %arg10: memref<20000x128xf32, #tpu.memory_space<vmem>>, %arg11: memref<10000x256xf32, #tpu.memory_space<vmem>>) attributes {dimension_semantics = [], scalar_prefetch = 0 : i64, scratch_operands = 1 : i64, tpu.core_type = #tpu.core_type<tc>} {
    %get3A = arith.constant 0 : index
    %get3A_0 = arith.constant 0 : index
    %get3A_1 = vector.load %arg4[%get3A, %get3A_0] : memref<256x512xf32, #tpu.memory_space<vmem>>, vector<256x512xf32>
    %get3A_2 = arith.constant 0 : index
    %get3A_3 = arith.constant 0 : index
    %get3A_4 = vector.load %arg6[%get3A_2, %get3A_3] : memref<512x256xf32, #tpu.memory_space<vmem>>, vector<512x256xf32>
    %get3A_5 = arith.constant 0 : index
    %get3A_6 = vector.load %arg5[%get3A_5] : memref<512xf32, #tpu.memory_space<vmem>>, vector<512xf32>
    %broadcast_in_dim3A = vector.shape_cast %get3A_6 : vector<512xf32> to vector<1x512xf32>
    %get3A_7 = arith.constant 0 : index
    %get3A_8 = vector.load %arg7[%get3A_7] : memref<256xf32, #tpu.memory_space<vmem>>, vector<256xf32>
    %broadcast_in_dim3A_9 = vector.shape_cast %get3A_8 : vector<256xf32> to vector<1x256xf32>
    %get3A_10 = arith.constant 0 : index
    %get3A_11 = arith.constant 0 : index
    %get3A_12 = vector.load %arg3[%get3A_10, %get3A_11] : memref<128x256xf32, #tpu.memory_space<vmem>>, vector<128x256xf32>
    %get3A_13 = arith.constant 12 : index
    %get3A_14 = arith.constant 0 : index
    %get3A_15 = vector.load %arg3[%get3A_13, %get3A_14] : memref<128x256xf32, #tpu.memory_space<vmem>>, vector<1x256xf32>
    %broadcast_in_dim3A_16 = arith.constant 0.000000e+00 : f32
    %broadcast_in_dim3A_17 = vector.broadcast %broadcast_in_dim3A_16 : f32 to vector<1x256xf32>
    %get3A_18 = arith.constant 0 : index
    %get3A_19 = arith.constant 0 : index
    %get3A_20 = vector.load %arg0[%get3A_18, %get3A_19] : memref<20224x128xf32, #tpu.memory_space<vmem>>, vector<1000x128xf32>
    %get3A_21 = arith.constant 0 : index
    %get3A_22 = arith.constant 0 : index
    %get3A_23 = vector.load %arg1[%get3A_21, %get3A_22] : memref<20000x128xf32, #tpu.memory_space<vmem>>, vector<1000x128xf32>
    %add3A = arith.addf %get3A_20, %get3A_23 : vector<1000x128xf32>
    %get3A_24 = arith.constant 10112 : index
    %get3A_25 = arith.constant 0 : index
    %get3A_26 = vector.load %arg0[%get3A_24, %get3A_25] : memref<20224x128xf32, #tpu.memory_space<vmem>>, vector<1000x128xf32>
    %get3A_27 = arith.constant 10000 : index
    %get3A_28 = arith.constant 0 : index
    %get3A_29 = vector.load %arg1[%get3A_27, %get3A_28] : memref<20000x128xf32, #tpu.memory_space<vmem>>, vector<1000x128xf32>
    %add3A_30 = arith.addf %get3A_26, %get3A_29 : vector<1000x128xf32>
    %concatenate3A = tpu.concatenate %add3A, %add3A_30 in 1 : vector<1000x128xf32>, vector<1000x128xf32> -> vector<1000x256xf32>
    %get3A_31 = arith.constant 0 : index
    %get3A_32 = arith.constant 0 : index
    %get3A_33 = vector.load %arg2[%get3A_31, %get3A_32] : memref<10000x128xf32, #tpu.memory_space<vmem>>, vector<1000x128xf32>
    %convert_element_type3A = arith.truncf %get3A_12 : vector<128x256xf32> to vector<128x256xbf16>
    %convert_element_type3A_34 = arith.extf %convert_element_type3A : vector<128x256xbf16> to vector<128x256xf32>
    %sub3A = arith.subf %get3A_12, %convert_element_type3A_34 : vector<128x256xf32>
    %dot_general3A = arith.constant dense<0.000000e+00> : vector<1000x256xf32>
    %dot_general3A_35 = tpu.matmul %get3A_33, %convert_element_type3A_34, %dot_general3A {dimension_numbers = #tpu.dot_dimension_numbers<[1], [0], [0], [1], [0, 0, 1, 1], [], []>, transpose_lhs_hint = false} : vector<1000x128xf32>, vector<128x256xf32>, vector<1000x256xf32> -> vector<1000x256xf32>
    %dot_general3A_36 = arith.constant dense<0.000000e+00> : vector<1000x256xf32>
    %dot_general3A_37 = tpu.matmul %get3A_33, %sub3A, %dot_general3A_36 {dimension_numbers = #tpu.dot_dimension_numbers<[1], [0], [0], [1], [0, 0, 1, 1], [], []>, transpose_lhs_hint = false} : vector<1000x128xf32>, vector<128x256xf32>, vector<1000x256xf32> -> vector<1000x256xf32>
    %add3A_38 = arith.addf %dot_general3A_35, %dot_general3A_37 : vector<1000x256xf32>
    %add3A_39 = arith.addf %concatenate3A, %add3A_38 : vector<1000x256xf32>
    %add3A_40 = vector.broadcast %get3A_15 : vector<1x256xf32> to vector<1000x256xf32>
    %add3A_41 = arith.addf %add3A_39, %add3A_40 : vector<1000x256xf32>
    %dot_general3A_42 = arith.constant dense<0.000000e+00> : vector<1000x512xf32>
    %dot_general3A_43 = tpu.matmul %add3A_41, %get3A_1, %dot_general3A_42 {dimension_numbers = #tpu.dot_dimension_numbers<[1], [0], [0], [1], [0, 0, 1, 1], [], []>, transpose_lhs_hint = false} : vector<1000x256xf32>, vector<256x512xf32>, vector<1000x512xf32> -> vector<1000x512xf32>
    %add3A_44 = vector.broadcast %broadcast_in_dim3A : vector<1x512xf32> to vector<1000x512xf32>
    %add3A_45 = arith.addf %dot_general3A_43, %add3A_44 : vector<1000x512xf32>
    %max3A = arith.constant 0.000000e+00 : f32
    %max3A_46 = vector.broadcast %max3A : f32 to vector<1000x512xf32>
    %max3A_47 = arith.maximumf %add3A_45, %max3A_46 : vector<1000x512xf32>
    %dot_general3A_48 = arith.constant dense<0.000000e+00> : vector<1000x256xf32>
    %dot_general3A_49 = tpu.matmul %max3A_47, %get3A_4, %dot_general3A_48 {dimension_numbers = #tpu.dot_dimension_numbers<[1], [0], [0], [1], [0, 0, 1, 1], [], []>, transpose_lhs_hint = false} : vector<1000x512xf32>, vector<512x256xf32>, vector<1000x256xf32> -> vector<1000x256xf32>
    %add3A_50 = vector.broadcast %broadcast_in_dim3A_9 : vector<1x256xf32> to vector<1000x256xf32>
    %add3A_51 = arith.addf %dot_general3A_49, %add3A_50 : vector<1000x256xf32>
    %swap3A = arith.constant 0 : index
    %swap3A_52 = arith.constant 0 : index
    %swap3A_53 = vector.load %arg11[%swap3A, %swap3A_52] : memref<10000x256xf32, #tpu.memory_space<vmem>>, vector<1000x256xf32>
    tpu.vector_store %arg11[%swap3A, %swap3A_52], %add3A_51 {strides = array<i32>} : memref<10000x256xf32, #tpu.memory_space<vmem>>, vector<1000x256xf32>,
    %reduce_sum3A = arith.constant dense<0.000000e+00> : vector<256xf32>
    %reduce_sum3A_54 = vector.multi_reduction <add>, %add3A_51, %reduce_sum3A [0] : vector<1000x256xf32> to vector<256xf32>
    %broadcast_in_dim3A_55 = vector.shape_cast %reduce_sum3A_54 : vector<256xf32> to vector<1x256xf32>
    %add3A_56 = arith.addf %broadcast_in_dim3A_17, %broadcast_in_dim3A_55 : vector<1x256xf32>
    %get3A_57 = arith.constant 1000 : index
    %get3A_58 = arith.constant 0 : index
    %get3A_59 = vector.load %arg0[%get3A_57, %get3A_58] : memref<20224x128xf32, #tpu.memory_space<vmem>>, vector<1000x128xf32>
    %get3A_60 = arith.constant 1000 : index
    %get3A_61 = arith.constant 0 : index
    %get3A_62 = vector.load %arg1[%get3A_60, %get3A_61] : memref<20000x128xf32, #tpu.memory_space<vmem>>, vector<1000x128xf32>
    %add3A_63 = arith.addf %get3A_59, %get3A_62 : vector<1000x128xf32>
    %get3A_64 = arith.constant 11112 : index
    %get3A_65 = arith.constant 0 : index
    %get3A_66 = vector.load %arg0[%get3A_64, %get3A_65] : memref<20224x128xf32, #tpu.memory_space<vmem>>, vector<1000x128xf32>
    %get3A_67 = arith.constant 11000 : index
    %get3A_68 = arith.constant 0 : index
    %get3A_69 = vector.load %arg1[%get3A_67, %get3A_68] : memref<20000x128xf32, #tpu.memory_space<vmem>>, vector<1000x128xf32>
    %add3A_70 = arith.addf %get3A_66, %get3A_69 : vector<1000x128xf32>
    %concatenate3A_71 = tpu.concatenate %add3A_63, %add3A_70 in 1 : vector<1000x128xf32>, vector<1000x128xf32> -> vector<1000x256xf32>
    %get3A_72 = arith.constant 1000 : index
    %get3A_73 = arith.constant 0 : index
    %get3A_74 = vector.load %arg2[%get3A_72, %get3A_73] : memref<10000x128xf32, #tpu.memory_space<vmem>>, vector<1000x128xf32>
    %convert_element_type3A_75 = arith.truncf %get3A_12 : vector<128x256xf32> to vector<128x256xbf16>
    %convert_element_type3A_76 = arith.extf %convert_element_type3A_75 : vector<128x256xbf16> to vector<128x256xf32>
    %sub3A_77 = arith.subf %get3A_12, %convert_element_type3A_76 : vector<128x256xf32>
    %dot_general3A_78 = arith.constant dense<0.000000e+00> : vector<1000x256xf32>
    %dot_general3A_79 = tpu.matmul %get3A_74, %convert_element_type3A_76, %dot_general3A_78 {dimension_numbers = #tpu.dot_dimension_numbers<[1], [0], [0], [1], [0, 0, 1, 1], [], []>, transpose_lhs_hint = false} : vector<1000x128xf32>, vector<128x256xf32>, vector<1000x256xf32> -> vector<1000x256xf32>
    %dot_general3A_80 = arith.constant dense<0.000000e+00> : vector<1000x256xf32>
    %dot_general3A_81 = tpu.matmul %get3A_74, %sub3A_77, %dot_general3A_80 {dimension_numbers = #tpu.dot_dimension_numbers<[1], [0], [0], [1], [0, 0, 1, 1], [], []>, transpose_lhs_hint = false} : vector<1000x128xf32>, vector<128x256xf32>, vector<1000x256xf32> -> vector<1000x256xf32>
    %add3A_82 = arith.addf %dot_general3A_79, %dot_general3A_81 : vector<1000x256xf32>
    %add3A_83 = arith.addf %concatenate3A_71, %add3A_82 : vector<1000x256xf32>
    %add3A_84 = vector.broadcast %get3A_15 : vector<1x256xf32> to vector<1000x256xf32>
    %add3A_85 = arith.addf %add3A_83, %add3A_84 : vector<1000x256xf32>
    %dot_general3A_86 = arith.constant dense<0.000000e+00> : vector<1000x512xf32>
    %dot_general3A_87 = tpu.matmul %add3A_85, %get3A_1, %dot_general3A_86 {dimension_numbers = #tpu.dot_dimension_numbers<[1], [0], [0], [1], [0, 0, 1, 1], [], []>, transpose_lhs_hint = false} : vector<1000x256xf32>, vector<256x512xf32>, vector<1000x512xf32> -> vector<1000x512xf32>
    %add3A_88 = vector.broadcast %broadcast_in_dim3A : vector<1x512xf32> to vector<1000x512xf32>
    %add3A_89 = arith.addf %dot_general3A_87, %add3A_88 : vector<1000x512xf32>
    %max3A_90 = arith.constant 0.000000e+00 : f32
    %max3A_91 = vector.broadcast %max3A_90 : f32 to vector<1000x512xf32>
    %max3A_92 = arith.maximumf %add3A_89, %max3A_91 : vector<1000x512xf32>
    %dot_general3A_93 = arith.constant dense<0.000000e+00> : vector<1000x256xf32>
    %dot_general3A_94 = tpu.matmul %max3A_92, %get3A_4, %dot_general3A_93 {dimension_numbers = #tpu.dot_dimension_numbers<[1], [0], [0], [1], [0, 0, 1, 1], [], []>, transpose_lhs_hint = false} : vector<1000x512xf32>, vector<512x256xf32>, vector<1000x256xf32> -> vector<1000x256xf32>
    %add3A_95 = vector.broadcast %broadcast_in_dim3A_9 : vector<1x256xf32> to vector<1000x256xf32>
    %add3A_96 = arith.addf %dot_general3A_94, %add3A_95 : vector<1000x256xf32>
    %swap3A_97 = arith.constant 1000 : index
    %swap3A_98 = arith.constant 0 : index
    %swap3A_99 = vector.load %arg11[%swap3A_97, %swap3A_98] : memref<10000x256xf32, #tpu.memory_space<vmem>>, vector<1000x256xf32>
    tpu.vector_store %arg11[%swap3A_97, %swap3A_98], %add3A_96 {strides = array<i32>} : memref<10000x256xf32, #tpu.memory_space<vmem>>, vector<1000x256xf32>,
    %reduce_sum3A_100 = arith.constant dense<0.000000e+00> : vector<256xf32>
    %reduce_sum3A_101 = vector.multi_reduction <add>, %add3A_96, %reduce_sum3A_100 [0] : vector<1000x256xf32> to vector<256xf32>
    %broadcast_in_dim3A_102 = vector.shape_cast %reduce_sum3A_101 : vector<256xf32> to vector<1x256xf32>
    %add3A_103 = arith.addf %add3A_56, %broadcast_in_dim3A_102 : vector<1x256xf32>
    %get3A_104 = arith.constant 2000 : index
    %get3A_105 = arith.constant 0 : index
    %get3A_106 = vector.load %arg0[%get3A_104, %get3A_105] : memref<20224x128xf32, #tpu.memory_space<vmem>>, vector<1000x128xf32>
    %get3A_107 = arith.constant 2000 : index
    %get3A_108 = arith.constant 0 : index
    %get3A_109 = vector.load %arg1[%get3A_107, %get3A_108] : memref<20000x128xf32, #tpu.memory_space<vmem>>, vector<1000x128xf32>
    %add3A_110 = arith.addf %get3A_106, %get3A_109 : vector<1000x128xf32>
    %get3A_111 = arith.constant 12112 : index
    %get3A_112 = arith.constant 0 : index
    %get3A_113 = vector.load %arg0[%get3A_111, %get3A_112] : memref<20224x128xf32, #tpu.memory_space<vmem>>, vector<1000x128xf32>
    %get3A_114 = arith.constant 12000 : index
    %get3A_115 = arith.constant 0 : index
    %get3A_116 = vector.load %arg1[%get3A_114, %get3A_115] : memref<20000x128xf32, #tpu.memory_space<vmem>>, vector<1000x128xf32>
    %add3A_117 = arith.addf %get3A_113, %get3A_116 : vector<1000x128xf32>
    %concatenate3A_118 = tpu.concatenate %add3A_110, %add3A_117 in 1 : vector<1000x128xf32>, vector<1000x128xf32> -> vector<1000x256xf32>
    %get3A_119 = arith.constant 2000 : index
    %get3A_120 = arith.constant 0 : index
    %get3A_121 = vector.load %arg2[%get3A_119, %get3A_120] : memref<10000x128xf32, #tpu.memory_space<vmem>>, vector<1000x128xf32>
    %convert_element_type3A_122 = arith.truncf %get3A_12 : vector<128x256xf32> to vector<128x256xbf16>
    %convert_element_type3A_123 = arith.extf %convert_element_type3A_122 : vector<128x256xbf16> to vector<128x256xf32>
    %sub3A_124 = arith.subf %get3A_12, %convert_element_type3A_123 : vector<128x256xf32>
    %dot_general3A_125 = arith.constant dense<0.000000e+00> : vector<1000x256xf32>
    %dot_general3A_126 = tpu.matmul %get3A_121, %convert_element_type3A_123, %dot_general3A_125 {dimension_numbers = #tpu.dot_dimension_numbers<[1], [0], [0], [1], [0, 0, 1, 1], [], []>, transpose_lhs_hint = false} : vector<1000x128xf32>, vector<128x256xf32>, vector<1000x256xf32> -> vector<1000x256xf32>
    %dot_general3A_127 = arith.constant dense<0.000000e+00> : vector<1000x256xf32>
    %dot_general3A_128 = tpu.matmul %get3A_121, %sub3A_124, %dot_general3A_127 {dimension_numbers = #tpu.dot_dimension_numbers<[1], [0], [0], [1], [0, 0, 1, 1], [], []>, transpose_lhs_hint = false} : vector<1000x128xf32>, vector<128x256xf32>, vector<1000x256xf32> -> vector<1000x256xf32>
    %add3A_129 = arith.addf %dot_general3A_126, %dot_general3A_128 : vector<1000x256xf32>
    %add3A_130 = arith.addf %concatenate3A_118, %add3A_129 : vector<1000x256xf32>
    %add3A_131 = vector.broadcast %get3A_15 : vector<1x256xf32> to vector<1000x256xf32>
    %add3A_132 = arith.addf %add3A_130, %add3A_131 : vector<1000x256xf32>
    %dot_general3A_133 = arith.constant dense<0.000000e+00> : vector<1000x512xf32>
    %dot_general3A_134 = tpu.matmul %add3A_132, %get3A_1, %dot_general3A_133 {dimension_numbers = #tpu.dot_dimension_numbers<[1], [0], [0], [1], [0, 0, 1, 1], [], []>, transpose_lhs_hint = false} : vector<1000x256xf32>, vector<256x512xf32>, vector<1000x512xf32> -> vector<1000x512xf32>
    %add3A_135 = vector.broadcast %broadcast_in_dim3A : vector<1x512xf32> to vector<1000x512xf32>
    %add3A_136 = arith.addf %dot_general3A_134, %add3A_135 : vector<1000x512xf32>
    %max3A_137 = arith.constant 0.000000e+00 : f32
    %max3A_138 = vector.broadcast %max3A_137 : f32 to vector<1000x512xf32>
    %max3A_139 = arith.maximumf %add3A_136, %max3A_138 : vector<1000x512xf32>
    %dot_general3A_140 = arith.constant dense<0.000000e+00> : vector<1000x256xf32>
    %dot_general3A_141 = tpu.matmul %max3A_139, %get3A_4, %dot_general3A_140 {dimension_numbers = #tpu.dot_dimension_numbers<[1], [0], [0], [1], [0, 0, 1, 1], [], []>, transpose_lhs_hint = false} : vector<1000x512xf32>, vector<512x256xf32>, vector<1000x256xf32> -> vector<1000x256xf32>
    %add3A_142 = vector.broadcast %broadcast_in_dim3A_9 : vector<1x256xf32> to vector<1000x256xf32>
    %add3A_143 = arith.addf %dot_general3A_141, %add3A_142 : vector<1000x256xf32>
    %swap3A_144 = arith.constant 2000 : index
    %swap3A_145 = arith.constant 0 : index
    %swap3A_146 = vector.load %arg11[%swap3A_144, %swap3A_145] : memref<10000x256xf32, #tpu.memory_space<vmem>>, vector<1000x256xf32>
    tpu.vector_store %arg11[%swap3A_144, %swap3A_145], %add3A_143 {strides = array<i32>} : memref<10000x256xf32, #tpu.memory_space<vmem>>, vector<1000x256xf32>,
    %reduce_sum3A_147 = arith.constant dense<0.000000e+00> : vector<256xf32>
    %reduce_sum3A_148 = vector.multi_reduction <add>, %add3A_143, %reduce_sum3A_147 [0] : vector<1000x256xf32> to vector<256xf32>
    %broadcast_in_dim3A_149 = vector.shape_cast %reduce_sum3A_148 : vector<256xf32> to vector<1x256xf32>
    %add3A_150 = arith.addf %add3A_103, %broadcast_in_dim3A_149 : vector<1x256xf32>
    %get3A_151 = arith.constant 3000 : index
    %get3A_152 = arith.constant 0 : index
    %get3A_153 = vector.load %arg0[%get3A_151, %get3A_152] : memref<20224x128xf32, #tpu.memory_space<vmem>>, vector<1000x128xf32>
    %get3A_154 = arith.constant 3000 : index
    %get3A_155 = arith.constant 0 : index
    %get3A_156 = vector.load %arg1[%get3A_154, %get3A_155] : memref<20000x128xf32, #tpu.memory_space<vmem>>, vector<1000x128xf32>
    %add3A_157 = arith.addf %get3A_153, %get3A_156 : vector<1000x128xf32>
    %get3A_158 = arith.constant 13112 : index
    %get3A_159 = arith.constant 0 : index
    %get3A_160 = vector.load %arg0[%get3A_158, %get3A_159] : memref<20224x128xf32, #tpu.memory_space<vmem>>, vector<1000x128xf32>
    %get3A_161 = arith.constant 13000 : index
    %get3A_162 = arith.constant 0 : index
    %get3A_163 = vector.load %arg1[%get3A_161, %get3A_162] : memref<20000x128xf32, #tpu.memory_space<vmem>>, vector<1000x128xf32>
    %add3A_164 = arith.addf %get3A_160, %get3A_163 : vector<1000x128xf32>
    %concatenate3A_165 = tpu.concatenate %add3A_157, %add3A_164 in 1 : vector<1000x128xf32>, vector<1000x128xf32> -> vector<1000x256xf32>
    %get3A_166 = arith.constant 3000 : index
    %get3A_167 = arith.constant 0 : index
    %get3A_168 = vector.load %arg2[%get3A_166, %get3A_167] : memref<10000x128xf32, #tpu.memory_space<vmem>>, vector<1000x128xf32>
    %convert_element_type3A_169 = arith.truncf %get3A_12 : vector<128x256xf32> to vector<128x256xbf16>
    %convert_element_type3A_170 = arith.extf %convert_element_type3A_169 : vector<128x256xbf16> to vector<128x256xf32>
    %sub3A_171 = arith.subf %get3A_12, %convert_element_type3A_170 : vector<128x256xf32>
    %dot_general3A_172 = arith.constant dense<0.000000e+00> : vector<1000x256xf32>
    %dot_general3A_173 = tpu.matmul %get3A_168, %convert_element_type3A_170, %dot_general3A_172 {dimension_numbers = #tpu.dot_dimension_numbers<[1], [0], [0], [1], [0, 0, 1, 1], [], []>, transpose_lhs_hint = false} : vector<1000x128xf32>, vector<128x256xf32>, vector<1000x256xf32> -> vector<1000x256xf32>
    %dot_general3A_174 = arith.constant dense<0.000000e+00> : vector<1000x256xf32>
    %dot_general3A_175 = tpu.matmul %get3A_168, %sub3A_171, %dot_general3A_174 {dimension_numbers = #tpu.dot_dimension_numbers<[1], [0], [0], [1], [0, 0, 1, 1], [], []>, transpose_lhs_hint = false} : vector<1000x128xf32>, vector<128x256xf32>, vector<1000x256xf32> -> vector<1000x256xf32>
    %add3A_176 = arith.addf %dot_general3A_173, %dot_general3A_175 : vector<1000x256xf32>
    %add3A_177 = arith.addf %concatenate3A_165, %add3A_176 : vector<1000x256xf32>
    %add3A_178 = vector.broadcast %get3A_15 : vector<1x256xf32> to vector<1000x256xf32>
    %add3A_179 = arith.addf %add3A_177, %add3A_178 : vector<1000x256xf32>
    %dot_general3A_180 = arith.constant dense<0.000000e+00> : vector<1000x512xf32>
    %dot_general3A_181 = tpu.matmul %add3A_179, %get3A_1, %dot_general3A_180 {dimension_numbers = #tpu.dot_dimension_numbers<[1], [0], [0], [1], [0, 0, 1, 1], [], []>, transpose_lhs_hint = false} : vector<1000x256xf32>, vector<256x512xf32>, vector<1000x512xf32> -> vector<1000x512xf32>
    %add3A_182 = vector.broadcast %broadcast_in_dim3A : vector<1x512xf32> to vector<1000x512xf32>
    %add3A_183 = arith.addf %dot_general3A_181, %add3A_182 : vector<1000x512xf32>
    %max3A_184 = arith.constant 0.000000e+00 : f32
    %max3A_185 = vector.broadcast %max3A_184 : f32 to vector<1000x512xf32>
    %max3A_186 = arith.maximumf %add3A_183, %max3A_185 : vector<1000x512xf32>
    %dot_general3A_187 = arith.constant dense<0.000000e+00> : vector<1000x256xf32>
    %dot_general3A_188 = tpu.matmul %max3A_186, %get3A_4, %dot_general3A_187 {dimension_numbers = #tpu.dot_dimension_numbers<[1], [0], [0], [1], [0, 0, 1, 1], [], []>, transpose_lhs_hint = false} : vector<1000x512xf32>, vector<512x256xf32>, vector<1000x256xf32> -> vector<1000x256xf32>
    %add3A_189 = vector.broadcast %broadcast_in_dim3A_9 : vector<1x256xf32> to vector<1000x256xf32>
    %add3A_190 = arith.addf %dot_general3A_188, %add3A_189 : vector<1000x256xf32>
    %swap3A_191 = arith.constant 3000 : index
    %swap3A_192 = arith.constant 0 : index
    %swap3A_193 = vector.load %arg11[%swap3A_191, %swap3A_192] : memref<10000x256xf32, #tpu.memory_space<vmem>>, vector<1000x256xf32>
    tpu.vector_store %arg11[%swap3A_191, %swap3A_192], %add3A_190 {strides = array<i32>} : memref<10000x256xf32, #tpu.memory_space<vmem>>, vector<1000x256xf32>,
    %reduce_sum3A_194 = arith.constant dense<0.000000e+00> : vector<256xf32>
    %reduce_sum3A_195 = vector.multi_reduction <add>, %add3A_190, %reduce_sum3A_194 [0] : vector<1000x256xf32> to vector<256xf32>
    %broadcast_in_dim3A_196 = vector.shape_cast %reduce_sum3A_195 : vector<256xf32> to vector<1x256xf32>
    %add3A_197 = arith.addf %add3A_150, %broadcast_in_dim3A_196 : vector<1x256xf32>
    %get3A_198 = arith.constant 4000 : index
    %get3A_199 = arith.constant 0 : index
    %get3A_200 = vector.load %arg0[%get3A_198, %get3A_199] : memref<20224x128xf32, #tpu.memory_space<vmem>>, vector<1000x128xf32>
    %get3A_201 = arith.constant 4000 : index
    %get3A_202 = arith.constant 0 : index
    %get3A_203 = vector.load %arg1[%get3A_201, %get3A_202] : memref<20000x128xf32, #tpu.memory_space<vmem>>, vector<1000x128xf32>
    %add3A_204 = arith.addf %get3A_200, %get3A_203 : vector<1000x128xf32>
    %get3A_205 = arith.constant 14112 : index
    %get3A_206 = arith.constant 0 : index
    %get3A_207 = vector.load %arg0[%get3A_205, %get3A_206] : memref<20224x128xf32, #tpu.memory_space<vmem>>, vector<1000x128xf32>
    %get3A_208 = arith.constant 14000 : index
    %get3A_209 = arith.constant 0 : index
    %get3A_210 = vector.load %arg1[%get3A_208, %get3A_209] : memref<20000x128xf32, #tpu.memory_space<vmem>>, vector<1000x128xf32>
    %add3A_211 = arith.addf %get3A_207, %get3A_210 : vector<1000x128xf32>
    %concatenate3A_212 = tpu.concatenate %add3A_204, %add3A_211 in 1 : vector<1000x128xf32>, vector<1000x128xf32> -> vector<1000x256xf32>
    %get3A_213 = arith.constant 4000 : index
    %get3A_214 = arith.constant 0 : index
    %get3A_215 = vector.load %arg2[%get3A_213, %get3A_214] : memref<10000x128xf32, #tpu.memory_space<vmem>>, vector<1000x128xf32>
    %convert_element_type3A_216 = arith.truncf %get3A_12 : vector<128x256xf32> to vector<128x256xbf16>
    %convert_element_type3A_217 = arith.extf %convert_element_type3A_216 : vector<128x256xbf16> to vector<128x256xf32>
    %sub3A_218 = arith.subf %get3A_12, %convert_element_type3A_217 : vector<128x256xf32>
    %dot_general3A_219 = arith.constant dense<0.000000e+00> : vector<1000x256xf32>
    %dot_general3A_220 = tpu.matmul %get3A_215, %convert_element_type3A_217, %dot_general3A_219 {dimension_numbers = #tpu.dot_dimension_numbers<[1], [0], [0], [1], [0, 0, 1, 1], [], []>, transpose_lhs_hint = false} : vector<1000x128xf32>, vector<128x256xf32>, vector<1000x256xf32> -> vector<1000x256xf32>
    %dot_general3A_221 = arith.constant dense<0.000000e+00> : vector<1000x256xf32>
    %dot_general3A_222 = tpu.matmul %get3A_215, %sub3A_218, %dot_general3A_221 {dimension_numbers = #tpu.dot_dimension_numbers<[1], [0], [0], [1], [0, 0, 1, 1], [], []>, transpose_lhs_hint = false} : vector<1000x128xf32>, vector<128x256xf32>, vector<1000x256xf32> -> vector<1000x256xf32>
    %add3A_223 = arith.addf %dot_general3A_220, %dot_general3A_222 : vector<1000x256xf32>
    %add3A_224 = arith.addf %concatenate3A_212, %add3A_223 : vector<1000x256xf32>
    %add3A_225 = vector.broadcast %get3A_15 : vector<1x256xf32> to vector<1000x256xf32>
    %add3A_226 = arith.addf %add3A_224, %add3A_225 : vector<1000x256xf32>
    %dot_general3A_227 = arith.constant dense<0.000000e+00> : vector<1000x512xf32>
    %dot_general3A_228 = tpu.matmul %add3A_226, %get3A_1, %dot_general3A_227 {dimension_numbers = #tpu.dot_dimension_numbers<[1], [0], [0], [1], [0, 0, 1, 1], [], []>, transpose_lhs_hint = false} : vector<1000x256xf32>, vector<256x512xf32>, vector<1000x512xf32> -> vector<1000x512xf32>
    %add3A_229 = vector.broadcast %broadcast_in_dim3A : vector<1x512xf32> to vector<1000x512xf32>
    %add3A_230 = arith.addf %dot_general3A_228, %add3A_229 : vector<1000x512xf32>
    %max3A_231 = arith.constant 0.000000e+00 : f32
    %max3A_232 = vector.broadcast %max3A_231 : f32 to vector<1000x512xf32>
    %max3A_233 = arith.maximumf %add3A_230, %max3A_232 : vector<1000x512xf32>
    %dot_general3A_234 = arith.constant dense<0.000000e+00> : vector<1000x256xf32>
    %dot_general3A_235 = tpu.matmul %max3A_233, %get3A_4, %dot_general3A_234 {dimension_numbers = #tpu.dot_dimension_numbers<[1], [0], [0], [1], [0, 0, 1, 1], [], []>, transpose_lhs_hint = false} : vector<1000x512xf32>, vector<512x256xf32>, vector<1000x256xf32> -> vector<1000x256xf32>
    %add3A_236 = vector.broadcast %broadcast_in_dim3A_9 : vector<1x256xf32> to vector<1000x256xf32>
    %add3A_237 = arith.addf %dot_general3A_235, %add3A_236 : vector<1000x256xf32>
    %swap3A_238 = arith.constant 4000 : index
    %swap3A_239 = arith.constant 0 : index
    %swap3A_240 = vector.load %arg11[%swap3A_238, %swap3A_239] : memref<10000x256xf32, #tpu.memory_space<vmem>>, vector<1000x256xf32>
    tpu.vector_store %arg11[%swap3A_238, %swap3A_239], %add3A_237 {strides = array<i32>} : memref<10000x256xf32, #tpu.memory_space<vmem>>, vector<1000x256xf32>,
    %reduce_sum3A_241 = arith.constant dense<0.000000e+00> : vector<256xf32>
    %reduce_sum3A_242 = vector.multi_reduction <add>, %add3A_237, %reduce_sum3A_241 [0] : vector<1000x256xf32> to vector<256xf32>
    %broadcast_in_dim3A_243 = vector.shape_cast %reduce_sum3A_242 : vector<256xf32> to vector<1x256xf32>
    %add3A_244 = arith.addf %add3A_197, %broadcast_in_dim3A_243 : vector<1x256xf32>
    %get3A_245 = arith.constant 5000 : index
    %get3A_246 = arith.constant 0 : index
    %get3A_247 = vector.load %arg0[%get3A_245, %get3A_246] : memref<20224x128xf32, #tpu.memory_space<vmem>>, vector<1000x128xf32>
    %get3A_248 = arith.constant 5000 : index
    %get3A_249 = arith.constant 0 : index
    %get3A_250 = vector.load %arg1[%get3A_248, %get3A_249] : memref<20000x128xf32, #tpu.memory_space<vmem>>, vector<1000x128xf32>
    %add3A_251 = arith.addf %get3A_247, %get3A_250 : vector<1000x128xf32>
    %get3A_252 = arith.constant 15112 : index
    %get3A_253 = arith.constant 0 : index
    %get3A_254 = vector.load %arg0[%get3A_252, %get3A_253] : memref<20224x128xf32, #tpu.memory_space<vmem>>, vector<1000x128xf32>
    %get3A_255 = arith.constant 15000 : index
    %get3A_256 = arith.constant 0 : index
    %get3A_257 = vector.load %arg1[%get3A_255, %get3A_256] : memref<20000x128xf32, #tpu.memory_space<vmem>>, vector<1000x128xf32>
    %add3A_258 = arith.addf %get3A_254, %get3A_257 : vector<1000x128xf32>
    %concatenate3A_259 = tpu.concatenate %add3A_251, %add3A_258 in 1 : vector<1000x128xf32>, vector<1000x128xf32> -> vector<1000x256xf32>
    %get3A_260 = arith.constant 5000 : index
    %get3A_261 = arith.constant 0 : index
    %get3A_262 = vector.load %arg2[%get3A_260, %get3A_261] : memref<10000x128xf32, #tpu.memory_space<vmem>>, vector<1000x128xf32>
    %convert_element_type3A_263 = arith.truncf %get3A_12 : vector<128x256xf32> to vector<128x256xbf16>
    %convert_element_type3A_264 = arith.extf %convert_element_type3A_263 : vector<128x256xbf16> to vector<128x256xf32>
    %sub3A_265 = arith.subf %get3A_12, %convert_element_type3A_264 : vector<128x256xf32>
    %dot_general3A_266 = arith.constant dense<0.000000e+00> : vector<1000x256xf32>
    %dot_general3A_267 = tpu.matmul %get3A_262, %convert_element_type3A_264, %dot_general3A_266 {dimension_numbers = #tpu.dot_dimension_numbers<[1], [0], [0], [1], [0, 0, 1, 1], [], []>, transpose_lhs_hint = false} : vector<1000x128xf32>, vector<128x256xf32>, vector<1000x256xf32> -> vector<1000x256xf32>
    %dot_general3A_268 = arith.constant dense<0.000000e+00> : vector<1000x256xf32>
    %dot_general3A_269 = tpu.matmul %get3A_262, %sub3A_265, %dot_general3A_268 {dimension_numbers = #tpu.dot_dimension_numbers<[1], [0], [0], [1], [0, 0, 1, 1], [], []>, transpose_lhs_hint = false} : vector<1000x128xf32>, vector<128x256xf32>, vector<1000x256xf32> -> vector<1000x256xf32>
    %add3A_270 = arith.addf %dot_general3A_267, %dot_general3A_269 : vector<1000x256xf32>
    %add3A_271 = arith.addf %concatenate3A_259, %add3A_270 : vector<1000x256xf32>
    %add3A_272 = vector.broadcast %get3A_15 : vector<1x256xf32> to vector<1000x256xf32>
    %add3A_273 = arith.addf %add3A_271, %add3A_272 : vector<1000x256xf32>
    %dot_general3A_274 = arith.constant dense<0.000000e+00> : vector<1000x512xf32>
    %dot_general3A_275 = tpu.matmul %add3A_273, %get3A_1, %dot_general3A_274 {dimension_numbers = #tpu.dot_dimension_numbers<[1], [0], [0], [1], [0, 0, 1, 1], [], []>, transpose_lhs_hint = false} : vector<1000x256xf32>, vector<256x512xf32>, vector<1000x512xf32> -> vector<1000x512xf32>
    %add3A_276 = vector.broadcast %broadcast_in_dim3A : vector<1x512xf32> to vector<1000x512xf32>
    %add3A_277 = arith.addf %dot_general3A_275, %add3A_276 : vector<1000x512xf32>
    %max3A_278 = arith.constant 0.000000e+00 : f32
    %max3A_279 = vector.broadcast %max3A_278 : f32 to vector<1000x512xf32>
    %max3A_280 = arith.maximumf %add3A_277, %max3A_279 : vector<1000x512xf32>
    %dot_general3A_281 = arith.constant dense<0.000000e+00> : vector<1000x256xf32>
    %dot_general3A_282 = tpu.matmul %max3A_280, %get3A_4, %dot_general3A_281 {dimension_numbers = #tpu.dot_dimension_numbers<[1], [0], [0], [1], [0, 0, 1, 1], [], []>, transpose_lhs_hint = false} : vector<1000x512xf32>, vector<512x256xf32>, vector<1000x256xf32> -> vector<1000x256xf32>
    %add3A_283 = vector.broadcast %broadcast_in_dim3A_9 : vector<1x256xf32> to vector<1000x256xf32>
    %add3A_284 = arith.addf %dot_general3A_282, %add3A_283 : vector<1000x256xf32>
    %swap3A_285 = arith.constant 5000 : index
    %swap3A_286 = arith.constant 0 : index
    %swap3A_287 = vector.load %arg11[%swap3A_285, %swap3A_286] : memref<10000x256xf32, #tpu.memory_space<vmem>>, vector<1000x256xf32>
    tpu.vector_store %arg11[%swap3A_285, %swap3A_286], %add3A_284 {strides = array<i32>} : memref<10000x256xf32, #tpu.memory_space<vmem>>, vector<1000x256xf32>,
    %reduce_sum3A_288 = arith.constant dense<0.000000e+00> : vector<256xf32>
    %reduce_sum3A_289 = vector.multi_reduction <add>, %add3A_284, %reduce_sum3A_288 [0] : vector<1000x256xf32> to vector<256xf32>
    %broadcast_in_dim3A_290 = vector.shape_cast %reduce_sum3A_289 : vector<256xf32> to vector<1x256xf32>
    %add3A_291 = arith.addf %add3A_244, %broadcast_in_dim3A_290 : vector<1x256xf32>
    %get3A_292 = arith.constant 6000 : index
    %get3A_293 = arith.constant 0 : index
    %get3A_294 = vector.load %arg0[%get3A_292, %get3A_293] : memref<20224x128xf32, #tpu.memory_space<vmem>>, vector<1000x128xf32>
    %get3A_295 = arith.constant 6000 : index
    %get3A_296 = arith.constant 0 : index
    %get3A_297 = vector.load %arg1[%get3A_295, %get3A_296] : memref<20000x128xf32, #tpu.memory_space<vmem>>, vector<1000x128xf32>
    %add3A_298 = arith.addf %get3A_294, %get3A_297 : vector<1000x128xf32>
    %get3A_299 = arith.constant 16112 : index
    %get3A_300 = arith.constant 0 : index
    %get3A_301 = vector.load %arg0[%get3A_299, %get3A_300] : memref<20224x128xf32, #tpu.memory_space<vmem>>, vector<1000x128xf32>
    %get3A_302 = arith.constant 16000 : index
    %get3A_303 = arith.constant 0 : index
    %get3A_304 = vector.load %arg1[%get3A_302, %get3A_303] : memref<20000x128xf32, #tpu.memory_space<vmem>>, vector<1000x128xf32>
    %add3A_305 = arith.addf %get3A_301, %get3A_304 : vector<1000x128xf32>
    %concatenate3A_306 = tpu.concatenate %add3A_298, %add3A_305 in 1 : vector<1000x128xf32>, vector<1000x128xf32> -> vector<1000x256xf32>
    %get3A_307 = arith.constant 6000 : index
    %get3A_308 = arith.constant 0 : index
    %get3A_309 = vector.load %arg2[%get3A_307, %get3A_308] : memref<10000x128xf32, #tpu.memory_space<vmem>>, vector<1000x128xf32>
    %convert_element_type3A_310 = arith.truncf %get3A_12 : vector<128x256xf32> to vector<128x256xbf16>
    %convert_element_type3A_311 = arith.extf %convert_element_type3A_310 : vector<128x256xbf16> to vector<128x256xf32>
    %sub3A_312 = arith.subf %get3A_12, %convert_element_type3A_311 : vector<128x256xf32>
    %dot_general3A_313 = arith.constant dense<0.000000e+00> : vector<1000x256xf32>
    %dot_general3A_314 = tpu.matmul %get3A_309, %convert_element_type3A_311, %dot_general3A_313 {dimension_numbers = #tpu.dot_dimension_numbers<[1], [0], [0], [1], [0, 0, 1, 1], [], []>, transpose_lhs_hint = false} : vector<1000x128xf32>, vector<128x256xf32>, vector<1000x256xf32> -> vector<1000x256xf32>
    %dot_general3A_315 = arith.constant dense<0.000000e+00> : vector<1000x256xf32>
    %dot_general3A_316 = tpu.matmul %get3A_309, %sub3A_312, %dot_general3A_315 {dimension_numbers = #tpu.dot_dimension_numbers<[1], [0], [0], [1], [0, 0, 1, 1], [], []>, transpose_lhs_hint = false} : vector<1000x128xf32>, vector<128x256xf32>, vector<1000x256xf32> -> vector<1000x256xf32>
    %add3A_317 = arith.addf %dot_general3A_314, %dot_general3A_316 : vector<1000x256xf32>
    %add3A_318 = arith.addf %concatenate3A_306, %add3A_317 : vector<1000x256xf32>
    %add3A_319 = vector.broadcast %get3A_15 : vector<1x256xf32> to vector<1000x256xf32>
    %add3A_320 = arith.addf %add3A_318, %add3A_319 : vector<1000x256xf32>
    %dot_general3A_321 = arith.constant dense<0.000000e+00> : vector<1000x512xf32>
    %dot_general3A_322 = tpu.matmul %add3A_320, %get3A_1, %dot_general3A_321 {dimension_numbers = #tpu.dot_dimension_numbers<[1], [0], [0], [1], [0, 0, 1, 1], [], []>, transpose_lhs_hint = false} : vector<1000x256xf32>, vector<256x512xf32>, vector<1000x512xf32> -> vector<1000x512xf32>
    %add3A_323 = vector.broadcast %broadcast_in_dim3A : vector<1x512xf32> to vector<1000x512xf32>
    %add3A_324 = arith.addf %dot_general3A_322, %add3A_323 : vector<1000x512xf32>
    %max3A_325 = arith.constant 0.000000e+00 : f32
    %max3A_326 = vector.broadcast %max3A_325 : f32 to vector<1000x512xf32>
    %max3A_327 = arith.maximumf %add3A_324, %max3A_326 : vector<1000x512xf32>
    %dot_general3A_328 = arith.constant dense<0.000000e+00> : vector<1000x256xf32>
    %dot_general3A_329 = tpu.matmul %max3A_327, %get3A_4, %dot_general3A_328 {dimension_numbers = #tpu.dot_dimension_numbers<[1], [0], [0], [1], [0, 0, 1, 1], [], []>, transpose_lhs_hint = false} : vector<1000x512xf32>, vector<512x256xf32>, vector<1000x256xf32> -> vector<1000x256xf32>
    %add3A_330 = vector.broadcast %broadcast_in_dim3A_9 : vector<1x256xf32> to vector<1000x256xf32>
    %add3A_331 = arith.addf %dot_general3A_329, %add3A_330 : vector<1000x256xf32>
    %swap3A_332 = arith.constant 6000 : index
    %swap3A_333 = arith.constant 0 : index
    %swap3A_334 = vector.load %arg11[%swap3A_332, %swap3A_333] : memref<10000x256xf32, #tpu.memory_space<vmem>>, vector<1000x256xf32>
    tpu.vector_store %arg11[%swap3A_332, %swap3A_333], %add3A_331 {strides = array<i32>} : memref<10000x256xf32, #tpu.memory_space<vmem>>, vector<1000x256xf32>,
    %reduce_sum3A_335 = arith.constant dense<0.000000e+00> : vector<256xf32>
    %reduce_sum3A_336 = vector.multi_reduction <add>, %add3A_331, %reduce_sum3A_335 [0] : vector<1000x256xf32> to vector<256xf32>
    %broadcast_in_dim3A_337 = vector.shape_cast %reduce_sum3A_336 : vector<256xf32> to vector<1x256xf32>
    %add3A_338 = arith.addf %add3A_291, %broadcast_in_dim3A_337 : vector<1x256xf32>
    %get3A_339 = arith.constant 7000 : index
    %get3A_340 = arith.constant 0 : index
    %get3A_341 = vector.load %arg0[%get3A_339, %get3A_340] : memref<20224x128xf32, #tpu.memory_space<vmem>>, vector<1000x128xf32>
    %get3A_342 = arith.constant 7000 : index
    %get3A_343 = arith.constant 0 : index
    %get3A_344 = vector.load %arg1[%get3A_342, %get3A_343] : memref<20000x128xf32, #tpu.memory_space<vmem>>, vector<1000x128xf32>
    %add3A_345 = arith.addf %get3A_341, %get3A_344 : vector<1000x128xf32>
    %get3A_346 = arith.constant 17112 : index
    %get3A_347 = arith.constant 0 : index
    %get3A_348 = vector.load %arg0[%get3A_346, %get3A_347] : memref<20224x128xf32, #tpu.memory_space<vmem>>, vector<1000x128xf32>
    %get3A_349 = arith.constant 17000 : index
    %get3A_350 = arith.constant 0 : index
    %get3A_351 = vector.load %arg1[%get3A_349, %get3A_350] : memref<20000x128xf32, #tpu.memory_space<vmem>>, vector<1000x128xf32>
    %add3A_352 = arith.addf %get3A_348, %get3A_351 : vector<1000x128xf32>
    %concatenate3A_353 = tpu.concatenate %add3A_345, %add3A_352 in 1 : vector<1000x128xf32>, vector<1000x128xf32> -> vector<1000x256xf32>
    %get3A_354 = arith.constant 7000 : index
    %get3A_355 = arith.constant 0 : index
    %get3A_356 = vector.load %arg2[%get3A_354, %get3A_355] : memref<10000x128xf32, #tpu.memory_space<vmem>>, vector<1000x128xf32>
    %convert_element_type3A_357 = arith.truncf %get3A_12 : vector<128x256xf32> to vector<128x256xbf16>
    %convert_element_type3A_358 = arith.extf %convert_element_type3A_357 : vector<128x256xbf16> to vector<128x256xf32>
    %sub3A_359 = arith.subf %get3A_12, %convert_element_type3A_358 : vector<128x256xf32>
    %dot_general3A_360 = arith.constant dense<0.000000e+00> : vector<1000x256xf32>
    %dot_general3A_361 = tpu.matmul %get3A_356, %convert_element_type3A_358, %dot_general3A_360 {dimension_numbers = #tpu.dot_dimension_numbers<[1], [0], [0], [1], [0, 0, 1, 1], [], []>, transpose_lhs_hint = false} : vector<1000x128xf32>, vector<128x256xf32>, vector<1000x256xf32> -> vector<1000x256xf32>
    %dot_general3A_362 = arith.constant dense<0.000000e+00> : vector<1000x256xf32>
    %dot_general3A_363 = tpu.matmul %get3A_356, %sub3A_359, %dot_general3A_362 {dimension_numbers = #tpu.dot_dimension_numbers<[1], [0], [0], [1], [0, 0, 1, 1], [], []>, transpose_lhs_hint = false} : vector<1000x128xf32>, vector<128x256xf32>, vector<1000x256xf32> -> vector<1000x256xf32>
    %add3A_364 = arith.addf %dot_general3A_361, %dot_general3A_363 : vector<1000x256xf32>
    %add3A_365 = arith.addf %concatenate3A_353, %add3A_364 : vector<1000x256xf32>
    %add3A_366 = vector.broadcast %get3A_15 : vector<1x256xf32> to vector<1000x256xf32>
    %add3A_367 = arith.addf %add3A_365, %add3A_366 : vector<1000x256xf32>
    %dot_general3A_368 = arith.constant dense<0.000000e+00> : vector<1000x512xf32>
    %dot_general3A_369 = tpu.matmul %add3A_367, %get3A_1, %dot_general3A_368 {dimension_numbers = #tpu.dot_dimension_numbers<[1], [0], [0], [1], [0, 0, 1, 1], [], []>, transpose_lhs_hint = false} : vector<1000x256xf32>, vector<256x512xf32>, vector<1000x512xf32> -> vector<1000x512xf32>
    %add3A_370 = vector.broadcast %broadcast_in_dim3A : vector<1x512xf32> to vector<1000x512xf32>
    %add3A_371 = arith.addf %dot_general3A_369, %add3A_370 : vector<1000x512xf32>
    %max3A_372 = arith.constant 0.000000e+00 : f32
    %max3A_373 = vector.broadcast %max3A_372 : f32 to vector<1000x512xf32>
    %max3A_374 = arith.maximumf %add3A_371, %max3A_373 : vector<1000x512xf32>
    %dot_general3A_375 = arith.constant dense<0.000000e+00> : vector<1000x256xf32>
    %dot_general3A_376 = tpu.matmul %max3A_374, %get3A_4, %dot_general3A_375 {dimension_numbers = #tpu.dot_dimension_numbers<[1], [0], [0], [1], [0, 0, 1, 1], [], []>, transpose_lhs_hint = false} : vector<1000x512xf32>, vector<512x256xf32>, vector<1000x256xf32> -> vector<1000x256xf32>
    %add3A_377 = vector.broadcast %broadcast_in_dim3A_9 : vector<1x256xf32> to vector<1000x256xf32>
    %add3A_378 = arith.addf %dot_general3A_376, %add3A_377 : vector<1000x256xf32>
    %swap3A_379 = arith.constant 7000 : index
    %swap3A_380 = arith.constant 0 : index
    %swap3A_381 = vector.load %arg11[%swap3A_379, %swap3A_380] : memref<10000x256xf32, #tpu.memory_space<vmem>>, vector<1000x256xf32>
    tpu.vector_store %arg11[%swap3A_379, %swap3A_380], %add3A_378 {strides = array<i32>} : memref<10000x256xf32, #tpu.memory_space<vmem>>, vector<1000x256xf32>,
    %reduce_sum3A_382 = arith.constant dense<0.000000e+00> : vector<256xf32>
    %reduce_sum3A_383 = vector.multi_reduction <add>, %add3A_378, %reduce_sum3A_382 [0] : vector<1000x256xf32> to vector<256xf32>
    %broadcast_in_dim3A_384 = vector.shape_cast %reduce_sum3A_383 : vector<256xf32> to vector<1x256xf32>
    %add3A_385 = arith.addf %add3A_338, %broadcast_in_dim3A_384 : vector<1x256xf32>
    %get3A_386 = arith.constant 8000 : index
    %get3A_387 = arith.constant 0 : index
    %get3A_388 = vector.load %arg0[%get3A_386, %get3A_387] : memref<20224x128xf32, #tpu.memory_space<vmem>>, vector<1000x128xf32>
    %get3A_389 = arith.constant 8000 : index
    %get3A_390 = arith.constant 0 : index
    %get3A_391 = vector.load %arg1[%get3A_389, %get3A_390] : memref<20000x128xf32, #tpu.memory_space<vmem>>, vector<1000x128xf32>
    %add3A_392 = arith.addf %get3A_388, %get3A_391 : vector<1000x128xf32>
    %get3A_393 = arith.constant 18112 : index
    %get3A_394 = arith.constant 0 : index
    %get3A_395 = vector.load %arg0[%get3A_393, %get3A_394] : memref<20224x128xf32, #tpu.memory_space<vmem>>, vector<1000x128xf32>
    %get3A_396 = arith.constant 18000 : index
    %get3A_397 = arith.constant 0 : index
    %get3A_398 = vector.load %arg1[%get3A_396, %get3A_397] : memref<20000x128xf32, #tpu.memory_space<vmem>>, vector<1000x128xf32>
    %add3A_399 = arith.addf %get3A_395, %get3A_398 : vector<1000x128xf32>
    %concatenate3A_400 = tpu.concatenate %add3A_392, %add3A_399 in 1 : vector<1000x128xf32>, vector<1000x128xf32> -> vector<1000x256xf32>
    %get3A_401 = arith.constant 8000 : index
    %get3A_402 = arith.constant 0 : index
    %get3A_403 = vector.load %arg2[%get3A_401, %get3A_402] : memref<10000x128xf32, #tpu.memory_space<vmem>>, vector<1000x128xf32>
    %convert_element_type3A_404 = arith.truncf %get3A_12 : vector<128x256xf32> to vector<128x256xbf16>
    %convert_element_type3A_405 = arith.extf %convert_element_type3A_404 : vector<128x256xbf16> to vector<128x256xf32>
    %sub3A_406 = arith.subf %get3A_12, %convert_element_type3A_405 : vector<128x256xf32>
    %dot_general3A_407 = arith.constant dense<0.000000e+00> : vector<1000x256xf32>
    %dot_general3A_408 = tpu.matmul %get3A_403, %convert_element_type3A_405, %dot_general3A_407 {dimension_numbers = #tpu.dot_dimension_numbers<[1], [0], [0], [1], [0, 0, 1, 1], [], []>, transpose_lhs_hint = false} : vector<1000x128xf32>, vector<128x256xf32>, vector<1000x256xf32> -> vector<1000x256xf32>
    %dot_general3A_409 = arith.constant dense<0.000000e+00> : vector<1000x256xf32>
    %dot_general3A_410 = tpu.matmul %get3A_403, %sub3A_406, %dot_general3A_409 {dimension_numbers = #tpu.dot_dimension_numbers<[1], [0], [0], [1], [0, 0, 1, 1], [], []>, transpose_lhs_hint = false} : vector<1000x128xf32>, vector<128x256xf32>, vector<1000x256xf32> -> vector<1000x256xf32>
    %add3A_411 = arith.addf %dot_general3A_408, %dot_general3A_410 : vector<1000x256xf32>
    %add3A_412 = arith.addf %concatenate3A_400, %add3A_411 : vector<1000x256xf32>
    %add3A_413 = vector.broadcast %get3A_15 : vector<1x256xf32> to vector<1000x256xf32>
    %add3A_414 = arith.addf %add3A_412, %add3A_413 : vector<1000x256xf32>
    %dot_general3A_415 = arith.constant dense<0.000000e+00> : vector<1000x512xf32>
    %dot_general3A_416 = tpu.matmul %add3A_414, %get3A_1, %dot_general3A_415 {dimension_numbers = #tpu.dot_dimension_numbers<[1], [0], [0], [1], [0, 0, 1, 1], [], []>, transpose_lhs_hint = false} : vector<1000x256xf32>, vector<256x512xf32>, vector<1000x512xf32> -> vector<1000x512xf32>
    %add3A_417 = vector.broadcast %broadcast_in_dim3A : vector<1x512xf32> to vector<1000x512xf32>
    %add3A_418 = arith.addf %dot_general3A_416, %add3A_417 : vector<1000x512xf32>
    %max3A_419 = arith.constant 0.000000e+00 : f32
    %max3A_420 = vector.broadcast %max3A_419 : f32 to vector<1000x512xf32>
    %max3A_421 = arith.maximumf %add3A_418, %max3A_420 : vector<1000x512xf32>
    %dot_general3A_422 = arith.constant dense<0.000000e+00> : vector<1000x256xf32>
    %dot_general3A_423 = tpu.matmul %max3A_421, %get3A_4, %dot_general3A_422 {dimension_numbers = #tpu.dot_dimension_numbers<[1], [0], [0], [1], [0, 0, 1, 1], [], []>, transpose_lhs_hint = false} : vector<1000x512xf32>, vector<512x256xf32>, vector<1000x256xf32> -> vector<1000x256xf32>
    %add3A_424 = vector.broadcast %broadcast_in_dim3A_9 : vector<1x256xf32> to vector<1000x256xf32>
    %add3A_425 = arith.addf %dot_general3A_423, %add3A_424 : vector<1000x256xf32>
    %swap3A_426 = arith.constant 8000 : index
    %swap3A_427 = arith.constant 0 : index
    %swap3A_428 = vector.load %arg11[%swap3A_426, %swap3A_427] : memref<10000x256xf32, #tpu.memory_space<vmem>>, vector<1000x256xf32>
    tpu.vector_store %arg11[%swap3A_426, %swap3A_427], %add3A_425 {strides = array<i32>} : memref<10000x256xf32, #tpu.memory_space<vmem>>, vector<1000x256xf32>,
    %reduce_sum3A_429 = arith.constant dense<0.000000e+00> : vector<256xf32>
    %reduce_sum3A_430 = vector.multi_reduction <add>, %add3A_425, %reduce_sum3A_429 [0] : vector<1000x256xf32> to vector<256xf32>
    %broadcast_in_dim3A_431 = vector.shape_cast %reduce_sum3A_430 : vector<256xf32> to vector<1x256xf32>
    %add3A_432 = arith.addf %add3A_385, %broadcast_in_dim3A_431 : vector<1x256xf32>
    %get3A_433 = arith.constant 9000 : index
    %get3A_434 = arith.constant 0 : index
    %get3A_435 = vector.load %arg0[%get3A_433, %get3A_434] : memref<20224x128xf32, #tpu.memory_space<vmem>>, vector<1000x128xf32>
    %get3A_436 = arith.constant 9000 : index
    %get3A_437 = arith.constant 0 : index
    %get3A_438 = vector.load %arg1[%get3A_436, %get3A_437] : memref<20000x128xf32, #tpu.memory_space<vmem>>, vector<1000x128xf32>
    %add3A_439 = arith.addf %get3A_435, %get3A_438 : vector<1000x128xf32>
    %get3A_440 = arith.constant 19112 : index
    %get3A_441 = arith.constant 0 : index
    %get3A_442 = vector.load %arg0[%get3A_440, %get3A_441] : memref<20224x128xf32, #tpu.memory_space<vmem>>, vector<1000x128xf32>
    %get3A_443 = arith.constant 19000 : index
    %get3A_444 = arith.constant 0 : index
    %get3A_445 = vector.load %arg1[%get3A_443, %get3A_444] : memref<20000x128xf32, #tpu.memory_space<vmem>>, vector<1000x128xf32>
    %add3A_446 = arith.addf %get3A_442, %get3A_445 : vector<1000x128xf32>
    %concatenate3A_447 = tpu.concatenate %add3A_439, %add3A_446 in 1 : vector<1000x128xf32>, vector<1000x128xf32> -> vector<1000x256xf32>
    %get3A_448 = arith.constant 9000 : index
    %get3A_449 = arith.constant 0 : index
    %get3A_450 = vector.load %arg2[%get3A_448, %get3A_449] : memref<10000x128xf32, #tpu.memory_space<vmem>>, vector<1000x128xf32>
    %convert_element_type3A_451 = arith.truncf %get3A_12 : vector<128x256xf32> to vector<128x256xbf16>
    %convert_element_type3A_452 = arith.extf %convert_element_type3A_451 : vector<128x256xbf16> to vector<128x256xf32>
    %sub3A_453 = arith.subf %get3A_12, %convert_element_type3A_452 : vector<128x256xf32>
    %dot_general3A_454 = arith.constant dense<0.000000e+00> : vector<1000x256xf32>
    %dot_general3A_455 = tpu.matmul %get3A_450, %convert_element_type3A_452, %dot_general3A_454 {dimension_numbers = #tpu.dot_dimension_numbers<[1], [0], [0], [1], [0, 0, 1, 1], [], []>, transpose_lhs_hint = false} : vector<1000x128xf32>, vector<128x256xf32>, vector<1000x256xf32> -> vector<1000x256xf32>
    %dot_general3A_456 = arith.constant dense<0.000000e+00> : vector<1000x256xf32>
    %dot_general3A_457 = tpu.matmul %get3A_450, %sub3A_453, %dot_general3A_456 {dimension_numbers = #tpu.dot_dimension_numbers<[1], [0], [0], [1], [0, 0, 1, 1], [], []>, transpose_lhs_hint = false} : vector<1000x128xf32>, vector<128x256xf32>, vector<1000x256xf32> -> vector<1000x256xf32>
    %add3A_458 = arith.addf %dot_general3A_455, %dot_general3A_457 : vector<1000x256xf32>
    %add3A_459 = arith.addf %concatenate3A_447, %add3A_458 : vector<1000x256xf32>
    %add3A_460 = vector.broadcast %get3A_15 : vector<1x256xf32> to vector<1000x256xf32>
    %add3A_461 = arith.addf %add3A_459, %add3A_460 : vector<1000x256xf32>
    %dot_general3A_462 = arith.constant dense<0.000000e+00> : vector<1000x512xf32>
    %dot_general3A_463 = tpu.matmul %add3A_461, %get3A_1, %dot_general3A_462 {dimension_numbers = #tpu.dot_dimension_numbers<[1], [0], [0], [1], [0, 0, 1, 1], [], []>, transpose_lhs_hint = false} : vector<1000x256xf32>, vector<256x512xf32>, vector<1000x512xf32> -> vector<1000x512xf32>
    %add3A_464 = vector.broadcast %broadcast_in_dim3A : vector<1x512xf32> to vector<1000x512xf32>
    %add3A_465 = arith.addf %dot_general3A_463, %add3A_464 : vector<1000x512xf32>
    %max3A_466 = arith.constant 0.000000e+00 : f32
    %max3A_467 = vector.broadcast %max3A_466 : f32 to vector<1000x512xf32>
    %max3A_468 = arith.maximumf %add3A_465, %max3A_467 : vector<1000x512xf32>
    %dot_general3A_469 = arith.constant dense<0.000000e+00> : vector<1000x256xf32>
    %dot_general3A_470 = tpu.matmul %max3A_468, %get3A_4, %dot_general3A_469 {dimension_numbers = #tpu.dot_dimension_numbers<[1], [0], [0], [1], [0, 0, 1, 1], [], []>, transpose_lhs_hint = false} : vector<1000x512xf32>, vector<512x256xf32>, vector<1000x256xf32> -> vector<1000x256xf32>
    %add3A_471 = vector.broadcast %broadcast_in_dim3A_9 : vector<1x256xf32> to vector<1000x256xf32>
    %add3A_472 = arith.addf %dot_general3A_470, %add3A_471 : vector<1000x256xf32>
    %swap3A_473 = arith.constant 9000 : index
    %swap3A_474 = arith.constant 0 : index
    %swap3A_475 = vector.load %arg11[%swap3A_473, %swap3A_474] : memref<10000x256xf32, #tpu.memory_space<vmem>>, vector<1000x256xf32>
    tpu.vector_store %arg11[%swap3A_473, %swap3A_474], %add3A_472 {strides = array<i32>} : memref<10000x256xf32, #tpu.memory_space<vmem>>, vector<1000x256xf32>,
    %reduce_sum3A_476 = arith.constant dense<0.000000e+00> : vector<256xf32>
    %reduce_sum3A_477 = vector.multi_reduction <add>, %add3A_472, %reduce_sum3A_476 [0] : vector<1000x256xf32> to vector<256xf32>
    %broadcast_in_dim3A_478 = vector.shape_cast %reduce_sum3A_477 : vector<256xf32> to vector<1x256xf32>
    %add3A_479 = arith.addf %add3A_432, %broadcast_in_dim3A_478 : vector<1x256xf32>
    %mul3A = arith.constant 9.99999974E-5 : f32
    %mul3A_480 = vector.broadcast %mul3A : f32 to vector<1x256xf32>
    %mul3A_481 = arith.mulf %add3A_479, %mul3A_480 : vector<1x256xf32>
    %broadcast_in_dim3A_482 = arith.constant 0.000000e+00 : f32
    %broadcast_in_dim3A_483 = vector.broadcast %broadcast_in_dim3A_482 : f32 to vector<1x256xf32>
    %get3A_484 = arith.constant 0 : index
    %get3A_485 = arith.constant 0 : index
    %get3A_486 = vector.load %arg11[%get3A_484, %get3A_485] : memref<10000x256xf32, #tpu.memory_space<vmem>>, vector<1000x256xf32>
    %sub3A_487 = vector.broadcast %mul3A_481 : vector<1x256xf32> to vector<1000x256xf32>
    %sub3A_488 = arith.subf %get3A_486, %sub3A_487 : vector<1000x256xf32>
    %mul3A_489 = arith.mulf %sub3A_488, %sub3A_488 : vector<1000x256xf32>
    %reduce_sum3A_490 = arith.constant dense<0.000000e+00> : vector<256xf32>
    %reduce_sum3A_491 = vector.multi_reduction <add>, %mul3A_489, %reduce_sum3A_490 [0] : vector<1000x256xf32> to vector<256xf32>
    %broadcast_in_dim3A_492 = vector.shape_cast %reduce_sum3A_491 : vector<256xf32> to vector<1x256xf32>
    %add3A_493 = arith.addf %broadcast_in_dim3A_483, %broadcast_in_dim3A_492 : vector<1x256xf32>
    %get3A_494 = arith.constant 1000 : index
    %get3A_495 = arith.constant 0 : index
    %get3A_496 = vector.load %arg11[%get3A_494, %get3A_495] : memref<10000x256xf32, #tpu.memory_space<vmem>>, vector<1000x256xf32>
    %sub3A_497 = vector.broadcast %mul3A_481 : vector<1x256xf32> to vector<1000x256xf32>
    %sub3A_498 = arith.subf %get3A_496, %sub3A_497 : vector<1000x256xf32>
    %mul3A_499 = arith.mulf %sub3A_498, %sub3A_498 : vector<1000x256xf32>
    %reduce_sum3A_500 = arith.constant dense<0.000000e+00> : vector<256xf32>
    %reduce_sum3A_501 = vector.multi_reduction <add>, %mul3A_499, %reduce_sum3A_500 [0] : vector<1000x256xf32> to vector<256xf32>
    %broadcast_in_dim3A_502 = vector.shape_cast %reduce_sum3A_501 : vector<256xf32> to vector<1x256xf32>
    %add3A_503 = arith.addf %add3A_493, %broadcast_in_dim3A_502 : vector<1x256xf32>
    %get3A_504 = arith.constant 2000 : index
    %get3A_505 = arith.constant 0 : index
    %get3A_506 = vector.load %arg11[%get3A_504, %get3A_505] : memref<10000x256xf32, #tpu.memory_space<vmem>>, vector<1000x256xf32>
    %sub3A_507 = vector.broadcast %mul3A_481 : vector<1x256xf32> to vector<1000x256xf32>
    %sub3A_508 = arith.subf %get3A_506, %sub3A_507 : vector<1000x256xf32>
    %mul3A_509 = arith.mulf %sub3A_508, %sub3A_508 : vector<1000x256xf32>
    %reduce_sum3A_510 = arith.constant dense<0.000000e+00> : vector<256xf32>
    %reduce_sum3A_511 = vector.multi_reduction <add>, %mul3A_509, %reduce_sum3A_510 [0] : vector<1000x256xf32> to vector<256xf32>
    %broadcast_in_dim3A_512 = vector.shape_cast %reduce_sum3A_511 : vector<256xf32> to vector<1x256xf32>
    %add3A_513 = arith.addf %add3A_503, %broadcast_in_dim3A_512 : vector<1x256xf32>
    %get3A_514 = arith.constant 3000 : index
    %get3A_515 = arith.constant 0 : index
    %get3A_516 = vector.load %arg11[%get3A_514, %get3A_515] : memref<10000x256xf32, #tpu.memory_space<vmem>>, vector<1000x256xf32>
    %sub3A_517 = vector.broadcast %mul3A_481 : vector<1x256xf32> to vector<1000x256xf32>
    %sub3A_518 = arith.subf %get3A_516, %sub3A_517 : vector<1000x256xf32>
    %mul3A_519 = arith.mulf %sub3A_518, %sub3A_518 : vector<1000x256xf32>
    %reduce_sum3A_520 = arith.constant dense<0.000000e+00> : vector<256xf32>
    %reduce_sum3A_521 = vector.multi_reduction <add>, %mul3A_519, %reduce_sum3A_520 [0] : vector<1000x256xf32> to vector<256xf32>
    %broadcast_in_dim3A_522 = vector.shape_cast %reduce_sum3A_521 : vector<256xf32> to vector<1x256xf32>
    %add3A_523 = arith.addf %add3A_513, %broadcast_in_dim3A_522 : vector<1x256xf32>
    %get3A_524 = arith.constant 4000 : index
    %get3A_525 = arith.constant 0 : index
    %get3A_526 = vector.load %arg11[%get3A_524, %get3A_525] : memref<10000x256xf32, #tpu.memory_space<vmem>>, vector<1000x256xf32>
    %sub3A_527 = vector.broadcast %mul3A_481 : vector<1x256xf32> to vector<1000x256xf32>
    %sub3A_528 = arith.subf %get3A_526, %sub3A_527 : vector<1000x256xf32>
    %mul3A_529 = arith.mulf %sub3A_528, %sub3A_528 : vector<1000x256xf32>
    %reduce_sum3A_530 = arith.constant dense<0.000000e+00> : vector<256xf32>
    %reduce_sum3A_531 = vector.multi_reduction <add>, %mul3A_529, %reduce_sum3A_530 [0] : vector<1000x256xf32> to vector<256xf32>
    %broadcast_in_dim3A_532 = vector.shape_cast %reduce_sum3A_531 : vector<256xf32> to vector<1x256xf32>
    %add3A_533 = arith.addf %add3A_523, %broadcast_in_dim3A_532 : vector<1x256xf32>
    %get3A_534 = arith.constant 5000 : index
    %get3A_535 = arith.constant 0 : index
    %get3A_536 = vector.load %arg11[%get3A_534, %get3A_535] : memref<10000x256xf32, #tpu.memory_space<vmem>>, vector<1000x256xf32>
    %sub3A_537 = vector.broadcast %mul3A_481 : vector<1x256xf32> to vector<1000x256xf32>
    %sub3A_538 = arith.subf %get3A_536, %sub3A_537 : vector<1000x256xf32>
    %mul3A_539 = arith.mulf %sub3A_538, %sub3A_538 : vector<1000x256xf32>
    %reduce_sum3A_540 = arith.constant dense<0.000000e+00> : vector<256xf32>
    %reduce_sum3A_541 = vector.multi_reduction <add>, %mul3A_539, %reduce_sum3A_540 [0] : vector<1000x256xf32> to vector<256xf32>
    %broadcast_in_dim3A_542 = vector.shape_cast %reduce_sum3A_541 : vector<256xf32> to vector<1x256xf32>
    %add3A_543 = arith.addf %add3A_533, %broadcast_in_dim3A_542 : vector<1x256xf32>
    %get3A_544 = arith.constant 6000 : index
    %get3A_545 = arith.constant 0 : index
    %get3A_546 = vector.load %arg11[%get3A_544, %get3A_545] : memref<10000x256xf32, #tpu.memory_space<vmem>>, vector<1000x256xf32>
    %sub3A_547 = vector.broadcast %mul3A_481 : vector<1x256xf32> to vector<1000x256xf32>
    %sub3A_548 = arith.subf %get3A_546, %sub3A_547 : vector<1000x256xf32>
    %mul3A_549 = arith.mulf %sub3A_548, %sub3A_548 : vector<1000x256xf32>
    %reduce_sum3A_550 = arith.constant dense<0.000000e+00> : vector<256xf32>
    %reduce_sum3A_551 = vector.multi_reduction <add>, %mul3A_549, %reduce_sum3A_550 [0] : vector<1000x256xf32> to vector<256xf32>
    %broadcast_in_dim3A_552 = vector.shape_cast %reduce_sum3A_551 : vector<256xf32> to vector<1x256xf32>
    %add3A_553 = arith.addf %add3A_543, %broadcast_in_dim3A_552 : vector<1x256xf32>
    %get3A_554 = arith.constant 7000 : index
    %get3A_555 = arith.constant 0 : index
    %get3A_556 = vector.load %arg11[%get3A_554, %get3A_555] : memref<10000x256xf32, #tpu.memory_space<vmem>>, vector<1000x256xf32>
    %sub3A_557 = vector.broadcast %mul3A_481 : vector<1x256xf32> to vector<1000x256xf32>
    %sub3A_558 = arith.subf %get3A_556, %sub3A_557 : vector<1000x256xf32>
    %mul3A_559 = arith.mulf %sub3A_558, %sub3A_558 : vector<1000x256xf32>
    %reduce_sum3A_560 = arith.constant dense<0.000000e+00> : vector<256xf32>
    %reduce_sum3A_561 = vector.multi_reduction <add>, %mul3A_559, %reduce_sum3A_560 [0] : vector<1000x256xf32> to vector<256xf32>
    %broadcast_in_dim3A_562 = vector.shape_cast %reduce_sum3A_561 : vector<256xf32> to vector<1x256xf32>
    %add3A_563 = arith.addf %add3A_553, %broadcast_in_dim3A_562 : vector<1x256xf32>
    %get3A_564 = arith.constant 8000 : index
    %get3A_565 = arith.constant 0 : index
    %get3A_566 = vector.load %arg11[%get3A_564, %get3A_565] : memref<10000x256xf32, #tpu.memory_space<vmem>>, vector<1000x256xf32>
    %sub3A_567 = vector.broadcast %mul3A_481 : vector<1x256xf32> to vector<1000x256xf32>
    %sub3A_568 = arith.subf %get3A_566, %sub3A_567 : vector<1000x256xf32>
    %mul3A_569 = arith.mulf %sub3A_568, %sub3A_568 : vector<1000x256xf32>
    %reduce_sum3A_570 = arith.constant dense<0.000000e+00> : vector<256xf32>
    %reduce_sum3A_571 = vector.multi_reduction <add>, %mul3A_569, %reduce_sum3A_570 [0] : vector<1000x256xf32> to vector<256xf32>
    %broadcast_in_dim3A_572 = vector.shape_cast %reduce_sum3A_571 : vector<256xf32> to vector<1x256xf32>
    %add3A_573 = arith.addf %add3A_563, %broadcast_in_dim3A_572 : vector<1x256xf32>
    %get3A_574 = arith.constant 9000 : index
    %get3A_575 = arith.constant 0 : index
    %get3A_576 = vector.load %arg11[%get3A_574, %get3A_575] : memref<10000x256xf32, #tpu.memory_space<vmem>>, vector<1000x256xf32>
    %sub3A_577 = vector.broadcast %mul3A_481 : vector<1x256xf32> to vector<1000x256xf32>
    %sub3A_578 = arith.subf %get3A_576, %sub3A_577 : vector<1000x256xf32>
    %mul3A_579 = arith.mulf %sub3A_578, %sub3A_578 : vector<1000x256xf32>
    %reduce_sum3A_580 = arith.constant dense<0.000000e+00> : vector<256xf32>
    %reduce_sum3A_581 = vector.multi_reduction <add>, %mul3A_579, %reduce_sum3A_580 [0] : vector<1000x256xf32> to vector<256xf32>
    %broadcast_in_dim3A_582 = vector.shape_cast %reduce_sum3A_581 : vector<256xf32> to vector<1x256xf32>
    %add3A_583 = arith.addf %add3A_573, %broadcast_in_dim3A_582 : vector<1x256xf32>
    %mul3A_584 = arith.constant 9.99999974E-5 : f32
    %mul3A_585 = vector.broadcast %mul3A_584 : f32 to vector<1x256xf32>
    %mul3A_586 = arith.mulf %add3A_583, %mul3A_585 : vector<1x256xf32>
    %add3A_587 = arith.constant 9.99999974E-6 : f32
    %add3A_588 = vector.broadcast %add3A_587 : f32 to vector<1x256xf32>
    %add3A_589 = arith.addf %mul3A_586, %add3A_588 : vector<1x256xf32>
    %rsqrt3A = math.rsqrt %add3A_589 : vector<1x256xf32>
    %get3A_590 = arith.constant 0 : index
    %get3A_591 = vector.load %arg8[%get3A_590] : memref<256xf32, #tpu.memory_space<vmem>>, vector<256xf32>
    %broadcast_in_dim3A_592 = vector.shape_cast %get3A_591 : vector<256xf32> to vector<1x256xf32>
    %mul3A_593 = arith.mulf %rsqrt3A, %broadcast_in_dim3A_592 : vector<1x256xf32>
    %get3A_594 = arith.constant 0 : index
    %get3A_595 = vector.load %arg9[%get3A_594] : memref<256xf32, #tpu.memory_space<vmem>>, vector<256xf32>
    %broadcast_in_dim3A_596 = vector.shape_cast %get3A_595 : vector<256xf32> to vector<1x256xf32>
    %mul3A_597 = arith.mulf %mul3A_481, %mul3A_593 : vector<1x256xf32>
    %sub3A_598 = arith.subf %broadcast_in_dim3A_596, %mul3A_597 : vector<1x256xf32>
    %get3A_599 = arith.constant 0 : index
    %get3A_600 = arith.constant 0 : index
    %get3A_601 = vector.load %arg11[%get3A_599, %get3A_600] : memref<10000x256xf32, #tpu.memory_space<vmem>>, vector<1000x256xf32>
    %mul3A_602 = vector.broadcast %mul3A_593 : vector<1x256xf32> to vector<1000x256xf32>
    %mul3A_603 = arith.mulf %get3A_601, %mul3A_602 : vector<1000x256xf32>
    %add3A_604 = vector.broadcast %sub3A_598 : vector<1x256xf32> to vector<1000x256xf32>
    %add3A_605 = arith.addf %mul3A_603, %add3A_604 : vector<1000x256xf32>
    %max3A_606 = arith.constant 0.000000e+00 : f32
    %max3A_607 = vector.broadcast %max3A_606 : f32 to vector<1000x256xf32>
    %max3A_608 = arith.maximumf %add3A_605, %max3A_607 : vector<1000x256xf32>
    %slice3A = vector.extract_strided_slice %max3A_608 {offsets = [0, 0], sizes = [1000, 128], strides = [1, 1]} : vector<1000x256xf32> to vector<1000x128xf32>
    %swap3A_609 = arith.constant 0 : index
    %swap3A_610 = arith.constant 0 : index
    %swap3A_611 = vector.load %arg10[%swap3A_609, %swap3A_610] : memref<20000x128xf32, #tpu.memory_space<vmem>>, vector<1000x128xf32>
    tpu.vector_store %arg10[%swap3A_609, %swap3A_610], %slice3A {strides = array<i32>} : memref<20000x128xf32, #tpu.memory_space<vmem>>, vector<1000x128xf32>,
    %slice3A_612 = vector.extract_strided_slice %max3A_608 {offsets = [0, 128], sizes = [1000, 128], strides = [1, 1]} : vector<1000x256xf32> to vector<1000x128xf32>
    %swap3A_613 = arith.constant 10000 : index
    %swap3A_614 = arith.constant 0 : index
    %swap3A_615 = vector.load %arg10[%swap3A_613, %swap3A_614] : memref<20000x128xf32, #tpu.memory_space<vmem>>, vector<1000x128xf32>
    tpu.vector_store %arg10[%swap3A_613, %swap3A_614], %slice3A_612 {strides = array<i32>} : memref<20000x128xf32, #tpu.memory_space<vmem>>, vector<1000x128xf32>,
    %get3A_616 = arith.constant 1000 : index
    %get3A_617 = arith.constant 0 : index
    %get3A_618 = vector.load %arg11[%get3A_616, %get3A_617] : memref<10000x256xf32, #tpu.memory_space<vmem>>, vector<1000x256xf32>
    %mul3A_619 = vector.broadcast %mul3A_593 : vector<1x256xf32> to vector<1000x256xf32>
    %mul3A_620 = arith.mulf %get3A_618, %mul3A_619 : vector<1000x256xf32>
    %add3A_621 = vector.broadcast %sub3A_598 : vector<1x256xf32> to vector<1000x256xf32>
    %add3A_622 = arith.addf %mul3A_620, %add3A_621 : vector<1000x256xf32>
    %max3A_623 = arith.constant 0.000000e+00 : f32
    %max3A_624 = vector.broadcast %max3A_623 : f32 to vector<1000x256xf32>
    %max3A_625 = arith.maximumf %add3A_622, %max3A_624 : vector<1000x256xf32>
    %slice3A_626 = vector.extract_strided_slice %max3A_625 {offsets = [0, 0], sizes = [1000, 128], strides = [1, 1]} : vector<1000x256xf32> to vector<1000x128xf32>
    %swap3A_627 = arith.constant 1000 : index
    %swap3A_628 = arith.constant 0 : index
    %swap3A_629 = vector.load %arg10[%swap3A_627, %swap3A_628] : memref<20000x128xf32, #tpu.memory_space<vmem>>, vector<1000x128xf32>
    tpu.vector_store %arg10[%swap3A_627, %swap3A_628], %slice3A_626 {strides = array<i32>} : memref<20000x128xf32, #tpu.memory_space<vmem>>, vector<1000x128xf32>,
    %slice3A_630 = vector.extract_strided_slice %max3A_625 {offsets = [0, 128], sizes = [1000, 128], strides = [1, 1]} : vector<1000x256xf32> to vector<1000x128xf32>
    %swap3A_631 = arith.constant 11000 : index
    %swap3A_632 = arith.constant 0 : index
    %swap3A_633 = vector.load %arg10[%swap3A_631, %swap3A_632] : memref<20000x128xf32, #tpu.memory_space<vmem>>, vector<1000x128xf32>
    tpu.vector_store %arg10[%swap3A_631, %swap3A_632], %slice3A_630 {strides = array<i32>} : memref<20000x128xf32, #tpu.memory_space<vmem>>, vector<1000x128xf32>,
    %get3A_634 = arith.constant 2000 : index
    %get3A_635 = arith.constant 0 : index
    %get3A_636 = vector.load %arg11[%get3A_634, %get3A_635] : memref<10000x256xf32, #tpu.memory_space<vmem>>, vector<1000x256xf32>
    %mul3A_637 = vector.broadcast %mul3A_593 : vector<1x256xf32> to vector<1000x256xf32>
    %mul3A_638 = arith.mulf %get3A_636, %mul3A_637 : vector<1000x256xf32>
    %add3A_639 = vector.broadcast %sub3A_598 : vector<1x256xf32> to vector<1000x256xf32>
    %add3A_640 = arith.addf %mul3A_638, %add3A_639 : vector<1000x256xf32>
    %max3A_641 = arith.constant 0.000000e+00 : f32
    %max3A_642 = vector.broadcast %max3A_641 : f32 to vector<1000x256xf32>
    %max3A_643 = arith.maximumf %add3A_640, %max3A_642 : vector<1000x256xf32>
    %slice3A_644 = vector.extract_strided_slice %max3A_643 {offsets = [0, 0], sizes = [1000, 128], strides = [1, 1]} : vector<1000x256xf32> to vector<1000x128xf32>
    %swap3A_645 = arith.constant 2000 : index
    %swap3A_646 = arith.constant 0 : index
    %swap3A_647 = vector.load %arg10[%swap3A_645, %swap3A_646] : memref<20000x128xf32, #tpu.memory_space<vmem>>, vector<1000x128xf32>
    tpu.vector_store %arg10[%swap3A_645, %swap3A_646], %slice3A_644 {strides = array<i32>} : memref<20000x128xf32, #tpu.memory_space<vmem>>, vector<1000x128xf32>,
    %slice3A_648 = vector.extract_strided_slice %max3A_643 {offsets = [0, 128], sizes = [1000, 128], strides = [1, 1]} : vector<1000x256xf32> to vector<1000x128xf32>
    %swap3A_649 = arith.constant 12000 : index
    %swap3A_650 = arith.constant 0 : index
    %swap3A_651 = vector.load %arg10[%swap3A_649, %swap3A_650] : memref<20000x128xf32, #tpu.memory_space<vmem>>, vector<1000x128xf32>
    tpu.vector_store %arg10[%swap3A_649, %swap3A_650], %slice3A_648 {strides = array<i32>} : memref<20000x128xf32, #tpu.memory_space<vmem>>, vector<1000x128xf32>,
    %get3A_652 = arith.constant 3000 : index
    %get3A_653 = arith.constant 0 : index
    %get3A_654 = vector.load %arg11[%get3A_652, %get3A_653] : memref<10000x256xf32, #tpu.memory_space<vmem>>, vector<1000x256xf32>
    %mul3A_655 = vector.broadcast %mul3A_593 : vector<1x256xf32> to vector<1000x256xf32>
    %mul3A_656 = arith.mulf %get3A_654, %mul3A_655 : vector<1000x256xf32>
    %add3A_657 = vector.broadcast %sub3A_598 : vector<1x256xf32> to vector<1000x256xf32>
    %add3A_658 = arith.addf %mul3A_656, %add3A_657 : vector<1000x256xf32>
    %max3A_659 = arith.constant 0.000000e+00 : f32
    %max3A_660 = vector.broadcast %max3A_659 : f32 to vector<1000x256xf32>
    %max3A_661 = arith.maximumf %add3A_658, %max3A_660 : vector<1000x256xf32>
    %slice3A_662 = vector.extract_strided_slice %max3A_661 {offsets = [0, 0], sizes = [1000, 128], strides = [1, 1]} : vector<1000x256xf32> to vector<1000x128xf32>
    %swap3A_663 = arith.constant 3000 : index
    %swap3A_664 = arith.constant 0 : index
    %swap3A_665 = vector.load %arg10[%swap3A_663, %swap3A_664] : memref<20000x128xf32, #tpu.memory_space<vmem>>, vector<1000x128xf32>
    tpu.vector_store %arg10[%swap3A_663, %swap3A_664], %slice3A_662 {strides = array<i32>} : memref<20000x128xf32, #tpu.memory_space<vmem>>, vector<1000x128xf32>,
    %slice3A_666 = vector.extract_strided_slice %max3A_661 {offsets = [0, 128], sizes = [1000, 128], strides = [1, 1]} : vector<1000x256xf32> to vector<1000x128xf32>
    %swap3A_667 = arith.constant 13000 : index
    %swap3A_668 = arith.constant 0 : index
    %swap3A_669 = vector.load %arg10[%swap3A_667, %swap3A_668] : memref<20000x128xf32, #tpu.memory_space<vmem>>, vector<1000x128xf32>
    tpu.vector_store %arg10[%swap3A_667, %swap3A_668], %slice3A_666 {strides = array<i32>} : memref<20000x128xf32, #tpu.memory_space<vmem>>, vector<1000x128xf32>,
    %get3A_670 = arith.constant 4000 : index
    %get3A_671 = arith.constant 0 : index
    %get3A_672 = vector.load %arg11[%get3A_670, %get3A_671] : memref<10000x256xf32, #tpu.memory_space<vmem>>, vector<1000x256xf32>
    %mul3A_673 = vector.broadcast %mul3A_593 : vector<1x256xf32> to vector<1000x256xf32>
    %mul3A_674 = arith.mulf %get3A_672, %mul3A_673 : vector<1000x256xf32>
    %add3A_675 = vector.broadcast %sub3A_598 : vector<1x256xf32> to vector<1000x256xf32>
    %add3A_676 = arith.addf %mul3A_674, %add3A_675 : vector<1000x256xf32>
    %max3A_677 = arith.constant 0.000000e+00 : f32
    %max3A_678 = vector.broadcast %max3A_677 : f32 to vector<1000x256xf32>
    %max3A_679 = arith.maximumf %add3A_676, %max3A_678 : vector<1000x256xf32>
    %slice3A_680 = vector.extract_strided_slice %max3A_679 {offsets = [0, 0], sizes = [1000, 128], strides = [1, 1]} : vector<1000x256xf32> to vector<1000x128xf32>
    %swap3A_681 = arith.constant 4000 : index
    %swap3A_682 = arith.constant 0 : index
    %swap3A_683 = vector.load %arg10[%swap3A_681, %swap3A_682] : memref<20000x128xf32, #tpu.memory_space<vmem>>, vector<1000x128xf32>
    tpu.vector_store %arg10[%swap3A_681, %swap3A_682], %slice3A_680 {strides = array<i32>} : memref<20000x128xf32, #tpu.memory_space<vmem>>, vector<1000x128xf32>,
    %slice3A_684 = vector.extract_strided_slice %max3A_679 {offsets = [0, 128], sizes = [1000, 128], strides = [1, 1]} : vector<1000x256xf32> to vector<1000x128xf32>
    %swap3A_685 = arith.constant 14000 : index
    %swap3A_686 = arith.constant 0 : index
    %swap3A_687 = vector.load %arg10[%swap3A_685, %swap3A_686] : memref<20000x128xf32, #tpu.memory_space<vmem>>, vector<1000x128xf32>
    tpu.vector_store %arg10[%swap3A_685, %swap3A_686], %slice3A_684 {strides = array<i32>} : memref<20000x128xf32, #tpu.memory_space<vmem>>, vector<1000x128xf32>,
    %get3A_688 = arith.constant 5000 : index
    %get3A_689 = arith.constant 0 : index
    %get3A_690 = vector.load %arg11[%get3A_688, %get3A_689] : memref<10000x256xf32, #tpu.memory_space<vmem>>, vector<1000x256xf32>
    %mul3A_691 = vector.broadcast %mul3A_593 : vector<1x256xf32> to vector<1000x256xf32>
    %mul3A_692 = arith.mulf %get3A_690, %mul3A_691 : vector<1000x256xf32>
    %add3A_693 = vector.broadcast %sub3A_598 : vector<1x256xf32> to vector<1000x256xf32>
    %add3A_694 = arith.addf %mul3A_692, %add3A_693 : vector<1000x256xf32>
    %max3A_695 = arith.constant 0.000000e+00 : f32
    %max3A_696 = vector.broadcast %max3A_695 : f32 to vector<1000x256xf32>
    %max3A_697 = arith.maximumf %add3A_694, %max3A_696 : vector<1000x256xf32>
    %slice3A_698 = vector.extract_strided_slice %max3A_697 {offsets = [0, 0], sizes = [1000, 128], strides = [1, 1]} : vector<1000x256xf32> to vector<1000x128xf32>
    %swap3A_699 = arith.constant 5000 : index
    %swap3A_700 = arith.constant 0 : index
    %swap3A_701 = vector.load %arg10[%swap3A_699, %swap3A_700] : memref<20000x128xf32, #tpu.memory_space<vmem>>, vector<1000x128xf32>
    tpu.vector_store %arg10[%swap3A_699, %swap3A_700], %slice3A_698 {strides = array<i32>} : memref<20000x128xf32, #tpu.memory_space<vmem>>, vector<1000x128xf32>,
    %slice3A_702 = vector.extract_strided_slice %max3A_697 {offsets = [0, 128], sizes = [1000, 128], strides = [1, 1]} : vector<1000x256xf32> to vector<1000x128xf32>
    %swap3A_703 = arith.constant 15000 : index
    %swap3A_704 = arith.constant 0 : index
    %swap3A_705 = vector.load %arg10[%swap3A_703, %swap3A_704] : memref<20000x128xf32, #tpu.memory_space<vmem>>, vector<1000x128xf32>
    tpu.vector_store %arg10[%swap3A_703, %swap3A_704], %slice3A_702 {strides = array<i32>} : memref<20000x128xf32, #tpu.memory_space<vmem>>, vector<1000x128xf32>,
    %get3A_706 = arith.constant 6000 : index
    %get3A_707 = arith.constant 0 : index
    %get3A_708 = vector.load %arg11[%get3A_706, %get3A_707] : memref<10000x256xf32, #tpu.memory_space<vmem>>, vector<1000x256xf32>
    %mul3A_709 = vector.broadcast %mul3A_593 : vector<1x256xf32> to vector<1000x256xf32>
    %mul3A_710 = arith.mulf %get3A_708, %mul3A_709 : vector<1000x256xf32>
    %add3A_711 = vector.broadcast %sub3A_598 : vector<1x256xf32> to vector<1000x256xf32>
    %add3A_712 = arith.addf %mul3A_710, %add3A_711 : vector<1000x256xf32>
    %max3A_713 = arith.constant 0.000000e+00 : f32
    %max3A_714 = vector.broadcast %max3A_713 : f32 to vector<1000x256xf32>
    %max3A_715 = arith.maximumf %add3A_712, %max3A_714 : vector<1000x256xf32>
    %slice3A_716 = vector.extract_strided_slice %max3A_715 {offsets = [0, 0], sizes = [1000, 128], strides = [1, 1]} : vector<1000x256xf32> to vector<1000x128xf32>
    %swap3A_717 = arith.constant 6000 : index
    %swap3A_718 = arith.constant 0 : index
    %swap3A_719 = vector.load %arg10[%swap3A_717, %swap3A_718] : memref<20000x128xf32, #tpu.memory_space<vmem>>, vector<1000x128xf32>
    tpu.vector_store %arg10[%swap3A_717, %swap3A_718], %slice3A_716 {strides = array<i32>} : memref<20000x128xf32, #tpu.memory_space<vmem>>, vector<1000x128xf32>,
    %slice3A_720 = vector.extract_strided_slice %max3A_715 {offsets = [0, 128], sizes = [1000, 128], strides = [1, 1]} : vector<1000x256xf32> to vector<1000x128xf32>
    %swap3A_721 = arith.constant 16000 : index
    %swap3A_722 = arith.constant 0 : index
    %swap3A_723 = vector.load %arg10[%swap3A_721, %swap3A_722] : memref<20000x128xf32, #tpu.memory_space<vmem>>, vector<1000x128xf32>
    tpu.vector_store %arg10[%swap3A_721, %swap3A_722], %slice3A_720 {strides = array<i32>} : memref<20000x128xf32, #tpu.memory_space<vmem>>, vector<1000x128xf32>,
    %get3A_724 = arith.constant 7000 : index
    %get3A_725 = arith.constant 0 : index
    %get3A_726 = vector.load %arg11[%get3A_724, %get3A_725] : memref<10000x256xf32, #tpu.memory_space<vmem>>, vector<1000x256xf32>
    %mul3A_727 = vector.broadcast %mul3A_593 : vector<1x256xf32> to vector<1000x256xf32>
    %mul3A_728 = arith.mulf %get3A_726, %mul3A_727 : vector<1000x256xf32>
    %add3A_729 = vector.broadcast %sub3A_598 : vector<1x256xf32> to vector<1000x256xf32>
    %add3A_730 = arith.addf %mul3A_728, %add3A_729 : vector<1000x256xf32>
    %max3A_731 = arith.constant 0.000000e+00 : f32
    %max3A_732 = vector.broadcast %max3A_731 : f32 to vector<1000x256xf32>
    %max3A_733 = arith.maximumf %add3A_730, %max3A_732 : vector<1000x256xf32>
    %slice3A_734 = vector.extract_strided_slice %max3A_733 {offsets = [0, 0], sizes = [1000, 128], strides = [1, 1]} : vector<1000x256xf32> to vector<1000x128xf32>
    %swap3A_735 = arith.constant 7000 : index
    %swap3A_736 = arith.constant 0 : index
    %swap3A_737 = vector.load %arg10[%swap3A_735, %swap3A_736] : memref<20000x128xf32, #tpu.memory_space<vmem>>, vector<1000x128xf32>
    tpu.vector_store %arg10[%swap3A_735, %swap3A_736], %slice3A_734 {strides = array<i32>} : memref<20000x128xf32, #tpu.memory_space<vmem>>, vector<1000x128xf32>,
    %slice3A_738 = vector.extract_strided_slice %max3A_733 {offsets = [0, 128], sizes = [1000, 128], strides = [1, 1]} : vector<1000x256xf32> to vector<1000x128xf32>
    %swap3A_739 = arith.constant 17000 : index
    %swap3A_740 = arith.constant 0 : index
    %swap3A_741 = vector.load %arg10[%swap3A_739, %swap3A_740] : memref<20000x128xf32, #tpu.memory_space<vmem>>, vector<1000x128xf32>
    tpu.vector_store %arg10[%swap3A_739, %swap3A_740], %slice3A_738 {strides = array<i32>} : memref<20000x128xf32, #tpu.memory_space<vmem>>, vector<1000x128xf32>,
    %get3A_742 = arith.constant 8000 : index
    %get3A_743 = arith.constant 0 : index
    %get3A_744 = vector.load %arg11[%get3A_742, %get3A_743] : memref<10000x256xf32, #tpu.memory_space<vmem>>, vector<1000x256xf32>
    %mul3A_745 = vector.broadcast %mul3A_593 : vector<1x256xf32> to vector<1000x256xf32>
    %mul3A_746 = arith.mulf %get3A_744, %mul3A_745 : vector<1000x256xf32>
    %add3A_747 = vector.broadcast %sub3A_598 : vector<1x256xf32> to vector<1000x256xf32>
    %add3A_748 = arith.addf %mul3A_746, %add3A_747 : vector<1000x256xf32>
    %max3A_749 = arith.constant 0.000000e+00 : f32
    %max3A_750 = vector.broadcast %max3A_749 : f32 to vector<1000x256xf32>
    %max3A_751 = arith.maximumf %add3A_748, %max3A_750 : vector<1000x256xf32>
    %slice3A_752 = vector.extract_strided_slice %max3A_751 {offsets = [0, 0], sizes = [1000, 128], strides = [1, 1]} : vector<1000x256xf32> to vector<1000x128xf32>
    %swap3A_753 = arith.constant 8000 : index
    %swap3A_754 = arith.constant 0 : index
    %swap3A_755 = vector.load %arg10[%swap3A_753, %swap3A_754] : memref<20000x128xf32, #tpu.memory_space<vmem>>, vector<1000x128xf32>
    tpu.vector_store %arg10[%swap3A_753, %swap3A_754], %slice3A_752 {strides = array<i32>} : memref<20000x128xf32, #tpu.memory_space<vmem>>, vector<1000x128xf32>,
    %slice3A_756 = vector.extract_strided_slice %max3A_751 {offsets = [0, 128], sizes = [1000, 128], strides = [1, 1]} : vector<1000x256xf32> to vector<1000x128xf32>
    %swap3A_757 = arith.constant 18000 : index
    %swap3A_758 = arith.constant 0 : index
    %swap3A_759 = vector.load %arg10[%swap3A_757, %swap3A_758] : memref<20000x128xf32, #tpu.memory_space<vmem>>, vector<1000x128xf32>
    tpu.vector_store %arg10[%swap3A_757, %swap3A_758], %slice3A_756 {strides = array<i32>} : memref<20000x128xf32, #tpu.memory_space<vmem>>, vector<1000x128xf32>,
    %get3A_760 = arith.constant 9000 : index
    %get3A_761 = arith.constant 0 : index
    %get3A_762 = vector.load %arg11[%get3A_760, %get3A_761] : memref<10000x256xf32, #tpu.memory_space<vmem>>, vector<1000x256xf32>
    %mul3A_763 = vector.broadcast %mul3A_593 : vector<1x256xf32> to vector<1000x256xf32>
    %mul3A_764 = arith.mulf %get3A_762, %mul3A_763 : vector<1000x256xf32>
    %add3A_765 = vector.broadcast %sub3A_598 : vector<1x256xf32> to vector<1000x256xf32>
    %add3A_766 = arith.addf %mul3A_764, %add3A_765 : vector<1000x256xf32>
    %max3A_767 = arith.constant 0.000000e+00 : f32
    %max3A_768 = vector.broadcast %max3A_767 : f32 to vector<1000x256xf32>
    %max3A_769 = arith.maximumf %add3A_766, %max3A_768 : vector<1000x256xf32>
    %slice3A_770 = vector.extract_strided_slice %max3A_769 {offsets = [0, 0], sizes = [1000, 128], strides = [1, 1]} : vector<1000x256xf32> to vector<1000x128xf32>
    %swap3A_771 = arith.constant 9000 : index
    %swap3A_772 = arith.constant 0 : index
    %swap3A_773 = vector.load %arg10[%swap3A_771, %swap3A_772] : memref<20000x128xf32, #tpu.memory_space<vmem>>, vector<1000x128xf32>
    tpu.vector_store %arg10[%swap3A_771, %swap3A_772], %slice3A_770 {strides = array<i32>} : memref<20000x128xf32, #tpu.memory_space<vmem>>, vector<1000x128xf32>,
    %slice3A_774 = vector.extract_strided_slice %max3A_769 {offsets = [0, 128], sizes = [1000, 128], strides = [1, 1]} : vector<1000x256xf32> to vector<1000x128xf32>
    %swap3A_775 = arith.constant 19000 : index
    %swap3A_776 = arith.constant 0 : index
    %swap3A_777 = vector.load %arg10[%swap3A_775, %swap3A_776] : memref<20000x128xf32, #tpu.memory_space<vmem>>, vector<1000x128xf32>
    tpu.vector_store %arg10[%swap3A_775, %swap3A_776], %slice3A_774 {strides = array<i32>} : memref<20000x128xf32, #tpu.memory_space<vmem>>, vector<1000x128xf32>,
    return
  }
}

module attributes {stable_mosaic.version = 14 : i64} {
  func.func @_final_body(%arg0: memref<20224x128xf32, #tpu.memory_space<vmem>>, %arg1: memref<20000x128xf32, #tpu.memory_space<vmem>>, %arg2: memref<10000x128xf32, #tpu.memory_space<vmem>>, %arg3: memref<128x256xf32, #tpu.memory_space<vmem>>, %arg4: memref<256x512xf32, #tpu.memory_space<vmem>>, %arg5: memref<512xf32, #tpu.memory_space<vmem>>, %arg6: memref<512x256xf32, #tpu.memory_space<vmem>>, %arg7: memref<256xf32, #tpu.memory_space<vmem>>, %arg8: memref<256xf32, #tpu.memory_space<vmem>>, %arg9: memref<256xf32, #tpu.memory_space<vmem>>, %arg10: memref<10000xi32, #tpu.memory_space<vmem>>, %arg11: memref<256x1xf32, #tpu.memory_space<vmem>>, %arg12: memref<1xf32, #tpu.memory_space<vmem>>, %arg13: memref<64x1xf32, #tpu.memory_space<vmem>>, %arg14: memref<10000x256xf32, #tpu.memory_space<vmem>>, %arg15: memref<10000x256xf32, #tpu.memory_space<vmem>>) attributes {dimension_semantics = [], scalar_prefetch = 0 : i64, scratch_operands = 1 : i64, tpu.core_type = #tpu.core_type<tc>} {
    %get3A = arith.constant 0 : index
    %get3A_0 = arith.constant 0 : index
    %get3A_1 = vector.load %arg4[%get3A, %get3A_0] : memref<256x512xf32, #tpu.memory_space<vmem>>, vector<256x512xf32>
    %get3A_2 = arith.constant 0 : index
    %get3A_3 = arith.constant 0 : index
    %get3A_4 = vector.load %arg6[%get3A_2, %get3A_3] : memref<512x256xf32, #tpu.memory_space<vmem>>, vector<512x256xf32>
    %get3A_5 = arith.constant 0 : index
    %get3A_6 = vector.load %arg5[%get3A_5] : memref<512xf32, #tpu.memory_space<vmem>>, vector<512xf32>
    %broadcast_in_dim3A = vector.shape_cast %get3A_6 : vector<512xf32> to vector<1x512xf32>
    %get3A_7 = arith.constant 0 : index
    %get3A_8 = vector.load %arg7[%get3A_7] : memref<256xf32, #tpu.memory_space<vmem>>, vector<256xf32>
    %broadcast_in_dim3A_9 = vector.shape_cast %get3A_8 : vector<256xf32> to vector<1x256xf32>
    %get3A_10 = arith.constant 0 : index
    %get3A_11 = arith.constant 0 : index
    %get3A_12 = vector.load %arg3[%get3A_10, %get3A_11] : memref<128x256xf32, #tpu.memory_space<vmem>>, vector<128x256xf32>
    %get3A_13 = arith.constant 12 : index
    %get3A_14 = arith.constant 0 : index
    %get3A_15 = vector.load %arg3[%get3A_13, %get3A_14] : memref<128x256xf32, #tpu.memory_space<vmem>>, vector<1x256xf32>
    %broadcast_in_dim3A_16 = arith.constant 0.000000e+00 : f32
    %broadcast_in_dim3A_17 = vector.broadcast %broadcast_in_dim3A_16 : f32 to vector<1x256xf32>
    %get3A_18 = arith.constant 0 : index
    %get3A_19 = arith.constant 0 : index
    %get3A_20 = vector.load %arg0[%get3A_18, %get3A_19] : memref<20224x128xf32, #tpu.memory_space<vmem>>, vector<1000x128xf32>
    %get3A_21 = arith.constant 0 : index
    %get3A_22 = arith.constant 0 : index
    %get3A_23 = vector.load %arg1[%get3A_21, %get3A_22] : memref<20000x128xf32, #tpu.memory_space<vmem>>, vector<1000x128xf32>
    %add3A = arith.addf %get3A_20, %get3A_23 : vector<1000x128xf32>
    %get3A_24 = arith.constant 10112 : index
    %get3A_25 = arith.constant 0 : index
    %get3A_26 = vector.load %arg0[%get3A_24, %get3A_25] : memref<20224x128xf32, #tpu.memory_space<vmem>>, vector<1000x128xf32>
    %get3A_27 = arith.constant 10000 : index
    %get3A_28 = arith.constant 0 : index
    %get3A_29 = vector.load %arg1[%get3A_27, %get3A_28] : memref<20000x128xf32, #tpu.memory_space<vmem>>, vector<1000x128xf32>
    %add3A_30 = arith.addf %get3A_26, %get3A_29 : vector<1000x128xf32>
    %concatenate3A = tpu.concatenate %add3A, %add3A_30 in 1 : vector<1000x128xf32>, vector<1000x128xf32> -> vector<1000x256xf32>
    %get3A_31 = arith.constant 0 : index
    %get3A_32 = arith.constant 0 : index
    %get3A_33 = vector.load %arg2[%get3A_31, %get3A_32] : memref<10000x128xf32, #tpu.memory_space<vmem>>, vector<1000x128xf32>
    %convert_element_type3A = arith.truncf %get3A_12 : vector<128x256xf32> to vector<128x256xbf16>
    %convert_element_type3A_34 = arith.extf %convert_element_type3A : vector<128x256xbf16> to vector<128x256xf32>
    %sub3A = arith.subf %get3A_12, %convert_element_type3A_34 : vector<128x256xf32>
    %dot_general3A = arith.constant dense<0.000000e+00> : vector<1000x256xf32>
    %dot_general3A_35 = tpu.matmul %get3A_33, %convert_element_type3A_34, %dot_general3A {dimension_numbers = #tpu.dot_dimension_numbers<[1], [0], [0], [1], [0, 0, 1, 1], [], []>, transpose_lhs_hint = false} : vector<1000x128xf32>, vector<128x256xf32>, vector<1000x256xf32> -> vector<1000x256xf32>
    %dot_general3A_36 = arith.constant dense<0.000000e+00> : vector<1000x256xf32>
    %dot_general3A_37 = tpu.matmul %get3A_33, %sub3A, %dot_general3A_36 {dimension_numbers = #tpu.dot_dimension_numbers<[1], [0], [0], [1], [0, 0, 1, 1], [], []>, transpose_lhs_hint = false} : vector<1000x128xf32>, vector<128x256xf32>, vector<1000x256xf32> -> vector<1000x256xf32>
    %add3A_38 = arith.addf %dot_general3A_35, %dot_general3A_37 : vector<1000x256xf32>
    %add3A_39 = arith.addf %concatenate3A, %add3A_38 : vector<1000x256xf32>
    %add3A_40 = vector.broadcast %get3A_15 : vector<1x256xf32> to vector<1000x256xf32>
    %add3A_41 = arith.addf %add3A_39, %add3A_40 : vector<1000x256xf32>
    %dot_general3A_42 = arith.constant dense<0.000000e+00> : vector<1000x512xf32>
    %dot_general3A_43 = tpu.matmul %add3A_41, %get3A_1, %dot_general3A_42 {dimension_numbers = #tpu.dot_dimension_numbers<[1], [0], [0], [1], [0, 0, 1, 1], [], []>, transpose_lhs_hint = false} : vector<1000x256xf32>, vector<256x512xf32>, vector<1000x512xf32> -> vector<1000x512xf32>
    %add3A_44 = vector.broadcast %broadcast_in_dim3A : vector<1x512xf32> to vector<1000x512xf32>
    %add3A_45 = arith.addf %dot_general3A_43, %add3A_44 : vector<1000x512xf32>
    %max3A = arith.constant 0.000000e+00 : f32
    %max3A_46 = vector.broadcast %max3A : f32 to vector<1000x512xf32>
    %max3A_47 = arith.maximumf %add3A_45, %max3A_46 : vector<1000x512xf32>
    %dot_general3A_48 = arith.constant dense<0.000000e+00> : vector<1000x256xf32>
    %dot_general3A_49 = tpu.matmul %max3A_47, %get3A_4, %dot_general3A_48 {dimension_numbers = #tpu.dot_dimension_numbers<[1], [0], [0], [1], [0, 0, 1, 1], [], []>, transpose_lhs_hint = false} : vector<1000x512xf32>, vector<512x256xf32>, vector<1000x256xf32> -> vector<1000x256xf32>
    %add3A_50 = vector.broadcast %broadcast_in_dim3A_9 : vector<1x256xf32> to vector<1000x256xf32>
    %add3A_51 = arith.addf %dot_general3A_49, %add3A_50 : vector<1000x256xf32>
    %swap3A = arith.constant 0 : index
    %swap3A_52 = arith.constant 0 : index
    %swap3A_53 = vector.load %arg15[%swap3A, %swap3A_52] : memref<10000x256xf32, #tpu.memory_space<vmem>>, vector<1000x256xf32>
    tpu.vector_store %arg15[%swap3A, %swap3A_52], %add3A_51 {strides = array<i32>} : memref<10000x256xf32, #tpu.memory_space<vmem>>, vector<1000x256xf32>,
    %reduce_sum3A = arith.constant dense<0.000000e+00> : vector<256xf32>
    %reduce_sum3A_54 = vector.multi_reduction <add>, %add3A_51, %reduce_sum3A [0] : vector<1000x256xf32> to vector<256xf32>
    %broadcast_in_dim3A_55 = vector.shape_cast %reduce_sum3A_54 : vector<256xf32> to vector<1x256xf32>
    %add3A_56 = arith.addf %broadcast_in_dim3A_17, %broadcast_in_dim3A_55 : vector<1x256xf32>
    %get3A_57 = arith.constant 1000 : index
    %get3A_58 = arith.constant 0 : index
    %get3A_59 = vector.load %arg0[%get3A_57, %get3A_58] : memref<20224x128xf32, #tpu.memory_space<vmem>>, vector<1000x128xf32>
    %get3A_60 = arith.constant 1000 : index
    %get3A_61 = arith.constant 0 : index
    %get3A_62 = vector.load %arg1[%get3A_60, %get3A_61] : memref<20000x128xf32, #tpu.memory_space<vmem>>, vector<1000x128xf32>
    %add3A_63 = arith.addf %get3A_59, %get3A_62 : vector<1000x128xf32>
    %get3A_64 = arith.constant 11112 : index
    %get3A_65 = arith.constant 0 : index
    %get3A_66 = vector.load %arg0[%get3A_64, %get3A_65] : memref<20224x128xf32, #tpu.memory_space<vmem>>, vector<1000x128xf32>
    %get3A_67 = arith.constant 11000 : index
    %get3A_68 = arith.constant 0 : index
    %get3A_69 = vector.load %arg1[%get3A_67, %get3A_68] : memref<20000x128xf32, #tpu.memory_space<vmem>>, vector<1000x128xf32>
    %add3A_70 = arith.addf %get3A_66, %get3A_69 : vector<1000x128xf32>
    %concatenate3A_71 = tpu.concatenate %add3A_63, %add3A_70 in 1 : vector<1000x128xf32>, vector<1000x128xf32> -> vector<1000x256xf32>
    %get3A_72 = arith.constant 1000 : index
    %get3A_73 = arith.constant 0 : index
    %get3A_74 = vector.load %arg2[%get3A_72, %get3A_73] : memref<10000x128xf32, #tpu.memory_space<vmem>>, vector<1000x128xf32>
    %convert_element_type3A_75 = arith.truncf %get3A_12 : vector<128x256xf32> to vector<128x256xbf16>
    %convert_element_type3A_76 = arith.extf %convert_element_type3A_75 : vector<128x256xbf16> to vector<128x256xf32>
    %sub3A_77 = arith.subf %get3A_12, %convert_element_type3A_76 : vector<128x256xf32>
    %dot_general3A_78 = arith.constant dense<0.000000e+00> : vector<1000x256xf32>
    %dot_general3A_79 = tpu.matmul %get3A_74, %convert_element_type3A_76, %dot_general3A_78 {dimension_numbers = #tpu.dot_dimension_numbers<[1], [0], [0], [1], [0, 0, 1, 1], [], []>, transpose_lhs_hint = false} : vector<1000x128xf32>, vector<128x256xf32>, vector<1000x256xf32> -> vector<1000x256xf32>
    %dot_general3A_80 = arith.constant dense<0.000000e+00> : vector<1000x256xf32>
    %dot_general3A_81 = tpu.matmul %get3A_74, %sub3A_77, %dot_general3A_80 {dimension_numbers = #tpu.dot_dimension_numbers<[1], [0], [0], [1], [0, 0, 1, 1], [], []>, transpose_lhs_hint = false} : vector<1000x128xf32>, vector<128x256xf32>, vector<1000x256xf32> -> vector<1000x256xf32>
    %add3A_82 = arith.addf %dot_general3A_79, %dot_general3A_81 : vector<1000x256xf32>
    %add3A_83 = arith.addf %concatenate3A_71, %add3A_82 : vector<1000x256xf32>
    %add3A_84 = vector.broadcast %get3A_15 : vector<1x256xf32> to vector<1000x256xf32>
    %add3A_85 = arith.addf %add3A_83, %add3A_84 : vector<1000x256xf32>
    %dot_general3A_86 = arith.constant dense<0.000000e+00> : vector<1000x512xf32>
    %dot_general3A_87 = tpu.matmul %add3A_85, %get3A_1, %dot_general3A_86 {dimension_numbers = #tpu.dot_dimension_numbers<[1], [0], [0], [1], [0, 0, 1, 1], [], []>, transpose_lhs_hint = false} : vector<1000x256xf32>, vector<256x512xf32>, vector<1000x512xf32> -> vector<1000x512xf32>
    %add3A_88 = vector.broadcast %broadcast_in_dim3A : vector<1x512xf32> to vector<1000x512xf32>
    %add3A_89 = arith.addf %dot_general3A_87, %add3A_88 : vector<1000x512xf32>
    %max3A_90 = arith.constant 0.000000e+00 : f32
    %max3A_91 = vector.broadcast %max3A_90 : f32 to vector<1000x512xf32>
    %max3A_92 = arith.maximumf %add3A_89, %max3A_91 : vector<1000x512xf32>
    %dot_general3A_93 = arith.constant dense<0.000000e+00> : vector<1000x256xf32>
    %dot_general3A_94 = tpu.matmul %max3A_92, %get3A_4, %dot_general3A_93 {dimension_numbers = #tpu.dot_dimension_numbers<[1], [0], [0], [1], [0, 0, 1, 1], [], []>, transpose_lhs_hint = false} : vector<1000x512xf32>, vector<512x256xf32>, vector<1000x256xf32> -> vector<1000x256xf32>
    %add3A_95 = vector.broadcast %broadcast_in_dim3A_9 : vector<1x256xf32> to vector<1000x256xf32>
    %add3A_96 = arith.addf %dot_general3A_94, %add3A_95 : vector<1000x256xf32>
    %swap3A_97 = arith.constant 1000 : index
    %swap3A_98 = arith.constant 0 : index
    %swap3A_99 = vector.load %arg15[%swap3A_97, %swap3A_98] : memref<10000x256xf32, #tpu.memory_space<vmem>>, vector<1000x256xf32>
    tpu.vector_store %arg15[%swap3A_97, %swap3A_98], %add3A_96 {strides = array<i32>} : memref<10000x256xf32, #tpu.memory_space<vmem>>, vector<1000x256xf32>,
    %reduce_sum3A_100 = arith.constant dense<0.000000e+00> : vector<256xf32>
    %reduce_sum3A_101 = vector.multi_reduction <add>, %add3A_96, %reduce_sum3A_100 [0] : vector<1000x256xf32> to vector<256xf32>
    %broadcast_in_dim3A_102 = vector.shape_cast %reduce_sum3A_101 : vector<256xf32> to vector<1x256xf32>
    %add3A_103 = arith.addf %add3A_56, %broadcast_in_dim3A_102 : vector<1x256xf32>
    %get3A_104 = arith.constant 2000 : index
    %get3A_105 = arith.constant 0 : index
    %get3A_106 = vector.load %arg0[%get3A_104, %get3A_105] : memref<20224x128xf32, #tpu.memory_space<vmem>>, vector<1000x128xf32>
    %get3A_107 = arith.constant 2000 : index
    %get3A_108 = arith.constant 0 : index
    %get3A_109 = vector.load %arg1[%get3A_107, %get3A_108] : memref<20000x128xf32, #tpu.memory_space<vmem>>, vector<1000x128xf32>
    %add3A_110 = arith.addf %get3A_106, %get3A_109 : vector<1000x128xf32>
    %get3A_111 = arith.constant 12112 : index
    %get3A_112 = arith.constant 0 : index
    %get3A_113 = vector.load %arg0[%get3A_111, %get3A_112] : memref<20224x128xf32, #tpu.memory_space<vmem>>, vector<1000x128xf32>
    %get3A_114 = arith.constant 12000 : index
    %get3A_115 = arith.constant 0 : index
    %get3A_116 = vector.load %arg1[%get3A_114, %get3A_115] : memref<20000x128xf32, #tpu.memory_space<vmem>>, vector<1000x128xf32>
    %add3A_117 = arith.addf %get3A_113, %get3A_116 : vector<1000x128xf32>
    %concatenate3A_118 = tpu.concatenate %add3A_110, %add3A_117 in 1 : vector<1000x128xf32>, vector<1000x128xf32> -> vector<1000x256xf32>
    %get3A_119 = arith.constant 2000 : index
    %get3A_120 = arith.constant 0 : index
    %get3A_121 = vector.load %arg2[%get3A_119, %get3A_120] : memref<10000x128xf32, #tpu.memory_space<vmem>>, vector<1000x128xf32>
    %convert_element_type3A_122 = arith.truncf %get3A_12 : vector<128x256xf32> to vector<128x256xbf16>
    %convert_element_type3A_123 = arith.extf %convert_element_type3A_122 : vector<128x256xbf16> to vector<128x256xf32>
    %sub3A_124 = arith.subf %get3A_12, %convert_element_type3A_123 : vector<128x256xf32>
    %dot_general3A_125 = arith.constant dense<0.000000e+00> : vector<1000x256xf32>
    %dot_general3A_126 = tpu.matmul %get3A_121, %convert_element_type3A_123, %dot_general3A_125 {dimension_numbers = #tpu.dot_dimension_numbers<[1], [0], [0], [1], [0, 0, 1, 1], [], []>, transpose_lhs_hint = false} : vector<1000x128xf32>, vector<128x256xf32>, vector<1000x256xf32> -> vector<1000x256xf32>
    %dot_general3A_127 = arith.constant dense<0.000000e+00> : vector<1000x256xf32>
    %dot_general3A_128 = tpu.matmul %get3A_121, %sub3A_124, %dot_general3A_127 {dimension_numbers = #tpu.dot_dimension_numbers<[1], [0], [0], [1], [0, 0, 1, 1], [], []>, transpose_lhs_hint = false} : vector<1000x128xf32>, vector<128x256xf32>, vector<1000x256xf32> -> vector<1000x256xf32>
    %add3A_129 = arith.addf %dot_general3A_126, %dot_general3A_128 : vector<1000x256xf32>
    %add3A_130 = arith.addf %concatenate3A_118, %add3A_129 : vector<1000x256xf32>
    %add3A_131 = vector.broadcast %get3A_15 : vector<1x256xf32> to vector<1000x256xf32>
    %add3A_132 = arith.addf %add3A_130, %add3A_131 : vector<1000x256xf32>
    %dot_general3A_133 = arith.constant dense<0.000000e+00> : vector<1000x512xf32>
    %dot_general3A_134 = tpu.matmul %add3A_132, %get3A_1, %dot_general3A_133 {dimension_numbers = #tpu.dot_dimension_numbers<[1], [0], [0], [1], [0, 0, 1, 1], [], []>, transpose_lhs_hint = false} : vector<1000x256xf32>, vector<256x512xf32>, vector<1000x512xf32> -> vector<1000x512xf32>
    %add3A_135 = vector.broadcast %broadcast_in_dim3A : vector<1x512xf32> to vector<1000x512xf32>
    %add3A_136 = arith.addf %dot_general3A_134, %add3A_135 : vector<1000x512xf32>
    %max3A_137 = arith.constant 0.000000e+00 : f32
    %max3A_138 = vector.broadcast %max3A_137 : f32 to vector<1000x512xf32>
    %max3A_139 = arith.maximumf %add3A_136, %max3A_138 : vector<1000x512xf32>
    %dot_general3A_140 = arith.constant dense<0.000000e+00> : vector<1000x256xf32>
    %dot_general3A_141 = tpu.matmul %max3A_139, %get3A_4, %dot_general3A_140 {dimension_numbers = #tpu.dot_dimension_numbers<[1], [0], [0], [1], [0, 0, 1, 1], [], []>, transpose_lhs_hint = false} : vector<1000x512xf32>, vector<512x256xf32>, vector<1000x256xf32> -> vector<1000x256xf32>
    %add3A_142 = vector.broadcast %broadcast_in_dim3A_9 : vector<1x256xf32> to vector<1000x256xf32>
    %add3A_143 = arith.addf %dot_general3A_141, %add3A_142 : vector<1000x256xf32>
    %swap3A_144 = arith.constant 2000 : index
    %swap3A_145 = arith.constant 0 : index
    %swap3A_146 = vector.load %arg15[%swap3A_144, %swap3A_145] : memref<10000x256xf32, #tpu.memory_space<vmem>>, vector<1000x256xf32>
    tpu.vector_store %arg15[%swap3A_144, %swap3A_145], %add3A_143 {strides = array<i32>} : memref<10000x256xf32, #tpu.memory_space<vmem>>, vector<1000x256xf32>,
    %reduce_sum3A_147 = arith.constant dense<0.000000e+00> : vector<256xf32>
    %reduce_sum3A_148 = vector.multi_reduction <add>, %add3A_143, %reduce_sum3A_147 [0] : vector<1000x256xf32> to vector<256xf32>
    %broadcast_in_dim3A_149 = vector.shape_cast %reduce_sum3A_148 : vector<256xf32> to vector<1x256xf32>
    %add3A_150 = arith.addf %add3A_103, %broadcast_in_dim3A_149 : vector<1x256xf32>
    %get3A_151 = arith.constant 3000 : index
    %get3A_152 = arith.constant 0 : index
    %get3A_153 = vector.load %arg0[%get3A_151, %get3A_152] : memref<20224x128xf32, #tpu.memory_space<vmem>>, vector<1000x128xf32>
    %get3A_154 = arith.constant 3000 : index
    %get3A_155 = arith.constant 0 : index
    %get3A_156 = vector.load %arg1[%get3A_154, %get3A_155] : memref<20000x128xf32, #tpu.memory_space<vmem>>, vector<1000x128xf32>
    %add3A_157 = arith.addf %get3A_153, %get3A_156 : vector<1000x128xf32>
    %get3A_158 = arith.constant 13112 : index
    %get3A_159 = arith.constant 0 : index
    %get3A_160 = vector.load %arg0[%get3A_158, %get3A_159] : memref<20224x128xf32, #tpu.memory_space<vmem>>, vector<1000x128xf32>
    %get3A_161 = arith.constant 13000 : index
    %get3A_162 = arith.constant 0 : index
    %get3A_163 = vector.load %arg1[%get3A_161, %get3A_162] : memref<20000x128xf32, #tpu.memory_space<vmem>>, vector<1000x128xf32>
    %add3A_164 = arith.addf %get3A_160, %get3A_163 : vector<1000x128xf32>
    %concatenate3A_165 = tpu.concatenate %add3A_157, %add3A_164 in 1 : vector<1000x128xf32>, vector<1000x128xf32> -> vector<1000x256xf32>
    %get3A_166 = arith.constant 3000 : index
    %get3A_167 = arith.constant 0 : index
    %get3A_168 = vector.load %arg2[%get3A_166, %get3A_167] : memref<10000x128xf32, #tpu.memory_space<vmem>>, vector<1000x128xf32>
    %convert_element_type3A_169 = arith.truncf %get3A_12 : vector<128x256xf32> to vector<128x256xbf16>
    %convert_element_type3A_170 = arith.extf %convert_element_type3A_169 : vector<128x256xbf16> to vector<128x256xf32>
    %sub3A_171 = arith.subf %get3A_12, %convert_element_type3A_170 : vector<128x256xf32>
    %dot_general3A_172 = arith.constant dense<0.000000e+00> : vector<1000x256xf32>
    %dot_general3A_173 = tpu.matmul %get3A_168, %convert_element_type3A_170, %dot_general3A_172 {dimension_numbers = #tpu.dot_dimension_numbers<[1], [0], [0], [1], [0, 0, 1, 1], [], []>, transpose_lhs_hint = false} : vector<1000x128xf32>, vector<128x256xf32>, vector<1000x256xf32> -> vector<1000x256xf32>
    %dot_general3A_174 = arith.constant dense<0.000000e+00> : vector<1000x256xf32>
    %dot_general3A_175 = tpu.matmul %get3A_168, %sub3A_171, %dot_general3A_174 {dimension_numbers = #tpu.dot_dimension_numbers<[1], [0], [0], [1], [0, 0, 1, 1], [], []>, transpose_lhs_hint = false} : vector<1000x128xf32>, vector<128x256xf32>, vector<1000x256xf32> -> vector<1000x256xf32>
    %add3A_176 = arith.addf %dot_general3A_173, %dot_general3A_175 : vector<1000x256xf32>
    %add3A_177 = arith.addf %concatenate3A_165, %add3A_176 : vector<1000x256xf32>
    %add3A_178 = vector.broadcast %get3A_15 : vector<1x256xf32> to vector<1000x256xf32>
    %add3A_179 = arith.addf %add3A_177, %add3A_178 : vector<1000x256xf32>
    %dot_general3A_180 = arith.constant dense<0.000000e+00> : vector<1000x512xf32>
    %dot_general3A_181 = tpu.matmul %add3A_179, %get3A_1, %dot_general3A_180 {dimension_numbers = #tpu.dot_dimension_numbers<[1], [0], [0], [1], [0, 0, 1, 1], [], []>, transpose_lhs_hint = false} : vector<1000x256xf32>, vector<256x512xf32>, vector<1000x512xf32> -> vector<1000x512xf32>
    %add3A_182 = vector.broadcast %broadcast_in_dim3A : vector<1x512xf32> to vector<1000x512xf32>
    %add3A_183 = arith.addf %dot_general3A_181, %add3A_182 : vector<1000x512xf32>
    %max3A_184 = arith.constant 0.000000e+00 : f32
    %max3A_185 = vector.broadcast %max3A_184 : f32 to vector<1000x512xf32>
    %max3A_186 = arith.maximumf %add3A_183, %max3A_185 : vector<1000x512xf32>
    %dot_general3A_187 = arith.constant dense<0.000000e+00> : vector<1000x256xf32>
    %dot_general3A_188 = tpu.matmul %max3A_186, %get3A_4, %dot_general3A_187 {dimension_numbers = #tpu.dot_dimension_numbers<[1], [0], [0], [1], [0, 0, 1, 1], [], []>, transpose_lhs_hint = false} : vector<1000x512xf32>, vector<512x256xf32>, vector<1000x256xf32> -> vector<1000x256xf32>
    %add3A_189 = vector.broadcast %broadcast_in_dim3A_9 : vector<1x256xf32> to vector<1000x256xf32>
    %add3A_190 = arith.addf %dot_general3A_188, %add3A_189 : vector<1000x256xf32>
    %swap3A_191 = arith.constant 3000 : index
    %swap3A_192 = arith.constant 0 : index
    %swap3A_193 = vector.load %arg15[%swap3A_191, %swap3A_192] : memref<10000x256xf32, #tpu.memory_space<vmem>>, vector<1000x256xf32>
    tpu.vector_store %arg15[%swap3A_191, %swap3A_192], %add3A_190 {strides = array<i32>} : memref<10000x256xf32, #tpu.memory_space<vmem>>, vector<1000x256xf32>,
    %reduce_sum3A_194 = arith.constant dense<0.000000e+00> : vector<256xf32>
    %reduce_sum3A_195 = vector.multi_reduction <add>, %add3A_190, %reduce_sum3A_194 [0] : vector<1000x256xf32> to vector<256xf32>
    %broadcast_in_dim3A_196 = vector.shape_cast %reduce_sum3A_195 : vector<256xf32> to vector<1x256xf32>
    %add3A_197 = arith.addf %add3A_150, %broadcast_in_dim3A_196 : vector<1x256xf32>
    %get3A_198 = arith.constant 4000 : index
    %get3A_199 = arith.constant 0 : index
    %get3A_200 = vector.load %arg0[%get3A_198, %get3A_199] : memref<20224x128xf32, #tpu.memory_space<vmem>>, vector<1000x128xf32>
    %get3A_201 = arith.constant 4000 : index
    %get3A_202 = arith.constant 0 : index
    %get3A_203 = vector.load %arg1[%get3A_201, %get3A_202] : memref<20000x128xf32, #tpu.memory_space<vmem>>, vector<1000x128xf32>
    %add3A_204 = arith.addf %get3A_200, %get3A_203 : vector<1000x128xf32>
    %get3A_205 = arith.constant 14112 : index
    %get3A_206 = arith.constant 0 : index
    %get3A_207 = vector.load %arg0[%get3A_205, %get3A_206] : memref<20224x128xf32, #tpu.memory_space<vmem>>, vector<1000x128xf32>
    %get3A_208 = arith.constant 14000 : index
    %get3A_209 = arith.constant 0 : index
    %get3A_210 = vector.load %arg1[%get3A_208, %get3A_209] : memref<20000x128xf32, #tpu.memory_space<vmem>>, vector<1000x128xf32>
    %add3A_211 = arith.addf %get3A_207, %get3A_210 : vector<1000x128xf32>
    %concatenate3A_212 = tpu.concatenate %add3A_204, %add3A_211 in 1 : vector<1000x128xf32>, vector<1000x128xf32> -> vector<1000x256xf32>
    %get3A_213 = arith.constant 4000 : index
    %get3A_214 = arith.constant 0 : index
    %get3A_215 = vector.load %arg2[%get3A_213, %get3A_214] : memref<10000x128xf32, #tpu.memory_space<vmem>>, vector<1000x128xf32>
    %convert_element_type3A_216 = arith.truncf %get3A_12 : vector<128x256xf32> to vector<128x256xbf16>
    %convert_element_type3A_217 = arith.extf %convert_element_type3A_216 : vector<128x256xbf16> to vector<128x256xf32>
    %sub3A_218 = arith.subf %get3A_12, %convert_element_type3A_217 : vector<128x256xf32>
    %dot_general3A_219 = arith.constant dense<0.000000e+00> : vector<1000x256xf32>
    %dot_general3A_220 = tpu.matmul %get3A_215, %convert_element_type3A_217, %dot_general3A_219 {dimension_numbers = #tpu.dot_dimension_numbers<[1], [0], [0], [1], [0, 0, 1, 1], [], []>, transpose_lhs_hint = false} : vector<1000x128xf32>, vector<128x256xf32>, vector<1000x256xf32> -> vector<1000x256xf32>
    %dot_general3A_221 = arith.constant dense<0.000000e+00> : vector<1000x256xf32>
    %dot_general3A_222 = tpu.matmul %get3A_215, %sub3A_218, %dot_general3A_221 {dimension_numbers = #tpu.dot_dimension_numbers<[1], [0], [0], [1], [0, 0, 1, 1], [], []>, transpose_lhs_hint = false} : vector<1000x128xf32>, vector<128x256xf32>, vector<1000x256xf32> -> vector<1000x256xf32>
    %add3A_223 = arith.addf %dot_general3A_220, %dot_general3A_222 : vector<1000x256xf32>
    %add3A_224 = arith.addf %concatenate3A_212, %add3A_223 : vector<1000x256xf32>
    %add3A_225 = vector.broadcast %get3A_15 : vector<1x256xf32> to vector<1000x256xf32>
    %add3A_226 = arith.addf %add3A_224, %add3A_225 : vector<1000x256xf32>
    %dot_general3A_227 = arith.constant dense<0.000000e+00> : vector<1000x512xf32>
    %dot_general3A_228 = tpu.matmul %add3A_226, %get3A_1, %dot_general3A_227 {dimension_numbers = #tpu.dot_dimension_numbers<[1], [0], [0], [1], [0, 0, 1, 1], [], []>, transpose_lhs_hint = false} : vector<1000x256xf32>, vector<256x512xf32>, vector<1000x512xf32> -> vector<1000x512xf32>
    %add3A_229 = vector.broadcast %broadcast_in_dim3A : vector<1x512xf32> to vector<1000x512xf32>
    %add3A_230 = arith.addf %dot_general3A_228, %add3A_229 : vector<1000x512xf32>
    %max3A_231 = arith.constant 0.000000e+00 : f32
    %max3A_232 = vector.broadcast %max3A_231 : f32 to vector<1000x512xf32>
    %max3A_233 = arith.maximumf %add3A_230, %max3A_232 : vector<1000x512xf32>
    %dot_general3A_234 = arith.constant dense<0.000000e+00> : vector<1000x256xf32>
    %dot_general3A_235 = tpu.matmul %max3A_233, %get3A_4, %dot_general3A_234 {dimension_numbers = #tpu.dot_dimension_numbers<[1], [0], [0], [1], [0, 0, 1, 1], [], []>, transpose_lhs_hint = false} : vector<1000x512xf32>, vector<512x256xf32>, vector<1000x256xf32> -> vector<1000x256xf32>
    %add3A_236 = vector.broadcast %broadcast_in_dim3A_9 : vector<1x256xf32> to vector<1000x256xf32>
    %add3A_237 = arith.addf %dot_general3A_235, %add3A_236 : vector<1000x256xf32>
    %swap3A_238 = arith.constant 4000 : index
    %swap3A_239 = arith.constant 0 : index
    %swap3A_240 = vector.load %arg15[%swap3A_238, %swap3A_239] : memref<10000x256xf32, #tpu.memory_space<vmem>>, vector<1000x256xf32>
    tpu.vector_store %arg15[%swap3A_238, %swap3A_239], %add3A_237 {strides = array<i32>} : memref<10000x256xf32, #tpu.memory_space<vmem>>, vector<1000x256xf32>,
    %reduce_sum3A_241 = arith.constant dense<0.000000e+00> : vector<256xf32>
    %reduce_sum3A_242 = vector.multi_reduction <add>, %add3A_237, %reduce_sum3A_241 [0] : vector<1000x256xf32> to vector<256xf32>
    %broadcast_in_dim3A_243 = vector.shape_cast %reduce_sum3A_242 : vector<256xf32> to vector<1x256xf32>
    %add3A_244 = arith.addf %add3A_197, %broadcast_in_dim3A_243 : vector<1x256xf32>
    %get3A_245 = arith.constant 5000 : index
    %get3A_246 = arith.constant 0 : index
    %get3A_247 = vector.load %arg0[%get3A_245, %get3A_246] : memref<20224x128xf32, #tpu.memory_space<vmem>>, vector<1000x128xf32>
    %get3A_248 = arith.constant 5000 : index
    %get3A_249 = arith.constant 0 : index
    %get3A_250 = vector.load %arg1[%get3A_248, %get3A_249] : memref<20000x128xf32, #tpu.memory_space<vmem>>, vector<1000x128xf32>
    %add3A_251 = arith.addf %get3A_247, %get3A_250 : vector<1000x128xf32>
    %get3A_252 = arith.constant 15112 : index
    %get3A_253 = arith.constant 0 : index
    %get3A_254 = vector.load %arg0[%get3A_252, %get3A_253] : memref<20224x128xf32, #tpu.memory_space<vmem>>, vector<1000x128xf32>
    %get3A_255 = arith.constant 15000 : index
    %get3A_256 = arith.constant 0 : index
    %get3A_257 = vector.load %arg1[%get3A_255, %get3A_256] : memref<20000x128xf32, #tpu.memory_space<vmem>>, vector<1000x128xf32>
    %add3A_258 = arith.addf %get3A_254, %get3A_257 : vector<1000x128xf32>
    %concatenate3A_259 = tpu.concatenate %add3A_251, %add3A_258 in 1 : vector<1000x128xf32>, vector<1000x128xf32> -> vector<1000x256xf32>
    %get3A_260 = arith.constant 5000 : index
    %get3A_261 = arith.constant 0 : index
    %get3A_262 = vector.load %arg2[%get3A_260, %get3A_261] : memref<10000x128xf32, #tpu.memory_space<vmem>>, vector<1000x128xf32>
    %convert_element_type3A_263 = arith.truncf %get3A_12 : vector<128x256xf32> to vector<128x256xbf16>
    %convert_element_type3A_264 = arith.extf %convert_element_type3A_263 : vector<128x256xbf16> to vector<128x256xf32>
    %sub3A_265 = arith.subf %get3A_12, %convert_element_type3A_264 : vector<128x256xf32>
    %dot_general3A_266 = arith.constant dense<0.000000e+00> : vector<1000x256xf32>
    %dot_general3A_267 = tpu.matmul %get3A_262, %convert_element_type3A_264, %dot_general3A_266 {dimension_numbers = #tpu.dot_dimension_numbers<[1], [0], [0], [1], [0, 0, 1, 1], [], []>, transpose_lhs_hint = false} : vector<1000x128xf32>, vector<128x256xf32>, vector<1000x256xf32> -> vector<1000x256xf32>
    %dot_general3A_268 = arith.constant dense<0.000000e+00> : vector<1000x256xf32>
    %dot_general3A_269 = tpu.matmul %get3A_262, %sub3A_265, %dot_general3A_268 {dimension_numbers = #tpu.dot_dimension_numbers<[1], [0], [0], [1], [0, 0, 1, 1], [], []>, transpose_lhs_hint = false} : vector<1000x128xf32>, vector<128x256xf32>, vector<1000x256xf32> -> vector<1000x256xf32>
    %add3A_270 = arith.addf %dot_general3A_267, %dot_general3A_269 : vector<1000x256xf32>
    %add3A_271 = arith.addf %concatenate3A_259, %add3A_270 : vector<1000x256xf32>
    %add3A_272 = vector.broadcast %get3A_15 : vector<1x256xf32> to vector<1000x256xf32>
    %add3A_273 = arith.addf %add3A_271, %add3A_272 : vector<1000x256xf32>
    %dot_general3A_274 = arith.constant dense<0.000000e+00> : vector<1000x512xf32>
    %dot_general3A_275 = tpu.matmul %add3A_273, %get3A_1, %dot_general3A_274 {dimension_numbers = #tpu.dot_dimension_numbers<[1], [0], [0], [1], [0, 0, 1, 1], [], []>, transpose_lhs_hint = false} : vector<1000x256xf32>, vector<256x512xf32>, vector<1000x512xf32> -> vector<1000x512xf32>
    %add3A_276 = vector.broadcast %broadcast_in_dim3A : vector<1x512xf32> to vector<1000x512xf32>
    %add3A_277 = arith.addf %dot_general3A_275, %add3A_276 : vector<1000x512xf32>
    %max3A_278 = arith.constant 0.000000e+00 : f32
    %max3A_279 = vector.broadcast %max3A_278 : f32 to vector<1000x512xf32>
    %max3A_280 = arith.maximumf %add3A_277, %max3A_279 : vector<1000x512xf32>
    %dot_general3A_281 = arith.constant dense<0.000000e+00> : vector<1000x256xf32>
    %dot_general3A_282 = tpu.matmul %max3A_280, %get3A_4, %dot_general3A_281 {dimension_numbers = #tpu.dot_dimension_numbers<[1], [0], [0], [1], [0, 0, 1, 1], [], []>, transpose_lhs_hint = false} : vector<1000x512xf32>, vector<512x256xf32>, vector<1000x256xf32> -> vector<1000x256xf32>
    %add3A_283 = vector.broadcast %broadcast_in_dim3A_9 : vector<1x256xf32> to vector<1000x256xf32>
    %add3A_284 = arith.addf %dot_general3A_282, %add3A_283 : vector<1000x256xf32>
    %swap3A_285 = arith.constant 5000 : index
    %swap3A_286 = arith.constant 0 : index
    %swap3A_287 = vector.load %arg15[%swap3A_285, %swap3A_286] : memref<10000x256xf32, #tpu.memory_space<vmem>>, vector<1000x256xf32>
    tpu.vector_store %arg15[%swap3A_285, %swap3A_286], %add3A_284 {strides = array<i32>} : memref<10000x256xf32, #tpu.memory_space<vmem>>, vector<1000x256xf32>,
    %reduce_sum3A_288 = arith.constant dense<0.000000e+00> : vector<256xf32>
    %reduce_sum3A_289 = vector.multi_reduction <add>, %add3A_284, %reduce_sum3A_288 [0] : vector<1000x256xf32> to vector<256xf32>
    %broadcast_in_dim3A_290 = vector.shape_cast %reduce_sum3A_289 : vector<256xf32> to vector<1x256xf32>
    %add3A_291 = arith.addf %add3A_244, %broadcast_in_dim3A_290 : vector<1x256xf32>
    %get3A_292 = arith.constant 6000 : index
    %get3A_293 = arith.constant 0 : index
    %get3A_294 = vector.load %arg0[%get3A_292, %get3A_293] : memref<20224x128xf32, #tpu.memory_space<vmem>>, vector<1000x128xf32>
    %get3A_295 = arith.constant 6000 : index
    %get3A_296 = arith.constant 0 : index
    %get3A_297 = vector.load %arg1[%get3A_295, %get3A_296] : memref<20000x128xf32, #tpu.memory_space<vmem>>, vector<1000x128xf32>
    %add3A_298 = arith.addf %get3A_294, %get3A_297 : vector<1000x128xf32>
    %get3A_299 = arith.constant 16112 : index
    %get3A_300 = arith.constant 0 : index
    %get3A_301 = vector.load %arg0[%get3A_299, %get3A_300] : memref<20224x128xf32, #tpu.memory_space<vmem>>, vector<1000x128xf32>
    %get3A_302 = arith.constant 16000 : index
    %get3A_303 = arith.constant 0 : index
    %get3A_304 = vector.load %arg1[%get3A_302, %get3A_303] : memref<20000x128xf32, #tpu.memory_space<vmem>>, vector<1000x128xf32>
    %add3A_305 = arith.addf %get3A_301, %get3A_304 : vector<1000x128xf32>
    %concatenate3A_306 = tpu.concatenate %add3A_298, %add3A_305 in 1 : vector<1000x128xf32>, vector<1000x128xf32> -> vector<1000x256xf32>
    %get3A_307 = arith.constant 6000 : index
    %get3A_308 = arith.constant 0 : index
    %get3A_309 = vector.load %arg2[%get3A_307, %get3A_308] : memref<10000x128xf32, #tpu.memory_space<vmem>>, vector<1000x128xf32>
    %convert_element_type3A_310 = arith.truncf %get3A_12 : vector<128x256xf32> to vector<128x256xbf16>
    %convert_element_type3A_311 = arith.extf %convert_element_type3A_310 : vector<128x256xbf16> to vector<128x256xf32>
    %sub3A_312 = arith.subf %get3A_12, %convert_element_type3A_311 : vector<128x256xf32>
    %dot_general3A_313 = arith.constant dense<0.000000e+00> : vector<1000x256xf32>
    %dot_general3A_314 = tpu.matmul %get3A_309, %convert_element_type3A_311, %dot_general3A_313 {dimension_numbers = #tpu.dot_dimension_numbers<[1], [0], [0], [1], [0, 0, 1, 1], [], []>, transpose_lhs_hint = false} : vector<1000x128xf32>, vector<128x256xf32>, vector<1000x256xf32> -> vector<1000x256xf32>
    %dot_general3A_315 = arith.constant dense<0.000000e+00> : vector<1000x256xf32>
    %dot_general3A_316 = tpu.matmul %get3A_309, %sub3A_312, %dot_general3A_315 {dimension_numbers = #tpu.dot_dimension_numbers<[1], [0], [0], [1], [0, 0, 1, 1], [], []>, transpose_lhs_hint = false} : vector<1000x128xf32>, vector<128x256xf32>, vector<1000x256xf32> -> vector<1000x256xf32>
    %add3A_317 = arith.addf %dot_general3A_314, %dot_general3A_316 : vector<1000x256xf32>
    %add3A_318 = arith.addf %concatenate3A_306, %add3A_317 : vector<1000x256xf32>
    %add3A_319 = vector.broadcast %get3A_15 : vector<1x256xf32> to vector<1000x256xf32>
    %add3A_320 = arith.addf %add3A_318, %add3A_319 : vector<1000x256xf32>
    %dot_general3A_321 = arith.constant dense<0.000000e+00> : vector<1000x512xf32>
    %dot_general3A_322 = tpu.matmul %add3A_320, %get3A_1, %dot_general3A_321 {dimension_numbers = #tpu.dot_dimension_numbers<[1], [0], [0], [1], [0, 0, 1, 1], [], []>, transpose_lhs_hint = false} : vector<1000x256xf32>, vector<256x512xf32>, vector<1000x512xf32> -> vector<1000x512xf32>
    %add3A_323 = vector.broadcast %broadcast_in_dim3A : vector<1x512xf32> to vector<1000x512xf32>
    %add3A_324 = arith.addf %dot_general3A_322, %add3A_323 : vector<1000x512xf32>
    %max3A_325 = arith.constant 0.000000e+00 : f32
    %max3A_326 = vector.broadcast %max3A_325 : f32 to vector<1000x512xf32>
    %max3A_327 = arith.maximumf %add3A_324, %max3A_326 : vector<1000x512xf32>
    %dot_general3A_328 = arith.constant dense<0.000000e+00> : vector<1000x256xf32>
    %dot_general3A_329 = tpu.matmul %max3A_327, %get3A_4, %dot_general3A_328 {dimension_numbers = #tpu.dot_dimension_numbers<[1], [0], [0], [1], [0, 0, 1, 1], [], []>, transpose_lhs_hint = false} : vector<1000x512xf32>, vector<512x256xf32>, vector<1000x256xf32> -> vector<1000x256xf32>
    %add3A_330 = vector.broadcast %broadcast_in_dim3A_9 : vector<1x256xf32> to vector<1000x256xf32>
    %add3A_331 = arith.addf %dot_general3A_329, %add3A_330 : vector<1000x256xf32>
    %swap3A_332 = arith.constant 6000 : index
    %swap3A_333 = arith.constant 0 : index
    %swap3A_334 = vector.load %arg15[%swap3A_332, %swap3A_333] : memref<10000x256xf32, #tpu.memory_space<vmem>>, vector<1000x256xf32>
    tpu.vector_store %arg15[%swap3A_332, %swap3A_333], %add3A_331 {strides = array<i32>} : memref<10000x256xf32, #tpu.memory_space<vmem>>, vector<1000x256xf32>,
    %reduce_sum3A_335 = arith.constant dense<0.000000e+00> : vector<256xf32>
    %reduce_sum3A_336 = vector.multi_reduction <add>, %add3A_331, %reduce_sum3A_335 [0] : vector<1000x256xf32> to vector<256xf32>
    %broadcast_in_dim3A_337 = vector.shape_cast %reduce_sum3A_336 : vector<256xf32> to vector<1x256xf32>
    %add3A_338 = arith.addf %add3A_291, %broadcast_in_dim3A_337 : vector<1x256xf32>
    %get3A_339 = arith.constant 7000 : index
    %get3A_340 = arith.constant 0 : index
    %get3A_341 = vector.load %arg0[%get3A_339, %get3A_340] : memref<20224x128xf32, #tpu.memory_space<vmem>>, vector<1000x128xf32>
    %get3A_342 = arith.constant 7000 : index
    %get3A_343 = arith.constant 0 : index
    %get3A_344 = vector.load %arg1[%get3A_342, %get3A_343] : memref<20000x128xf32, #tpu.memory_space<vmem>>, vector<1000x128xf32>
    %add3A_345 = arith.addf %get3A_341, %get3A_344 : vector<1000x128xf32>
    %get3A_346 = arith.constant 17112 : index
    %get3A_347 = arith.constant 0 : index
    %get3A_348 = vector.load %arg0[%get3A_346, %get3A_347] : memref<20224x128xf32, #tpu.memory_space<vmem>>, vector<1000x128xf32>
    %get3A_349 = arith.constant 17000 : index
    %get3A_350 = arith.constant 0 : index
    %get3A_351 = vector.load %arg1[%get3A_349, %get3A_350] : memref<20000x128xf32, #tpu.memory_space<vmem>>, vector<1000x128xf32>
    %add3A_352 = arith.addf %get3A_348, %get3A_351 : vector<1000x128xf32>
    %concatenate3A_353 = tpu.concatenate %add3A_345, %add3A_352 in 1 : vector<1000x128xf32>, vector<1000x128xf32> -> vector<1000x256xf32>
    %get3A_354 = arith.constant 7000 : index
    %get3A_355 = arith.constant 0 : index
    %get3A_356 = vector.load %arg2[%get3A_354, %get3A_355] : memref<10000x128xf32, #tpu.memory_space<vmem>>, vector<1000x128xf32>
    %convert_element_type3A_357 = arith.truncf %get3A_12 : vector<128x256xf32> to vector<128x256xbf16>
    %convert_element_type3A_358 = arith.extf %convert_element_type3A_357 : vector<128x256xbf16> to vector<128x256xf32>
    %sub3A_359 = arith.subf %get3A_12, %convert_element_type3A_358 : vector<128x256xf32>
    %dot_general3A_360 = arith.constant dense<0.000000e+00> : vector<1000x256xf32>
    %dot_general3A_361 = tpu.matmul %get3A_356, %convert_element_type3A_358, %dot_general3A_360 {dimension_numbers = #tpu.dot_dimension_numbers<[1], [0], [0], [1], [0, 0, 1, 1], [], []>, transpose_lhs_hint = false} : vector<1000x128xf32>, vector<128x256xf32>, vector<1000x256xf32> -> vector<1000x256xf32>
    %dot_general3A_362 = arith.constant dense<0.000000e+00> : vector<1000x256xf32>
    %dot_general3A_363 = tpu.matmul %get3A_356, %sub3A_359, %dot_general3A_362 {dimension_numbers = #tpu.dot_dimension_numbers<[1], [0], [0], [1], [0, 0, 1, 1], [], []>, transpose_lhs_hint = false} : vector<1000x128xf32>, vector<128x256xf32>, vector<1000x256xf32> -> vector<1000x256xf32>
    %add3A_364 = arith.addf %dot_general3A_361, %dot_general3A_363 : vector<1000x256xf32>
    %add3A_365 = arith.addf %concatenate3A_353, %add3A_364 : vector<1000x256xf32>
    %add3A_366 = vector.broadcast %get3A_15 : vector<1x256xf32> to vector<1000x256xf32>
    %add3A_367 = arith.addf %add3A_365, %add3A_366 : vector<1000x256xf32>
    %dot_general3A_368 = arith.constant dense<0.000000e+00> : vector<1000x512xf32>
    %dot_general3A_369 = tpu.matmul %add3A_367, %get3A_1, %dot_general3A_368 {dimension_numbers = #tpu.dot_dimension_numbers<[1], [0], [0], [1], [0, 0, 1, 1], [], []>, transpose_lhs_hint = false} : vector<1000x256xf32>, vector<256x512xf32>, vector<1000x512xf32> -> vector<1000x512xf32>
    %add3A_370 = vector.broadcast %broadcast_in_dim3A : vector<1x512xf32> to vector<1000x512xf32>
    %add3A_371 = arith.addf %dot_general3A_369, %add3A_370 : vector<1000x512xf32>
    %max3A_372 = arith.constant 0.000000e+00 : f32
    %max3A_373 = vector.broadcast %max3A_372 : f32 to vector<1000x512xf32>
    %max3A_374 = arith.maximumf %add3A_371, %max3A_373 : vector<1000x512xf32>
    %dot_general3A_375 = arith.constant dense<0.000000e+00> : vector<1000x256xf32>
    %dot_general3A_376 = tpu.matmul %max3A_374, %get3A_4, %dot_general3A_375 {dimension_numbers = #tpu.dot_dimension_numbers<[1], [0], [0], [1], [0, 0, 1, 1], [], []>, transpose_lhs_hint = false} : vector<1000x512xf32>, vector<512x256xf32>, vector<1000x256xf32> -> vector<1000x256xf32>
    %add3A_377 = vector.broadcast %broadcast_in_dim3A_9 : vector<1x256xf32> to vector<1000x256xf32>
    %add3A_378 = arith.addf %dot_general3A_376, %add3A_377 : vector<1000x256xf32>
    %swap3A_379 = arith.constant 7000 : index
    %swap3A_380 = arith.constant 0 : index
    %swap3A_381 = vector.load %arg15[%swap3A_379, %swap3A_380] : memref<10000x256xf32, #tpu.memory_space<vmem>>, vector<1000x256xf32>
    tpu.vector_store %arg15[%swap3A_379, %swap3A_380], %add3A_378 {strides = array<i32>} : memref<10000x256xf32, #tpu.memory_space<vmem>>, vector<1000x256xf32>,
    %reduce_sum3A_382 = arith.constant dense<0.000000e+00> : vector<256xf32>
    %reduce_sum3A_383 = vector.multi_reduction <add>, %add3A_378, %reduce_sum3A_382 [0] : vector<1000x256xf32> to vector<256xf32>
    %broadcast_in_dim3A_384 = vector.shape_cast %reduce_sum3A_383 : vector<256xf32> to vector<1x256xf32>
    %add3A_385 = arith.addf %add3A_338, %broadcast_in_dim3A_384 : vector<1x256xf32>
    %get3A_386 = arith.constant 8000 : index
    %get3A_387 = arith.constant 0 : index
    %get3A_388 = vector.load %arg0[%get3A_386, %get3A_387] : memref<20224x128xf32, #tpu.memory_space<vmem>>, vector<1000x128xf32>
    %get3A_389 = arith.constant 8000 : index
    %get3A_390 = arith.constant 0 : index
    %get3A_391 = vector.load %arg1[%get3A_389, %get3A_390] : memref<20000x128xf32, #tpu.memory_space<vmem>>, vector<1000x128xf32>
    %add3A_392 = arith.addf %get3A_388, %get3A_391 : vector<1000x128xf32>
    %get3A_393 = arith.constant 18112 : index
    %get3A_394 = arith.constant 0 : index
    %get3A_395 = vector.load %arg0[%get3A_393, %get3A_394] : memref<20224x128xf32, #tpu.memory_space<vmem>>, vector<1000x128xf32>
    %get3A_396 = arith.constant 18000 : index
    %get3A_397 = arith.constant 0 : index
    %get3A_398 = vector.load %arg1[%get3A_396, %get3A_397] : memref<20000x128xf32, #tpu.memory_space<vmem>>, vector<1000x128xf32>
    %add3A_399 = arith.addf %get3A_395, %get3A_398 : vector<1000x128xf32>
    %concatenate3A_400 = tpu.concatenate %add3A_392, %add3A_399 in 1 : vector<1000x128xf32>, vector<1000x128xf32> -> vector<1000x256xf32>
    %get3A_401 = arith.constant 8000 : index
    %get3A_402 = arith.constant 0 : index
    %get3A_403 = vector.load %arg2[%get3A_401, %get3A_402] : memref<10000x128xf32, #tpu.memory_space<vmem>>, vector<1000x128xf32>
    %convert_element_type3A_404 = arith.truncf %get3A_12 : vector<128x256xf32> to vector<128x256xbf16>
    %convert_element_type3A_405 = arith.extf %convert_element_type3A_404 : vector<128x256xbf16> to vector<128x256xf32>
    %sub3A_406 = arith.subf %get3A_12, %convert_element_type3A_405 : vector<128x256xf32>
    %dot_general3A_407 = arith.constant dense<0.000000e+00> : vector<1000x256xf32>
    %dot_general3A_408 = tpu.matmul %get3A_403, %convert_element_type3A_405, %dot_general3A_407 {dimension_numbers = #tpu.dot_dimension_numbers<[1], [0], [0], [1], [0, 0, 1, 1], [], []>, transpose_lhs_hint = false} : vector<1000x128xf32>, vector<128x256xf32>, vector<1000x256xf32> -> vector<1000x256xf32>
    %dot_general3A_409 = arith.constant dense<0.000000e+00> : vector<1000x256xf32>
    %dot_general3A_410 = tpu.matmul %get3A_403, %sub3A_406, %dot_general3A_409 {dimension_numbers = #tpu.dot_dimension_numbers<[1], [0], [0], [1], [0, 0, 1, 1], [], []>, transpose_lhs_hint = false} : vector<1000x128xf32>, vector<128x256xf32>, vector<1000x256xf32> -> vector<1000x256xf32>
    %add3A_411 = arith.addf %dot_general3A_408, %dot_general3A_410 : vector<1000x256xf32>
    %add3A_412 = arith.addf %concatenate3A_400, %add3A_411 : vector<1000x256xf32>
    %add3A_413 = vector.broadcast %get3A_15 : vector<1x256xf32> to vector<1000x256xf32>
    %add3A_414 = arith.addf %add3A_412, %add3A_413 : vector<1000x256xf32>
    %dot_general3A_415 = arith.constant dense<0.000000e+00> : vector<1000x512xf32>
    %dot_general3A_416 = tpu.matmul %add3A_414, %get3A_1, %dot_general3A_415 {dimension_numbers = #tpu.dot_dimension_numbers<[1], [0], [0], [1], [0, 0, 1, 1], [], []>, transpose_lhs_hint = false} : vector<1000x256xf32>, vector<256x512xf32>, vector<1000x512xf32> -> vector<1000x512xf32>
    %add3A_417 = vector.broadcast %broadcast_in_dim3A : vector<1x512xf32> to vector<1000x512xf32>
    %add3A_418 = arith.addf %dot_general3A_416, %add3A_417 : vector<1000x512xf32>
    %max3A_419 = arith.constant 0.000000e+00 : f32
    %max3A_420 = vector.broadcast %max3A_419 : f32 to vector<1000x512xf32>
    %max3A_421 = arith.maximumf %add3A_418, %max3A_420 : vector<1000x512xf32>
    %dot_general3A_422 = arith.constant dense<0.000000e+00> : vector<1000x256xf32>
    %dot_general3A_423 = tpu.matmul %max3A_421, %get3A_4, %dot_general3A_422 {dimension_numbers = #tpu.dot_dimension_numbers<[1], [0], [0], [1], [0, 0, 1, 1], [], []>, transpose_lhs_hint = false} : vector<1000x512xf32>, vector<512x256xf32>, vector<1000x256xf32> -> vector<1000x256xf32>
    %add3A_424 = vector.broadcast %broadcast_in_dim3A_9 : vector<1x256xf32> to vector<1000x256xf32>
    %add3A_425 = arith.addf %dot_general3A_423, %add3A_424 : vector<1000x256xf32>
    %swap3A_426 = arith.constant 8000 : index
    %swap3A_427 = arith.constant 0 : index
    %swap3A_428 = vector.load %arg15[%swap3A_426, %swap3A_427] : memref<10000x256xf32, #tpu.memory_space<vmem>>, vector<1000x256xf32>
    tpu.vector_store %arg15[%swap3A_426, %swap3A_427], %add3A_425 {strides = array<i32>} : memref<10000x256xf32, #tpu.memory_space<vmem>>, vector<1000x256xf32>,
    %reduce_sum3A_429 = arith.constant dense<0.000000e+00> : vector<256xf32>
    %reduce_sum3A_430 = vector.multi_reduction <add>, %add3A_425, %reduce_sum3A_429 [0] : vector<1000x256xf32> to vector<256xf32>
    %broadcast_in_dim3A_431 = vector.shape_cast %reduce_sum3A_430 : vector<256xf32> to vector<1x256xf32>
    %add3A_432 = arith.addf %add3A_385, %broadcast_in_dim3A_431 : vector<1x256xf32>
    %get3A_433 = arith.constant 9000 : index
    %get3A_434 = arith.constant 0 : index
    %get3A_435 = vector.load %arg0[%get3A_433, %get3A_434] : memref<20224x128xf32, #tpu.memory_space<vmem>>, vector<1000x128xf32>
    %get3A_436 = arith.constant 9000 : index
    %get3A_437 = arith.constant 0 : index
    %get3A_438 = vector.load %arg1[%get3A_436, %get3A_437] : memref<20000x128xf32, #tpu.memory_space<vmem>>, vector<1000x128xf32>
    %add3A_439 = arith.addf %get3A_435, %get3A_438 : vector<1000x128xf32>
    %get3A_440 = arith.constant 19112 : index
    %get3A_441 = arith.constant 0 : index
    %get3A_442 = vector.load %arg0[%get3A_440, %get3A_441] : memref<20224x128xf32, #tpu.memory_space<vmem>>, vector<1000x128xf32>
    %get3A_443 = arith.constant 19000 : index
    %get3A_444 = arith.constant 0 : index
    %get3A_445 = vector.load %arg1[%get3A_443, %get3A_444] : memref<20000x128xf32, #tpu.memory_space<vmem>>, vector<1000x128xf32>
    %add3A_446 = arith.addf %get3A_442, %get3A_445 : vector<1000x128xf32>
    %concatenate3A_447 = tpu.concatenate %add3A_439, %add3A_446 in 1 : vector<1000x128xf32>, vector<1000x128xf32> -> vector<1000x256xf32>
    %get3A_448 = arith.constant 9000 : index
    %get3A_449 = arith.constant 0 : index
    %get3A_450 = vector.load %arg2[%get3A_448, %get3A_449] : memref<10000x128xf32, #tpu.memory_space<vmem>>, vector<1000x128xf32>
    %convert_element_type3A_451 = arith.truncf %get3A_12 : vector<128x256xf32> to vector<128x256xbf16>
    %convert_element_type3A_452 = arith.extf %convert_element_type3A_451 : vector<128x256xbf16> to vector<128x256xf32>
    %sub3A_453 = arith.subf %get3A_12, %convert_element_type3A_452 : vector<128x256xf32>
    %dot_general3A_454 = arith.constant dense<0.000000e+00> : vector<1000x256xf32>
    %dot_general3A_455 = tpu.matmul %get3A_450, %convert_element_type3A_452, %dot_general3A_454 {dimension_numbers = #tpu.dot_dimension_numbers<[1], [0], [0], [1], [0, 0, 1, 1], [], []>, transpose_lhs_hint = false} : vector<1000x128xf32>, vector<128x256xf32>, vector<1000x256xf32> -> vector<1000x256xf32>
    %dot_general3A_456 = arith.constant dense<0.000000e+00> : vector<1000x256xf32>
    %dot_general3A_457 = tpu.matmul %get3A_450, %sub3A_453, %dot_general3A_456 {dimension_numbers = #tpu.dot_dimension_numbers<[1], [0], [0], [1], [0, 0, 1, 1], [], []>, transpose_lhs_hint = false} : vector<1000x128xf32>, vector<128x256xf32>, vector<1000x256xf32> -> vector<1000x256xf32>
    %add3A_458 = arith.addf %dot_general3A_455, %dot_general3A_457 : vector<1000x256xf32>
    %add3A_459 = arith.addf %concatenate3A_447, %add3A_458 : vector<1000x256xf32>
    %add3A_460 = vector.broadcast %get3A_15 : vector<1x256xf32> to vector<1000x256xf32>
    %add3A_461 = arith.addf %add3A_459, %add3A_460 : vector<1000x256xf32>
    %dot_general3A_462 = arith.constant dense<0.000000e+00> : vector<1000x512xf32>
    %dot_general3A_463 = tpu.matmul %add3A_461, %get3A_1, %dot_general3A_462 {dimension_numbers = #tpu.dot_dimension_numbers<[1], [0], [0], [1], [0, 0, 1, 1], [], []>, transpose_lhs_hint = false} : vector<1000x256xf32>, vector<256x512xf32>, vector<1000x512xf32> -> vector<1000x512xf32>
    %add3A_464 = vector.broadcast %broadcast_in_dim3A : vector<1x512xf32> to vector<1000x512xf32>
    %add3A_465 = arith.addf %dot_general3A_463, %add3A_464 : vector<1000x512xf32>
    %max3A_466 = arith.constant 0.000000e+00 : f32
    %max3A_467 = vector.broadcast %max3A_466 : f32 to vector<1000x512xf32>
    %max3A_468 = arith.maximumf %add3A_465, %max3A_467 : vector<1000x512xf32>
    %dot_general3A_469 = arith.constant dense<0.000000e+00> : vector<1000x256xf32>
    %dot_general3A_470 = tpu.matmul %max3A_468, %get3A_4, %dot_general3A_469 {dimension_numbers = #tpu.dot_dimension_numbers<[1], [0], [0], [1], [0, 0, 1, 1], [], []>, transpose_lhs_hint = false} : vector<1000x512xf32>, vector<512x256xf32>, vector<1000x256xf32> -> vector<1000x256xf32>
    %add3A_471 = vector.broadcast %broadcast_in_dim3A_9 : vector<1x256xf32> to vector<1000x256xf32>
    %add3A_472 = arith.addf %dot_general3A_470, %add3A_471 : vector<1000x256xf32>
    %swap3A_473 = arith.constant 9000 : index
    %swap3A_474 = arith.constant 0 : index
    %swap3A_475 = vector.load %arg15[%swap3A_473, %swap3A_474] : memref<10000x256xf32, #tpu.memory_space<vmem>>, vector<1000x256xf32>
    tpu.vector_store %arg15[%swap3A_473, %swap3A_474], %add3A_472 {strides = array<i32>} : memref<10000x256xf32, #tpu.memory_space<vmem>>, vector<1000x256xf32>,
    %reduce_sum3A_476 = arith.constant dense<0.000000e+00> : vector<256xf32>
    %reduce_sum3A_477 = vector.multi_reduction <add>, %add3A_472, %reduce_sum3A_476 [0] : vector<1000x256xf32> to vector<256xf32>
    %broadcast_in_dim3A_478 = vector.shape_cast %reduce_sum3A_477 : vector<256xf32> to vector<1x256xf32>
    %add3A_479 = arith.addf %add3A_432, %broadcast_in_dim3A_478 : vector<1x256xf32>
    %mul3A = arith.constant 9.99999974E-5 : f32
    %mul3A_480 = vector.broadcast %mul3A : f32 to vector<1x256xf32>
    %mul3A_481 = arith.mulf %add3A_479, %mul3A_480 : vector<1x256xf32>
    %broadcast_in_dim3A_482 = arith.constant 0.000000e+00 : f32
    %broadcast_in_dim3A_483 = vector.broadcast %broadcast_in_dim3A_482 : f32 to vector<1x256xf32>
    %get3A_484 = arith.constant 0 : index
    %get3A_485 = arith.constant 0 : index
    %get3A_486 = vector.load %arg15[%get3A_484, %get3A_485] : memref<10000x256xf32, #tpu.memory_space<vmem>>, vector<1000x256xf32>
    %sub3A_487 = vector.broadcast %mul3A_481 : vector<1x256xf32> to vector<1000x256xf32>
    %sub3A_488 = arith.subf %get3A_486, %sub3A_487 : vector<1000x256xf32>
    %mul3A_489 = arith.mulf %sub3A_488, %sub3A_488 : vector<1000x256xf32>
    %reduce_sum3A_490 = arith.constant dense<0.000000e+00> : vector<256xf32>
    %reduce_sum3A_491 = vector.multi_reduction <add>, %mul3A_489, %reduce_sum3A_490 [0] : vector<1000x256xf32> to vector<256xf32>
    %broadcast_in_dim3A_492 = vector.shape_cast %reduce_sum3A_491 : vector<256xf32> to vector<1x256xf32>
    %add3A_493 = arith.addf %broadcast_in_dim3A_483, %broadcast_in_dim3A_492 : vector<1x256xf32>
    %get3A_494 = arith.constant 1000 : index
    %get3A_495 = arith.constant 0 : index
    %get3A_496 = vector.load %arg15[%get3A_494, %get3A_495] : memref<10000x256xf32, #tpu.memory_space<vmem>>, vector<1000x256xf32>
    %sub3A_497 = vector.broadcast %mul3A_481 : vector<1x256xf32> to vector<1000x256xf32>
    %sub3A_498 = arith.subf %get3A_496, %sub3A_497 : vector<1000x256xf32>
    %mul3A_499 = arith.mulf %sub3A_498, %sub3A_498 : vector<1000x256xf32>
    %reduce_sum3A_500 = arith.constant dense<0.000000e+00> : vector<256xf32>
    %reduce_sum3A_501 = vector.multi_reduction <add>, %mul3A_499, %reduce_sum3A_500 [0] : vector<1000x256xf32> to vector<256xf32>
    %broadcast_in_dim3A_502 = vector.shape_cast %reduce_sum3A_501 : vector<256xf32> to vector<1x256xf32>
    %add3A_503 = arith.addf %add3A_493, %broadcast_in_dim3A_502 : vector<1x256xf32>
    %get3A_504 = arith.constant 2000 : index
    %get3A_505 = arith.constant 0 : index
    %get3A_506 = vector.load %arg15[%get3A_504, %get3A_505] : memref<10000x256xf32, #tpu.memory_space<vmem>>, vector<1000x256xf32>
    %sub3A_507 = vector.broadcast %mul3A_481 : vector<1x256xf32> to vector<1000x256xf32>
    %sub3A_508 = arith.subf %get3A_506, %sub3A_507 : vector<1000x256xf32>
    %mul3A_509 = arith.mulf %sub3A_508, %sub3A_508 : vector<1000x256xf32>
    %reduce_sum3A_510 = arith.constant dense<0.000000e+00> : vector<256xf32>
    %reduce_sum3A_511 = vector.multi_reduction <add>, %mul3A_509, %reduce_sum3A_510 [0] : vector<1000x256xf32> to vector<256xf32>
    %broadcast_in_dim3A_512 = vector.shape_cast %reduce_sum3A_511 : vector<256xf32> to vector<1x256xf32>
    %add3A_513 = arith.addf %add3A_503, %broadcast_in_dim3A_512 : vector<1x256xf32>
    %get3A_514 = arith.constant 3000 : index
    %get3A_515 = arith.constant 0 : index
    %get3A_516 = vector.load %arg15[%get3A_514, %get3A_515] : memref<10000x256xf32, #tpu.memory_space<vmem>>, vector<1000x256xf32>
    %sub3A_517 = vector.broadcast %mul3A_481 : vector<1x256xf32> to vector<1000x256xf32>
    %sub3A_518 = arith.subf %get3A_516, %sub3A_517 : vector<1000x256xf32>
    %mul3A_519 = arith.mulf %sub3A_518, %sub3A_518 : vector<1000x256xf32>
    %reduce_sum3A_520 = arith.constant dense<0.000000e+00> : vector<256xf32>
    %reduce_sum3A_521 = vector.multi_reduction <add>, %mul3A_519, %reduce_sum3A_520 [0] : vector<1000x256xf32> to vector<256xf32>
    %broadcast_in_dim3A_522 = vector.shape_cast %reduce_sum3A_521 : vector<256xf32> to vector<1x256xf32>
    %add3A_523 = arith.addf %add3A_513, %broadcast_in_dim3A_522 : vector<1x256xf32>
    %get3A_524 = arith.constant 4000 : index
    %get3A_525 = arith.constant 0 : index
    %get3A_526 = vector.load %arg15[%get3A_524, %get3A_525] : memref<10000x256xf32, #tpu.memory_space<vmem>>, vector<1000x256xf32>
    %sub3A_527 = vector.broadcast %mul3A_481 : vector<1x256xf32> to vector<1000x256xf32>
    %sub3A_528 = arith.subf %get3A_526, %sub3A_527 : vector<1000x256xf32>
    %mul3A_529 = arith.mulf %sub3A_528, %sub3A_528 : vector<1000x256xf32>
    %reduce_sum3A_530 = arith.constant dense<0.000000e+00> : vector<256xf32>
    %reduce_sum3A_531 = vector.multi_reduction <add>, %mul3A_529, %reduce_sum3A_530 [0] : vector<1000x256xf32> to vector<256xf32>
    %broadcast_in_dim3A_532 = vector.shape_cast %reduce_sum3A_531 : vector<256xf32> to vector<1x256xf32>
    %add3A_533 = arith.addf %add3A_523, %broadcast_in_dim3A_532 : vector<1x256xf32>
    %get3A_534 = arith.constant 5000 : index
    %get3A_535 = arith.constant 0 : index
    %get3A_536 = vector.load %arg15[%get3A_534, %get3A_535] : memref<10000x256xf32, #tpu.memory_space<vmem>>, vector<1000x256xf32>
    %sub3A_537 = vector.broadcast %mul3A_481 : vector<1x256xf32> to vector<1000x256xf32>
    %sub3A_538 = arith.subf %get3A_536, %sub3A_537 : vector<1000x256xf32>
    %mul3A_539 = arith.mulf %sub3A_538, %sub3A_538 : vector<1000x256xf32>
    %reduce_sum3A_540 = arith.constant dense<0.000000e+00> : vector<256xf32>
    %reduce_sum3A_541 = vector.multi_reduction <add>, %mul3A_539, %reduce_sum3A_540 [0] : vector<1000x256xf32> to vector<256xf32>
    %broadcast_in_dim3A_542 = vector.shape_cast %reduce_sum3A_541 : vector<256xf32> to vector<1x256xf32>
    %add3A_543 = arith.addf %add3A_533, %broadcast_in_dim3A_542 : vector<1x256xf32>
    %get3A_544 = arith.constant 6000 : index
    %get3A_545 = arith.constant 0 : index
    %get3A_546 = vector.load %arg15[%get3A_544, %get3A_545] : memref<10000x256xf32, #tpu.memory_space<vmem>>, vector<1000x256xf32>
    %sub3A_547 = vector.broadcast %mul3A_481 : vector<1x256xf32> to vector<1000x256xf32>
    %sub3A_548 = arith.subf %get3A_546, %sub3A_547 : vector<1000x256xf32>
    %mul3A_549 = arith.mulf %sub3A_548, %sub3A_548 : vector<1000x256xf32>
    %reduce_sum3A_550 = arith.constant dense<0.000000e+00> : vector<256xf32>
    %reduce_sum3A_551 = vector.multi_reduction <add>, %mul3A_549, %reduce_sum3A_550 [0] : vector<1000x256xf32> to vector<256xf32>
    %broadcast_in_dim3A_552 = vector.shape_cast %reduce_sum3A_551 : vector<256xf32> to vector<1x256xf32>
    %add3A_553 = arith.addf %add3A_543, %broadcast_in_dim3A_552 : vector<1x256xf32>
    %get3A_554 = arith.constant 7000 : index
    %get3A_555 = arith.constant 0 : index
    %get3A_556 = vector.load %arg15[%get3A_554, %get3A_555] : memref<10000x256xf32, #tpu.memory_space<vmem>>, vector<1000x256xf32>
    %sub3A_557 = vector.broadcast %mul3A_481 : vector<1x256xf32> to vector<1000x256xf32>
    %sub3A_558 = arith.subf %get3A_556, %sub3A_557 : vector<1000x256xf32>
    %mul3A_559 = arith.mulf %sub3A_558, %sub3A_558 : vector<1000x256xf32>
    %reduce_sum3A_560 = arith.constant dense<0.000000e+00> : vector<256xf32>
    %reduce_sum3A_561 = vector.multi_reduction <add>, %mul3A_559, %reduce_sum3A_560 [0] : vector<1000x256xf32> to vector<256xf32>
    %broadcast_in_dim3A_562 = vector.shape_cast %reduce_sum3A_561 : vector<256xf32> to vector<1x256xf32>
    %add3A_563 = arith.addf %add3A_553, %broadcast_in_dim3A_562 : vector<1x256xf32>
    %get3A_564 = arith.constant 8000 : index
    %get3A_565 = arith.constant 0 : index
    %get3A_566 = vector.load %arg15[%get3A_564, %get3A_565] : memref<10000x256xf32, #tpu.memory_space<vmem>>, vector<1000x256xf32>
    %sub3A_567 = vector.broadcast %mul3A_481 : vector<1x256xf32> to vector<1000x256xf32>
    %sub3A_568 = arith.subf %get3A_566, %sub3A_567 : vector<1000x256xf32>
    %mul3A_569 = arith.mulf %sub3A_568, %sub3A_568 : vector<1000x256xf32>
    %reduce_sum3A_570 = arith.constant dense<0.000000e+00> : vector<256xf32>
    %reduce_sum3A_571 = vector.multi_reduction <add>, %mul3A_569, %reduce_sum3A_570 [0] : vector<1000x256xf32> to vector<256xf32>
    %broadcast_in_dim3A_572 = vector.shape_cast %reduce_sum3A_571 : vector<256xf32> to vector<1x256xf32>
    %add3A_573 = arith.addf %add3A_563, %broadcast_in_dim3A_572 : vector<1x256xf32>
    %get3A_574 = arith.constant 9000 : index
    %get3A_575 = arith.constant 0 : index
    %get3A_576 = vector.load %arg15[%get3A_574, %get3A_575] : memref<10000x256xf32, #tpu.memory_space<vmem>>, vector<1000x256xf32>
    %sub3A_577 = vector.broadcast %mul3A_481 : vector<1x256xf32> to vector<1000x256xf32>
    %sub3A_578 = arith.subf %get3A_576, %sub3A_577 : vector<1000x256xf32>
    %mul3A_579 = arith.mulf %sub3A_578, %sub3A_578 : vector<1000x256xf32>
    %reduce_sum3A_580 = arith.constant dense<0.000000e+00> : vector<256xf32>
    %reduce_sum3A_581 = vector.multi_reduction <add>, %mul3A_579, %reduce_sum3A_580 [0] : vector<1000x256xf32> to vector<256xf32>
    %broadcast_in_dim3A_582 = vector.shape_cast %reduce_sum3A_581 : vector<256xf32> to vector<1x256xf32>
    %add3A_583 = arith.addf %add3A_573, %broadcast_in_dim3A_582 : vector<1x256xf32>
    %mul3A_584 = arith.constant 9.99999974E-5 : f32
    %mul3A_585 = vector.broadcast %mul3A_584 : f32 to vector<1x256xf32>
    %mul3A_586 = arith.mulf %add3A_583, %mul3A_585 : vector<1x256xf32>
    %add3A_587 = arith.constant 9.99999974E-6 : f32
    %add3A_588 = vector.broadcast %add3A_587 : f32 to vector<1x256xf32>
    %add3A_589 = arith.addf %mul3A_586, %add3A_588 : vector<1x256xf32>
    %rsqrt3A = math.rsqrt %add3A_589 : vector<1x256xf32>
    %get3A_590 = arith.constant 0 : index
    %get3A_591 = vector.load %arg8[%get3A_590] : memref<256xf32, #tpu.memory_space<vmem>>, vector<256xf32>
    %broadcast_in_dim3A_592 = vector.shape_cast %get3A_591 : vector<256xf32> to vector<1x256xf32>
    %mul3A_593 = arith.mulf %rsqrt3A, %broadcast_in_dim3A_592 : vector<1x256xf32>
    %get3A_594 = arith.constant 0 : index
    %get3A_595 = vector.load %arg9[%get3A_594] : memref<256xf32, #tpu.memory_space<vmem>>, vector<256xf32>
    %broadcast_in_dim3A_596 = vector.shape_cast %get3A_595 : vector<256xf32> to vector<1x256xf32>
    %mul3A_597 = arith.mulf %mul3A_481, %mul3A_593 : vector<1x256xf32>
    %sub3A_598 = arith.subf %broadcast_in_dim3A_596, %mul3A_597 : vector<1x256xf32>
    %get3A_599 = arith.constant 0 : index
    %get3A_600 = arith.constant 0 : index
    %get3A_601 = vector.load %arg15[%get3A_599, %get3A_600] : memref<10000x256xf32, #tpu.memory_space<vmem>>, vector<1000x256xf32>
    %mul3A_602 = vector.broadcast %mul3A_593 : vector<1x256xf32> to vector<1000x256xf32>
    %mul3A_603 = arith.mulf %get3A_601, %mul3A_602 : vector<1000x256xf32>
    %add3A_604 = vector.broadcast %sub3A_598 : vector<1x256xf32> to vector<1000x256xf32>
    %add3A_605 = arith.addf %mul3A_603, %add3A_604 : vector<1000x256xf32>
    %swap3A_606 = arith.constant 0 : index
    %swap3A_607 = arith.constant 0 : index
    %swap3A_608 = vector.load %arg14[%swap3A_606, %swap3A_607] : memref<10000x256xf32, #tpu.memory_space<vmem>>, vector<1000x256xf32>
    tpu.vector_store %arg14[%swap3A_606, %swap3A_607], %add3A_605 {strides = array<i32>} : memref<10000x256xf32, #tpu.memory_space<vmem>>, vector<1000x256xf32>,
    %get3A_609 = arith.constant 1000 : index
    %get3A_610 = arith.constant 0 : index
    %get3A_611 = vector.load %arg15[%get3A_609, %get3A_610] : memref<10000x256xf32, #tpu.memory_space<vmem>>, vector<1000x256xf32>
    %mul3A_612 = vector.broadcast %mul3A_593 : vector<1x256xf32> to vector<1000x256xf32>
    %mul3A_613 = arith.mulf %get3A_611, %mul3A_612 : vector<1000x256xf32>
    %add3A_614 = vector.broadcast %sub3A_598 : vector<1x256xf32> to vector<1000x256xf32>
    %add3A_615 = arith.addf %mul3A_613, %add3A_614 : vector<1000x256xf32>
    %swap3A_616 = arith.constant 1000 : index
    %swap3A_617 = arith.constant 0 : index
    %swap3A_618 = vector.load %arg14[%swap3A_616, %swap3A_617] : memref<10000x256xf32, #tpu.memory_space<vmem>>, vector<1000x256xf32>
    tpu.vector_store %arg14[%swap3A_616, %swap3A_617], %add3A_615 {strides = array<i32>} : memref<10000x256xf32, #tpu.memory_space<vmem>>, vector<1000x256xf32>,
    %get3A_619 = arith.constant 2000 : index
    %get3A_620 = arith.constant 0 : index
    %get3A_621 = vector.load %arg15[%get3A_619, %get3A_620] : memref<10000x256xf32, #tpu.memory_space<vmem>>, vector<1000x256xf32>
    %mul3A_622 = vector.broadcast %mul3A_593 : vector<1x256xf32> to vector<1000x256xf32>
    %mul3A_623 = arith.mulf %get3A_621, %mul3A_622 : vector<1000x256xf32>
    %add3A_624 = vector.broadcast %sub3A_598 : vector<1x256xf32> to vector<1000x256xf32>
    %add3A_625 = arith.addf %mul3A_623, %add3A_624 : vector<1000x256xf32>
    %swap3A_626 = arith.constant 2000 : index
    %swap3A_627 = arith.constant 0 : index
    %swap3A_628 = vector.load %arg14[%swap3A_626, %swap3A_627] : memref<10000x256xf32, #tpu.memory_space<vmem>>, vector<1000x256xf32>
    tpu.vector_store %arg14[%swap3A_626, %swap3A_627], %add3A_625 {strides = array<i32>} : memref<10000x256xf32, #tpu.memory_space<vmem>>, vector<1000x256xf32>,
    %get3A_629 = arith.constant 3000 : index
    %get3A_630 = arith.constant 0 : index
    %get3A_631 = vector.load %arg15[%get3A_629, %get3A_630] : memref<10000x256xf32, #tpu.memory_space<vmem>>, vector<1000x256xf32>
    %mul3A_632 = vector.broadcast %mul3A_593 : vector<1x256xf32> to vector<1000x256xf32>
    %mul3A_633 = arith.mulf %get3A_631, %mul3A_632 : vector<1000x256xf32>
    %add3A_634 = vector.broadcast %sub3A_598 : vector<1x256xf32> to vector<1000x256xf32>
    %add3A_635 = arith.addf %mul3A_633, %add3A_634 : vector<1000x256xf32>
    %swap3A_636 = arith.constant 3000 : index
    %swap3A_637 = arith.constant 0 : index
    %swap3A_638 = vector.load %arg14[%swap3A_636, %swap3A_637] : memref<10000x256xf32, #tpu.memory_space<vmem>>, vector<1000x256xf32>
    tpu.vector_store %arg14[%swap3A_636, %swap3A_637], %add3A_635 {strides = array<i32>} : memref<10000x256xf32, #tpu.memory_space<vmem>>, vector<1000x256xf32>,
    %get3A_639 = arith.constant 4000 : index
    %get3A_640 = arith.constant 0 : index
    %get3A_641 = vector.load %arg15[%get3A_639, %get3A_640] : memref<10000x256xf32, #tpu.memory_space<vmem>>, vector<1000x256xf32>
    %mul3A_642 = vector.broadcast %mul3A_593 : vector<1x256xf32> to vector<1000x256xf32>
    %mul3A_643 = arith.mulf %get3A_641, %mul3A_642 : vector<1000x256xf32>
    %add3A_644 = vector.broadcast %sub3A_598 : vector<1x256xf32> to vector<1000x256xf32>
    %add3A_645 = arith.addf %mul3A_643, %add3A_644 : vector<1000x256xf32>
    %swap3A_646 = arith.constant 4000 : index
    %swap3A_647 = arith.constant 0 : index
    %swap3A_648 = vector.load %arg14[%swap3A_646, %swap3A_647] : memref<10000x256xf32, #tpu.memory_space<vmem>>, vector<1000x256xf32>
    tpu.vector_store %arg14[%swap3A_646, %swap3A_647], %add3A_645 {strides = array<i32>} : memref<10000x256xf32, #tpu.memory_space<vmem>>, vector<1000x256xf32>,
    %get3A_649 = arith.constant 5000 : index
    %get3A_650 = arith.constant 0 : index
    %get3A_651 = vector.load %arg15[%get3A_649, %get3A_650] : memref<10000x256xf32, #tpu.memory_space<vmem>>, vector<1000x256xf32>
    %mul3A_652 = vector.broadcast %mul3A_593 : vector<1x256xf32> to vector<1000x256xf32>
    %mul3A_653 = arith.mulf %get3A_651, %mul3A_652 : vector<1000x256xf32>
    %add3A_654 = vector.broadcast %sub3A_598 : vector<1x256xf32> to vector<1000x256xf32>
    %add3A_655 = arith.addf %mul3A_653, %add3A_654 : vector<1000x256xf32>
    %swap3A_656 = arith.constant 5000 : index
    %swap3A_657 = arith.constant 0 : index
    %swap3A_658 = vector.load %arg14[%swap3A_656, %swap3A_657] : memref<10000x256xf32, #tpu.memory_space<vmem>>, vector<1000x256xf32>
    tpu.vector_store %arg14[%swap3A_656, %swap3A_657], %add3A_655 {strides = array<i32>} : memref<10000x256xf32, #tpu.memory_space<vmem>>, vector<1000x256xf32>,
    %get3A_659 = arith.constant 6000 : index
    %get3A_660 = arith.constant 0 : index
    %get3A_661 = vector.load %arg15[%get3A_659, %get3A_660] : memref<10000x256xf32, #tpu.memory_space<vmem>>, vector<1000x256xf32>
    %mul3A_662 = vector.broadcast %mul3A_593 : vector<1x256xf32> to vector<1000x256xf32>
    %mul3A_663 = arith.mulf %get3A_661, %mul3A_662 : vector<1000x256xf32>
    %add3A_664 = vector.broadcast %sub3A_598 : vector<1x256xf32> to vector<1000x256xf32>
    %add3A_665 = arith.addf %mul3A_663, %add3A_664 : vector<1000x256xf32>
    %swap3A_666 = arith.constant 6000 : index
    %swap3A_667 = arith.constant 0 : index
    %swap3A_668 = vector.load %arg14[%swap3A_666, %swap3A_667] : memref<10000x256xf32, #tpu.memory_space<vmem>>, vector<1000x256xf32>
    tpu.vector_store %arg14[%swap3A_666, %swap3A_667], %add3A_665 {strides = array<i32>} : memref<10000x256xf32, #tpu.memory_space<vmem>>, vector<1000x256xf32>,
    %get3A_669 = arith.constant 7000 : index
    %get3A_670 = arith.constant 0 : index
    %get3A_671 = vector.load %arg15[%get3A_669, %get3A_670] : memref<10000x256xf32, #tpu.memory_space<vmem>>, vector<1000x256xf32>
    %mul3A_672 = vector.broadcast %mul3A_593 : vector<1x256xf32> to vector<1000x256xf32>
    %mul3A_673 = arith.mulf %get3A_671, %mul3A_672 : vector<1000x256xf32>
    %add3A_674 = vector.broadcast %sub3A_598 : vector<1x256xf32> to vector<1000x256xf32>
    %add3A_675 = arith.addf %mul3A_673, %add3A_674 : vector<1000x256xf32>
    %swap3A_676 = arith.constant 7000 : index
    %swap3A_677 = arith.constant 0 : index
    %swap3A_678 = vector.load %arg14[%swap3A_676, %swap3A_677] : memref<10000x256xf32, #tpu.memory_space<vmem>>, vector<1000x256xf32>
    tpu.vector_store %arg14[%swap3A_676, %swap3A_677], %add3A_675 {strides = array<i32>} : memref<10000x256xf32, #tpu.memory_space<vmem>>, vector<1000x256xf32>,
    %get3A_679 = arith.constant 8000 : index
    %get3A_680 = arith.constant 0 : index
    %get3A_681 = vector.load %arg15[%get3A_679, %get3A_680] : memref<10000x256xf32, #tpu.memory_space<vmem>>, vector<1000x256xf32>
    %mul3A_682 = vector.broadcast %mul3A_593 : vector<1x256xf32> to vector<1000x256xf32>
    %mul3A_683 = arith.mulf %get3A_681, %mul3A_682 : vector<1000x256xf32>
    %add3A_684 = vector.broadcast %sub3A_598 : vector<1x256xf32> to vector<1000x256xf32>
    %add3A_685 = arith.addf %mul3A_683, %add3A_684 : vector<1000x256xf32>
    %swap3A_686 = arith.constant 8000 : index
    %swap3A_687 = arith.constant 0 : index
    %swap3A_688 = vector.load %arg14[%swap3A_686, %swap3A_687] : memref<10000x256xf32, #tpu.memory_space<vmem>>, vector<1000x256xf32>
    tpu.vector_store %arg14[%swap3A_686, %swap3A_687], %add3A_685 {strides = array<i32>} : memref<10000x256xf32, #tpu.memory_space<vmem>>, vector<1000x256xf32>,
    %get3A_689 = arith.constant 9000 : index
    %get3A_690 = arith.constant 0 : index
    %get3A_691 = vector.load %arg15[%get3A_689, %get3A_690] : memref<10000x256xf32, #tpu.memory_space<vmem>>, vector<1000x256xf32>
    %mul3A_692 = vector.broadcast %mul3A_593 : vector<1x256xf32> to vector<1000x256xf32>
    %mul3A_693 = arith.mulf %get3A_691, %mul3A_692 : vector<1000x256xf32>
    %add3A_694 = vector.broadcast %sub3A_598 : vector<1x256xf32> to vector<1000x256xf32>
    %add3A_695 = arith.addf %mul3A_693, %add3A_694 : vector<1000x256xf32>
    %swap3A_696 = arith.constant 9000 : index
    %swap3A_697 = arith.constant 0 : index
    %swap3A_698 = vector.load %arg14[%swap3A_696, %swap3A_697] : memref<10000x256xf32, #tpu.memory_space<vmem>>, vector<1000x256xf32>
    tpu.vector_store %arg14[%swap3A_696, %swap3A_697], %add3A_695 {strides = array<i32>} : memref<10000x256xf32, #tpu.memory_space<vmem>>, vector<1000x256xf32>,
    %iota3A = tpu.iota {dimensions = array<i32: 0>} : vector<64x10000xi32>
    %get3A_699 = arith.constant 0 : index
    %get3A_700 = vector.load %arg10[%get3A_699] : memref<10000xi32, #tpu.memory_space<vmem>>, vector<10000xi32>
    %broadcast_in_dim3A_701 = vector.shape_cast %get3A_700 : vector<10000xi32> to vector<1x10000xi32>
    %eq3A = vector.broadcast %broadcast_in_dim3A_701 : vector<1x10000xi32> to vector<64x10000xi32>
    %eq3A_702 = arith.cmpi eq, %eq3A, %iota3A : vector<64x10000xi32>
    %jit3A = arith.constant 1.000000e+00 : f32
    %jit3A_703 = arith.constant 0.000000e+00 : f32
    %broadcast_in_dim3A_704 = vector.broadcast %jit3A : f32 to vector<64x10000xf32>
    %broadcast_in_dim3A_705 = vector.broadcast %jit3A_703 : f32 to vector<64x10000xf32>
    %select_n3A = arith.select %eq3A_702, %broadcast_in_dim3A_704, %broadcast_in_dim3A_705 : vector<64x10000xi1>, vector<64x10000xf32>
    %get3A_706 = arith.constant 0 : index
    %get3A_707 = arith.constant 0 : index
    %get3A_708 = vector.load %arg14[%get3A_706, %get3A_707] : memref<10000x256xf32, #tpu.memory_space<vmem>>, vector<10000x256xf32>
    %convert_element_type3A_709 = arith.truncf %get3A_708 : vector<10000x256xf32> to vector<10000x256xbf16>
    %convert_element_type3A_710 = arith.extf %convert_element_type3A_709 : vector<10000x256xbf16> to vector<10000x256xf32>
    %sub3A_711 = arith.subf %get3A_708, %convert_element_type3A_710 : vector<10000x256xf32>
    %dot_general3A_712 = arith.constant dense<0.000000e+00> : vector<64x256xf32>
    %dot_general3A_713 = tpu.matmul %select_n3A, %convert_element_type3A_710, %dot_general3A_712 {dimension_numbers = #tpu.dot_dimension_numbers<[1], [0], [0], [1], [0, 0, 1, 1], [], []>, transpose_lhs_hint = false} : vector<64x10000xf32>, vector<10000x256xf32>, vector<64x256xf32> -> vector<64x256xf32>
    %dot_general3A_714 = arith.constant dense<0.000000e+00> : vector<64x256xf32>
    %dot_general3A_715 = tpu.matmul %select_n3A, %sub3A_711, %dot_general3A_714 {dimension_numbers = #tpu.dot_dimension_numbers<[1], [0], [0], [1], [0, 0, 1, 1], [], []>, transpose_lhs_hint = false} : vector<64x10000xf32>, vector<10000x256xf32>, vector<64x256xf32> -> vector<64x256xf32>
    %add3A_716 = arith.addf %dot_general3A_713, %dot_general3A_715 : vector<64x256xf32>
    %reduce_sum3A_717 = arith.constant dense<0.000000e+00> : vector<64xf32>
    %reduce_sum3A_718 = vector.multi_reduction <add>, %select_n3A, %reduce_sum3A_717 [1] : vector<64x10000xf32> to vector<64xf32>
    %broadcast_in_dim3A_719 = vector.shape_cast %reduce_sum3A_718 : vector<64xf32> to vector<64x1xf32>
    %max3A_720 = arith.constant 1.000000e+00 : f32
    %max3A_721 = vector.broadcast %max3A_720 : f32 to vector<64x1xf32>
    %max3A_722 = arith.maximumf %broadcast_in_dim3A_719, %max3A_721 : vector<64x1xf32>
    %div3A = vector.broadcast %max3A_722 : vector<64x1xf32> to vector<64x256xf32>
    %div3A_723 = arith.divf %add3A_716, %div3A : vector<64x256xf32>
    %get3A_724 = arith.constant 0 : index
    %get3A_725 = arith.constant 0 : index
    %get3A_726 = vector.load %arg11[%get3A_724, %get3A_725] : memref<256x1xf32, #tpu.memory_space<vmem>>, vector<256x1xf32>
    %squeeze3A = vector.shape_cast %get3A_726 : vector<256x1xf32> to vector<256xf32>
    %broadcast_in_dim3A_727 = vector.shape_cast %squeeze3A : vector<256xf32> to vector<1x256xf32>
    %mul3A_728 = vector.broadcast %broadcast_in_dim3A_727 : vector<1x256xf32> to vector<64x256xf32>
    %mul3A_729 = arith.mulf %div3A_723, %mul3A_728 : vector<64x256xf32>
    %reduce_sum3A_730 = arith.constant dense<0.000000e+00> : vector<64xf32>
    %reduce_sum3A_731 = vector.multi_reduction <add>, %mul3A_729, %reduce_sum3A_730 [1] : vector<64x256xf32> to vector<64xf32>
    %broadcast_in_dim3A_732 = vector.shape_cast %reduce_sum3A_731 : vector<64xf32> to vector<64x1xf32>
    %get3A_733 = arith.constant 0 : index
    %get3A_734 = vector.load %arg12[%get3A_733] : memref<1xf32, #tpu.memory_space<vmem>>, vector<1xf32>
    %broadcast_in_dim3A_735 = vector.shape_cast %get3A_734 : vector<1xf32> to vector<1x1xf32>
    %add3A_736 = vector.broadcast %broadcast_in_dim3A_735 : vector<1x1xf32> to vector<64x1xf32>
    %add3A_737 = arith.addf %broadcast_in_dim3A_732, %add3A_736 : vector<64x1xf32>
    %swap3A_738 = arith.constant 0 : index
    %swap3A_739 = arith.constant 0 : index
    %swap3A_740 = vector.load %arg13[%swap3A_738, %swap3A_739] : memref<64x1xf32, #tpu.memory_space<vmem>>, vector<64x1xf32>
    tpu.vector_store %arg13[%swap3A_738, %swap3A_739], %add3A_737 {strides = array<i32>} : memref<64x1xf32, #tpu.memory_space<vmem>>, vector<64x1xf32>,
    return
  }
}

</mosaic_0001>

<sc_bundles>
// kernel: kernel.14.cloned.1.call-start
scs
__scs_entry_jumppad:
0x0: {  	(pc) =	sbr.rel $0x88, $3  }
0x1: {  	(tag) =	ssettag $0x0;
	lr =	simm.s32 $0x1  }
0x2: {  	[smem:$0x3F71] =	sst lr;
	_ =	strace $0xD0000000  }
0x3: {  	_ = 	snop  }
0x4: {  	_ = 	snop  }
0x5: {  	_ = 	snop  }
0x6: {  	_ = 	snop  }
0x7: {  	_ = 	snop  }
__scs_overlays_trampoline_lowered:
0x8: {  	[smem:$0x3F80] =	sst s0  }
0x9: {  	[smem:$0x3F81] =	sst s1  }
0xa: {  	[smem:$0x3F82] =	sst s2  }
0xb: {  	[smem:$0x3F83] =	sst s3  }
0xc: {  	[smem:$0x3F84] =	sst s4  }
0xd: {  	[smem:$0x3F85] =	sst s5  }
0xe: {  	[smem:$0x3F86] =	sst s6  }
0xf: {  	[smem:$0x3F87] =	sst s7  }
0x10: {  	[smem:$0x3F88] =	sst s8  }
0x11: {  	[smem:$0x3F89] =	sst s9;
	s0 =	simm.s32 @!p0 $0x0  }
0x12: {  	s1 =	sld [smem:$0x3F6F];
	s0 =	simm.s32 @p0 $0x1  }
0x13: {  	[smem:$0x3F8A] =	sst s0;
	s0 =	simm.s32 @!p1 $0x0  }
0x14: {  	s2 =	sld [smem:$0x3F6E];
	s0 =	simm.s32 @p1 $0x1  }
0x15: {  	[smem:$0x3F8B] =	sst s0;
	s0 =	simm.s32 @!p2 $0x0  }
0x16: {  	s3 =	sld [smem:$0x3FDB];
	s0 =	simm.s32 @p2 $0x1  }
0x17: {  	s4 =	simm.s32 $0x1BF5;
	[smem:$0x3F8D] =	sst s0  }
0x18: {  	s0 =	sld [smem:$0x3F70];
	_ =	swait.ge [sflag:s4], $0x0  }
0x19: {  	s7 =	sld [smem:$0x3F71]  }
0x1a: {  	s8 =	sadd.s32 $0xFFFFE003, lr  }
0x1b: {  	s9 =	sadd.s32 $0xFFFFFEF7, lr;
	s5 =	simm.s32 $0xFFFFFFFF;
	p2 =	slt.u32 s8, $0xFFFFF086  }
0x1c: {  	p1 =	slt.u32 s9, $0xF7A;
	s5 =	simm.s32 @!p2 $0x0  }
0x1d: {  	s5 =	simm.s32 @p1 $0x1;
	p0 =	seq.s32 s7, s2  }
0x1e: {  	s7 =	smul.u32 @!p0 $0xF7A, s2;
	p2 =	seq.s32 @!p0 s5, $0x0  }
0x1f: {  	s9 =	smul.u32 $0xF7A, s1;
	s8 =	simm.s32 @!p0 $0x1BF5;
	p2 =	por !p2, p0  }
0x20: {  	[sflag:s8] =	ssyncset.s32 @!p0 $0xFFFFF086;
	s6 =	sadd.s32 @!p0 s3, s7;
	s7 =	simm.s32 @!p0 $0x108  }
0x21: {  	s3 =	sadd.s32 s3, s9;
	s6 =	sadd.s32 @!p0 $0x88, s6;
	s7 =	simm.s32 @p2 $0x1082  }
0x22: {  	[simem:s7], [sflag:s8] =	dma.local @!p0 [hbm:s6], $0xF7A  }
0x23: {  	s9 =	sor.u32 $0xD0000000, s2;
	s6 =	simm.s32 $0x108;
	_ =	swait.ge @!p0 [sflag:s8], $0x0  }
0x24: {  	s3 =	sadd.s32 $0x88, s3;
	s6 =	simm.s32 @!p1 $0x1082;
	[sflag:s4] =	ssyncset.s32 $0xFFFFF086  }
0x25: {  	[simem:s6], [sflag:s4] =	dma.local [hbm:s3], $0xF7A  }
0x26: {  	[smem:$0x3F71] =	sst s1;
	(tag) =	ssettag s2;
	_ =	strace s9  }
0x27: {  	s1 =	sld [smem:$0x3F81]  }
0x28: {  	s2 =	sld [smem:$0x3F82]  }
0x29: {  	s4 =	sld [smem:$0x3F84]  }
0x2a: {  	p0 =	seq.s32 s5, $0x0;
	s5 =	sld [smem:$0x3F85]  }
0x2b: {  	s6 =	sld [smem:$0x3F86]  }
0x2c: {  	s7 =	sld [smem:$0x3F87]  }
0x2d: {  	s3 =	simm.s32 $0x108;
	s8 =	sld [smem:$0x3F88]  }
0x2e: {  	s3 =	simm.s32 @!p0 $0x1082;
	s9 =	sld [smem:$0x3F89]  }
0x2f: {  	lr =	sadd.s32 s0, s3;
	s0 =	sld [smem:$0x3F80]  }
0x30: {  	s3 =	sld [smem:$0x3F83]  }
0x31: {  	[smem:$0x3F8C] =	sst s10  }
0x32: {  	s10 =	sld [smem:$0x3F8A];
	_ =	sdelay $0x3  }
0x33: {  	p0 =	seq.s32 s10, $0x1;
	s10 =	sld [smem:$0x3F8C];
	_ =	sdelay $0x3  }
0x34: {  	[smem:$0x3F8C] =	sst s10  }
0x35: {  	s10 =	sld [smem:$0x3F8B];
	_ =	sdelay $0x3  }
0x36: {  	p1 =	seq.s32 s10, $0x1;
	s10 =	sld [smem:$0x3F8C];
	_ =	sdelay $0x3  }
0x37: {  	[smem:$0x3F8C] =	sst s10  }
0x38: {  	s10 =	sld [smem:$0x3F8D]  }
0x39: {  	_ = 	snop;
	(pc) =	sbr.ind lr, $3  }
0x3a: {  	_ = 	snop  }
0x3b: {  	_ = 	snop  }
0x3c: {  	p2 =	seq.s32 s10, $0x1;
	s10 =	sld [smem:$0x3F8C]  }
0x3d: {  	_ =	shalt  }
0x3e: {  	_ =	shalt  }
0x3f: {  	_ =	shalt  }
0x40: {  	_ =	shalt  }
0x41: {  	_ =	shalt  }
0x42: {  	_ =	shalt  }
0x43: {  	_ =	shalt  }
0x44: {  	_ =	shalt  }
0x45: {  	_ =	shalt  }
0x46: {  	_ =	shalt  }
0x47: {  	_ =	shalt  }
0x48: {  	_ =	shalt  }
0x49: {  	_ =	shalt  }
0x4a: {  	_ =	shalt  }
0x4b: {  	_ =	shalt  }
0x4c: {  	_ =	shalt  }
0x4d: {  	_ =	shalt  }
0x4e: {  	_ =	shalt  }
0x4f: {  	_ =	shalt  }
0x50: {  	_ =	shalt  }
0x51: {  	_ =	shalt  }
0x52: {  	_ =	shalt  }
0x53: {  	_ =	shalt  }
0x54: {  	_ =	shalt  }
0x55: {  	_ =	shalt  }
0x56: {  	_ =	shalt  }
0x57: {  	_ =	shalt  }
0x58: {  	_ =	shalt  }
0x59: {  	_ =	shalt  }
0x5a: {  	_ =	shalt  }
0x5b: {  	_ =	shalt  }
0x5c: {  	_ =	shalt  }
0x5d: {  	_ =	shalt  }
0x5e: {  	_ =	shalt  }
0x5f: {  	_ =	shalt  }
0x60: {  	_ =	shalt  }
0x61: {  	_ =	shalt  }
0x62: {  	_ =	shalt  }
0x63: {  	_ =	shalt  }
0x64: {  	_ =	shalt  }
0x65: {  	_ =	shalt  }
0x66: {  	_ =	shalt  }
0x67: {  	_ =	shalt  }
0x68: {  	_ =	shalt  }
0x69: {  	_ =	shalt  }
0x6a: {  	_ =	shalt  }
0x6b: {  	_ =	shalt  }
0x6c: {  	_ =	shalt  }
0x6d: {  	_ =	shalt  }
0x6e: {  	_ =	shalt  }
0x6f: {  	_ =	shalt  }
0x70: {  	_ =	shalt  }
0x71: {  	_ =	shalt  }
0x72: {  	_ =	shalt  }
0x73: {  	_ =	shalt  }
0x74: {  	_ =	shalt  }
0x75: {  	_ =	shalt  }
0x76: {  	_ =	shalt  }
0x77: {  	_ =	shalt  }
0x78: {  	_ =	shalt  }
0x79: {  	_ =	shalt  }
0x7a: {  	_ =	shalt  }
0x7b: {  	_ =	shalt  }
0x7c: {  	_ =	shalt  }
0x7d: {  	_ =	shalt  }
0x7e: {  	_ =	shalt  }
0x7f: {  	_ =	shalt  }
0x80: {  	_ =	shalt  }
0x81: {  	_ =	shalt  }
0x82: {  	_ =	shalt  }
0x83: {  	_ =	shalt  }
0x84: {  	_ =	shalt  }
0x85: {  	_ =	shalt  }
0x86: {  	_ =	shalt  }
0x87: {  	_ =	shalt  }
.Lfunc_end0:
.L_simem_size_0:
called_computation_lowered:
.L_overlay_start_0:
0x88: {  	s2 =	sld [smem:$0x3FD9]  }
0x89: {  	s3 =	sld [smem:$0x3FFE];
	_ =	sdelay $0x1  }
0x8a: {  	s1 =	srdreg.scid  }
0x8b: {  	s0 =	sand.u32 $0x1, s1  }
0x8c: {  	s14 =	sshll.u32 s0, $0xA;
	s2 =	sadd.s32 s3, s2  }
0x8d: {  	s2 =	sadd.s32 s2, s14  }
0x8e: {  	[smem:$0x3F98] =	sst s2  }
0x8f: {  	_ = 	snop  }
0x90: {  	s2 =	sld [smem:$0x3FD0];
	_ =	sdelay $0x2  }
0x91: {  	s15 =	simm.s32 $0xB;
	s4 =	simm.s32 $0x10  }
0x92: {  	[smem:s4], [sflag:s15] =	dma.local [hbm:s2], $0x1  }
0x93: {  	_ =	swait.eq [sflag:s15], $0x1  }
0x94: {  	[sflag:s15] =	ssyncset.done $0x0  }
0x95: {  	[sflag:s15] =	ssyncadd.s32 $0xFFFFFFFF  }
0x96: {  	s16 =	sld [smem:$0x10];
	(tm) =	ssettm $0x1  }
0x97: {  	s17 =	sld [smem:$0x3FFB];
	_ =	sdelay $0x3  }
0x98: {  	_ =	strace s17  }
0x99: {  	s3 =	sld [smem:$0x3FFC];
	_ =	sdelay $0x3  }
0x9a: {  	_ =	strace s3  }
0x9b: {  	s3 =	sld [smem:$0x3FFD];
	_ =	sdelay $0x3  }
0x9c: {  	_ =	strace s3  }
0x9d: {  	_ =	strace $0x8FFFFFFF  }
0x9e: {  	s18 =	sld [smem:$0x3FDB];
	_ =	sdelay $0x1  }
0x9f: {  	s19 =	simm.s32 $_scs_section_size  }
0xa0: {  	s5 =	simm.s32 $_size__tile_overlayer_lowered;
	s6 =	simm.s32 $_tile_overlayer_lowered  }
0xa1: {  	s22 =	simm.s32 $0x1BFF;
	s21 =	sshll.u32 s6, $0x1;
	s3 =	sadd.s32 s19, s18  }
0xa2: {  	s7 =	simm.s32 $0x0;
	s20 =	sshll.u32 s5, $0x1;
	s5 =	sadd.s32 s21, s3  }
0xa3: {  	[timem:s7], [sflag:s22] =	dma.local [hbm:s5], s20  }
0xa4: {  	_ =	swait.ge [sflag:s22], s20  }
0xa5: {  	s4 =	ssub.s32 $0x0, s20;
	[sflag:s22] =	ssyncset.done $0x0  }
0xa6: {  	[sflag:s22] =	ssyncadd.s32 s4;
	_ =	sdelay $0x1  }
0xa7: {  	s23 =	simm.s32 $0x1B8B  }
0xa8: {  	_ =	swait.ge [sflag:s23], $0x1  }
0xa9: {  	[sflag:s23] =	ssyncset.done $0x0  }
0xaa: {  	s25 =	simm.s32 $0x1B8E;
	s24 =	sld [smem:$0x3FFE];
	[sflag:s23] =	ssyncadd.s32 $0xFFFFFFFF  }
0xab: {  	s26 =	simm.s32 $execute0_lowered;
	[smem:$0x3FD2] =	sst s25  }
0xac: {  	s5 =	sshll.u32 s26, $0x1;
	_ =	strace $0x80000046;
	[dreg:$0x1] =	wrdreg $0xFFFFFFFF  }
0xad: {  	s28 =	simm.s32 $_size_execute0_lowered;
	s3 =	sadd.s32 s3, s5;
	[dreg:$0x0] =	wrdreg $0x0  }
0xae: {  	s5 =	sshll.u32 s28, $0x1;
	[dreg:$0x2] =	wrdreg s3  }
0xaf: {  	[dreg:$0x3] =	wrdreg s5  }
0xb0: {  	[dreg:$0x4] =	wrdreg $0xC0  }
0xb1: {  	_ =	task [dreg:s7], $0x5FFFF  }
0xb2: {  	[dreg:$0x1] =	wrdreg $0xFFFFFFFF  }
0xb3: {  	[dreg:$0x0] =	wrdreg $0x60  }
0xb4: {  	[dreg:$0x2] =	wrdreg s24  }
0xb5: {  	[dreg:$0x3] =	wrdreg s16  }
0xb6: {  	[dreg:$0x4] =	wrdreg $0x1000  }
0xb7: {  	[dreg:$0x5] =	wrdreg $0x9  }
0xb8: {  	_ =	task.clear_ibuf [dreg:s7], $0x6FFFF;
	_ =	strace $0x90000046  }
0xb9: {  	s29 =	simm.s32 $0x9;
	_ =	strace $0x80000048  }
0xba: {  	_ =	swait.ge [sflag:s29], $0x1  }
0xbb: {  	[sflag:s29] =	ssyncadd.s32 $0xFFFFFFFF  }
0xbc: {  	_ =	strace $0x90000048  }
0xbd: {  	_ =	sfence  }
0xbe: {  	s30 =	sld [smem:$0x0];
	_ =	sdelay $0x2  }
0xbf: {  	s31 =	sshll.u32 s1, $0xD;
	s1 =	sshrl.u32 s1, $0x2  }
0xc0: {  	s3 =	sand.u32 $0x4000, s31;
	s1 =	sadd.s32 s1, s30  }
0xc1: {  	s0 =	sor.u32 s3, s0;
	s1 =	sshll.u32 s1, $0x11  }
0xc2: {  	s0 =	sor.u32 s1, s0  }
0xc3: {  	s0 =	sadd.s32 $0x8F2B, s0  }
0xc4: {  	[sflag:s0] =	ssyncadd.remote.s32 $0x1  }
0xc5: {  	_ =	sfence.sel $0xFFFF  }
0xc6: {  	[dreg:$0x0] =	wrdreg $0xFFFFFFFF;
	(pc) =	sbr.abs _section_cstart, $3  }
0xc7: {  	[dreg:$0x1] =	wrdreg $0xFFFFFFFF  }
0xc8: {  	_ =	task.clear_ibuf [dreg:s7], $0x2FFFF;
	_ =	strace $0x9FFFFFFF  }
0xc9: {  	(tm) =	ssettm $0x7FFFFFFF  }
tec
execute0_lowered:
.L_overlay_start_1:
0x0: {  	(tag) =	ssettag $0x1  }
0x1: {  	s7 =	rddreg [dreg:$0x0]  }
0x2: {  	s2 =	rddreg [dreg:$0x1];
	s1 =	srdreg.scid  }
0x3: {  	s0 =	stileid.u32;
	s3 =	rddreg [dreg:$0x2];
	s4 =	simm.s32 $0x0  }
0x4: {  	s8 =	sand.u32 $0x1, s1;
	s9 =	smul.u32 $0x2C00, s0;
	s1 =	rddreg [dreg:$0x3]  }
0x5: {  	[smem:$0x7FF] =	sst s4;
	s13 =	smul.u32 $0x280, s0  }
0x6: {  	s5 =	sadd.s32 $0x6400, s7;
	s31 =	sshll.u32 s0, $0x6;
	s6 =	smul.u32 $0x2C000, s8  }
0x7: {  	_ =	strace $0x80000047;
	s11 =	ssub.s32 $0x2, s8;
	s12 =	smul.u32 $0x2800, s8  }
0x8: {  	s30 =	sshrl.u32 s11, $0x1;
	s14 =	sadd.s32 s9, s3;
	s10 =	sadd.s32 s9, s6  }
0x9: {  	s6 =	sadd.s32 $0xB400, s7;
	s11 =	ssub.s32 s11, s30;
	s10 =	sshrl.u32 s10, $0x3  }
0xa: {  	s9 =	smax.u32 s11, $0x1;
	s11 =	sshrl.u32 s14, $0x3;
	s10 =	sadd.s32 s10, s7  }
0xb: {  	s14 =	simm.s32 $0x0;
	s7 =	sor.u32 $0x1C01, s31;
	s8 =	sadd.s32 $0xBA00, s10  }
0xc: {  	s10 =	sadd.s32 s13, s12;
	s12 =	simm.s32 $0x1;
	s13 =	simm.s32 $0x80  }
.LBB2_1:
0xd: {  	[spmem:s11], [sflag:s7] =	dma.local [hbm:s6], $0x580  }
0xe: {  	_ =	swait.ge [sflag:s12], $0x580  }
0xf: {  	[sflag:s12] =	ssyncset.done $0x0  }
0x10: {  	[sflag:s12] =	ssyncadd.s32 $0xFFFFFA80  }
0x11: {  	[tilespmem:s13], [sflag:$0x1] =	stream.linear.gather [hbm4b:s2+s4], $0x80, $0x38;
	[tilespmem:$0x2D00] =	vst v63  }
0x12: {  	_ =	swait.ge [sflag:s12], $0x80  }
0x13: {  	s15 =	sadd.s32 $0x0, s10;
	s16 =	sand.u32 $0x70, s4;
	[sflag:s12] =	ssyncset.done $0x0  }
0x14: {  	s15 =	sand.u32 $0xFFFFF80, s15;
	s16 =	sadd.s32 s5, s16;
	[sflag:s12] =	ssyncadd.s32 $0xFFFFFF80  }
0x15: {  	s15 =	sadd.s32 s15, s16;
	[bflag:$0x0] =	sbarrier.arrive $0xFFFF  }
0x16: {  	[tilespmem:s4], [sflag:$0x1] =	stream.linear.gather [hbm4b:s15+s4], $0x80, $0x38;
	[tilespmem:$0x2D00] =	vst v63  }
0x17: {  	_ =	swait.ge [sflag:s12], $0x80  }
0x18: {  	[sflag:s12] =	ssyncset.done $0x0  }
0x19: {  	s31 =	simm.s32 $0x10;
	s17 =	sadd.s32 $0x10, s10;
	[sflag:s12] =	ssyncadd.s32 $0xFFFFFF80  }
0x1a: {  	[spmem:s3] =	stream.indirect.scatter.add.f32 [tilespmem:s13], [sflag:$0x1], $0x1, s4, s13, $0xb8;
	[tilespmem:$0x2D00] =	vst v63  }
0x1b: {  	s18 =	sand.u32 $0x70, s31;
	s16 =	sand.u32 $0xFFFFF80, s17;
	_ =	swait.ge [sflag:s12], $0x80  }
0x1c: {  	s17 =	sadd.s32 s5, s18;
	s15 =	simm.s32 $0x20;
	[sflag:s12] =	ssyncset.done $0x0  }
.LBB2_2:
0x1d: {  	s16 =	sadd.s32 s16, s17  }
0x1e: {  	[sflag:s12] =	ssyncadd.s32 $0xFFFFFF80;
	s17 =	smov.u32 s15;
	s18 =	sadd.s32 $0x10, s15  }
0x1f: {  	[tilespmem:s4], [sflag:$0x1] =	stream.linear.gather [hbm4b:s16+s4], $0x80, $0x38;
	[tilespmem:$0x2D00] =	vst v63  }
0x20: {  	p0 =	sne.s32 s15, $0x270;
	_ =	swait.ge [sflag:s12], $0x80  }
.Ltmp0:
0x21: {  	[sflag:s12] =	ssyncset.done $0x0;
	(pc) =	sbr.rel @p0 .LBB2_2-.Ltmp0, $4  }
0x22: {  	s15 =	sadd.s32 s17, s10;
	[sflag:s12] =	ssyncadd.s32 $0xFFFFFF80  }
0x23: {  	[spmem:s3] =	stream.indirect.scatter.add.f32 [tilespmem:s13], [sflag:$0x1], $0x1, s4, s13, $0xb8;
	[tilespmem:$0x2D00] =	vst v63  }
0x24: {  	s17 =	sand.u32 $0x70, s17;
	s16 =	sand.u32 $0xFFFFF80, s15;
	_ =	swait.ge [sflag:s12], $0x80  }
0x25: {  	s17 =	sadd.s32 s5, s17;
	s15 =	smov.u32 s18;
	[sflag:s12] =	ssyncset.done $0x0  }
0x26: {  	s15 =	sadd.s32 s16, s17;
	[sflag:s12] =	ssyncadd.s32 $0xFFFFFF80  }
0x27: {  	[tilespmem:s4], [sflag:$0x1] =	stream.linear.gather [hbm4b:s15+s4], $0x80, $0x38;
	[tilespmem:$0x2D00] =	vst v63  }
0x28: {  	_ =	swait.ge [sflag:s12], $0x80  }
0x29: {  	[sflag:s12] =	ssyncset.done $0x0  }
0x2a: {  	[sflag:s12] =	ssyncadd.s32 $0xFFFFFF80  }
0x2b: {  	[spmem:s3] =	stream.indirect.scatter.add.f32 [tilespmem:s13], [sflag:$0x1], $0x1, s4, s13, $0xb8;
	[tilespmem:$0x2D00] =	vst v63  }
0x2c: {  	_ =	swait.ge [sflag:s12], $0x80  }
0x2d: {  	s14 =	sadd.s32 $0x1, s14;
	[sflag:s12] =	ssyncset.done $0x0  }
0x2e: {  	p0 =	sne.s32 s14, s9;
	[sflag:s12] =	ssyncadd.s32 $0xFFFFFF80  }
.Ltmp1:
0x2f: {  	[bflag:$0x0] =	sbarrier.arrive $0xFFFF;
	(pc) =	sbr.rel @p0 .LBB2_1-.Ltmp1, $4  }
0x30: {  	[hbm:s8], [sflag:s7] =	dma.local [spmem:s11], $0x580  }
0x31: {  	_ =	swait.ge [sflag:s12], $0x580  }
0x32: {  	[sflag:s12] =	ssyncset.done $0x0  }
0x33: {  	[sflag:s12] =	ssyncadd.s32 $0xFFFFFA80  }
0x34: {  	_ =	sfence.sel $0x180000  }
0x35: {  	[bflag:$0x0] =	sbarrier.arrive $0xFFFF  }
0x36: {  	p0 =	sne.s32 s0, $0x0;
	_ =	strace $0x90000047  }
0x37: {  	s0 =	sadd.s32 @!p0 $0x100000, s1;
	[bflag:$0x2] =	sbarrier.arrive $0xFFFF  }
0x38: {  	[sflag:s0] =	ssyncadd.tile.s32 @!p0 $0x1;
	_ =	shalt  }
.Lfunc_end2:
_tile_overlayer_lowered:
.L_overlay_start_2:
0x39: {  	(tag) =	ssettag $0x2  }
0x3a: {  	s0 =	rddreg [dreg:$0x0];
	s2 =	stileid.u32  }
0x3b: {  	s1 =	rddreg [dreg:$0x1];
	p0 =	sne.s32 s2, $0x0  }
0x3c: {  	s3 =	rddreg [dreg:$0x2];
	[bflag:$0x3] =	sbarrier.arrive $0xFFFF;
	s2 =	simm.s32 @!p0 $0x1C01  }
0x3d: {  	[timem:s3], [sflag:s2] =	dma.local @!p0 [hbm:s0], s1  }
0x3e: {  	s0 =	simm.s32 @!p0 $0x1  }
0x3f: {  	_ =	swait.ge @!p0 [sflag:s0], s1  }
0x40: {  	s1 =	ssub.s32 @!p0 $0x0, s1;
	[sflag:s0] =	ssyncset.done @!p0 $0x0  }
0x41: {  	[sflag:s0] =	ssyncadd.s32 @!p0 s1  }
0x42: {  	[bflag:$0x3] =	sbarrier.arrive $0xFFFF  }
0x43: {  	_ =	shalt  }

// kernel: kernel.17.cloned.1.call-start
scs
__scs_entry_jumppad:
0x0: {  	(pc) =	sbr.rel $0x88, $3  }
0x1: {  	(tag) =	ssettag $0x0;
	lr =	simm.s32 $0x1  }
0x2: {  	[smem:$0x3F71] =	sst lr;
	_ =	strace $0xD0000000  }
0x3: {  	_ = 	snop  }
0x4: {  	_ = 	snop  }
0x5: {  	_ = 	snop  }
0x6: {  	_ = 	snop  }
0x7: {  	_ = 	snop  }
__scs_overlays_trampoline_lowered:
0x8: {  	[smem:$0x3F80] =	sst s0  }
0x9: {  	[smem:$0x3F81] =	sst s1  }
0xa: {  	[smem:$0x3F82] =	sst s2  }
0xb: {  	[smem:$0x3F83] =	sst s3  }
0xc: {  	[smem:$0x3F84] =	sst s4  }
0xd: {  	[smem:$0x3F85] =	sst s5  }
0xe: {  	[smem:$0x3F86] =	sst s6  }
0xf: {  	[smem:$0x3F87] =	sst s7  }
0x10: {  	[smem:$0x3F88] =	sst s8  }
0x11: {  	[smem:$0x3F89] =	sst s9;
	s0 =	simm.s32 @!p0 $0x0  }
0x12: {  	s1 =	sld [smem:$0x3F6F];
	s0 =	simm.s32 @p0 $0x1  }
0x13: {  	[smem:$0x3F8A] =	sst s0;
	s0 =	simm.s32 @!p1 $0x0  }
0x14: {  	s2 =	sld [smem:$0x3F6E];
	s0 =	simm.s32 @p1 $0x1  }
0x15: {  	[smem:$0x3F8B] =	sst s0;
	s0 =	simm.s32 @!p2 $0x0  }
0x16: {  	s3 =	sld [smem:$0x3FDB];
	s0 =	simm.s32 @p2 $0x1  }
0x17: {  	s4 =	simm.s32 $0x1BF5;
	[smem:$0x3F8D] =	sst s0  }
0x18: {  	s0 =	sld [smem:$0x3F70];
	_ =	swait.ge [sflag:s4], $0x0  }
0x19: {  	s7 =	sld [smem:$0x3F71]  }
0x1a: {  	s8 =	sadd.s32 $0xFFFFE003, lr  }
0x1b: {  	s9 =	sadd.s32 $0xFFFFFEF7, lr;
	s5 =	simm.s32 $0xFFFFFFFF;
	p2 =	slt.u32 s8, $0xFFFFF086  }
0x1c: {  	p1 =	slt.u32 s9, $0xF7A;
	s5 =	simm.s32 @!p2 $0x0  }
0x1d: {  	s5 =	simm.s32 @p1 $0x1;
	p0 =	seq.s32 s7, s2  }
0x1e: {  	s7 =	smul.u32 @!p0 $0xF7A, s2;
	p2 =	seq.s32 @!p0 s5, $0x0  }
0x1f: {  	s9 =	smul.u32 $0xF7A, s1;
	s8 =	simm.s32 @!p0 $0x1BF5;
	p2 =	por !p2, p0  }
0x20: {  	[sflag:s8] =	ssyncset.s32 @!p0 $0xFFFFF086;
	s6 =	sadd.s32 @!p0 s3, s7;
	s7 =	simm.s32 @!p0 $0x108  }
0x21: {  	s3 =	sadd.s32 s3, s9;
	s6 =	sadd.s32 @!p0 $0x88, s6;
	s7 =	simm.s32 @p2 $0x1082  }
0x22: {  	[simem:s7], [sflag:s8] =	dma.local @!p0 [hbm:s6], $0xF7A  }
0x23: {  	s9 =	sor.u32 $0xD0000000, s2;
	s6 =	simm.s32 $0x108;
	_ =	swait.ge @!p0 [sflag:s8], $0x0  }
0x24: {  	s3 =	sadd.s32 $0x88, s3;
	s6 =	simm.s32 @!p1 $0x1082;
	[sflag:s4] =	ssyncset.s32 $0xFFFFF086  }
0x25: {  	[simem:s6], [sflag:s4] =	dma.local [hbm:s3], $0xF7A  }
0x26: {  	[smem:$0x3F71] =	sst s1;
	(tag) =	ssettag s2;
	_ =	strace s9  }
0x27: {  	s1 =	sld [smem:$0x3F81]  }
0x28: {  	s2 =	sld [smem:$0x3F82]  }
0x29: {  	s4 =	sld [smem:$0x3F84]  }
0x2a: {  	p0 =	seq.s32 s5, $0x0;
	s5 =	sld [smem:$0x3F85]  }
0x2b: {  	s6 =	sld [smem:$0x3F86]  }
0x2c: {  	s7 =	sld [smem:$0x3F87]  }
0x2d: {  	s3 =	simm.s32 $0x108;
	s8 =	sld [smem:$0x3F88]  }
0x2e: {  	s3 =	simm.s32 @!p0 $0x1082;
	s9 =	sld [smem:$0x3F89]  }
0x2f: {  	lr =	sadd.s32 s0, s3;
	s0 =	sld [smem:$0x3F80]  }
0x30: {  	s3 =	sld [smem:$0x3F83]  }
0x31: {  	[smem:$0x3F8C] =	sst s10  }
0x32: {  	s10 =	sld [smem:$0x3F8A];
	_ =	sdelay $0x3  }
0x33: {  	p0 =	seq.s32 s10, $0x1;
	s10 =	sld [smem:$0x3F8C];
	_ =	sdelay $0x3  }
0x34: {  	[smem:$0x3F8C] =	sst s10  }
0x35: {  	s10 =	sld [smem:$0x3F8B];
	_ =	sdelay $0x3  }
0x36: {  	p1 =	seq.s32 s10, $0x1;
	s10 =	sld [smem:$0x3F8C];
	_ =	sdelay $0x3  }
0x37: {  	[smem:$0x3F8C] =	sst s10  }
0x38: {  	s10 =	sld [smem:$0x3F8D]  }
0x39: {  	_ = 	snop;
	(pc) =	sbr.ind lr, $3  }
0x3a: {  	_ = 	snop  }
0x3b: {  	_ = 	snop  }
0x3c: {  	p2 =	seq.s32 s10, $0x1;
	s10 =	sld [smem:$0x3F8C]  }
0x3d: {  	_ =	shalt  }
0x3e: {  	_ =	shalt  }
0x3f: {  	_ =	shalt  }
0x40: {  	_ =	shalt  }
0x41: {  	_ =	shalt  }
0x42: {  	_ =	shalt  }
0x43: {  	_ =	shalt  }
0x44: {  	_ =	shalt  }
0x45: {  	_ =	shalt  }
0x46: {  	_ =	shalt  }
0x47: {  	_ =	shalt  }
0x48: {  	_ =	shalt  }
0x49: {  	_ =	shalt  }
0x4a: {  	_ =	shalt  }
0x4b: {  	_ =	shalt  }
0x4c: {  	_ =	shalt  }
0x4d: {  	_ =	shalt  }
0x4e: {  	_ =	shalt  }
0x4f: {  	_ =	shalt  }
0x50: {  	_ =	shalt  }
0x51: {  	_ =	shalt  }
0x52: {  	_ =	shalt  }
0x53: {  	_ =	shalt  }
0x54: {  	_ =	shalt  }
0x55: {  	_ =	shalt  }
0x56: {  	_ =	shalt  }
0x57: {  	_ =	shalt  }
0x58: {  	_ =	shalt  }
0x59: {  	_ =	shalt  }
0x5a: {  	_ =	shalt  }
0x5b: {  	_ =	shalt  }
0x5c: {  	_ =	shalt  }
0x5d: {  	_ =	shalt  }
0x5e: {  	_ =	shalt  }
0x5f: {  	_ =	shalt  }
0x60: {  	_ =	shalt  }
0x61: {  	_ =	shalt  }
0x62: {  	_ =	shalt  }
0x63: {  	_ =	shalt  }
0x64: {  	_ =	shalt  }
0x65: {  	_ =	shalt  }
0x66: {  	_ =	shalt  }
0x67: {  	_ =	shalt  }
0x68: {  	_ =	shalt  }
0x69: {  	_ =	shalt  }
0x6a: {  	_ =	shalt  }
0x6b: {  	_ =	shalt  }
0x6c: {  	_ =	shalt  }
0x6d: {  	_ =	shalt  }
0x6e: {  	_ =	shalt  }
0x6f: {  	_ =	shalt  }
0x70: {  	_ =	shalt  }
0x71: {  	_ =	shalt  }
0x72: {  	_ =	shalt  }
0x73: {  	_ =	shalt  }
0x74: {  	_ =	shalt  }
0x75: {  	_ =	shalt  }
0x76: {  	_ =	shalt  }
0x77: {  	_ =	shalt  }
0x78: {  	_ =	shalt  }
0x79: {  	_ =	shalt  }
0x7a: {  	_ =	shalt  }
0x7b: {  	_ =	shalt  }
0x7c: {  	_ =	shalt  }
0x7d: {  	_ =	shalt  }
0x7e: {  	_ =	shalt  }
0x7f: {  	_ =	shalt  }
0x80: {  	_ =	shalt  }
0x81: {  	_ =	shalt  }
0x82: {  	_ =	shalt  }
0x83: {  	_ =	shalt  }
0x84: {  	_ =	shalt  }
0x85: {  	_ =	shalt  }
0x86: {  	_ =	shalt  }
0x87: {  	_ =	shalt  }
.Lfunc_end0:
.L_simem_size_0:
called_computation.1_lowered:
.L_overlay_start_0:
0x88: {  	s2 =	sld [smem:$0x3FD9]  }
0x89: {  	s3 =	sld [smem:$0x3FFE];
	_ =	sdelay $0x1  }
0x8a: {  	s1 =	srdreg.scid  }
0x8b: {  	s0 =	sand.u32 $0x1, s1  }
0x8c: {  	s15 =	sshll.u32 s0, $0xA;
	s2 =	sadd.s32 s3, s2  }
0x8d: {  	s2 =	sadd.s32 s2, s15  }
0x8e: {  	[smem:$0x3F98] =	sst s2  }
0x8f: {  	_ = 	snop  }
0x90: {  	s2 =	sld [smem:$0x3FD0];
	_ =	sdelay $0x2  }
0x91: {  	s16 =	simm.s32 $0xB;
	s4 =	simm.s32 $0x10  }
0x92: {  	[smem:s4], [sflag:s16] =	dma.local [hbm:s2], $0x1  }
0x93: {  	_ =	swait.eq [sflag:s16], $0x1  }
0x94: {  	[sflag:s16] =	ssyncset.done $0x0  }
0x95: {  	[sflag:s16] =	ssyncadd.s32 $0xFFFFFFFF  }
0x96: {  	s17 =	sld [smem:$0x11];
	(tm) =	ssettm $0x1  }
0x97: {  	s18 =	sld [smem:$0x3FFB];
	_ =	sdelay $0x3  }
0x98: {  	_ =	strace s18  }
0x99: {  	s2 =	sld [smem:$0x3FFC];
	_ =	sdelay $0x3  }
0x9a: {  	_ =	strace s2  }
0x9b: {  	s2 =	sld [smem:$0x3FFD];
	_ =	sdelay $0x3  }
0x9c: {  	_ =	strace s2  }
0x9d: {  	_ =	strace $0x8FFFFFFF  }
0x9e: {  	s19 =	sld [smem:$0x3FDB];
	_ =	sdelay $0x1  }
0x9f: {  	s20 =	simm.s32 $_scs_section_size  }
0xa0: {  	s5 =	simm.s32 $_size__tile_overlayer_lowered;
	s6 =	simm.s32 $_tile_overlayer_lowered  }
0xa1: {  	s7 =	simm.s32 $0x1BFF;
	s21 =	sshll.u32 s6, $0x1;
	s4 =	sadd.s32 s20, s19  }
0xa2: {  	s22 =	simm.s32 $0x0;
	s5 =	sshll.u32 s5, $0x1;
	s6 =	sadd.s32 s21, s4  }
0xa3: {  	[timem:s22], [sflag:s7] =	dma.local [hbm:s6], s5  }
0xa4: {  	_ =	swait.ge [sflag:s7], s5  }
0xa5: {  	s5 =	ssub.s32 $0x0, s5;
	[sflag:s7] =	ssyncset.done $0x0  }
0xa6: {  	[sflag:s7] =	ssyncadd.s32 s5;
	_ =	sdelay $0x1  }
0xa7: {  	s23 =	simm.s32 $0x1B8B  }
0xa8: {  	_ =	swait.ge [sflag:s23], $0x1  }
0xa9: {  	[sflag:s23] =	ssyncset.done $0x0  }
0xaa: {  	[sflag:s23] =	ssyncadd.s32 $0xFFFFFFFF  }
0xab: {  	s5 =	sld [smem:$0x0]  }
0xac: {  	s6 =	sand.u32 $0xFFFFFFFE, s1  }
0xad: {  	p0 =	sne.s32 s1, s6  }
0xae: {  	s6 =	sshll.u32 @p0 s6, $0xE  }
0xaf: {  	s6 =	sadd.s32 @p0 $0x11B8D, s6;
	s7 =	sshll.u32 @p0 s5, $0x11  }
0xb0: {  	s6 =	sor.u32 @p0 s7, s6  }
0xb1: {  	[sflag:s6] =	ssyncadd.remote.s32 @p0 $0x1;
	_ =	sdelay $0x1  }
0xb2: {  	s6 =	simm.s32 @p0 $0x1B8D  }
0xb3: {  	_ =	swait.eq @p0 [sflag:s6], $0x1  }
0xb4: {  	[sflag:s6] =	ssyncadd.s32 @p0 $0xFFFFFFFF  }
0xb5: {  	s7 =	sshll.u32 @!p0 s1, $0xE  }
0xb6: {  	s7 =	sor.u32 @!p0 $0x4000, s7;
	s6 =	simm.s32 @!p0 $0x1B8D  }
0xb7: {  	s5 =	sshll.u32 @!p0 s5, $0x11;
	s7 =	sadd.s32 @!p0 $0x11B8D, s7;
	_ =	swait.eq @!p0 [sflag:s6], $0x1  }
0xb8: {  	s5 =	sor.u32 @!p0 s5, s7;
	[sflag:s6] =	ssyncadd.s32 @!p0 $0xFFFFFFFF  }
0xb9: {  	s25 =	simm.s32 $0x1B8E;
	s24 =	sld [smem:$0x3FFE];
	[sflag:s5] =	ssyncadd.remote.s32 @!p0 $0x1  }
0xba: {  	s26 =	simm.s32 $execute0_lowered;
	[smem:$0x3FD2] =	sst s25  }
0xbb: {  	s6 =	sshll.u32 s26, $0x1;
	_ =	strace $0x80000049;
	[dreg:$0x1] =	wrdreg $0xFFFFFFFF  }
0xbc: {  	s28 =	simm.s32 $_size_execute0_lowered;
	s4 =	sadd.s32 s4, s6;
	[dreg:$0x0] =	wrdreg $0x0  }
0xbd: {  	s6 =	sshll.u32 s28, $0x1;
	[dreg:$0x2] =	wrdreg s4  }
0xbe: {  	[dreg:$0x3] =	wrdreg s6  }
0xbf: {  	[dreg:$0x4] =	wrdreg $0xC0  }
0xc0: {  	_ =	task [dreg:s22], $0x5FFFF  }
0xc1: {  	[dreg:$0x1] =	wrdreg $0xFFFFFFFF  }
0xc2: {  	[dreg:$0x0] =	wrdreg $0x60  }
0xc3: {  	[dreg:$0x2] =	wrdreg s17  }
0xc4: {  	[dreg:$0x3] =	wrdreg s24  }
0xc5: {  	[dreg:$0x4] =	wrdreg $0x41000  }
0xc6: {  	[dreg:$0x5] =	wrdreg $0xA  }
0xc7: {  	_ =	task.clear_ibuf [dreg:s22], $0x6FFFF;
	_ =	strace $0x90000049  }
0xc8: {  	s29 =	simm.s32 $0xA;
	_ =	strace $0x8000004B  }
0xc9: {  	_ =	swait.ge [sflag:s29], $0x1  }
0xca: {  	[sflag:s29] =	ssyncadd.s32 $0xFFFFFFFF  }
0xcb: {  	_ =	strace $0x9000004B  }
0xcc: {  	_ =	sfence  }
0xcd: {  	s30 =	sld [smem:$0x0];
	_ =	sdelay $0x2  }
0xce: {  	s31 =	sshll.u32 s1, $0xD;
	s1 =	sshrl.u32 s1, $0x2  }
0xcf: {  	s4 =	sand.u32 $0x4000, s31;
	s1 =	sadd.s32 s1, s30  }
0xd0: {  	s0 =	sor.u32 s4, s0;
	s1 =	sshll.u32 s1, $0x11  }
0xd1: {  	s0 =	sor.u32 s1, s0  }
0xd2: {  	s0 =	sadd.s32 $0x8F2B, s0  }
0xd3: {  	[sflag:s0] =	ssyncadd.remote.s32 $0x1  }
0xd4: {  	_ =	sfence.sel $0xFFFF  }
0xd5: {  	[dreg:$0x0] =	wrdreg $0xFFFFFFFF;
	(pc) =	sbr.abs _section_cstart, $3  }
0xd6: {  	[dreg:$0x1] =	wrdreg $0xFFFFFFFF  }
0xd7: {  	_ =	task.clear_ibuf [dreg:s22], $0x2FFFF;
	_ =	strace $0x9FFFFFFF  }
0xd8: {  	(tm) =	ssettm $0x7FFFFFFF  }
0xd9: {  	_ =	shalt  }
tec
execute0_lowered:
.L_overlay_start_1:
0x0: {  	(tag) =	ssettag $0x1  }
0x1: {  	s1 =	rddreg [dreg:$0x0]  }
0x2: {  	s8 =	rddreg [dreg:$0x1]  }
0x3: {  	s3 =	rddreg [dreg:$0x2]  }
0x4: {  	s0 =	rddreg [dreg:$0x3];
	s4 =	simm.s32 $0x0;
	s5 =	srdreg.scid  }
0x5: {  	s2 =	stileid.u32;
	s16 =	simm.s32 $0x100;
	s17 =	simm.s32 $0x1  }
0x6: {  	s18 =	simm.s32 $0x0;
	[smem:$0x7FF] =	sst s4;
	s9 =	sand.u32 $0x1, s5  }
0x7: {  	s10 =	smul.u32 $0x2780, s2;
	s5 =	sadd.s32 $0x1BA00, s8;
	s6 =	sadd.s32 $0x16A00, s8  }
0x8: {  	s7 =	sadd.s32 $0x25A00, s8;
	s12 =	smul.u32 $0x4F000, s2;
	s14 =	sshll.u32 s2, $0x6  }
0x9: {  	_ =	strace $0x8000004A;
	s11 =	smul.u32 $0x27800, s9;
	s30 =	ssub.s32 $0x2, s9  }
0xa: {  	s15 =	smul.u32 $0x5000, s9;
	s9 =	sor.u32 $0x1C02, s14;
	s13 =	sshrl.u32 s30, $0x1  }
0xb: {  	s12 =	sshrl.u32 s12, $0x2;
	s10 =	sadd.s32 s10, s11;
	s11 =	ssub.s32 s30, s13  }
0xc: {  	s31 =	sadd.s32 s12, s3;
	s10 =	sadd.s32 s10, s8;
	s8 =	smul.u32 $0x500, s2  }
0xd: {  	s14 =	simm.s32 $0x2;
	s11 =	smax.u32 s11, $0x1;
	s13 =	sshrl.u32 s31, $0x3  }
0xe: {  	s10 =	sadd.s32 $0x28200, s10;
	s12 =	sadd.s32 s15, s8;
	s15 =	simm.s32 $0x80  }
.LBB2_1:
0xf: {  	[spmem:s13], [sflag:s9] =	dma.local [hbm:s7], $0x2780  }
0x10: {  	_ =	swait.ge [sflag:s14], $0x2780  }
0x11: {  	s19 =	sadd.s32 $0x0, s12;
	s20 =	sand.u32 $0x70, s4;
	[sflag:s14] =	ssyncset.done $0x0  }
0x12: {  	s19 =	sand.u32 $0xFFFFF80, s19;
	s21 =	sadd.s32 s5, s20;
	[sflag:s14] =	ssyncadd.s32 $0xFFFFD880  }
0x13: {  	s19 =	sadd.s32 s19, s21;
	[bflag:$0x0] =	sbarrier.arrive $0xFFFF  }
0x14: {  	[tilespmem:s4], [sflag:$0x2] =	stream.linear.gather [hbm4b:s19+s4], $0x80, $0x38;
	[tilespmem:$0x17D00] =	vst v63  }
0x15: {  	s31 =	sadd.s32 $0x0, s8;
	_ =	swait.ge [sflag:s14], $0x80  }
0x16: {  	s20 =	sadd.s32 s6, s20;
	s19 =	sand.u32 $0xFF80, s31;
	[sflag:s14] =	ssyncset.done $0x0  }
0x17: {  	s19 =	sadd.s32 s19, s20;
	[sflag:s14] =	ssyncadd.s32 $0xFFFFFF80  }
0x18: {  	[tilespmem:s15], [sflag:$0x2] =	stream.linear.gather [hbm4b:s19+s4], $0x80, $0x38;
	[tilespmem:$0x17D00] =	vst v63  }
0x19: {  	_ =	swait.ge [sflag:s14], $0x80  }
0x1a: {  	[sflag:s14] =	ssyncset.done $0x0  }
0x1b: {  	[sflag:s14] =	ssyncadd.s32 $0xFFFFFF80  }
0x1c: {  	[tilespmem:s16], [sflag:$0x1] =	stream.indirect.gather [hbm4b:s1+s15], $0x80, s4, s15, $0xb8;
	[tilespmem:$0x17D00] =	vst v63  }
0x1d: {  	_ =	swait.ge [sflag:s17], $0x4000  }
0x1e: {  	[sflag:s17] =	ssyncset.done $0x0  }
0x1f: {  	s22 =	sadd.s32 $0x10, s12;
	s19 =	simm.s32 $0x10;
	[sflag:s17] =	ssyncadd.s32 $0xFFFFC000  }
0x20: {  	[spmem:s3] =	stream.indirect.scatter.add.f32 [tilespmem:s16], [sflag:$0x2], $0x80, s15, s15, $0xb8;
	[tilespmem:$0x17D00] =	vst v63  }
0x21: {  	s22 =	sand.u32 $0xFFFFF80, s22;
	s21 =	sand.u32 $0x70, s19;
	_ =	swait.ge [sflag:s14], $0x4000  }
0x22: {  	s20 =	simm.s32 $0x20;
	s23 =	sadd.s32 s5, s21;
	[sflag:s14] =	ssyncset.done $0x0  }
.LBB2_2:
0x23: {  	s22 =	sadd.s32 s22, s23  }
0x24: {  	s21 =	sadd.s32 s6, s21;
	[sflag:s14] =	ssyncadd.s32 $0xFFFFC000;
	s23 =	smov.u32 s20  }
0x25: {  	[tilespmem:s4], [sflag:$0x2] =	stream.linear.gather [hbm4b:s22+s4], $0x80, $0x38;
	[tilespmem:$0x17D00] =	vst v63  }
0x26: {  	s24 =	sadd.s32 $0x10, s20;
	s19 =	sadd.s32 s19, s8;
	_ =	swait.ge [sflag:s14], $0x80  }
0x27: {  	p0 =	sne.s32 s20, $0x4F0;
	s19 =	sand.u32 $0xFF80, s19;
	[sflag:s14] =	ssyncset.done $0x0  }
0x28: {  	s20 =	sadd.s32 s19, s21;
	s19 =	smov.u32 s23;
	[sflag:s14] =	ssyncadd.s32 $0xFFFFFF80  }
0x29: {  	[tilespmem:s15], [sflag:$0x2] =	stream.linear.gather [hbm4b:s20+s4], $0x80, $0x38;
	[tilespmem:$0x17D00] =	vst v63  }
0x2a: {  	_ =	swait.ge [sflag:s14], $0x80  }
0x2b: {  	[sflag:s14] =	ssyncset.done $0x0  }
0x2c: {  	[sflag:s14] =	ssyncadd.s32 $0xFFFFFF80  }
0x2d: {  	[tilespmem:s16], [sflag:$0x1] =	stream.indirect.gather [hbm4b:s1+s15], $0x80, s4, s15, $0xb8;
	[tilespmem:$0x17D00] =	vst v63  }
0x2e: {  	_ =	swait.ge [sflag:s17], $0x4000  }
.Ltmp0:
0x2f: {  	[sflag:s17] =	ssyncset.done $0x0;
	(pc) =	sbr.rel @p0 .LBB2_2-.Ltmp0, $4  }
0x30: {  	s21 =	sand.u32 $0x70, s19;
	[sflag:s17] =	ssyncadd.s32 $0xFFFFC000  }
0x31: {  	[spmem:s3] =	stream.indirect.scatter.add.f32 [tilespmem:s16], [sflag:$0x2], $0x80, s15, s15, $0xb8;
	[tilespmem:$0x17D00] =	vst v63  }
0x32: {  	s23 =	sadd.s32 s5, s21;
	s20 =	sadd.s32 s19, s12;
	_ =	swait.ge [sflag:s14], $0x4000  }
0x33: {  	s22 =	sand.u32 $0xFFFFF80, s20;
	s20 =	smov.u32 s24;
	[sflag:s14] =	ssyncset.done $0x0  }
0x34: {  	s20 =	sadd.s32 s22, s23;
	[sflag:s14] =	ssyncadd.s32 $0xFFFFC000  }
0x35: {  	[tilespmem:s4], [sflag:$0x2] =	stream.linear.gather [hbm4b:s20+s4], $0x80, $0x38;
	[tilespmem:$0x17D00] =	vst v63  }
0x36: {  	s19 =	sadd.s32 s19, s8;
	_ =	swait.ge [sflag:s14], $0x80  }
0x37: {  	s31 =	sadd.s32 s6, s21;
	s19 =	sand.u32 $0xFF80, s19;
	[sflag:s14] =	ssyncset.done $0x0  }
0x38: {  	s19 =	sadd.s32 s19, s31;
	[sflag:s14] =	ssyncadd.s32 $0xFFFFFF80  }
0x39: {  	[tilespmem:s15], [sflag:$0x2] =	stream.linear.gather [hbm4b:s19+s4], $0x80, $0x38;
	[tilespmem:$0x17D00] =	vst v63  }
0x3a: {  	_ =	swait.ge [sflag:s14], $0x80  }
0x3b: {  	[sflag:s14] =	ssyncset.done $0x0  }
0x3c: {  	[sflag:s14] =	ssyncadd.s32 $0xFFFFFF80  }
0x3d: {  	[tilespmem:s16], [sflag:$0x1] =	stream.indirect.gather [hbm4b:s1+s15], $0x80, s4, s15, $0xb8;
	[tilespmem:$0x17D00] =	vst v63  }
0x3e: {  	_ =	swait.ge [sflag:s17], $0x4000  }
0x3f: {  	[sflag:s17] =	ssyncset.done $0x0  }
0x40: {  	[sflag:s17] =	ssyncadd.s32 $0xFFFFC000  }
0x41: {  	[spmem:s3] =	stream.indirect.scatter.add.f32 [tilespmem:s16], [sflag:$0x2], $0x80, s15, s15, $0xb8;
	[tilespmem:$0x17D00] =	vst v63  }
0x42: {  	_ =	swait.ge [sflag:s14], $0x4000  }
0x43: {  	s18 =	sadd.s32 $0x1, s18;
	[sflag:s14] =	ssyncset.done $0x0  }
0x44: {  	p0 =	sne.s32 s18, s11;
	[sflag:s14] =	ssyncadd.s32 $0xFFFFC000  }
.Ltmp1:
0x45: {  	[bflag:$0x0] =	sbarrier.arrive $0xFFFF;
	(pc) =	sbr.rel @p0 .LBB2_1-.Ltmp1, $4  }
0x46: {  	[hbm:s10], [sflag:s9] =	dma.local [spmem:s13], $0x2780  }
0x47: {  	_ =	swait.ge [sflag:s14], $0x2780  }
0x48: {  	[sflag:s14] =	ssyncset.done $0x0  }
0x49: {  	[sflag:s14] =	ssyncadd.s32 $0xFFFFD880  }
0x4a: {  	_ =	sfence.sel $0x180000  }
0x4b: {  	[bflag:$0x0] =	sbarrier.arrive $0xFFFF  }
0x4c: {  	p0 =	sne.s32 s2, $0x0;
	_ =	strace $0x9000004A  }
0x4d: {  	s0 =	sadd.s32 @!p0 $0x100000, s0;
	[bflag:$0x2] =	sbarrier.arrive $0xFFFF  }
0x4e: {  	[sflag:s0] =	ssyncadd.tile.s32 @!p0 $0x1;
	_ =	shalt  }
.Lfunc_end2:
_tile_overlayer_lowered:
.L_overlay_start_2:
0x4f: {  	(tag) =	ssettag $0x2  }
0x50: {  	s0 =	rddreg [dreg:$0x0];
	s2 =	stileid.u32  }
0x51: {  	s1 =	rddreg [dreg:$0x1];
	p0 =	sne.s32 s2, $0x0  }
0x52: {  	s3 =	rddreg [dreg:$0x2];
	[bflag:$0x3] =	sbarrier.arrive $0xFFFF;
	s2 =	simm.s32 @!p0 $0x1C02  }
0x53: {  	[timem:s3], [sflag:s2] =	dma.local @!p0 [hbm:s0], s1  }
0x54: {  	s0 =	simm.s32 @!p0 $0x2  }
0x55: {  	_ =	swait.ge @!p0 [sflag:s0], s1  }
0x56: {  	s1 =	ssub.s32 @!p0 $0x0, s1;
	[sflag:s0] =	ssyncset.done @!p0 $0x0  }
0x57: {  	[sflag:s0] =	ssyncadd.s32 @!p0 s1  }
0x58: {  	[bflag:$0x3] =	sbarrier.arrive $0xFFFF  }
0x59: {  	_ =	shalt  }

// kernel: kernel.20.cloned.1.call-start
scs
__scs_entry_jumppad:
0x0: {  	(pc) =	sbr.rel $0x88, $3  }
0x1: {  	(tag) =	ssettag $0x0;
	lr =	simm.s32 $0x1  }
0x2: {  	[smem:$0x3F71] =	sst lr;
	_ =	strace $0xD0000000  }
0x3: {  	_ = 	snop  }
0x4: {  	_ = 	snop  }
0x5: {  	_ = 	snop  }
0x6: {  	_ = 	snop  }
0x7: {  	_ = 	snop  }
__scs_overlays_trampoline_lowered:
0x8: {  	[smem:$0x3F80] =	sst s0  }
0x9: {  	[smem:$0x3F81] =	sst s1  }
0xa: {  	[smem:$0x3F82] =	sst s2  }
0xb: {  	[smem:$0x3F83] =	sst s3  }
0xc: {  	[smem:$0x3F84] =	sst s4  }
0xd: {  	[smem:$0x3F85] =	sst s5  }
0xe: {  	[smem:$0x3F86] =	sst s6  }
0xf: {  	[smem:$0x3F87] =	sst s7  }
0x10: {  	[smem:$0x3F88] =	sst s8  }
0x11: {  	[smem:$0x3F89] =	sst s9;
	s0 =	simm.s32 @!p0 $0x0  }
0x12: {  	s1 =	sld [smem:$0x3F6F];
	s0 =	simm.s32 @p0 $0x1  }
0x13: {  	[smem:$0x3F8A] =	sst s0;
	s0 =	simm.s32 @!p1 $0x0  }
0x14: {  	s2 =	sld [smem:$0x3F6E];
	s0 =	simm.s32 @p1 $0x1  }
0x15: {  	[smem:$0x3F8B] =	sst s0;
	s0 =	simm.s32 @!p2 $0x0  }
0x16: {  	s3 =	sld [smem:$0x3FDB];
	s0 =	simm.s32 @p2 $0x1  }
0x17: {  	s4 =	simm.s32 $0x1BF5;
	[smem:$0x3F8D] =	sst s0  }
0x18: {  	s0 =	sld [smem:$0x3F70];
	_ =	swait.ge [sflag:s4], $0x0  }
0x19: {  	s7 =	sld [smem:$0x3F71]  }
0x1a: {  	s8 =	sadd.s32 $0xFFFFE003, lr  }
0x1b: {  	s9 =	sadd.s32 $0xFFFFFEF7, lr;
	s5 =	simm.s32 $0xFFFFFFFF;
	p2 =	slt.u32 s8, $0xFFFFF086  }
0x1c: {  	p1 =	slt.u32 s9, $0xF7A;
	s5 =	simm.s32 @!p2 $0x0  }
0x1d: {  	s5 =	simm.s32 @p1 $0x1;
	p0 =	seq.s32 s7, s2  }
0x1e: {  	s7 =	smul.u32 @!p0 $0xF7A, s2;
	p2 =	seq.s32 @!p0 s5, $0x0  }
0x1f: {  	s9 =	smul.u32 $0xF7A, s1;
	s8 =	simm.s32 @!p0 $0x1BF5;
	p2 =	por !p2, p0  }
0x20: {  	[sflag:s8] =	ssyncset.s32 @!p0 $0xFFFFF086;
	s6 =	sadd.s32 @!p0 s3, s7;
	s7 =	simm.s32 @!p0 $0x108  }
0x21: {  	s3 =	sadd.s32 s3, s9;
	s6 =	sadd.s32 @!p0 $0x88, s6;
	s7 =	simm.s32 @p2 $0x1082  }
0x22: {  	[simem:s7], [sflag:s8] =	dma.local @!p0 [hbm:s6], $0xF7A  }
0x23: {  	s9 =	sor.u32 $0xD0000000, s2;
	s6 =	simm.s32 $0x108;
	_ =	swait.ge @!p0 [sflag:s8], $0x0  }
0x24: {  	s3 =	sadd.s32 $0x88, s3;
	s6 =	simm.s32 @!p1 $0x1082;
	[sflag:s4] =	ssyncset.s32 $0xFFFFF086  }
0x25: {  	[simem:s6], [sflag:s4] =	dma.local [hbm:s3], $0xF7A  }
0x26: {  	[smem:$0x3F71] =	sst s1;
	(tag) =	ssettag s2;
	_ =	strace s9  }
0x27: {  	s1 =	sld [smem:$0x3F81]  }
0x28: {  	s2 =	sld [smem:$0x3F82]  }
0x29: {  	s4 =	sld [smem:$0x3F84]  }
0x2a: {  	p0 =	seq.s32 s5, $0x0;
	s5 =	sld [smem:$0x3F85]  }
0x2b: {  	s6 =	sld [smem:$0x3F86]  }
0x2c: {  	s7 =	sld [smem:$0x3F87]  }
0x2d: {  	s3 =	simm.s32 $0x108;
	s8 =	sld [smem:$0x3F88]  }
0x2e: {  	s3 =	simm.s32 @!p0 $0x1082;
	s9 =	sld [smem:$0x3F89]  }
0x2f: {  	lr =	sadd.s32 s0, s3;
	s0 =	sld [smem:$0x3F80]  }
0x30: {  	s3 =	sld [smem:$0x3F83]  }
0x31: {  	[smem:$0x3F8C] =	sst s10  }
0x32: {  	s10 =	sld [smem:$0x3F8A];
	_ =	sdelay $0x3  }
0x33: {  	p0 =	seq.s32 s10, $0x1;
	s10 =	sld [smem:$0x3F8C];
	_ =	sdelay $0x3  }
0x34: {  	[smem:$0x3F8C] =	sst s10  }
0x35: {  	s10 =	sld [smem:$0x3F8B];
	_ =	sdelay $0x3  }
0x36: {  	p1 =	seq.s32 s10, $0x1;
	s10 =	sld [smem:$0x3F8C];
	_ =	sdelay $0x3  }
0x37: {  	[smem:$0x3F8C] =	sst s10  }
0x38: {  	s10 =	sld [smem:$0x3F8D]  }
0x39: {  	_ = 	snop;
	(pc) =	sbr.ind lr, $3  }
0x3a: {  	_ = 	snop  }
0x3b: {  	_ = 	snop  }
0x3c: {  	p2 =	seq.s32 s10, $0x1;
	s10 =	sld [smem:$0x3F8C]  }
0x3d: {  	_ =	shalt  }
0x3e: {  	_ =	shalt  }
0x3f: {  	_ =	shalt  }
0x40: {  	_ =	shalt  }
0x41: {  	_ =	shalt  }
0x42: {  	_ =	shalt  }
0x43: {  	_ =	shalt  }
0x44: {  	_ =	shalt  }
0x45: {  	_ =	shalt  }
0x46: {  	_ =	shalt  }
0x47: {  	_ =	shalt  }
0x48: {  	_ =	shalt  }
0x49: {  	_ =	shalt  }
0x4a: {  	_ =	shalt  }
0x4b: {  	_ =	shalt  }
0x4c: {  	_ =	shalt  }
0x4d: {  	_ =	shalt  }
0x4e: {  	_ =	shalt  }
0x4f: {  	_ =	shalt  }
0x50: {  	_ =	shalt  }
0x51: {  	_ =	shalt  }
0x52: {  	_ =	shalt  }
0x53: {  	_ =	shalt  }
0x54: {  	_ =	shalt  }
0x55: {  	_ =	shalt  }
0x56: {  	_ =	shalt  }
0x57: {  	_ =	shalt  }
0x58: {  	_ =	shalt  }
0x59: {  	_ =	shalt  }
0x5a: {  	_ =	shalt  }
0x5b: {  	_ =	shalt  }
0x5c: {  	_ =	shalt  }
0x5d: {  	_ =	shalt  }
0x5e: {  	_ =	shalt  }
0x5f: {  	_ =	shalt  }
0x60: {  	_ =	shalt  }
0x61: {  	_ =	shalt  }
0x62: {  	_ =	shalt  }
0x63: {  	_ =	shalt  }
0x64: {  	_ =	shalt  }
0x65: {  	_ =	shalt  }
0x66: {  	_ =	shalt  }
0x67: {  	_ =	shalt  }
0x68: {  	_ =	shalt  }
0x69: {  	_ =	shalt  }
0x6a: {  	_ =	shalt  }
0x6b: {  	_ =	shalt  }
0x6c: {  	_ =	shalt  }
0x6d: {  	_ =	shalt  }
0x6e: {  	_ =	shalt  }
0x6f: {  	_ =	shalt  }
0x70: {  	_ =	shalt  }
0x71: {  	_ =	shalt  }
0x72: {  	_ =	shalt  }
0x73: {  	_ =	shalt  }
0x74: {  	_ =	shalt  }
0x75: {  	_ =	shalt  }
0x76: {  	_ =	shalt  }
0x77: {  	_ =	shalt  }
0x78: {  	_ =	shalt  }
0x79: {  	_ =	shalt  }
0x7a: {  	_ =	shalt  }
0x7b: {  	_ =	shalt  }
0x7c: {  	_ =	shalt  }
0x7d: {  	_ =	shalt  }
0x7e: {  	_ =	shalt  }
0x7f: {  	_ =	shalt  }
0x80: {  	_ =	shalt  }
0x81: {  	_ =	shalt  }
0x82: {  	_ =	shalt  }
0x83: {  	_ =	shalt  }
0x84: {  	_ =	shalt  }
0x85: {  	_ =	shalt  }
0x86: {  	_ =	shalt  }
0x87: {  	_ =	shalt  }
.Lfunc_end0:
.L_simem_size_0:
called_computation.2_lowered:
.L_overlay_start_0:
0x88: {  	s2 =	sld [smem:$0x3FD9]  }
0x89: {  	s3 =	sld [smem:$0x3FFE];
	_ =	sdelay $0x1  }
0x8a: {  	s1 =	srdreg.scid  }
0x8b: {  	s0 =	sand.u32 $0x1, s1  }
0x8c: {  	s14 =	sshll.u32 s0, $0xA;
	s2 =	sadd.s32 s3, s2  }
0x8d: {  	s2 =	sadd.s32 s2, s14  }
0x8e: {  	[smem:$0x3F98] =	sst s2  }
0x8f: {  	_ = 	snop  }
0x90: {  	s2 =	sld [smem:$0x3FD0];
	_ =	sdelay $0x2  }
0x91: {  	s15 =	simm.s32 $0xB;
	s4 =	simm.s32 $0x10  }
0x92: {  	[smem:s4], [sflag:s15] =	dma.local [hbm:s2], $0x1  }
0x93: {  	_ =	swait.eq [sflag:s15], $0x1  }
0x94: {  	[sflag:s15] =	ssyncset.done $0x0  }
0x95: {  	[sflag:s15] =	ssyncadd.s32 $0xFFFFFFFF  }
0x96: {  	s16 =	sld [smem:$0x11];
	(tm) =	ssettm $0x1  }
0x97: {  	s17 =	sld [smem:$0x3FFB];
	_ =	sdelay $0x3  }
0x98: {  	_ =	strace s17  }
0x99: {  	s3 =	sld [smem:$0x3FFC];
	_ =	sdelay $0x3  }
0x9a: {  	_ =	strace s3  }
0x9b: {  	s3 =	sld [smem:$0x3FFD];
	_ =	sdelay $0x3  }
0x9c: {  	_ =	strace s3  }
0x9d: {  	_ =	strace $0x8FFFFFFF  }
0x9e: {  	s18 =	sld [smem:$0x3FDB];
	_ =	sdelay $0x1  }
0x9f: {  	s19 =	simm.s32 $_scs_section_size  }
0xa0: {  	s5 =	simm.s32 $_size__tile_overlayer_lowered;
	s6 =	simm.s32 $_tile_overlayer_lowered  }
0xa1: {  	s22 =	simm.s32 $0x1BFF;
	s21 =	sshll.u32 s6, $0x1;
	s3 =	sadd.s32 s19, s18  }
0xa2: {  	s7 =	simm.s32 $0x0;
	s20 =	sshll.u32 s5, $0x1;
	s5 =	sadd.s32 s21, s3  }
0xa3: {  	[timem:s7], [sflag:s22] =	dma.local [hbm:s5], s20  }
0xa4: {  	_ =	swait.ge [sflag:s22], s20  }
0xa5: {  	s4 =	ssub.s32 $0x0, s20;
	[sflag:s22] =	ssyncset.done $0x0  }
0xa6: {  	[sflag:s22] =	ssyncadd.s32 s4;
	_ =	sdelay $0x1  }
0xa7: {  	s23 =	simm.s32 $0x1B8B  }
0xa8: {  	_ =	swait.ge [sflag:s23], $0x1  }
0xa9: {  	[sflag:s23] =	ssyncset.done $0x0  }
0xaa: {  	s25 =	simm.s32 $0x1B8E;
	s24 =	sld [smem:$0x3FFE];
	[sflag:s23] =	ssyncadd.s32 $0xFFFFFFFF  }
0xab: {  	s26 =	simm.s32 $execute0_lowered;
	[smem:$0x3FD2] =	sst s25  }
0xac: {  	s5 =	sshll.u32 s26, $0x1;
	_ =	strace $0x8000004C;
	[dreg:$0x1] =	wrdreg $0xFFFFFFFF  }
0xad: {  	s28 =	simm.s32 $_size_execute0_lowered;
	s3 =	sadd.s32 s3, s5;
	[dreg:$0x0] =	wrdreg $0x0  }
0xae: {  	s5 =	sshll.u32 s28, $0x1;
	[dreg:$0x2] =	wrdreg s3  }
0xaf: {  	[dreg:$0x3] =	wrdreg s5  }
0xb0: {  	[dreg:$0x4] =	wrdreg $0xC0  }
0xb1: {  	_ =	task [dreg:s7], $0x5FFFF  }
0xb2: {  	[dreg:$0x1] =	wrdreg $0xFFFFFFFF  }
0xb3: {  	[dreg:$0x0] =	wrdreg $0x60  }
0xb4: {  	[dreg:$0x2] =	wrdreg s16  }
0xb5: {  	[dreg:$0x3] =	wrdreg s24  }
0xb6: {  	[dreg:$0x4] =	wrdreg $0x41000  }
0xb7: {  	[dreg:$0x5] =	wrdreg $0x9  }
0xb8: {  	_ =	task.clear_ibuf [dreg:s7], $0x6FFFF;
	_ =	strace $0x9000004C  }
0xb9: {  	s29 =	simm.s32 $0x9;
	_ =	strace $0x8000004E  }
0xba: {  	_ =	swait.ge [sflag:s29], $0x1  }
0xbb: {  	[sflag:s29] =	ssyncadd.s32 $0xFFFFFFFF  }
0xbc: {  	_ =	strace $0x9000004E  }
0xbd: {  	_ =	sfence  }
0xbe: {  	s30 =	sld [smem:$0x0];
	_ =	sdelay $0x2  }
0xbf: {  	s31 =	sshll.u32 s1, $0xD;
	s1 =	sshrl.u32 s1, $0x2  }
0xc0: {  	s3 =	sand.u32 $0x4000, s31;
	s1 =	sadd.s32 s1, s30  }
0xc1: {  	s0 =	sor.u32 s3, s0;
	s1 =	sshll.u32 s1, $0x11  }
0xc2: {  	s0 =	sor.u32 s1, s0  }
0xc3: {  	s0 =	sadd.s32 $0x8F2B, s0  }
0xc4: {  	[sflag:s0] =	ssyncadd.remote.s32 $0x1  }
0xc5: {  	_ =	sfence.sel $0xFFFF  }
0xc6: {  	[dreg:$0x0] =	wrdreg $0xFFFFFFFF;
	(pc) =	sbr.abs _section_cstart, $3  }
0xc7: {  	[dreg:$0x1] =	wrdreg $0xFFFFFFFF  }
0xc8: {  	_ =	task.clear_ibuf [dreg:s7], $0x2FFFF;
	_ =	strace $0x9FFFFFFF  }
0xc9: {  	(tm) =	ssettm $0x7FFFFFFF  }
tec
execute0_lowered:
.L_overlay_start_1:
0x0: {  	(tag) =	ssettag $0x1  }
0x1: {  	s1 =	rddreg [dreg:$0x0]  }
0x2: {  	s8 =	rddreg [dreg:$0x1]  }
0x3: {  	s3 =	rddreg [dreg:$0x2]  }
0x4: {  	s0 =	rddreg [dreg:$0x3];
	s4 =	simm.s32 $0x0;
	s5 =	srdreg.scid  }
0x5: {  	s2 =	stileid.u32;
	s16 =	simm.s32 $0x100;
	s17 =	simm.s32 $0x1  }
0x6: {  	s18 =	simm.s32 $0x0;
	[smem:$0x7FF] =	sst s4;
	s9 =	sand.u32 $0x1, s5  }
0x7: {  	s10 =	smul.u32 $0x2780, s2;
	s5 =	sadd.s32 $0x1BA00, s8;
	s6 =	sadd.s32 $0x16A00, s8  }
0x8: {  	s7 =	sadd.s32 $0x25A00, s8;
	s12 =	smul.u32 $0x4F000, s2;
	s14 =	sshll.u32 s2, $0x6  }
0x9: {  	_ =	strace $0x8000004D;
	s11 =	smul.u32 $0x27800, s9;
	s30 =	ssub.s32 $0x2, s9  }
0xa: {  	s15 =	smul.u32 $0x5000, s9;
	s9 =	sor.u32 $0x1C02, s14;
	s13 =	sshrl.u32 s30, $0x1  }
0xb: {  	s12 =	sshrl.u32 s12, $0x2;
	s10 =	sadd.s32 s10, s11;
	s11 =	ssub.s32 s30, s13  }
0xc: {  	s31 =	sadd.s32 s12, s3;
	s10 =	sadd.s32 s10, s8;
	s8 =	smul.u32 $0x500, s2  }
0xd: {  	s14 =	simm.s32 $0x2;
	s11 =	smax.u32 s11, $0x1;
	s13 =	sshrl.u32 s31, $0x3  }
0xe: {  	s10 =	sadd.s32 $0x28200, s10;
	s12 =	sadd.s32 s15, s8;
	s15 =	simm.s32 $0x80  }
.LBB2_1:
0xf: {  	[spmem:s13], [sflag:s9] =	dma.local [hbm:s7], $0x2780  }
0x10: {  	_ =	swait.ge [sflag:s14], $0x2780  }
0x11: {  	s19 =	sadd.s32 $0x0, s12;
	s20 =	sand.u32 $0x70, s4;
	[sflag:s14] =	ssyncset.done $0x0  }
0x12: {  	s19 =	sand.u32 $0xFFFFF80, s19;
	s21 =	sadd.s32 s5, s20;
	[sflag:s14] =	ssyncadd.s32 $0xFFFFD880  }
0x13: {  	s19 =	sadd.s32 s19, s21;
	[bflag:$0x0] =	sbarrier.arrive $0xFFFF  }
0x14: {  	[tilespmem:s4], [sflag:$0x2] =	stream.linear.gather [hbm4b:s19+s4], $0x80, $0x38;
	[tilespmem:$0x17D00] =	vst v63  }
0x15: {  	s31 =	sadd.s32 $0x0, s8;
	_ =	swait.ge [sflag:s14], $0x80  }
0x16: {  	s20 =	sadd.s32 s6, s20;
	s19 =	sand.u32 $0xFF80, s31;
	[sflag:s14] =	ssyncset.done $0x0  }
0x17: {  	s19 =	sadd.s32 s19, s20;
	[sflag:s14] =	ssyncadd.s32 $0xFFFFFF80  }
0x18: {  	[tilespmem:s15], [sflag:$0x2] =	stream.linear.gather [hbm4b:s19+s4], $0x80, $0x38;
	[tilespmem:$0x17D00] =	vst v63  }
0x19: {  	_ =	swait.ge [sflag:s14], $0x80  }
0x1a: {  	[sflag:s14] =	ssyncset.done $0x0  }
0x1b: {  	[sflag:s14] =	ssyncadd.s32 $0xFFFFFF80  }
0x1c: {  	[tilespmem:s16], [sflag:$0x1] =	stream.indirect.gather [hbm4b:s1+s15], $0x80, s4, s15, $0xb8;
	[tilespmem:$0x17D00] =	vst v63  }
0x1d: {  	_ =	swait.ge [sflag:s17], $0x4000  }
0x1e: {  	[sflag:s17] =	ssyncset.done $0x0  }
0x1f: {  	s22 =	sadd.s32 $0x10, s12;
	s19 =	simm.s32 $0x10;
	[sflag:s17] =	ssyncadd.s32 $0xFFFFC000  }
0x20: {  	[spmem:s3] =	stream.indirect.scatter.add.f32 [tilespmem:s16], [sflag:$0x2], $0x80, s15, s15, $0xb8;
	[tilespmem:$0x17D00] =	vst v63  }
0x21: {  	s22 =	sand.u32 $0xFFFFF80, s22;
	s21 =	sand.u32 $0x70, s19;
	_ =	swait.ge [sflag:s14], $0x4000  }
0x22: {  	s20 =	simm.s32 $0x20;
	s23 =	sadd.s32 s5, s21;
	[sflag:s14] =	ssyncset.done $0x0  }
.LBB2_2:
0x23: {  	s22 =	sadd.s32 s22, s23  }
0x24: {  	s21 =	sadd.s32 s6, s21;
	[sflag:s14] =	ssyncadd.s32 $0xFFFFC000;
	s23 =	smov.u32 s20  }
0x25: {  	[tilespmem:s4], [sflag:$0x2] =	stream.linear.gather [hbm4b:s22+s4], $0x80, $0x38;
	[tilespmem:$0x17D00] =	vst v63  }
0x26: {  	s24 =	sadd.s32 $0x10, s20;
	s19 =	sadd.s32 s19, s8;
	_ =	swait.ge [sflag:s14], $0x80  }
0x27: {  	p0 =	sne.s32 s20, $0x4F0;
	s19 =	sand.u32 $0xFF80, s19;
	[sflag:s14] =	ssyncset.done $0x0  }
0x28: {  	s20 =	sadd.s32 s19, s21;
	s19 =	smov.u32 s23;
	[sflag:s14] =	ssyncadd.s32 $0xFFFFFF80  }
0x29: {  	[tilespmem:s15], [sflag:$0x2] =	stream.linear.gather [hbm4b:s20+s4], $0x80, $0x38;
	[tilespmem:$0x17D00] =	vst v63  }
0x2a: {  	_ =	swait.ge [sflag:s14], $0x80  }
0x2b: {  	[sflag:s14] =	ssyncset.done $0x0  }
0x2c: {  	[sflag:s14] =	ssyncadd.s32 $0xFFFFFF80  }
0x2d: {  	[tilespmem:s16], [sflag:$0x1] =	stream.indirect.gather [hbm4b:s1+s15], $0x80, s4, s15, $0xb8;
	[tilespmem:$0x17D00] =	vst v63  }
0x2e: {  	_ =	swait.ge [sflag:s17], $0x4000  }
.Ltmp0:
0x2f: {  	[sflag:s17] =	ssyncset.done $0x0;
	(pc) =	sbr.rel @p0 .LBB2_2-.Ltmp0, $4  }
0x30: {  	s21 =	sand.u32 $0x70, s19;
	[sflag:s17] =	ssyncadd.s32 $0xFFFFC000  }
0x31: {  	[spmem:s3] =	stream.indirect.scatter.add.f32 [tilespmem:s16], [sflag:$0x2], $0x80, s15, s15, $0xb8;
	[tilespmem:$0x17D00] =	vst v63  }
0x32: {  	s23 =	sadd.s32 s5, s21;
	s20 =	sadd.s32 s19, s12;
	_ =	swait.ge [sflag:s14], $0x4000  }
0x33: {  	s22 =	sand.u32 $0xFFFFF80, s20;
	s20 =	smov.u32 s24;
	[sflag:s14] =	ssyncset.done $0x0  }
0x34: {  	s20 =	sadd.s32 s22, s23;
	[sflag:s14] =	ssyncadd.s32 $0xFFFFC000  }
0x35: {  	[tilespmem:s4], [sflag:$0x2] =	stream.linear.gather [hbm4b:s20+s4], $0x80, $0x38;
	[tilespmem:$0x17D00] =	vst v63  }
0x36: {  	s19 =	sadd.s32 s19, s8;
	_ =	swait.ge [sflag:s14], $0x80  }
0x37: {  	s31 =	sadd.s32 s6, s21;
	s19 =	sand.u32 $0xFF80, s19;
	[sflag:s14] =	ssyncset.done $0x0  }
0x38: {  	s19 =	sadd.s32 s19, s31;
	[sflag:s14] =	ssyncadd.s32 $0xFFFFFF80  }
0x39: {  	[tilespmem:s15], [sflag:$0x2] =	stream.linear.gather [hbm4b:s19+s4], $0x80, $0x38;
	[tilespmem:$0x17D00] =	vst v63  }
0x3a: {  	_ =	swait.ge [sflag:s14], $0x80  }
0x3b: {  	[sflag:s14] =	ssyncset.done $0x0  }
0x3c: {  	[sflag:s14] =	ssyncadd.s32 $0xFFFFFF80  }
0x3d: {  	[tilespmem:s16], [sflag:$0x1] =	stream.indirect.gather [hbm4b:s1+s15], $0x80, s4, s15, $0xb8;
	[tilespmem:$0x17D00] =	vst v63  }
0x3e: {  	_ =	swait.ge [sflag:s17], $0x4000  }
0x3f: {  	[sflag:s17] =	ssyncset.done $0x0  }
0x40: {  	[sflag:s17] =	ssyncadd.s32 $0xFFFFC000  }
0x41: {  	[spmem:s3] =	stream.indirect.scatter.add.f32 [tilespmem:s16], [sflag:$0x2], $0x80, s15, s15, $0xb8;
	[tilespmem:$0x17D00] =	vst v63  }
0x42: {  	_ =	swait.ge [sflag:s14], $0x4000  }
0x43: {  	s18 =	sadd.s32 $0x1, s18;
	[sflag:s14] =	ssyncset.done $0x0  }
0x44: {  	p0 =	sne.s32 s18, s11;
	[sflag:s14] =	ssyncadd.s32 $0xFFFFC000  }
.Ltmp1:
0x45: {  	[bflag:$0x0] =	sbarrier.arrive $0xFFFF;
	(pc) =	sbr.rel @p0 .LBB2_1-.Ltmp1, $4  }
0x46: {  	[hbm:s10], [sflag:s9] =	dma.local [spmem:s13], $0x2780  }
0x47: {  	_ =	swait.ge [sflag:s14], $0x2780  }
0x48: {  	[sflag:s14] =	ssyncset.done $0x0  }
0x49: {  	[sflag:s14] =	ssyncadd.s32 $0xFFFFD880  }
0x4a: {  	_ =	sfence.sel $0x180000  }
0x4b: {  	[bflag:$0x0] =	sbarrier.arrive $0xFFFF  }
0x4c: {  	p0 =	sne.s32 s2, $0x0;
	_ =	strace $0x9000004D  }
0x4d: {  	s0 =	sadd.s32 @!p0 $0x100000, s0;
	[bflag:$0x2] =	sbarrier.arrive $0xFFFF  }
0x4e: {  	[sflag:s0] =	ssyncadd.tile.s32 @!p0 $0x1;
	_ =	shalt  }
.Lfunc_end2:
_tile_overlayer_lowered:
.L_overlay_start_2:
0x4f: {  	(tag) =	ssettag $0x2  }
0x50: {  	s0 =	rddreg [dreg:$0x0];
	s2 =	stileid.u32  }
0x51: {  	s1 =	rddreg [dreg:$0x1];
	p0 =	sne.s32 s2, $0x0  }
0x52: {  	s3 =	rddreg [dreg:$0x2];
	[bflag:$0x3] =	sbarrier.arrive $0xFFFF;
	s2 =	simm.s32 @!p0 $0x1C02  }
0x53: {  	[timem:s3], [sflag:s2] =	dma.local @!p0 [hbm:s0], s1  }
0x54: {  	s0 =	simm.s32 @!p0 $0x2  }
0x55: {  	_ =	swait.ge @!p0 [sflag:s0], s1  }
0x56: {  	s1 =	ssub.s32 @!p0 $0x0, s1;
	[sflag:s0] =	ssyncset.done @!p0 $0x0  }
0x57: {  	[sflag:s0] =	ssyncadd.s32 @!p0 s1  }
0x58: {  	[bflag:$0x3] =	sbarrier.arrive $0xFFFF  }
0x59: {  	_ =	shalt  }

// kernel: kernel.23.cloned.1.call-start
scs
__scs_entry_jumppad:
0x0: {  	(pc) =	sbr.rel $0x88, $3  }
0x1: {  	(tag) =	ssettag $0x0;
	lr =	simm.s32 $0x1  }
0x2: {  	[smem:$0x3F71] =	sst lr;
	_ =	strace $0xD0000000  }
0x3: {  	_ = 	snop  }
0x4: {  	_ = 	snop  }
0x5: {  	_ = 	snop  }
0x6: {  	_ = 	snop  }
0x7: {  	_ = 	snop  }
__scs_overlays_trampoline_lowered:
0x8: {  	[smem:$0x3F80] =	sst s0  }
0x9: {  	[smem:$0x3F81] =	sst s1  }
0xa: {  	[smem:$0x3F82] =	sst s2  }
0xb: {  	[smem:$0x3F83] =	sst s3  }
0xc: {  	[smem:$0x3F84] =	sst s4  }
0xd: {  	[smem:$0x3F85] =	sst s5  }
0xe: {  	[smem:$0x3F86] =	sst s6  }
0xf: {  	[smem:$0x3F87] =	sst s7  }
0x10: {  	[smem:$0x3F88] =	sst s8  }
0x11: {  	[smem:$0x3F89] =	sst s9;
	s0 =	simm.s32 @!p0 $0x0  }
0x12: {  	s1 =	sld [smem:$0x3F6F];
	s0 =	simm.s32 @p0 $0x1  }
0x13: {  	[smem:$0x3F8A] =	sst s0;
	s0 =	simm.s32 @!p1 $0x0  }
0x14: {  	s2 =	sld [smem:$0x3F6E];
	s0 =	simm.s32 @p1 $0x1  }
0x15: {  	[smem:$0x3F8B] =	sst s0;
	s0 =	simm.s32 @!p2 $0x0  }
0x16: {  	s3 =	sld [smem:$0x3FDB];
	s0 =	simm.s32 @p2 $0x1  }
0x17: {  	s4 =	simm.s32 $0x1BF5;
	[smem:$0x3F8D] =	sst s0  }
0x18: {  	s0 =	sld [smem:$0x3F70];
	_ =	swait.ge [sflag:s4], $0x0  }
0x19: {  	s7 =	sld [smem:$0x3F71]  }
0x1a: {  	s8 =	sadd.s32 $0xFFFFE003, lr  }
0x1b: {  	s9 =	sadd.s32 $0xFFFFFEF7, lr;
	s5 =	simm.s32 $0xFFFFFFFF;
	p2 =	slt.u32 s8, $0xFFFFF086  }
0x1c: {  	p1 =	slt.u32 s9, $0xF7A;
	s5 =	simm.s32 @!p2 $0x0  }
0x1d: {  	s5 =	simm.s32 @p1 $0x1;
	p0 =	seq.s32 s7, s2  }
0x1e: {  	s7 =	smul.u32 @!p0 $0xF7A, s2;
	p2 =	seq.s32 @!p0 s5, $0x0  }
0x1f: {  	s9 =	smul.u32 $0xF7A, s1;
	s8 =	simm.s32 @!p0 $0x1BF5;
	p2 =	por !p2, p0  }
0x20: {  	[sflag:s8] =	ssyncset.s32 @!p0 $0xFFFFF086;
	s6 =	sadd.s32 @!p0 s3, s7;
	s7 =	simm.s32 @!p0 $0x108  }
0x21: {  	s3 =	sadd.s32 s3, s9;
	s6 =	sadd.s32 @!p0 $0x88, s6;
	s7 =	simm.s32 @p2 $0x1082  }
0x22: {  	[simem:s7], [sflag:s8] =	dma.local @!p0 [hbm:s6], $0xF7A  }
0x23: {  	s9 =	sor.u32 $0xD0000000, s2;
	s6 =	simm.s32 $0x108;
	_ =	swait.ge @!p0 [sflag:s8], $0x0  }
0x24: {  	s3 =	sadd.s32 $0x88, s3;
	s6 =	simm.s32 @!p1 $0x1082;
	[sflag:s4] =	ssyncset.s32 $0xFFFFF086  }
0x25: {  	[simem:s6], [sflag:s4] =	dma.local [hbm:s3], $0xF7A  }
0x26: {  	[smem:$0x3F71] =	sst s1;
	(tag) =	ssettag s2;
	_ =	strace s9  }
0x27: {  	s1 =	sld [smem:$0x3F81]  }
0x28: {  	s2 =	sld [smem:$0x3F82]  }
0x29: {  	s4 =	sld [smem:$0x3F84]  }
0x2a: {  	p0 =	seq.s32 s5, $0x0;
	s5 =	sld [smem:$0x3F85]  }
0x2b: {  	s6 =	sld [smem:$0x3F86]  }
0x2c: {  	s7 =	sld [smem:$0x3F87]  }
0x2d: {  	s3 =	simm.s32 $0x108;
	s8 =	sld [smem:$0x3F88]  }
0x2e: {  	s3 =	simm.s32 @!p0 $0x1082;
	s9 =	sld [smem:$0x3F89]  }
0x2f: {  	lr =	sadd.s32 s0, s3;
	s0 =	sld [smem:$0x3F80]  }
0x30: {  	s3 =	sld [smem:$0x3F83]  }
0x31: {  	[smem:$0x3F8C] =	sst s10  }
0x32: {  	s10 =	sld [smem:$0x3F8A];
	_ =	sdelay $0x3  }
0x33: {  	p0 =	seq.s32 s10, $0x1;
	s10 =	sld [smem:$0x3F8C];
	_ =	sdelay $0x3  }
0x34: {  	[smem:$0x3F8C] =	sst s10  }
0x35: {  	s10 =	sld [smem:$0x3F8B];
	_ =	sdelay $0x3  }
0x36: {  	p1 =	seq.s32 s10, $0x1;
	s10 =	sld [smem:$0x3F8C];
	_ =	sdelay $0x3  }
0x37: {  	[smem:$0x3F8C] =	sst s10  }
0x38: {  	s10 =	sld [smem:$0x3F8D]  }
0x39: {  	_ = 	snop;
	(pc) =	sbr.ind lr, $3  }
0x3a: {  	_ = 	snop  }
0x3b: {  	_ = 	snop  }
0x3c: {  	p2 =	seq.s32 s10, $0x1;
	s10 =	sld [smem:$0x3F8C]  }
0x3d: {  	_ =	shalt  }
0x3e: {  	_ =	shalt  }
0x3f: {  	_ =	shalt  }
0x40: {  	_ =	shalt  }
0x41: {  	_ =	shalt  }
0x42: {  	_ =	shalt  }
0x43: {  	_ =	shalt  }
0x44: {  	_ =	shalt  }
0x45: {  	_ =	shalt  }
0x46: {  	_ =	shalt  }
0x47: {  	_ =	shalt  }
0x48: {  	_ =	shalt  }
0x49: {  	_ =	shalt  }
0x4a: {  	_ =	shalt  }
0x4b: {  	_ =	shalt  }
0x4c: {  	_ =	shalt  }
0x4d: {  	_ =	shalt  }
0x4e: {  	_ =	shalt  }
0x4f: {  	_ =	shalt  }
0x50: {  	_ =	shalt  }
0x51: {  	_ =	shalt  }
0x52: {  	_ =	shalt  }
0x53: {  	_ =	shalt  }
0x54: {  	_ =	shalt  }
0x55: {  	_ =	shalt  }
0x56: {  	_ =	shalt  }
0x57: {  	_ =	shalt  }
0x58: {  	_ =	shalt  }
0x59: {  	_ =	shalt  }
0x5a: {  	_ =	shalt  }
0x5b: {  	_ =	shalt  }
0x5c: {  	_ =	shalt  }
0x5d: {  	_ =	shalt  }
0x5e: {  	_ =	shalt  }
0x5f: {  	_ =	shalt  }
0x60: {  	_ =	shalt  }
0x61: {  	_ =	shalt  }
0x62: {  	_ =	shalt  }
0x63: {  	_ =	shalt  }
0x64: {  	_ =	shalt  }
0x65: {  	_ =	shalt  }
0x66: {  	_ =	shalt  }
0x67: {  	_ =	shalt  }
0x68: {  	_ =	shalt  }
0x69: {  	_ =	shalt  }
0x6a: {  	_ =	shalt  }
0x6b: {  	_ =	shalt  }
0x6c: {  	_ =	shalt  }
0x6d: {  	_ =	shalt  }
0x6e: {  	_ =	shalt  }
0x6f: {  	_ =	shalt  }
0x70: {  	_ =	shalt  }
0x71: {  	_ =	shalt  }
0x72: {  	_ =	shalt  }
0x73: {  	_ =	shalt  }
0x74: {  	_ =	shalt  }
0x75: {  	_ =	shalt  }
0x76: {  	_ =	shalt  }
0x77: {  	_ =	shalt  }
0x78: {  	_ =	shalt  }
0x79: {  	_ =	shalt  }
0x7a: {  	_ =	shalt  }
0x7b: {  	_ =	shalt  }
0x7c: {  	_ =	shalt  }
0x7d: {  	_ =	shalt  }
0x7e: {  	_ =	shalt  }
0x7f: {  	_ =	shalt  }
0x80: {  	_ =	shalt  }
0x81: {  	_ =	shalt  }
0x82: {  	_ =	shalt  }
0x83: {  	_ =	shalt  }
0x84: {  	_ =	shalt  }
0x85: {  	_ =	shalt  }
0x86: {  	_ =	shalt  }
0x87: {  	_ =	shalt  }
.Lfunc_end0:
.L_simem_size_0:
called_computation.3_lowered:
.L_overlay_start_0:
0x88: {  	s2 =	sld [smem:$0x3FD9]  }
0x89: {  	s3 =	sld [smem:$0x3FFE];
	_ =	sdelay $0x1  }
0x8a: {  	s1 =	srdreg.scid  }
0x8b: {  	s0 =	sand.u32 $0x1, s1  }
0x8c: {  	s14 =	sshll.u32 s0, $0xA;
	s2 =	sadd.s32 s3, s2  }
0x8d: {  	s2 =	sadd.s32 s2, s14  }
0x8e: {  	[smem:$0x3F98] =	sst s2  }
0x8f: {  	_ = 	snop  }
0x90: {  	s2 =	sld [smem:$0x3FD0];
	_ =	sdelay $0x2  }
0x91: {  	s15 =	simm.s32 $0xB;
	s4 =	simm.s32 $0x10  }
0x92: {  	[smem:s4], [sflag:s15] =	dma.local [hbm:s2], $0x1  }
0x93: {  	_ =	swait.eq [sflag:s15], $0x1  }
0x94: {  	[sflag:s15] =	ssyncset.done $0x0  }
0x95: {  	[sflag:s15] =	ssyncadd.s32 $0xFFFFFFFF  }
0x96: {  	s16 =	sld [smem:$0x11];
	(tm) =	ssettm $0x1  }
0x97: {  	s17 =	sld [smem:$0x3FFB];
	_ =	sdelay $0x3  }
0x98: {  	_ =	strace s17  }
0x99: {  	s3 =	sld [smem:$0x3FFC];
	_ =	sdelay $0x3  }
0x9a: {  	_ =	strace s3  }
0x9b: {  	s3 =	sld [smem:$0x3FFD];
	_ =	sdelay $0x3  }
0x9c: {  	_ =	strace s3  }
0x9d: {  	_ =	strace $0x8FFFFFFF  }
0x9e: {  	s18 =	sld [smem:$0x3FDB];
	_ =	sdelay $0x1  }
0x9f: {  	s19 =	simm.s32 $_scs_section_size  }
0xa0: {  	s5 =	simm.s32 $_size__tile_overlayer_lowered;
	s6 =	simm.s32 $_tile_overlayer_lowered  }
0xa1: {  	s22 =	simm.s32 $0x1BFF;
	s21 =	sshll.u32 s6, $0x1;
	s3 =	sadd.s32 s19, s18  }
0xa2: {  	s7 =	simm.s32 $0x0;
	s20 =	sshll.u32 s5, $0x1;
	s5 =	sadd.s32 s21, s3  }
0xa3: {  	[timem:s7], [sflag:s22] =	dma.local [hbm:s5], s20  }
0xa4: {  	_ =	swait.ge [sflag:s22], s20  }
0xa5: {  	s4 =	ssub.s32 $0x0, s20;
	[sflag:s22] =	ssyncset.done $0x0  }
0xa6: {  	[sflag:s22] =	ssyncadd.s32 s4;
	_ =	sdelay $0x1  }
0xa7: {  	s23 =	simm.s32 $0x1B8B  }
0xa8: {  	_ =	swait.ge [sflag:s23], $0x1  }
0xa9: {  	[sflag:s23] =	ssyncset.done $0x0  }
0xaa: {  	s25 =	simm.s32 $0x1B8E;
	s24 =	sld [smem:$0x3FFE];
	[sflag:s23] =	ssyncadd.s32 $0xFFFFFFFF  }
0xab: {  	s26 =	simm.s32 $execute0_lowered;
	[smem:$0x3FD2] =	sst s25  }
0xac: {  	s5 =	sshll.u32 s26, $0x1;
	_ =	strace $0x8000004F;
	[dreg:$0x1] =	wrdreg $0xFFFFFFFF  }
0xad: {  	s28 =	simm.s32 $_size_execute0_lowered;
	s3 =	sadd.s32 s3, s5;
	[dreg:$0x0] =	wrdreg $0x0  }
0xae: {  	s5 =	sshll.u32 s28, $0x1;
	[dreg:$0x2] =	wrdreg s3  }
0xaf: {  	[dreg:$0x3] =	wrdreg s5  }
0xb0: {  	[dreg:$0x4] =	wrdreg $0xC0  }
0xb1: {  	_ =	task [dreg:s7], $0x5FFFF  }
0xb2: {  	[dreg:$0x1] =	wrdreg $0xFFFFFFFF  }
0xb3: {  	[dreg:$0x0] =	wrdreg $0x60  }
0xb4: {  	[dreg:$0x2] =	wrdreg s16  }
0xb5: {  	[dreg:$0x3] =	wrdreg s24  }
0xb6: {  	[dreg:$0x4] =	wrdreg $0x41000  }
0xb7: {  	[dreg:$0x5] =	wrdreg $0x9  }
0xb8: {  	_ =	task.clear_ibuf [dreg:s7], $0x6FFFF;
	_ =	strace $0x9000004F  }
0xb9: {  	s29 =	simm.s32 $0x9;
	_ =	strace $0x80000051  }
0xba: {  	_ =	swait.ge [sflag:s29], $0x1  }
0xbb: {  	[sflag:s29] =	ssyncadd.s32 $0xFFFFFFFF  }
0xbc: {  	_ =	strace $0x90000051  }
0xbd: {  	_ =	sfence  }
0xbe: {  	s30 =	sld [smem:$0x0];
	_ =	sdelay $0x2  }
0xbf: {  	s31 =	sshll.u32 s1, $0xD;
	s1 =	sshrl.u32 s1, $0x2  }
0xc0: {  	s3 =	sand.u32 $0x4000, s31;
	s1 =	sadd.s32 s1, s30  }
0xc1: {  	s0 =	sor.u32 s3, s0;
	s1 =	sshll.u32 s1, $0x11  }
0xc2: {  	s0 =	sor.u32 s1, s0  }
0xc3: {  	s0 =	sadd.s32 $0x8F2B, s0  }
0xc4: {  	[sflag:s0] =	ssyncadd.remote.s32 $0x1  }
0xc5: {  	_ =	sfence.sel $0xFFFF  }
0xc6: {  	[dreg:$0x0] =	wrdreg $0xFFFFFFFF;
	(pc) =	sbr.abs _section_cstart, $3  }
0xc7: {  	[dreg:$0x1] =	wrdreg $0xFFFFFFFF  }
0xc8: {  	_ =	task.clear_ibuf [dreg:s7], $0x2FFFF;
	_ =	strace $0x9FFFFFFF  }
0xc9: {  	(tm) =	ssettm $0x7FFFFFFF  }
tec
execute0_lowered:
.L_overlay_start_1:
0x0: {  	(tag) =	ssettag $0x1  }
0x1: {  	s1 =	rddreg [dreg:$0x0]  }
0x2: {  	s8 =	rddreg [dreg:$0x1]  }
0x3: {  	s3 =	rddreg [dreg:$0x2]  }
0x4: {  	s0 =	rddreg [dreg:$0x3];
	s4 =	simm.s32 $0x0;
	s5 =	srdreg.scid  }
0x5: {  	s2 =	stileid.u32;
	s16 =	simm.s32 $0x100;
	s17 =	simm.s32 $0x1  }
0x6: {  	s18 =	simm.s32 $0x0;
	[smem:$0x7FF] =	sst s4;
	s9 =	sand.u32 $0x1, s5  }
0x7: {  	s10 =	smul.u32 $0x2780, s2;
	s5 =	sadd.s32 $0x1BA00, s8;
	s6 =	sadd.s32 $0x16A00, s8  }
0x8: {  	s7 =	sadd.s32 $0x25A00, s8;
	s12 =	smul.u32 $0x4F000, s2;
	s14 =	sshll.u32 s2, $0x6  }
0x9: {  	_ =	strace $0x80000050;
	s11 =	smul.u32 $0x27800, s9;
	s30 =	ssub.s32 $0x2, s9  }
0xa: {  	s15 =	smul.u32 $0x5000, s9;
	s9 =	sor.u32 $0x1C02, s14;
	s13 =	sshrl.u32 s30, $0x1  }
0xb: {  	s12 =	sshrl.u32 s12, $0x2;
	s10 =	sadd.s32 s10, s11;
	s11 =	ssub.s32 s30, s13  }
0xc: {  	s31 =	sadd.s32 s12, s3;
	s10 =	sadd.s32 s10, s8;
	s8 =	smul.u32 $0x500, s2  }
0xd: {  	s14 =	simm.s32 $0x2;
	s11 =	smax.u32 s11, $0x1;
	s13 =	sshrl.u32 s31, $0x3  }
0xe: {  	s10 =	sadd.s32 $0x28200, s10;
	s12 =	sadd.s32 s15, s8;
	s15 =	simm.s32 $0x80  }
.LBB2_1:
0xf: {  	[spmem:s13], [sflag:s9] =	dma.local [hbm:s7], $0x2780  }
0x10: {  	_ =	swait.ge [sflag:s14], $0x2780  }
0x11: {  	s19 =	sadd.s32 $0x0, s12;
	s20 =	sand.u32 $0x70, s4;
	[sflag:s14] =	ssyncset.done $0x0  }
0x12: {  	s19 =	sand.u32 $0xFFFFF80, s19;
	s21 =	sadd.s32 s5, s20;
	[sflag:s14] =	ssyncadd.s32 $0xFFFFD880  }
0x13: {  	s19 =	sadd.s32 s19, s21;
	[bflag:$0x0] =	sbarrier.arrive $0xFFFF  }
0x14: {  	[tilespmem:s4], [sflag:$0x2] =	stream.linear.gather [hbm4b:s19+s4], $0x80, $0x38;
	[tilespmem:$0x17D00] =	vst v63  }
0x15: {  	s31 =	sadd.s32 $0x0, s8;
	_ =	swait.ge [sflag:s14], $0x80  }
0x16: {  	s20 =	sadd.s32 s6, s20;
	s19 =	sand.u32 $0xFF80, s31;
	[sflag:s14] =	ssyncset.done $0x0  }
0x17: {  	s19 =	sadd.s32 s19, s20;
	[sflag:s14] =	ssyncadd.s32 $0xFFFFFF80  }
0x18: {  	[tilespmem:s15], [sflag:$0x2] =	stream.linear.gather [hbm4b:s19+s4], $0x80, $0x38;
	[tilespmem:$0x17D00] =	vst v63  }
0x19: {  	_ =	swait.ge [sflag:s14], $0x80  }
0x1a: {  	[sflag:s14] =	ssyncset.done $0x0  }
0x1b: {  	[sflag:s14] =	ssyncadd.s32 $0xFFFFFF80  }
0x1c: {  	[tilespmem:s16], [sflag:$0x1] =	stream.indirect.gather [hbm4b:s1+s15], $0x80, s4, s15, $0xb8;
	[tilespmem:$0x17D00] =	vst v63  }
0x1d: {  	_ =	swait.ge [sflag:s17], $0x4000  }
0x1e: {  	[sflag:s17] =	ssyncset.done $0x0  }
0x1f: {  	s22 =	sadd.s32 $0x10, s12;
	s19 =	simm.s32 $0x10;
	[sflag:s17] =	ssyncadd.s32 $0xFFFFC000  }
0x20: {  	[spmem:s3] =	stream.indirect.scatter.add.f32 [tilespmem:s16], [sflag:$0x2], $0x80, s15, s15, $0xb8;
	[tilespmem:$0x17D00] =	vst v63  }
0x21: {  	s22 =	sand.u32 $0xFFFFF80, s22;
	s21 =	sand.u32 $0x70, s19;
	_ =	swait.ge [sflag:s14], $0x4000  }
0x22: {  	s20 =	simm.s32 $0x20;
	s23 =	sadd.s32 s5, s21;
	[sflag:s14] =	ssyncset.done $0x0  }
.LBB2_2:
0x23: {  	s22 =	sadd.s32 s22, s23  }
0x24: {  	s21 =	sadd.s32 s6, s21;
	[sflag:s14] =	ssyncadd.s32 $0xFFFFC000;
	s23 =	smov.u32 s20  }
0x25: {  	[tilespmem:s4], [sflag:$0x2] =	stream.linear.gather [hbm4b:s22+s4], $0x80, $0x38;
	[tilespmem:$0x17D00] =	vst v63  }
0x26: {  	s24 =	sadd.s32 $0x10, s20;
	s19 =	sadd.s32 s19, s8;
	_ =	swait.ge [sflag:s14], $0x80  }
0x27: {  	p0 =	sne.s32 s20, $0x4F0;
	s19 =	sand.u32 $0xFF80, s19;
	[sflag:s14] =	ssyncset.done $0x0  }
0x28: {  	s20 =	sadd.s32 s19, s21;
	s19 =	smov.u32 s23;
	[sflag:s14] =	ssyncadd.s32 $0xFFFFFF80  }
0x29: {  	[tilespmem:s15], [sflag:$0x2] =	stream.linear.gather [hbm4b:s20+s4], $0x80, $0x38;
	[tilespmem:$0x17D00] =	vst v63  }
0x2a: {  	_ =	swait.ge [sflag:s14], $0x80  }
0x2b: {  	[sflag:s14] =	ssyncset.done $0x0  }
0x2c: {  	[sflag:s14] =	ssyncadd.s32 $0xFFFFFF80  }
0x2d: {  	[tilespmem:s16], [sflag:$0x1] =	stream.indirect.gather [hbm4b:s1+s15], $0x80, s4, s15, $0xb8;
	[tilespmem:$0x17D00] =	vst v63  }
0x2e: {  	_ =	swait.ge [sflag:s17], $0x4000  }
.Ltmp0:
0x2f: {  	[sflag:s17] =	ssyncset.done $0x0;
	(pc) =	sbr.rel @p0 .LBB2_2-.Ltmp0, $4  }
0x30: {  	s21 =	sand.u32 $0x70, s19;
	[sflag:s17] =	ssyncadd.s32 $0xFFFFC000  }
0x31: {  	[spmem:s3] =	stream.indirect.scatter.add.f32 [tilespmem:s16], [sflag:$0x2], $0x80, s15, s15, $0xb8;
	[tilespmem:$0x17D00] =	vst v63  }
0x32: {  	s23 =	sadd.s32 s5, s21;
	s20 =	sadd.s32 s19, s12;
	_ =	swait.ge [sflag:s14], $0x4000  }
0x33: {  	s22 =	sand.u32 $0xFFFFF80, s20;
	s20 =	smov.u32 s24;
	[sflag:s14] =	ssyncset.done $0x0  }
0x34: {  	s20 =	sadd.s32 s22, s23;
	[sflag:s14] =	ssyncadd.s32 $0xFFFFC000  }
0x35: {  	[tilespmem:s4], [sflag:$0x2] =	stream.linear.gather [hbm4b:s20+s4], $0x80, $0x38;
	[tilespmem:$0x17D00] =	vst v63  }
0x36: {  	s19 =	sadd.s32 s19, s8;
	_ =	swait.ge [sflag:s14], $0x80  }
0x37: {  	s31 =	sadd.s32 s6, s21;
	s19 =	sand.u32 $0xFF80, s19;
	[sflag:s14] =	ssyncset.done $0x0  }
0x38: {  	s19 =	sadd.s32 s19, s31;
	[sflag:s14] =	ssyncadd.s32 $0xFFFFFF80  }
0x39: {  	[tilespmem:s15], [sflag:$0x2] =	stream.linear.gather [hbm4b:s19+s4], $0x80, $0x38;
	[tilespmem:$0x17D00] =	vst v63  }
0x3a: {  	_ =	swait.ge [sflag:s14], $0x80  }
0x3b: {  	[sflag:s14] =	ssyncset.done $0x0  }
0x3c: {  	[sflag:s14] =	ssyncadd.s32 $0xFFFFFF80  }
0x3d: {  	[tilespmem:s16], [sflag:$0x1] =	stream.indirect.gather [hbm4b:s1+s15], $0x80, s4, s15, $0xb8;
	[tilespmem:$0x17D00] =	vst v63  }
0x3e: {  	_ =	swait.ge [sflag:s17], $0x4000  }
0x3f: {  	[sflag:s17] =	ssyncset.done $0x0  }
0x40: {  	[sflag:s17] =	ssyncadd.s32 $0xFFFFC000  }
0x41: {  	[spmem:s3] =	stream.indirect.scatter.add.f32 [tilespmem:s16], [sflag:$0x2], $0x80, s15, s15, $0xb8;
	[tilespmem:$0x17D00] =	vst v63  }
0x42: {  	_ =	swait.ge [sflag:s14], $0x4000  }
0x43: {  	s18 =	sadd.s32 $0x1, s18;
	[sflag:s14] =	ssyncset.done $0x0  }
0x44: {  	p0 =	sne.s32 s18, s11;
	[sflag:s14] =	ssyncadd.s32 $0xFFFFC000  }
.Ltmp1:
0x45: {  	[bflag:$0x0] =	sbarrier.arrive $0xFFFF;
	(pc) =	sbr.rel @p0 .LBB2_1-.Ltmp1, $4  }
0x46: {  	[hbm:s10], [sflag:s9] =	dma.local [spmem:s13], $0x2780  }
0x47: {  	_ =	swait.ge [sflag:s14], $0x2780  }
0x48: {  	[sflag:s14] =	ssyncset.done $0x0  }
0x49: {  	[sflag:s14] =	ssyncadd.s32 $0xFFFFD880  }
0x4a: {  	_ =	sfence.sel $0x180000  }
0x4b: {  	[bflag:$0x0] =	sbarrier.arrive $0xFFFF  }
0x4c: {  	p0 =	sne.s32 s2, $0x0;
	_ =	strace $0x90000050  }
0x4d: {  	s0 =	sadd.s32 @!p0 $0x100000, s0;
	[bflag:$0x2] =	sbarrier.arrive $0xFFFF  }
0x4e: {  	[sflag:s0] =	ssyncadd.tile.s32 @!p0 $0x1;
	_ =	shalt  }
.Lfunc_end2:
_tile_overlayer_lowered:
.L_overlay_start_2:
0x4f: {  	(tag) =	ssettag $0x2  }
0x50: {  	s0 =	rddreg [dreg:$0x0];
	s2 =	stileid.u32  }
0x51: {  	s1 =	rddreg [dreg:$0x1];
	p0 =	sne.s32 s2, $0x0  }
0x52: {  	s3 =	rddreg [dreg:$0x2];
	[bflag:$0x3] =	sbarrier.arrive $0xFFFF;
	s2 =	simm.s32 @!p0 $0x1C02  }
0x53: {  	[timem:s3], [sflag:s2] =	dma.local @!p0 [hbm:s0], s1  }
0x54: {  	s0 =	simm.s32 @!p0 $0x2  }
0x55: {  	_ =	swait.ge @!p0 [sflag:s0], s1  }
0x56: {  	s1 =	ssub.s32 @!p0 $0x0, s1;
	[sflag:s0] =	ssyncset.done @!p0 $0x0  }
0x57: {  	[sflag:s0] =	ssyncadd.s32 @!p0 s1  }
0x58: {  	[bflag:$0x3] =	sbarrier.arrive $0xFFFF  }
0x59: {  	_ =	shalt  }

// kernel: kernel.26.cloned.1.call-start
scs
__scs_entry_jumppad:
0x0: {  	(pc) =	sbr.rel $0x88, $3  }
0x1: {  	(tag) =	ssettag $0x0;
	lr =	simm.s32 $0x1  }
0x2: {  	[smem:$0x3F71] =	sst lr;
	_ =	strace $0xD0000000  }
0x3: {  	_ = 	snop  }
0x4: {  	_ = 	snop  }
0x5: {  	_ = 	snop  }
0x6: {  	_ = 	snop  }
0x7: {  	_ = 	snop  }
__scs_overlays_trampoline_lowered:
0x8: {  	[smem:$0x3F80] =	sst s0  }
0x9: {  	[smem:$0x3F81] =	sst s1  }
0xa: {  	[smem:$0x3F82] =	sst s2  }
0xb: {  	[smem:$0x3F83] =	sst s3  }
0xc: {  	[smem:$0x3F84] =	sst s4  }
0xd: {  	[smem:$0x3F85] =	sst s5  }
0xe: {  	[smem:$0x3F86] =	sst s6  }
0xf: {  	[smem:$0x3F87] =	sst s7  }
0x10: {  	[smem:$0x3F88] =	sst s8  }
0x11: {  	[smem:$0x3F89] =	sst s9;
	s0 =	simm.s32 @!p0 $0x0  }
0x12: {  	s1 =	sld [smem:$0x3F6F];
	s0 =	simm.s32 @p0 $0x1  }
0x13: {  	[smem:$0x3F8A] =	sst s0;
	s0 =	simm.s32 @!p1 $0x0  }
0x14: {  	s2 =	sld [smem:$0x3F6E];
	s0 =	simm.s32 @p1 $0x1  }
0x15: {  	[smem:$0x3F8B] =	sst s0;
	s0 =	simm.s32 @!p2 $0x0  }
0x16: {  	s3 =	sld [smem:$0x3FDB];
	s0 =	simm.s32 @p2 $0x1  }
0x17: {  	s4 =	simm.s32 $0x1BF5;
	[smem:$0x3F8D] =	sst s0  }
0x18: {  	s0 =	sld [smem:$0x3F70];
	_ =	swait.ge [sflag:s4], $0x0  }
0x19: {  	s7 =	sld [smem:$0x3F71]  }
0x1a: {  	s8 =	sadd.s32 $0xFFFFE003, lr  }
0x1b: {  	s9 =	sadd.s32 $0xFFFFFEF7, lr;
	s5 =	simm.s32 $0xFFFFFFFF;
	p2 =	slt.u32 s8, $0xFFFFF086  }
0x1c: {  	p1 =	slt.u32 s9, $0xF7A;
	s5 =	simm.s32 @!p2 $0x0  }
0x1d: {  	s5 =	simm.s32 @p1 $0x1;
	p0 =	seq.s32 s7, s2  }
0x1e: {  	s7 =	smul.u32 @!p0 $0xF7A, s2;
	p2 =	seq.s32 @!p0 s5, $0x0  }
0x1f: {  	s9 =	smul.u32 $0xF7A, s1;
	s8 =	simm.s32 @!p0 $0x1BF5;
	p2 =	por !p2, p0  }
0x20: {  	[sflag:s8] =	ssyncset.s32 @!p0 $0xFFFFF086;
	s6 =	sadd.s32 @!p0 s3, s7;
	s7 =	simm.s32 @!p0 $0x108  }
0x21: {  	s3 =	sadd.s32 s3, s9;
	s6 =	sadd.s32 @!p0 $0x88, s6;
	s7 =	simm.s32 @p2 $0x1082  }
0x22: {  	[simem:s7], [sflag:s8] =	dma.local @!p0 [hbm:s6], $0xF7A  }
0x23: {  	s9 =	sor.u32 $0xD0000000, s2;
	s6 =	simm.s32 $0x108;
	_ =	swait.ge @!p0 [sflag:s8], $0x0  }
0x24: {  	s3 =	sadd.s32 $0x88, s3;
	s6 =	simm.s32 @!p1 $0x1082;
	[sflag:s4] =	ssyncset.s32 $0xFFFFF086  }
0x25: {  	[simem:s6], [sflag:s4] =	dma.local [hbm:s3], $0xF7A  }
0x26: {  	[smem:$0x3F71] =	sst s1;
	(tag) =	ssettag s2;
	_ =	strace s9  }
0x27: {  	s1 =	sld [smem:$0x3F81]  }
0x28: {  	s2 =	sld [smem:$0x3F82]  }
0x29: {  	s4 =	sld [smem:$0x3F84]  }
0x2a: {  	p0 =	seq.s32 s5, $0x0;
	s5 =	sld [smem:$0x3F85]  }
0x2b: {  	s6 =	sld [smem:$0x3F86]  }
0x2c: {  	s7 =	sld [smem:$0x3F87]  }
0x2d: {  	s3 =	simm.s32 $0x108;
	s8 =	sld [smem:$0x3F88]  }
0x2e: {  	s3 =	simm.s32 @!p0 $0x1082;
	s9 =	sld [smem:$0x3F89]  }
0x2f: {  	lr =	sadd.s32 s0, s3;
	s0 =	sld [smem:$0x3F80]  }
0x30: {  	s3 =	sld [smem:$0x3F83]  }
0x31: {  	[smem:$0x3F8C] =	sst s10  }
0x32: {  	s10 =	sld [smem:$0x3F8A];
	_ =	sdelay $0x3  }
0x33: {  	p0 =	seq.s32 s10, $0x1;
	s10 =	sld [smem:$0x3F8C];
	_ =	sdelay $0x3  }
0x34: {  	[smem:$0x3F8C] =	sst s10  }
0x35: {  	s10 =	sld [smem:$0x3F8B];
	_ =	sdelay $0x3  }
0x36: {  	p1 =	seq.s32 s10, $0x1;
	s10 =	sld [smem:$0x3F8C];
	_ =	sdelay $0x3  }
0x37: {  	[smem:$0x3F8C] =	sst s10  }
0x38: {  	s10 =	sld [smem:$0x3F8D]  }
0x39: {  	_ = 	snop;
	(pc) =	sbr.ind lr, $3  }
0x3a: {  	_ = 	snop  }
0x3b: {  	_ = 	snop  }
0x3c: {  	p2 =	seq.s32 s10, $0x1;
	s10 =	sld [smem:$0x3F8C]  }
0x3d: {  	_ =	shalt  }
0x3e: {  	_ =	shalt  }
0x3f: {  	_ =	shalt  }
0x40: {  	_ =	shalt  }
0x41: {  	_ =	shalt  }
0x42: {  	_ =	shalt  }
0x43: {  	_ =	shalt  }
0x44: {  	_ =	shalt  }
0x45: {  	_ =	shalt  }
0x46: {  	_ =	shalt  }
0x47: {  	_ =	shalt  }
0x48: {  	_ =	shalt  }
0x49: {  	_ =	shalt  }
0x4a: {  	_ =	shalt  }
0x4b: {  	_ =	shalt  }
0x4c: {  	_ =	shalt  }
0x4d: {  	_ =	shalt  }
0x4e: {  	_ =	shalt  }
0x4f: {  	_ =	shalt  }
0x50: {  	_ =	shalt  }
0x51: {  	_ =	shalt  }
0x52: {  	_ =	shalt  }
0x53: {  	_ =	shalt  }
0x54: {  	_ =	shalt  }
0x55: {  	_ =	shalt  }
0x56: {  	_ =	shalt  }
0x57: {  	_ =	shalt  }
0x58: {  	_ =	shalt  }
0x59: {  	_ =	shalt  }
0x5a: {  	_ =	shalt  }
0x5b: {  	_ =	shalt  }
0x5c: {  	_ =	shalt  }
0x5d: {  	_ =	shalt  }
0x5e: {  	_ =	shalt  }
0x5f: {  	_ =	shalt  }
0x60: {  	_ =	shalt  }
0x61: {  	_ =	shalt  }
0x62: {  	_ =	shalt  }
0x63: {  	_ =	shalt  }
0x64: {  	_ =	shalt  }
0x65: {  	_ =	shalt  }
0x66: {  	_ =	shalt  }
0x67: {  	_ =	shalt  }
0x68: {  	_ =	shalt  }
0x69: {  	_ =	shalt  }
0x6a: {  	_ =	shalt  }
0x6b: {  	_ =	shalt  }
0x6c: {  	_ =	shalt  }
0x6d: {  	_ =	shalt  }
0x6e: {  	_ =	shalt  }
0x6f: {  	_ =	shalt  }
0x70: {  	_ =	shalt  }
0x71: {  	_ =	shalt  }
0x72: {  	_ =	shalt  }
0x73: {  	_ =	shalt  }
0x74: {  	_ =	shalt  }
0x75: {  	_ =	shalt  }
0x76: {  	_ =	shalt  }
0x77: {  	_ =	shalt  }
0x78: {  	_ =	shalt  }
0x79: {  	_ =	shalt  }
0x7a: {  	_ =	shalt  }
0x7b: {  	_ =	shalt  }
0x7c: {  	_ =	shalt  }
0x7d: {  	_ =	shalt  }
0x7e: {  	_ =	shalt  }
0x7f: {  	_ =	shalt  }
0x80: {  	_ =	shalt  }
0x81: {  	_ =	shalt  }
0x82: {  	_ =	shalt  }
0x83: {  	_ =	shalt  }
0x84: {  	_ =	shalt  }
0x85: {  	_ =	shalt  }
0x86: {  	_ =	shalt  }
0x87: {  	_ =	shalt  }
.Lfunc_end0:
.L_simem_size_0:
called_computation.4_lowered:
.L_overlay_start_0:
0x88: {  	s2 =	sld [smem:$0x3FD9]  }
0x89: {  	s3 =	sld [smem:$0x3FFE];
	_ =	sdelay $0x1  }
0x8a: {  	s1 =	srdreg.scid  }
0x8b: {  	s0 =	sand.u32 $0x1, s1  }
0x8c: {  	s14 =	sshll.u32 s0, $0xA;
	s2 =	sadd.s32 s3, s2  }
0x8d: {  	s2 =	sadd.s32 s2, s14  }
0x8e: {  	[smem:$0x3F98] =	sst s2  }
0x8f: {  	_ = 	snop  }
0x90: {  	s2 =	sld [smem:$0x3FD0];
	_ =	sdelay $0x2  }
0x91: {  	s15 =	simm.s32 $0xB;
	s4 =	simm.s32 $0x10  }
0x92: {  	[smem:s4], [sflag:s15] =	dma.local [hbm:s2], $0x1  }
0x93: {  	_ =	swait.eq [sflag:s15], $0x1  }
0x94: {  	[sflag:s15] =	ssyncset.done $0x0  }
0x95: {  	[sflag:s15] =	ssyncadd.s32 $0xFFFFFFFF  }
0x96: {  	s16 =	sld [smem:$0x11];
	(tm) =	ssettm $0x1  }
0x97: {  	s17 =	sld [smem:$0x3FFB];
	_ =	sdelay $0x3  }
0x98: {  	_ =	strace s17  }
0x99: {  	s3 =	sld [smem:$0x3FFC];
	_ =	sdelay $0x3  }
0x9a: {  	_ =	strace s3  }
0x9b: {  	s3 =	sld [smem:$0x3FFD];
	_ =	sdelay $0x3  }
0x9c: {  	_ =	strace s3  }
0x9d: {  	_ =	strace $0x8FFFFFFF  }
0x9e: {  	s18 =	sld [smem:$0x3FDB];
	_ =	sdelay $0x1  }
0x9f: {  	s19 =	simm.s32 $_scs_section_size  }
0xa0: {  	s5 =	simm.s32 $_size__tile_overlayer_lowered;
	s6 =	simm.s32 $_tile_overlayer_lowered  }
0xa1: {  	s22 =	simm.s32 $0x1BFF;
	s21 =	sshll.u32 s6, $0x1;
	s3 =	sadd.s32 s19, s18  }
0xa2: {  	s7 =	simm.s32 $0x0;
	s20 =	sshll.u32 s5, $0x1;
	s5 =	sadd.s32 s21, s3  }
0xa3: {  	[timem:s7], [sflag:s22] =	dma.local [hbm:s5], s20  }
0xa4: {  	_ =	swait.ge [sflag:s22], s20  }
0xa5: {  	s4 =	ssub.s32 $0x0, s20;
	[sflag:s22] =	ssyncset.done $0x0  }
0xa6: {  	[sflag:s22] =	ssyncadd.s32 s4;
	_ =	sdelay $0x1  }
0xa7: {  	s23 =	simm.s32 $0x1B8B  }
0xa8: {  	_ =	swait.ge [sflag:s23], $0x1  }
0xa9: {  	[sflag:s23] =	ssyncset.done $0x0  }
0xaa: {  	s25 =	simm.s32 $0x1B8E;
	s24 =	sld [smem:$0x3FFE];
	[sflag:s23] =	ssyncadd.s32 $0xFFFFFFFF  }
0xab: {  	s26 =	simm.s32 $execute0_lowered;
	[smem:$0x3FD2] =	sst s25  }
0xac: {  	s5 =	sshll.u32 s26, $0x1;
	_ =	strace $0x80000052;
	[dreg:$0x1] =	wrdreg $0xFFFFFFFF  }
0xad: {  	s28 =	simm.s32 $_size_execute0_lowered;
	s3 =	sadd.s32 s3, s5;
	[dreg:$0x0] =	wrdreg $0x0  }
0xae: {  	s5 =	sshll.u32 s28, $0x1;
	[dreg:$0x2] =	wrdreg s3  }
0xaf: {  	[dreg:$0x3] =	wrdreg s5  }
0xb0: {  	[dreg:$0x4] =	wrdreg $0xC0  }
0xb1: {  	_ =	task [dreg:s7], $0x5FFFF  }
0xb2: {  	[dreg:$0x1] =	wrdreg $0xFFFFFFFF  }
0xb3: {  	[dreg:$0x0] =	wrdreg $0x60  }
0xb4: {  	[dreg:$0x2] =	wrdreg s16  }
0xb5: {  	[dreg:$0x3] =	wrdreg s24  }
0xb6: {  	[dreg:$0x4] =	wrdreg $0x41000  }
0xb7: {  	[dreg:$0x5] =	wrdreg $0x9  }
0xb8: {  	_ =	task.clear_ibuf [dreg:s7], $0x6FFFF;
	_ =	strace $0x90000052  }
0xb9: {  	s29 =	simm.s32 $0x9;
	_ =	strace $0x80000054  }
0xba: {  	_ =	swait.ge [sflag:s29], $0x1  }
0xbb: {  	[sflag:s29] =	ssyncadd.s32 $0xFFFFFFFF  }
0xbc: {  	_ =	strace $0x90000054  }
0xbd: {  	_ =	sfence  }
0xbe: {  	s30 =	sld [smem:$0x0];
	_ =	sdelay $0x2  }
0xbf: {  	s31 =	sshll.u32 s1, $0xD;
	s1 =	sshrl.u32 s1, $0x2  }
0xc0: {  	s3 =	sand.u32 $0x4000, s31;
	s1 =	sadd.s32 s1, s30  }
0xc1: {  	s0 =	sor.u32 s3, s0;
	s1 =	sshll.u32 s1, $0x11  }
0xc2: {  	s0 =	sor.u32 s1, s0  }
0xc3: {  	s0 =	sadd.s32 $0x8F2B, s0  }
0xc4: {  	[sflag:s0] =	ssyncadd.remote.s32 $0x1  }
0xc5: {  	_ =	sfence.sel $0xFFFF  }
0xc6: {  	[dreg:$0x0] =	wrdreg $0xFFFFFFFF;
	(pc) =	sbr.abs _section_cstart, $3  }
0xc7: {  	[dreg:$0x1] =	wrdreg $0xFFFFFFFF  }
0xc8: {  	_ =	task.clear_ibuf [dreg:s7], $0x2FFFF;
	_ =	strace $0x9FFFFFFF  }
0xc9: {  	(tm) =	ssettm $0x7FFFFFFF  }
tec
execute0_lowered:
.L_overlay_start_1:
0x0: {  	(tag) =	ssettag $0x1  }
0x1: {  	s1 =	rddreg [dreg:$0x0]  }
0x2: {  	s8 =	rddreg [dreg:$0x1]  }
0x3: {  	s3 =	rddreg [dreg:$0x2]  }
0x4: {  	s0 =	rddreg [dreg:$0x3];
	s4 =	simm.s32 $0x0;
	s5 =	srdreg.scid  }
0x5: {  	s2 =	stileid.u32;
	s16 =	simm.s32 $0x100;
	s17 =	simm.s32 $0x1  }
0x6: {  	s18 =	simm.s32 $0x0;
	[smem:$0x7FF] =	sst s4;
	s9 =	sand.u32 $0x1, s5  }
0x7: {  	s10 =	smul.u32 $0x2780, s2;
	s5 =	sadd.s32 $0x1BA00, s8;
	s6 =	sadd.s32 $0x16A00, s8  }
0x8: {  	s7 =	sadd.s32 $0x25A00, s8;
	s12 =	smul.u32 $0x4F000, s2;
	s14 =	sshll.u32 s2, $0x6  }
0x9: {  	_ =	strace $0x80000053;
	s11 =	smul.u32 $0x27800, s9;
	s30 =	ssub.s32 $0x2, s9  }
0xa: {  	s15 =	smul.u32 $0x5000, s9;
	s9 =	sor.u32 $0x1C02, s14;
	s13 =	sshrl.u32 s30, $0x1  }
0xb: {  	s12 =	sshrl.u32 s12, $0x2;
	s10 =	sadd.s32 s10, s11;
	s11 =	ssub.s32 s30, s13  }
0xc: {  	s31 =	sadd.s32 s12, s3;
	s10 =	sadd.s32 s10, s8;
	s8 =	smul.u32 $0x500, s2  }
0xd: {  	s14 =	simm.s32 $0x2;
	s11 =	smax.u32 s11, $0x1;
	s13 =	sshrl.u32 s31, $0x3  }
0xe: {  	s10 =	sadd.s32 $0x28200, s10;
	s12 =	sadd.s32 s15, s8;
	s15 =	simm.s32 $0x80  }
.LBB2_1:
0xf: {  	[spmem:s13], [sflag:s9] =	dma.local [hbm:s7], $0x2780  }
0x10: {  	_ =	swait.ge [sflag:s14], $0x2780  }
0x11: {  	s19 =	sadd.s32 $0x0, s12;
	s20 =	sand.u32 $0x70, s4;
	[sflag:s14] =	ssyncset.done $0x0  }
0x12: {  	s19 =	sand.u32 $0xFFFFF80, s19;
	s21 =	sadd.s32 s5, s20;
	[sflag:s14] =	ssyncadd.s32 $0xFFFFD880  }
0x13: {  	s19 =	sadd.s32 s19, s21;
	[bflag:$0x0] =	sbarrier.arrive $0xFFFF  }
0x14: {  	[tilespmem:s4], [sflag:$0x2] =	stream.linear.gather [hbm4b:s19+s4], $0x80, $0x38;
	[tilespmem:$0x17D00] =	vst v63  }
0x15: {  	s31 =	sadd.s32 $0x0, s8;
	_ =	swait.ge [sflag:s14], $0x80  }
0x16: {  	s20 =	sadd.s32 s6, s20;
	s19 =	sand.u32 $0xFF80, s31;
	[sflag:s14] =	ssyncset.done $0x0  }
0x17: {  	s19 =	sadd.s32 s19, s20;
	[sflag:s14] =	ssyncadd.s32 $0xFFFFFF80  }
0x18: {  	[tilespmem:s15], [sflag:$0x2] =	stream.linear.gather [hbm4b:s19+s4], $0x80, $0x38;
	[tilespmem:$0x17D00] =	vst v63  }
0x19: {  	_ =	swait.ge [sflag:s14], $0x80  }
0x1a: {  	[sflag:s14] =	ssyncset.done $0x0  }
0x1b: {  	[sflag:s14] =	ssyncadd.s32 $0xFFFFFF80  }
0x1c: {  	[tilespmem:s16], [sflag:$0x1] =	stream.indirect.gather [hbm4b:s1+s15], $0x80, s4, s15, $0xb8;
	[tilespmem:$0x17D00] =	vst v63  }
0x1d: {  	_ =	swait.ge [sflag:s17], $0x4000  }
0x1e: {  	[sflag:s17] =	ssyncset.done $0x0  }
0x1f: {  	s22 =	sadd.s32 $0x10, s12;
	s19 =	simm.s32 $0x10;
	[sflag:s17] =	ssyncadd.s32 $0xFFFFC000  }
0x20: {  	[spmem:s3] =	stream.indirect.scatter.add.f32 [tilespmem:s16], [sflag:$0x2], $0x80, s15, s15, $0xb8;
	[tilespmem:$0x17D00] =	vst v63  }
0x21: {  	s22 =	sand.u32 $0xFFFFF80, s22;
	s21 =	sand.u32 $0x70, s19;
	_ =	swait.ge [sflag:s14], $0x4000  }
0x22: {  	s20 =	simm.s32 $0x20;
	s23 =	sadd.s32 s5, s21;
	[sflag:s14] =	ssyncset.done $0x0  }
.LBB2_2:
0x23: {  	s22 =	sadd.s32 s22, s23  }
0x24: {  	s21 =	sadd.s32 s6, s21;
	[sflag:s14] =	ssyncadd.s32 $0xFFFFC000;
	s23 =	smov.u32 s20  }
0x25: {  	[tilespmem:s4], [sflag:$0x2] =	stream.linear.gather [hbm4b:s22+s4], $0x80, $0x38;
	[tilespmem:$0x17D00] =	vst v63  }
0x26: {  	s24 =	sadd.s32 $0x10, s20;
	s19 =	sadd.s32 s19, s8;
	_ =	swait.ge [sflag:s14], $0x80  }
0x27: {  	p0 =	sne.s32 s20, $0x4F0;
	s19 =	sand.u32 $0xFF80, s19;
	[sflag:s14] =	ssyncset.done $0x0  }
0x28: {  	s20 =	sadd.s32 s19, s21;
	s19 =	smov.u32 s23;
	[sflag:s14] =	ssyncadd.s32 $0xFFFFFF80  }
0x29: {  	[tilespmem:s15], [sflag:$0x2] =	stream.linear.gather [hbm4b:s20+s4], $0x80, $0x38;
	[tilespmem:$0x17D00] =	vst v63  }
0x2a: {  	_ =	swait.ge [sflag:s14], $0x80  }
0x2b: {  	[sflag:s14] =	ssyncset.done $0x0  }
0x2c: {  	[sflag:s14] =	ssyncadd.s32 $0xFFFFFF80  }
0x2d: {  	[tilespmem:s16], [sflag:$0x1] =	stream.indirect.gather [hbm4b:s1+s15], $0x80, s4, s15, $0xb8;
	[tilespmem:$0x17D00] =	vst v63  }
0x2e: {  	_ =	swait.ge [sflag:s17], $0x4000  }
.Ltmp0:
0x2f: {  	[sflag:s17] =	ssyncset.done $0x0;
	(pc) =	sbr.rel @p0 .LBB2_2-.Ltmp0, $4  }
0x30: {  	s21 =	sand.u32 $0x70, s19;
	[sflag:s17] =	ssyncadd.s32 $0xFFFFC000  }
0x31: {  	[spmem:s3] =	stream.indirect.scatter.add.f32 [tilespmem:s16], [sflag:$0x2], $0x80, s15, s15, $0xb8;
	[tilespmem:$0x17D00] =	vst v63  }
0x32: {  	s23 =	sadd.s32 s5, s21;
	s20 =	sadd.s32 s19, s12;
	_ =	swait.ge [sflag:s14], $0x4000  }
0x33: {  	s22 =	sand.u32 $0xFFFFF80, s20;
	s20 =	smov.u32 s24;
	[sflag:s14] =	ssyncset.done $0x0  }
0x34: {  	s20 =	sadd.s32 s22, s23;
	[sflag:s14] =	ssyncadd.s32 $0xFFFFC000  }
0x35: {  	[tilespmem:s4], [sflag:$0x2] =	stream.linear.gather [hbm4b:s20+s4], $0x80, $0x38;
	[tilespmem:$0x17D00] =	vst v63  }
0x36: {  	s19 =	sadd.s32 s19, s8;
	_ =	swait.ge [sflag:s14], $0x80  }
0x37: {  	s31 =	sadd.s32 s6, s21;
	s19 =	sand.u32 $0xFF80, s19;
	[sflag:s14] =	ssyncset.done $0x0  }
0x38: {  	s19 =	sadd.s32 s19, s31;
	[sflag:s14] =	ssyncadd.s32 $0xFFFFFF80  }
0x39: {  	[tilespmem:s15], [sflag:$0x2] =	stream.linear.gather [hbm4b:s19+s4], $0x80, $0x38;
	[tilespmem:$0x17D00] =	vst v63  }
0x3a: {  	_ =	swait.ge [sflag:s14], $0x80  }
0x3b: {  	[sflag:s14] =	ssyncset.done $0x0  }
0x3c: {  	[sflag:s14] =	ssyncadd.s32 $0xFFFFFF80  }
0x3d: {  	[tilespmem:s16], [sflag:$0x1] =	stream.indirect.gather [hbm4b:s1+s15], $0x80, s4, s15, $0xb8;
	[tilespmem:$0x17D00] =	vst v63  }
0x3e: {  	_ =	swait.ge [sflag:s17], $0x4000  }
0x3f: {  	[sflag:s17] =	ssyncset.done $0x0  }
0x40: {  	[sflag:s17] =	ssyncadd.s32 $0xFFFFC000  }
0x41: {  	[spmem:s3] =	stream.indirect.scatter.add.f32 [tilespmem:s16], [sflag:$0x2], $0x80, s15, s15, $0xb8;
	[tilespmem:$0x17D00] =	vst v63  }
0x42: {  	_ =	swait.ge [sflag:s14], $0x4000  }
0x43: {  	s18 =	sadd.s32 $0x1, s18;
	[sflag:s14] =	ssyncset.done $0x0  }
0x44: {  	p0 =	sne.s32 s18, s11;
	[sflag:s14] =	ssyncadd.s32 $0xFFFFC000  }
.Ltmp1:
0x45: {  	[bflag:$0x0] =	sbarrier.arrive $0xFFFF;
	(pc) =	sbr.rel @p0 .LBB2_1-.Ltmp1, $4  }
0x46: {  	[hbm:s10], [sflag:s9] =	dma.local [spmem:s13], $0x2780  }
0x47: {  	_ =	swait.ge [sflag:s14], $0x2780  }
0x48: {  	[sflag:s14] =	ssyncset.done $0x0  }
0x49: {  	[sflag:s14] =	ssyncadd.s32 $0xFFFFD880  }
0x4a: {  	_ =	sfence.sel $0x180000  }
0x4b: {  	[bflag:$0x0] =	sbarrier.arrive $0xFFFF  }
0x4c: {  	p0 =	sne.s32 s2, $0x0;
	_ =	strace $0x90000053  }
0x4d: {  	s0 =	sadd.s32 @!p0 $0x100000, s0;
	[bflag:$0x2] =	sbarrier.arrive $0xFFFF  }
0x4e: {  	[sflag:s0] =	ssyncadd.tile.s32 @!p0 $0x1;
	_ =	shalt  }
.Lfunc_end2:
_tile_overlayer_lowered:
.L_overlay_start_2:
0x4f: {  	(tag) =	ssettag $0x2  }
0x50: {  	s0 =	rddreg [dreg:$0x0];
	s2 =	stileid.u32  }
0x51: {  	s1 =	rddreg [dreg:$0x1];
	p0 =	sne.s32 s2, $0x0  }
0x52: {  	s3 =	rddreg [dreg:$0x2];
	[bflag:$0x3] =	sbarrier.arrive $0xFFFF;
	s2 =	simm.s32 @!p0 $0x1C02  }
0x53: {  	[timem:s3], [sflag:s2] =	dma.local @!p0 [hbm:s0], s1  }
0x54: {  	s0 =	simm.s32 @!p0 $0x2  }
0x55: {  	_ =	swait.ge @!p0 [sflag:s0], s1  }
0x56: {  	s1 =	ssub.s32 @!p0 $0x0, s1;
	[sflag:s0] =	ssyncset.done @!p0 $0x0  }
0x57: {  	[sflag:s0] =	ssyncadd.s32 @!p0 s1  }
0x58: {  	[bflag:$0x3] =	sbarrier.arrive $0xFFFF  }
0x59: {  	_ =	shalt  }

// kernel: kernel.29.cloned.1.call-start
scs
__scs_entry_jumppad:
0x0: {  	(pc) =	sbr.rel $0x88, $3  }
0x1: {  	(tag) =	ssettag $0x0;
	lr =	simm.s32 $0x1  }
0x2: {  	[smem:$0x3F71] =	sst lr;
	_ =	strace $0xD0000000  }
0x3: {  	_ = 	snop  }
0x4: {  	_ = 	snop  }
0x5: {  	_ = 	snop  }
0x6: {  	_ = 	snop  }
0x7: {  	_ = 	snop  }
__scs_overlays_trampoline_lowered:
0x8: {  	[smem:$0x3F80] =	sst s0  }
0x9: {  	[smem:$0x3F81] =	sst s1  }
0xa: {  	[smem:$0x3F82] =	sst s2  }
0xb: {  	[smem:$0x3F83] =	sst s3  }
0xc: {  	[smem:$0x3F84] =	sst s4  }
0xd: {  	[smem:$0x3F85] =	sst s5  }
0xe: {  	[smem:$0x3F86] =	sst s6  }
0xf: {  	[smem:$0x3F87] =	sst s7  }
0x10: {  	[smem:$0x3F88] =	sst s8  }
0x11: {  	[smem:$0x3F89] =	sst s9;
	s0 =	simm.s32 @!p0 $0x0  }
0x12: {  	s1 =	sld [smem:$0x3F6F];
	s0 =	simm.s32 @p0 $0x1  }
0x13: {  	[smem:$0x3F8A] =	sst s0;
	s0 =	simm.s32 @!p1 $0x0  }
0x14: {  	s2 =	sld [smem:$0x3F6E];
	s0 =	simm.s32 @p1 $0x1  }
0x15: {  	[smem:$0x3F8B] =	sst s0;
	s0 =	simm.s32 @!p2 $0x0  }
0x16: {  	s3 =	sld [smem:$0x3FDB];
	s0 =	simm.s32 @p2 $0x1  }
0x17: {  	s4 =	simm.s32 $0x1BF5;
	[smem:$0x3F8D] =	sst s0  }
0x18: {  	s0 =	sld [smem:$0x3F70];
	_ =	swait.ge [sflag:s4], $0x0  }
0x19: {  	s7 =	sld [smem:$0x3F71]  }
0x1a: {  	s8 =	sadd.s32 $0xFFFFE003, lr  }
0x1b: {  	s9 =	sadd.s32 $0xFFFFFEF7, lr;
	s5 =	simm.s32 $0xFFFFFFFF;
	p2 =	slt.u32 s8, $0xFFFFF086  }
0x1c: {  	p1 =	slt.u32 s9, $0xF7A;
	s5 =	simm.s32 @!p2 $0x0  }
0x1d: {  	s5 =	simm.s32 @p1 $0x1;
	p0 =	seq.s32 s7, s2  }
0x1e: {  	s7 =	smul.u32 @!p0 $0xF7A, s2;
	p2 =	seq.s32 @!p0 s5, $0x0  }
0x1f: {  	s9 =	smul.u32 $0xF7A, s1;
	s8 =	simm.s32 @!p0 $0x1BF5;
	p2 =	por !p2, p0  }
0x20: {  	[sflag:s8] =	ssyncset.s32 @!p0 $0xFFFFF086;
	s6 =	sadd.s32 @!p0 s3, s7;
	s7 =	simm.s32 @!p0 $0x108  }
0x21: {  	s3 =	sadd.s32 s3, s9;
	s6 =	sadd.s32 @!p0 $0x88, s6;
	s7 =	simm.s32 @p2 $0x1082  }
0x22: {  	[simem:s7], [sflag:s8] =	dma.local @!p0 [hbm:s6], $0xF7A  }
0x23: {  	s9 =	sor.u32 $0xD0000000, s2;
	s6 =	simm.s32 $0x108;
	_ =	swait.ge @!p0 [sflag:s8], $0x0  }
0x24: {  	s3 =	sadd.s32 $0x88, s3;
	s6 =	simm.s32 @!p1 $0x1082;
	[sflag:s4] =	ssyncset.s32 $0xFFFFF086  }
0x25: {  	[simem:s6], [sflag:s4] =	dma.local [hbm:s3], $0xF7A  }
0x26: {  	[smem:$0x3F71] =	sst s1;
	(tag) =	ssettag s2;
	_ =	strace s9  }
0x27: {  	s1 =	sld [smem:$0x3F81]  }
0x28: {  	s2 =	sld [smem:$0x3F82]  }
0x29: {  	s4 =	sld [smem:$0x3F84]  }
0x2a: {  	p0 =	seq.s32 s5, $0x0;
	s5 =	sld [smem:$0x3F85]  }
0x2b: {  	s6 =	sld [smem:$0x3F86]  }
0x2c: {  	s7 =	sld [smem:$0x3F87]  }
0x2d: {  	s3 =	simm.s32 $0x108;
	s8 =	sld [smem:$0x3F88]  }
0x2e: {  	s3 =	simm.s32 @!p0 $0x1082;
	s9 =	sld [smem:$0x3F89]  }
0x2f: {  	lr =	sadd.s32 s0, s3;
	s0 =	sld [smem:$0x3F80]  }
0x30: {  	s3 =	sld [smem:$0x3F83]  }
0x31: {  	[smem:$0x3F8C] =	sst s10  }
0x32: {  	s10 =	sld [smem:$0x3F8A];
	_ =	sdelay $0x3  }
0x33: {  	p0 =	seq.s32 s10, $0x1;
	s10 =	sld [smem:$0x3F8C];
	_ =	sdelay $0x3  }
0x34: {  	[smem:$0x3F8C] =	sst s10  }
0x35: {  	s10 =	sld [smem:$0x3F8B];
	_ =	sdelay $0x3  }
0x36: {  	p1 =	seq.s32 s10, $0x1;
	s10 =	sld [smem:$0x3F8C];
	_ =	sdelay $0x3  }
0x37: {  	[smem:$0x3F8C] =	sst s10  }
0x38: {  	s10 =	sld [smem:$0x3F8D]  }
0x39: {  	_ = 	snop;
	(pc) =	sbr.ind lr, $3  }
0x3a: {  	_ = 	snop  }
0x3b: {  	_ = 	snop  }
0x3c: {  	p2 =	seq.s32 s10, $0x1;
	s10 =	sld [smem:$0x3F8C]  }
0x3d: {  	_ =	shalt  }
0x3e: {  	_ =	shalt  }
0x3f: {  	_ =	shalt  }
0x40: {  	_ =	shalt  }
0x41: {  	_ =	shalt  }
0x42: {  	_ =	shalt  }
0x43: {  	_ =	shalt  }
0x44: {  	_ =	shalt  }
0x45: {  	_ =	shalt  }
0x46: {  	_ =	shalt  }
0x47: {  	_ =	shalt  }
0x48: {  	_ =	shalt  }
0x49: {  	_ =	shalt  }
0x4a: {  	_ =	shalt  }
0x4b: {  	_ =	shalt  }
0x4c: {  	_ =	shalt  }
0x4d: {  	_ =	shalt  }
0x4e: {  	_ =	shalt  }
0x4f: {  	_ =	shalt  }
0x50: {  	_ =	shalt  }
0x51: {  	_ =	shalt  }
0x52: {  	_ =	shalt  }
0x53: {  	_ =	shalt  }
0x54: {  	_ =	shalt  }
0x55: {  	_ =	shalt  }
0x56: {  	_ =	shalt  }
0x57: {  	_ =	shalt  }
0x58: {  	_ =	shalt  }
0x59: {  	_ =	shalt  }
0x5a: {  	_ =	shalt  }
0x5b: {  	_ =	shalt  }
0x5c: {  	_ =	shalt  }
0x5d: {  	_ =	shalt  }
0x5e: {  	_ =	shalt  }
0x5f: {  	_ =	shalt  }
0x60: {  	_ =	shalt  }
0x61: {  	_ =	shalt  }
0x62: {  	_ =	shalt  }
0x63: {  	_ =	shalt  }
0x64: {  	_ =	shalt  }
0x65: {  	_ =	shalt  }
0x66: {  	_ =	shalt  }
0x67: {  	_ =	shalt  }
0x68: {  	_ =	shalt  }
0x69: {  	_ =	shalt  }
0x6a: {  	_ =	shalt  }
0x6b: {  	_ =	shalt  }
0x6c: {  	_ =	shalt  }
0x6d: {  	_ =	shalt  }
0x6e: {  	_ =	shalt  }
0x6f: {  	_ =	shalt  }
0x70: {  	_ =	shalt  }
0x71: {  	_ =	shalt  }
0x72: {  	_ =	shalt  }
0x73: {  	_ =	shalt  }
0x74: {  	_ =	shalt  }
0x75: {  	_ =	shalt  }
0x76: {  	_ =	shalt  }
0x77: {  	_ =	shalt  }
0x78: {  	_ =	shalt  }
0x79: {  	_ =	shalt  }
0x7a: {  	_ =	shalt  }
0x7b: {  	_ =	shalt  }
0x7c: {  	_ =	shalt  }
0x7d: {  	_ =	shalt  }
0x7e: {  	_ =	shalt  }
0x7f: {  	_ =	shalt  }
0x80: {  	_ =	shalt  }
0x81: {  	_ =	shalt  }
0x82: {  	_ =	shalt  }
0x83: {  	_ =	shalt  }
0x84: {  	_ =	shalt  }
0x85: {  	_ =	shalt  }
0x86: {  	_ =	shalt  }
0x87: {  	_ =	shalt  }
.Lfunc_end0:
.L_simem_size_0:
called_computation.5_lowered:
.L_overlay_start_0:
0x88: {  	s2 =	sld [smem:$0x3FD9]  }
0x89: {  	s3 =	sld [smem:$0x3FFE];
	_ =	sdelay $0x1  }
0x8a: {  	s1 =	srdreg.scid  }
0x8b: {  	s0 =	sand.u32 $0x1, s1  }
0x8c: {  	s14 =	sshll.u32 s0, $0xA;
	s2 =	sadd.s32 s3, s2  }
0x8d: {  	s2 =	sadd.s32 s2, s14  }
0x8e: {  	[smem:$0x3F98] =	sst s2  }
0x8f: {  	_ = 	snop  }
0x90: {  	s2 =	sld [smem:$0x3FD0];
	_ =	sdelay $0x2  }
0x91: {  	s15 =	simm.s32 $0xB;
	s4 =	simm.s32 $0x10  }
0x92: {  	[smem:s4], [sflag:s15] =	dma.local [hbm:s2], $0x1  }
0x93: {  	_ =	swait.eq [sflag:s15], $0x1  }
0x94: {  	[sflag:s15] =	ssyncset.done $0x0  }
0x95: {  	[sflag:s15] =	ssyncadd.s32 $0xFFFFFFFF  }
0x96: {  	s16 =	sld [smem:$0x11];
	(tm) =	ssettm $0x1  }
0x97: {  	s17 =	sld [smem:$0x3FFB];
	_ =	sdelay $0x3  }
0x98: {  	_ =	strace s17  }
0x99: {  	s3 =	sld [smem:$0x3FFC];
	_ =	sdelay $0x3  }
0x9a: {  	_ =	strace s3  }
0x9b: {  	s3 =	sld [smem:$0x3FFD];
	_ =	sdelay $0x3  }
0x9c: {  	_ =	strace s3  }
0x9d: {  	_ =	strace $0x8FFFFFFF  }
0x9e: {  	s18 =	sld [smem:$0x3FDB];
	_ =	sdelay $0x1  }
0x9f: {  	s19 =	simm.s32 $_scs_section_size  }
0xa0: {  	s5 =	simm.s32 $_size__tile_overlayer_lowered;
	s6 =	simm.s32 $_tile_overlayer_lowered  }
0xa1: {  	s22 =	simm.s32 $0x1BFF;
	s21 =	sshll.u32 s6, $0x1;
	s3 =	sadd.s32 s19, s18  }
0xa2: {  	s7 =	simm.s32 $0x0;
	s20 =	sshll.u32 s5, $0x1;
	s5 =	sadd.s32 s21, s3  }
0xa3: {  	[timem:s7], [sflag:s22] =	dma.local [hbm:s5], s20  }
0xa4: {  	_ =	swait.ge [sflag:s22], s20  }
0xa5: {  	s4 =	ssub.s32 $0x0, s20;
	[sflag:s22] =	ssyncset.done $0x0  }
0xa6: {  	[sflag:s22] =	ssyncadd.s32 s4;
	_ =	sdelay $0x1  }
0xa7: {  	s23 =	simm.s32 $0x1B8B  }
0xa8: {  	_ =	swait.ge [sflag:s23], $0x1  }
0xa9: {  	[sflag:s23] =	ssyncset.done $0x0  }
0xaa: {  	s25 =	simm.s32 $0x1B8E;
	s24 =	sld [smem:$0x3FFE];
	[sflag:s23] =	ssyncadd.s32 $0xFFFFFFFF  }
0xab: {  	s26 =	simm.s32 $execute0_lowered;
	[smem:$0x3FD2] =	sst s25  }
0xac: {  	s5 =	sshll.u32 s26, $0x1;
	_ =	strace $0x80000055;
	[dreg:$0x1] =	wrdreg $0xFFFFFFFF  }
0xad: {  	s28 =	simm.s32 $_size_execute0_lowered;
	s3 =	sadd.s32 s3, s5;
	[dreg:$0x0] =	wrdreg $0x0  }
0xae: {  	s5 =	sshll.u32 s28, $0x1;
	[dreg:$0x2] =	wrdreg s3  }
0xaf: {  	[dreg:$0x3] =	wrdreg s5  }
0xb0: {  	[dreg:$0x4] =	wrdreg $0xC0  }
0xb1: {  	_ =	task [dreg:s7], $0x5FFFF  }
0xb2: {  	[dreg:$0x1] =	wrdreg $0xFFFFFFFF  }
0xb3: {  	[dreg:$0x0] =	wrdreg $0x60  }
0xb4: {  	[dreg:$0x2] =	wrdreg s16  }
0xb5: {  	[dreg:$0x3] =	wrdreg s24  }
0xb6: {  	[dreg:$0x4] =	wrdreg $0x41000  }
0xb7: {  	[dreg:$0x5] =	wrdreg $0x9  }
0xb8: {  	_ =	task.clear_ibuf [dreg:s7], $0x6FFFF;
	_ =	strace $0x90000055  }
0xb9: {  	s29 =	simm.s32 $0x9;
	_ =	strace $0x80000057  }
0xba: {  	_ =	swait.ge [sflag:s29], $0x1  }
0xbb: {  	[sflag:s29] =	ssyncadd.s32 $0xFFFFFFFF  }
0xbc: {  	_ =	strace $0x90000057  }
0xbd: {  	_ =	sfence  }
0xbe: {  	s30 =	sld [smem:$0x0];
	_ =	sdelay $0x2  }
0xbf: {  	s31 =	sshll.u32 s1, $0xD;
	s1 =	sshrl.u32 s1, $0x2  }
0xc0: {  	s3 =	sand.u32 $0x4000, s31;
	s1 =	sadd.s32 s1, s30  }
0xc1: {  	s0 =	sor.u32 s3, s0;
	s1 =	sshll.u32 s1, $0x11  }
0xc2: {  	s0 =	sor.u32 s1, s0  }
0xc3: {  	s0 =	sadd.s32 $0x8F2B, s0  }
0xc4: {  	[sflag:s0] =	ssyncadd.remote.s32 $0x1  }
0xc5: {  	_ =	sfence.sel $0xFFFF  }
0xc6: {  	[dreg:$0x0] =	wrdreg $0xFFFFFFFF;
	(pc) =	sbr.abs _section_cstart, $3  }
0xc7: {  	[dreg:$0x1] =	wrdreg $0xFFFFFFFF  }
0xc8: {  	_ =	task.clear_ibuf [dreg:s7], $0x2FFFF;
	_ =	strace $0x9FFFFFFF  }
0xc9: {  	(tm) =	ssettm $0x7FFFFFFF  }
tec
execute0_lowered:
.L_overlay_start_1:
0x0: {  	(tag) =	ssettag $0x1  }
0x1: {  	s1 =	rddreg [dreg:$0x0]  }
0x2: {  	s8 =	rddreg [dreg:$0x1]  }
0x3: {  	s3 =	rddreg [dreg:$0x2]  }
0x4: {  	s0 =	rddreg [dreg:$0x3];
	s4 =	simm.s32 $0x0;
	s5 =	srdreg.scid  }
0x5: {  	s2 =	stileid.u32;
	s16 =	simm.s32 $0x100;
	s17 =	simm.s32 $0x1  }
0x6: {  	s18 =	simm.s32 $0x0;
	[smem:$0x7FF] =	sst s4;
	s9 =	sand.u32 $0x1, s5  }
0x7: {  	s10 =	smul.u32 $0x2780, s2;
	s5 =	sadd.s32 $0x1BA00, s8;
	s6 =	sadd.s32 $0x16A00, s8  }
0x8: {  	s7 =	sadd.s32 $0x25A00, s8;
	s12 =	smul.u32 $0x4F000, s2;
	s14 =	sshll.u32 s2, $0x6  }
0x9: {  	_ =	strace $0x80000056;
	s11 =	smul.u32 $0x27800, s9;
	s30 =	ssub.s32 $0x2, s9  }
0xa: {  	s15 =	smul.u32 $0x5000, s9;
	s9 =	sor.u32 $0x1C02, s14;
	s13 =	sshrl.u32 s30, $0x1  }
0xb: {  	s12 =	sshrl.u32 s12, $0x2;
	s10 =	sadd.s32 s10, s11;
	s11 =	ssub.s32 s30, s13  }
0xc: {  	s31 =	sadd.s32 s12, s3;
	s10 =	sadd.s32 s10, s8;
	s8 =	smul.u32 $0x500, s2  }
0xd: {  	s14 =	simm.s32 $0x2;
	s11 =	smax.u32 s11, $0x1;
	s13 =	sshrl.u32 s31, $0x3  }
0xe: {  	s10 =	sadd.s32 $0x28200, s10;
	s12 =	sadd.s32 s15, s8;
	s15 =	simm.s32 $0x80  }
.LBB2_1:
0xf: {  	[spmem:s13], [sflag:s9] =	dma.local [hbm:s7], $0x2780  }
0x10: {  	_ =	swait.ge [sflag:s14], $0x2780  }
0x11: {  	s19 =	sadd.s32 $0x0, s12;
	s20 =	sand.u32 $0x70, s4;
	[sflag:s14] =	ssyncset.done $0x0  }
0x12: {  	s19 =	sand.u32 $0xFFFFF80, s19;
	s21 =	sadd.s32 s5, s20;
	[sflag:s14] =	ssyncadd.s32 $0xFFFFD880  }
0x13: {  	s19 =	sadd.s32 s19, s21;
	[bflag:$0x0] =	sbarrier.arrive $0xFFFF  }
0x14: {  	[tilespmem:s4], [sflag:$0x2] =	stream.linear.gather [hbm4b:s19+s4], $0x80, $0x38;
	[tilespmem:$0x17D00] =	vst v63  }
0x15: {  	s31 =	sadd.s32 $0x0, s8;
	_ =	swait.ge [sflag:s14], $0x80  }
0x16: {  	s20 =	sadd.s32 s6, s20;
	s19 =	sand.u32 $0xFF80, s31;
	[sflag:s14] =	ssyncset.done $0x0  }
0x17: {  	s19 =	sadd.s32 s19, s20;
	[sflag:s14] =	ssyncadd.s32 $0xFFFFFF80  }
0x18: {  	[tilespmem:s15], [sflag:$0x2] =	stream.linear.gather [hbm4b:s19+s4], $0x80, $0x38;
	[tilespmem:$0x17D00] =	vst v63  }
0x19: {  	_ =	swait.ge [sflag:s14], $0x80  }
0x1a: {  	[sflag:s14] =	ssyncset.done $0x0  }
0x1b: {  	[sflag:s14] =	ssyncadd.s32 $0xFFFFFF80  }
0x1c: {  	[tilespmem:s16], [sflag:$0x1] =	stream.indirect.gather [hbm4b:s1+s15], $0x80, s4, s15, $0xb8;
	[tilespmem:$0x17D00] =	vst v63  }
0x1d: {  	_ =	swait.ge [sflag:s17], $0x4000  }
0x1e: {  	[sflag:s17] =	ssyncset.done $0x0  }
0x1f: {  	s22 =	sadd.s32 $0x10, s12;
	s19 =	simm.s32 $0x10;
	[sflag:s17] =	ssyncadd.s32 $0xFFFFC000  }
0x20: {  	[spmem:s3] =	stream.indirect.scatter.add.f32 [tilespmem:s16], [sflag:$0x2], $0x80, s15, s15, $0xb8;
	[tilespmem:$0x17D00] =	vst v63  }
0x21: {  	s22 =	sand.u32 $0xFFFFF80, s22;
	s21 =	sand.u32 $0x70, s19;
	_ =	swait.ge [sflag:s14], $0x4000  }
0x22: {  	s20 =	simm.s32 $0x20;
	s23 =	sadd.s32 s5, s21;
	[sflag:s14] =	ssyncset.done $0x0  }
.LBB2_2:
0x23: {  	s22 =	sadd.s32 s22, s23  }
0x24: {  	s21 =	sadd.s32 s6, s21;
	[sflag:s14] =	ssyncadd.s32 $0xFFFFC000;
	s23 =	smov.u32 s20  }
0x25: {  	[tilespmem:s4], [sflag:$0x2] =	stream.linear.gather [hbm4b:s22+s4], $0x80, $0x38;
	[tilespmem:$0x17D00] =	vst v63  }
0x26: {  	s24 =	sadd.s32 $0x10, s20;
	s19 =	sadd.s32 s19, s8;
	_ =	swait.ge [sflag:s14], $0x80  }
0x27: {  	p0 =	sne.s32 s20, $0x4F0;
	s19 =	sand.u32 $0xFF80, s19;
	[sflag:s14] =	ssyncset.done $0x0  }
0x28: {  	s20 =	sadd.s32 s19, s21;
	s19 =	smov.u32 s23;
	[sflag:s14] =	ssyncadd.s32 $0xFFFFFF80  }
0x29: {  	[tilespmem:s15], [sflag:$0x2] =	stream.linear.gather [hbm4b:s20+s4], $0x80, $0x38;
	[tilespmem:$0x17D00] =	vst v63  }
0x2a: {  	_ =	swait.ge [sflag:s14], $0x80  }
0x2b: {  	[sflag:s14] =	ssyncset.done $0x0  }
0x2c: {  	[sflag:s14] =	ssyncadd.s32 $0xFFFFFF80  }
0x2d: {  	[tilespmem:s16], [sflag:$0x1] =	stream.indirect.gather [hbm4b:s1+s15], $0x80, s4, s15, $0xb8;
	[tilespmem:$0x17D00] =	vst v63  }
0x2e: {  	_ =	swait.ge [sflag:s17], $0x4000  }
.Ltmp0:
0x2f: {  	[sflag:s17] =	ssyncset.done $0x0;
	(pc) =	sbr.rel @p0 .LBB2_2-.Ltmp0, $4  }
0x30: {  	s21 =	sand.u32 $0x70, s19;
	[sflag:s17] =	ssyncadd.s32 $0xFFFFC000  }
0x31: {  	[spmem:s3] =	stream.indirect.scatter.add.f32 [tilespmem:s16], [sflag:$0x2], $0x80, s15, s15, $0xb8;
	[tilespmem:$0x17D00] =	vst v63  }
0x32: {  	s23 =	sadd.s32 s5, s21;
	s20 =	sadd.s32 s19, s12;
	_ =	swait.ge [sflag:s14], $0x4000  }
0x33: {  	s22 =	sand.u32 $0xFFFFF80, s20;
	s20 =	smov.u32 s24;
	[sflag:s14] =	ssyncset.done $0x0  }
0x34: {  	s20 =	sadd.s32 s22, s23;
	[sflag:s14] =	ssyncadd.s32 $0xFFFFC000  }
0x35: {  	[tilespmem:s4], [sflag:$0x2] =	stream.linear.gather [hbm4b:s20+s4], $0x80, $0x38;
	[tilespmem:$0x17D00] =	vst v63  }
0x36: {  	s19 =	sadd.s32 s19, s8;
	_ =	swait.ge [sflag:s14], $0x80  }
0x37: {  	s31 =	sadd.s32 s6, s21;
	s19 =	sand.u32 $0xFF80, s19;
	[sflag:s14] =	ssyncset.done $0x0  }
0x38: {  	s19 =	sadd.s32 s19, s31;
	[sflag:s14] =	ssyncadd.s32 $0xFFFFFF80  }
0x39: {  	[tilespmem:s15], [sflag:$0x2] =	stream.linear.gather [hbm4b:s19+s4], $0x80, $0x38;
	[tilespmem:$0x17D00] =	vst v63  }
0x3a: {  	_ =	swait.ge [sflag:s14], $0x80  }
0x3b: {  	[sflag:s14] =	ssyncset.done $0x0  }
0x3c: {  	[sflag:s14] =	ssyncadd.s32 $0xFFFFFF80  }
0x3d: {  	[tilespmem:s16], [sflag:$0x1] =	stream.indirect.gather [hbm4b:s1+s15], $0x80, s4, s15, $0xb8;
	[tilespmem:$0x17D00] =	vst v63  }
0x3e: {  	_ =	swait.ge [sflag:s17], $0x4000  }
0x3f: {  	[sflag:s17] =	ssyncset.done $0x0  }
0x40: {  	[sflag:s17] =	ssyncadd.s32 $0xFFFFC000  }
0x41: {  	[spmem:s3] =	stream.indirect.scatter.add.f32 [tilespmem:s16], [sflag:$0x2], $0x80, s15, s15, $0xb8;
	[tilespmem:$0x17D00] =	vst v63  }
0x42: {  	_ =	swait.ge [sflag:s14], $0x4000  }
0x43: {  	s18 =	sadd.s32 $0x1, s18;
	[sflag:s14] =	ssyncset.done $0x0  }
0x44: {  	p0 =	sne.s32 s18, s11;
	[sflag:s14] =	ssyncadd.s32 $0xFFFFC000  }
.Ltmp1:
0x45: {  	[bflag:$0x0] =	sbarrier.arrive $0xFFFF;
	(pc) =	sbr.rel @p0 .LBB2_1-.Ltmp1, $4  }
0x46: {  	[hbm:s10], [sflag:s9] =	dma.local [spmem:s13], $0x2780  }
0x47: {  	_ =	swait.ge [sflag:s14], $0x2780  }
0x48: {  	[sflag:s14] =	ssyncset.done $0x0  }
0x49: {  	[sflag:s14] =	ssyncadd.s32 $0xFFFFD880  }
0x4a: {  	_ =	sfence.sel $0x180000  }
0x4b: {  	[bflag:$0x0] =	sbarrier.arrive $0xFFFF  }
0x4c: {  	p0 =	sne.s32 s2, $0x0;
	_ =	strace $0x90000056  }
0x4d: {  	s0 =	sadd.s32 @!p0 $0x100000, s0;
	[bflag:$0x2] =	sbarrier.arrive $0xFFFF  }
0x4e: {  	[sflag:s0] =	ssyncadd.tile.s32 @!p0 $0x1;
	_ =	shalt  }
.Lfunc_end2:
_tile_overlayer_lowered:
.L_overlay_start_2:
0x4f: {  	(tag) =	ssettag $0x2  }
0x50: {  	s0 =	rddreg [dreg:$0x0];
	s2 =	stileid.u32  }
0x51: {  	s1 =	rddreg [dreg:$0x1];
	p0 =	sne.s32 s2, $0x0  }
0x52: {  	s3 =	rddreg [dreg:$0x2];
	[bflag:$0x3] =	sbarrier.arrive $0xFFFF;
	s2 =	simm.s32 @!p0 $0x1C02  }
0x53: {  	[timem:s3], [sflag:s2] =	dma.local @!p0 [hbm:s0], s1  }
0x54: {  	s0 =	simm.s32 @!p0 $0x2  }
0x55: {  	_ =	swait.ge @!p0 [sflag:s0], s1  }
0x56: {  	s1 =	ssub.s32 @!p0 $0x0, s1;
	[sflag:s0] =	ssyncset.done @!p0 $0x0  }
0x57: {  	[sflag:s0] =	ssyncadd.s32 @!p0 s1  }
0x58: {  	[bflag:$0x3] =	sbarrier.arrive $0xFFFF  }
0x59: {  	_ =	shalt  }

</sc_bundles>
